<compile_context>
chip_gen: v7x
topology: tpu7x:2x2x1
jax: 0.10.2.dev20260603
libtpu: 0.0.44.dev20260713+nightly
codegen_flags: <defaults>
</compile_context>

<pallas_src>
import functools
import math

import jax
import jax.numpy as jnp
import numpy as np
from jax import lax
from jax.experimental import pallas as pl
from jax.experimental.pallas import tpu as pltpu
from jax.experimental.pallas import tpu_sc as plsc

VOCAB = 100000
D_MODEL = 128
MAX_LEN = 50
BATCH = 4096
SEQ = 50

N_TOKENS = BATCH * SEQ
CHUNK = 200
GATHER = 50
NBUF = 4
SCALE = math.sqrt(D_MODEL)


def _make_pe():
    pe = np.zeros((MAX_LEN, D_MODEL), dtype=np.float32)
    position = np.arange(MAX_LEN, dtype=np.float32)[:, None]
    div_term = np.exp(
        np.arange(0, D_MODEL, 2, dtype=np.float32) * -(math.log(10000.0) / D_MODEL)
    )
    pe[:, 0::2] = np.sin(position * div_term)
    pe[:, 1::2] = np.cos(position * div_term)
    return pe


_PE = _make_pe()


def kernel(encoded_words, embed_table):
    info = plsc.get_sparse_core_info()
    nw = info.num_cores * info.num_subcores
    b_per_w = N_TOKENS // nw
    n_chunks = b_per_w // CHUNK

    n_g = CHUNK // GATHER
    idx = encoded_words.astype(jnp.int32).reshape(nw, n_chunks, n_g, GATHER)
    pe_in = jnp.asarray(_PE)

    mesh = plsc.VectorSubcoreMesh(core_axis_name="c", subcore_axis_name="s")

    @functools.partial(
        pl.kernel,
        mesh=mesh,
        out_type=jax.ShapeDtypeStruct((N_TOKENS, D_MODEL), jnp.float32),
        scratch_types=[
            pltpu.VMEM((n_chunks, n_g, GATHER), jnp.int32),
            pltpu.VMEM((MAX_LEN, D_MODEL), jnp.float32),
        ]
        + [pltpu.VMEM((CHUNK, D_MODEL), jnp.float32)] * NBUF
        + [pltpu.SemaphoreType.DMA] * (2 * NBUF),
    )
    def run(table_hbm, idx_hbm, pe_hbm, out_hbm, idx_v, pe_v, *bufs_sems):
        bufs = bufs_sems[:NBUF]
        gsems = bufs_sems[NBUF:2 * NBUF]
        ssems = bufs_sems[2 * NBUF:]
        wid = lax.axis_index("s") * info.num_cores + lax.axis_index("c")
        base = wid * b_per_w
        pltpu.sync_copy(idx_hbm.at[wid, pl.ds(0, 2)], idx_v.at[pl.ds(0, 2)])

        def gather_start(j, p):
            for g in range(n_g):
                pltpu.async_copy(
                    table_hbm.at[idx_v.at[j, g]],
                    bufs[p].at[pl.ds(g * GATHER, GATHER)],
                    gsems[p],
                )

        def gather_wait(j, p):
            for g in range(n_g):
                pltpu.make_async_copy(
                    table_hbm.at[idx_v.at[j, g]],
                    bufs[p].at[pl.ds(g * GATHER, GATHER)],
                    gsems[p],
                ).wait()

        def store_start(j, p):
            pltpu.async_copy(
                bufs[p], out_hbm.at[pl.ds(base + j * CHUNK, CHUNK)], ssems[p]
            )

        def store_wait(j, p):
            pltpu.make_async_copy(
                bufs[p], out_hbm.at[pl.ds(base + j * CHUNK, CHUNK)], ssems[p]
            ).wait()

        def compute(p):
            buf = bufs[p]

            def row_body(r, _):
                pe_regs = [pe_v[r, pl.ds(c * 16, 16)] for c in range(D_MODEL // 16)]
                for s in range(CHUNK // MAX_LEN):
                    off = s * MAX_LEN
                    for c in range(D_MODEL // 16):
                        sl = pl.ds(c * 16, 16)
                        buf[off + r, sl] = buf[off + r, sl] * SCALE + pe_regs[c]
                return 0

            lax.fori_loop(0, MAX_LEN, row_body, 0)

        gather_start(0, 0)
        gather_start(1, 1)
        pltpu.sync_copy(
            idx_hbm.at[wid, pl.ds(2, n_chunks - 2)], idx_v.at[pl.ds(2, n_chunks - 2)]
        )
        gather_start(2, 2)
        pltpu.sync_copy(pe_hbm, pe_v)

        def quad_body(jj, _):
            for p in range(NBUF):
                j = jj * NBUF + p
                gather_wait(j, p)
                q = (p + 3) % NBUF

                @pl.when(j + 3 < n_chunks)
                def _():
                    @pl.when(j >= 1)
                    def _():
                        store_wait(j - 1, q)

                    gather_start(j + 3, q)

                compute(p)
                store_start(j, p)

            return 0

        lax.fori_loop(0, n_chunks // NBUF, quad_body, 0)
        for p in range(NBUF):
            store_wait(n_chunks - NBUF + p, p)

    out = run(embed_table, idx, pe_in)
    return out.reshape(BATCH, SEQ, D_MODEL)

# --- scband reference (transcript-rebuilt; emitter-appended) ---
"""Pipeline reference for scband-embeddings-34961033789845 (READ-ONLY COPY).

The authoritative reference and input builder live on the scoring server;
editing this copy changes nothing except your own understanding.
"""

import jax, jax.numpy as jnp
import numpy as np
import math

VOCAB = 100000
D_MODEL = 128
MAX_LEN = 50
BATCH = 4096
SEQ = 50

def make_pe(max_len, d_model):
    pe = np.zeros((max_len, d_model), dtype=np.float32)
    position = np.arange(max_len, dtype=np.float32)[:, None]
    div_term = np.exp(np.arange(0, d_model, 2, dtype=np.float32) * -(math.log(10000.0) / d_model))
    pe[:, 0::2] = np.sin(position * div_term)
    pe[:, 1::2] = np.cos(position * div_term)
    return jnp.asarray(pe[None, :, :])  # [1, max_len, d_model]

def setup_inputs(seed: int = 0) -> dict:
    key = jax.random.key(seed)
    k_idx, k_tab = jax.random.split(key)
    encoded_words = jax.random.randint(k_idx, (BATCH, SEQ), 0, VOCAB, dtype=jnp.int64 if jax.config.read('jax_enable_x64') else jnp.int32)
    embed_table = jax.random.normal(k_tab, (VOCAB, D_MODEL), dtype=jnp.float32)
    return {"encoded_words": encoded_words, "embed_table": embed_table}

def reference(encoded_words, embed_table) -> jnp.ndarray:
    pe = make_pe(MAX_LEN, D_MODEL)
    embedding = jnp.take(embed_table, encoded_words, axis=0) * math.sqrt(D_MODEL)
    embedding = embedding + pe[:, :embedding.shape[1]]
    # dropout is identity in eval / deterministic reference
    return embedding

if __name__ == "__main__":
    import jax
    _d = setup_inputs()
    print(jax.jit(kernel)(*tuple(_d.values())))

</pallas_src>

<mosaic_0001>
#map = affine_map<(d0, d1) -> (0, 0)>
#map1 = affine_map<(d0, d1) -> (0, 0, 0, 0)>
module attributes {stable_mosaic.version = 14 : i64} {
  func.func @run(%arg0: i32, %arg1: i32, %arg2: memref<100000x128xf32, #tpu.memory_space<hbm>>, %arg3: memref<32x32x4x50xi32, #tpu.memory_space<hbm>>, %arg4: memref<50x128xf32, #tpu.memory_space<hbm>>, %arg5: memref<204800x128xf32, #tpu.memory_space<hbm>>, %arg6: memref<32x4x50xi32, #tpu.memory_space<vmem>>, %arg7: memref<50x128xf32, #tpu.memory_space<vmem>>, %arg8: memref<200x128xf32, #tpu.memory_space<vmem>>, %arg9: memref<200x128xf32, #tpu.memory_space<vmem>>, %arg10: memref<200x128xf32, #tpu.memory_space<vmem>>, %arg11: memref<200x128xf32, #tpu.memory_space<vmem>>, %arg12: memref<!tpu.dma_semaphore, #tpu.memory_space<semaphore_mem>>, %arg13: memref<!tpu.dma_semaphore, #tpu.memory_space<semaphore_mem>>, %arg14: memref<!tpu.dma_semaphore, #tpu.memory_space<semaphore_mem>>, %arg15: memref<!tpu.dma_semaphore, #tpu.memory_space<semaphore_mem>>, %arg16: memref<!tpu.dma_semaphore, #tpu.memory_space<semaphore_mem>>, %arg17: memref<!tpu.dma_semaphore, #tpu.memory_space<semaphore_mem>>, %arg18: memref<!tpu.dma_semaphore, #tpu.memory_space<semaphore_mem>>, %arg19: memref<!tpu.dma_semaphore, #tpu.memory_space<semaphore_mem>>) attributes {dimension_semantics = [#tpu.dimension_semantics<core_parallel>, #tpu.dimension_semantics<subcore_parallel>], iteration_bounds = array<i64: 2, 16>, scalar_prefetch = 0 : i64, scratch_operands = 14 : i64, tpu.core_type = #tpu.core_type<sc_vector_subcore>, window_params = [{transform_indices = #map}, {transform_indices = #map1}, {transform_indices = #map}, {transform_indices = #map}]} {
    %mul3A = arith.constant 2 : i32
    %mul3A_0 = arith.muli %arg1, %mul3A : i32
    %add3A = arith.addi %mul3A_0, %arg0 : i32
    %mul3A_1 = arith.constant 6400 : i32
    %mul3A_2 = arith.muli %add3A, %mul3A_1 : i32
    "tpu.region"() ({
      %run_scoped3A = tpu.sem_alloc : memref<!tpu.dma_semaphore, #tpu.memory_space<semaphore_mem>>
      %dma_start3A_163 = arith.constant 0 : i32
      %dma_start3A_164 = arith.constant 0 : i32
      %dma_start3A_165 = arith.constant 0 : i32
      %dma_start3A_166 = tpu.memref_slice %arg6[%dma_start3A_163, %dma_start3A_164, %dma_start3A_165] : memref<32x4x50xi32, #tpu.memory_space<vmem>> -> memref<2x4x50xi32, #tpu.memory_space<vmem>>
      %dma_start3A_167 = arith.constant 0 : i32
      %dma_start3A_168 = arith.constant 0 : i32
      %dma_start3A_169 = arith.constant 0 : i32
      %dma_start3A_170 = tpu.memref_slice %arg3[%add3A, %dma_start3A_167, %dma_start3A_168, %dma_start3A_169] : memref<32x32x4x50xi32, #tpu.memory_space<hbm>> -> memref<1x2x4x50xi32, #tpu.memory_space<hbm>>
      %dma_start3A_171 = tpu.memref_squeeze %dma_start3A_170 : memref<1x2x4x50xi32, #tpu.memory_space<hbm>> -> memref<2x4x50xi32, #tpu.memory_space<hbm>>
      %dma_start3A_172 = arith.constant 0 : i32
      %dma_start3A_173 = arith.constant 0 : i32
      %dma_start3A_174 = arith.constant 0 : i32
      %dma_start3A_175 = tpu.memref_slice %arg6[%dma_start3A_172, %dma_start3A_173, %dma_start3A_174] : memref<32x4x50xi32, #tpu.memory_space<vmem>> -> memref<2x4x50xi32, #tpu.memory_space<vmem>>
      %dma_start3A_176 = arith.constant 0 : i32
      %dma_start3A_177 = arith.constant 0 : i32
      %dma_start3A_178 = arith.constant 0 : i32
      %dma_start3A_179 = tpu.memref_slice %arg3[%add3A, %dma_start3A_176, %dma_start3A_177, %dma_start3A_178] : memref<32x32x4x50xi32, #tpu.memory_space<hbm>> -> memref<1x2x4x50xi32, #tpu.memory_space<hbm>>
      %dma_start3A_180 = tpu.memref_squeeze %dma_start3A_179 : memref<1x2x4x50xi32, #tpu.memory_space<hbm>> -> memref<2x4x50xi32, #tpu.memory_space<hbm>>
      tpu.enqueue_dma source(%dma_start3A_180 : memref<2x4x50xi32, #tpu.memory_space<hbm>>) target(%dma_start3A_175 : memref<2x4x50xi32, #tpu.memory_space<vmem>>) target_semaphore(%run_scoped3A : memref<!tpu.dma_semaphore, #tpu.memory_space<semaphore_mem>>)
      %dma_wait3A_181 = arith.constant 0 : i32
      %dma_wait3A_182 = arith.constant 0 : i32
      %dma_wait3A_183 = arith.constant 0 : i32
      %dma_wait3A_184 = tpu.memref_slice %arg6[%dma_wait3A_181, %dma_wait3A_182, %dma_wait3A_183] : memref<32x4x50xi32, #tpu.memory_space<vmem>> -> memref<2x4x50xi32, #tpu.memory_space<vmem>>
      %dma_wait3A_185 = arith.constant 0 : i32
      %dma_wait3A_186 = arith.constant 0 : i32
      %dma_wait3A_187 = arith.constant 0 : i32
      %dma_wait3A_188 = tpu.memref_slice %arg3[%add3A, %dma_wait3A_185, %dma_wait3A_186, %dma_wait3A_187] : memref<32x32x4x50xi32, #tpu.memory_space<hbm>> -> memref<1x2x4x50xi32, #tpu.memory_space<hbm>>
      %dma_wait3A_189 = tpu.memref_squeeze %dma_wait3A_188 : memref<1x2x4x50xi32, #tpu.memory_space<hbm>> -> memref<2x4x50xi32, #tpu.memory_space<hbm>>
      %dma_wait3A_190 = arith.constant 0 : i32
      %dma_wait3A_191 = arith.constant 0 : i32
      %dma_wait3A_192 = arith.constant 0 : i32
      %dma_wait3A_193 = tpu.memref_slice %arg6[%dma_wait3A_190, %dma_wait3A_191, %dma_wait3A_192] : memref<32x4x50xi32, #tpu.memory_space<vmem>> -> memref<2x4x50xi32, #tpu.memory_space<vmem>>
      %dma_wait3A_194 = arith.constant 0 : i32
      %dma_wait3A_195 = arith.constant 0 : i32
      %dma_wait3A_196 = arith.constant 0 : i32
      %dma_wait3A_197 = tpu.memref_slice %arg3[%add3A, %dma_wait3A_194, %dma_wait3A_195, %dma_wait3A_196] : memref<32x32x4x50xi32, #tpu.memory_space<hbm>> -> memref<1x2x4x50xi32, #tpu.memory_space<hbm>>
      %dma_wait3A_198 = tpu.memref_squeeze %dma_wait3A_197 : memref<1x2x4x50xi32, #tpu.memory_space<hbm>> -> memref<2x4x50xi32, #tpu.memory_space<hbm>>
      tpu.wait_dma2 semaphore(%run_scoped3A : memref<!tpu.dma_semaphore, #tpu.memory_space<semaphore_mem>>) src(%dma_wait3A_198 : memref<2x4x50xi32, #tpu.memory_space<hbm>>) dst(%dma_wait3A_193 : memref<2x4x50xi32, #tpu.memory_space<vmem>>)
      tpu.yield
    }) : () -> ()
    %dma_start3A = arith.constant 0 : i32
    %dma_start3A_3 = arith.constant 0 : i32
    %dma_start3A_4 = arith.constant 0 : i32
    %dma_start3A_5 = arith.constant 0 : i32
    %dma_start3A_6 = tpu.memref_slice %arg8[%dma_start3A_4, %dma_start3A_5] : memref<200x128xf32, #tpu.memory_space<vmem>> -> memref<50x128xf32, #tpu.memory_space<vmem>>
    %dma_start3A_7 = arith.constant 0 : i32
    %dma_start3A_8 = tpu.memref_slice %arg6[%dma_start3A, %dma_start3A_3, %dma_start3A_7] : memref<32x4x50xi32, #tpu.memory_space<vmem>> -> memref<1x1x50xi32, #tpu.memory_space<vmem>>
    %dma_start3A_9 = tpu.memref_squeeze %dma_start3A_8 : memref<1x1x50xi32, #tpu.memory_space<vmem>> -> memref<50xi32, #tpu.memory_space<vmem>>
    %dma_start3A_10 = arith.constant 0 : i32
    %dma_start3A_11 = arith.constant 0 : i32
    %dma_start3A_12 = tpu.memref_slice %arg2[%dma_start3A_10, %dma_start3A_11] : memref<100000x128xf32, #tpu.memory_space<hbm>> -> memref<100000x128xf32, #tpu.memory_space<hbm>>
    tpu.enqueue_indirect_dma source(%dma_start3A_12 : memref<100000x128xf32, #tpu.memory_space<hbm>>) target(%dma_start3A_6 : memref<50x128xf32, #tpu.memory_space<vmem>>) offsets(%dma_start3A_9 : memref<50xi32, #tpu.memory_space<vmem>>) semaphore(%arg12 : memref<!tpu.dma_semaphore, #tpu.memory_space<semaphore_mem>>)
    %dma_start3A_13 = arith.constant 0 : i32
    %dma_start3A_14 = arith.constant 1 : i32
    %dma_start3A_15 = arith.constant 50 : i32
    %dma_start3A_16 = arith.constant 0 : i32
    %dma_start3A_17 = tpu.memref_slice %arg8[%dma_start3A_15, %dma_start3A_16] : memref<200x128xf32, #tpu.memory_space<vmem>> -> memref<50x128xf32, #tpu.memory_space<vmem>>
    %dma_start3A_18 = arith.constant 0 : i32
    %dma_start3A_19 = tpu.memref_slice %arg6[%dma_start3A_13, %dma_start3A_14, %dma_start3A_18] : memref<32x4x50xi32, #tpu.memory_space<vmem>> -> memref<1x1x50xi32, #tpu.memory_space<vmem>>
    %dma_start3A_20 = tpu.memref_squeeze %dma_start3A_19 : memref<1x1x50xi32, #tpu.memory_space<vmem>> -> memref<50xi32, #tpu.memory_space<vmem>>
    %dma_start3A_21 = arith.constant 0 : i32
    %dma_start3A_22 = arith.constant 0 : i32
    %dma_start3A_23 = tpu.memref_slice %arg2[%dma_start3A_21, %dma_start3A_22] : memref<100000x128xf32, #tpu.memory_space<hbm>> -> memref<100000x128xf32, #tpu.memory_space<hbm>>
    tpu.enqueue_indirect_dma source(%dma_start3A_23 : memref<100000x128xf32, #tpu.memory_space<hbm>>) target(%dma_start3A_17 : memref<50x128xf32, #tpu.memory_space<vmem>>) offsets(%dma_start3A_20 : memref<50xi32, #tpu.memory_space<vmem>>) semaphore(%arg12 : memref<!tpu.dma_semaphore, #tpu.memory_space<semaphore_mem>>)
    %dma_start3A_24 = arith.constant 0 : i32
    %dma_start3A_25 = arith.constant 2 : i32
    %dma_start3A_26 = arith.constant 100 : i32
    %dma_start3A_27 = arith.constant 0 : i32
    %dma_start3A_28 = tpu.memref_slice %arg8[%dma_start3A_26, %dma_start3A_27] : memref<200x128xf32, #tpu.memory_space<vmem>> -> memref<50x128xf32, #tpu.memory_space<vmem>>
    %dma_start3A_29 = arith.constant 0 : i32
    %dma_start3A_30 = tpu.memref_slice %arg6[%dma_start3A_24, %dma_start3A_25, %dma_start3A_29] : memref<32x4x50xi32, #tpu.memory_space<vmem>> -> memref<1x1x50xi32, #tpu.memory_space<vmem>>
    %dma_start3A_31 = tpu.memref_squeeze %dma_start3A_30 : memref<1x1x50xi32, #tpu.memory_space<vmem>> -> memref<50xi32, #tpu.memory_space<vmem>>
    %dma_start3A_32 = arith.constant 0 : i32
    %dma_start3A_33 = arith.constant 0 : i32
    %dma_start3A_34 = tpu.memref_slice %arg2[%dma_start3A_32, %dma_start3A_33] : memref<100000x128xf32, #tpu.memory_space<hbm>> -> memref<100000x128xf32, #tpu.memory_space<hbm>>
    tpu.enqueue_indirect_dma source(%dma_start3A_34 : memref<100000x128xf32, #tpu.memory_space<hbm>>) target(%dma_start3A_28 : memref<50x128xf32, #tpu.memory_space<vmem>>) offsets(%dma_start3A_31 : memref<50xi32, #tpu.memory_space<vmem>>) semaphore(%arg12 : memref<!tpu.dma_semaphore, #tpu.memory_space<semaphore_mem>>)
    %dma_start3A_35 = arith.constant 0 : i32
    %dma_start3A_36 = arith.constant 3 : i32
    %dma_start3A_37 = arith.constant 150 : i32
    %dma_start3A_38 = arith.constant 0 : i32
    %dma_start3A_39 = tpu.memref_slice %arg8[%dma_start3A_37, %dma_start3A_38] : memref<200x128xf32, #tpu.memory_space<vmem>> -> memref<50x128xf32, #tpu.memory_space<vmem>>
    %dma_start3A_40 = arith.constant 0 : i32
    %dma_start3A_41 = tpu.memref_slice %arg6[%dma_start3A_35, %dma_start3A_36, %dma_start3A_40] : memref<32x4x50xi32, #tpu.memory_space<vmem>> -> memref<1x1x50xi32, #tpu.memory_space<vmem>>
    %dma_start3A_42 = tpu.memref_squeeze %dma_start3A_41 : memref<1x1x50xi32, #tpu.memory_space<vmem>> -> memref<50xi32, #tpu.memory_space<vmem>>
    %dma_start3A_43 = arith.constant 0 : i32
    %dma_start3A_44 = arith.constant 0 : i32
    %dma_start3A_45 = tpu.memref_slice %arg2[%dma_start3A_43, %dma_start3A_44] : memref<100000x128xf32, #tpu.memory_space<hbm>> -> memref<100000x128xf32, #tpu.memory_space<hbm>>
    tpu.enqueue_indirect_dma source(%dma_start3A_45 : memref<100000x128xf32, #tpu.memory_space<hbm>>) target(%dma_start3A_39 : memref<50x128xf32, #tpu.memory_space<vmem>>) offsets(%dma_start3A_42 : memref<50xi32, #tpu.memory_space<vmem>>) semaphore(%arg12 : memref<!tpu.dma_semaphore, #tpu.memory_space<semaphore_mem>>)
    %dma_start3A_46 = arith.constant 1 : i32
    %dma_start3A_47 = arith.constant 0 : i32
    %dma_start3A_48 = arith.constant 0 : i32
    %dma_start3A_49 = arith.constant 0 : i32
    %dma_start3A_50 = tpu.memref_slice %arg9[%dma_start3A_48, %dma_start3A_49] : memref<200x128xf32, #tpu.memory_space<vmem>> -> memref<50x128xf32, #tpu.memory_space<vmem>>
    %dma_start3A_51 = arith.constant 0 : i32
    %dma_start3A_52 = tpu.memref_slice %arg6[%dma_start3A_46, %dma_start3A_47, %dma_start3A_51] : memref<32x4x50xi32, #tpu.memory_space<vmem>> -> memref<1x1x50xi32, #tpu.memory_space<vmem>>
    %dma_start3A_53 = tpu.memref_squeeze %dma_start3A_52 : memref<1x1x50xi32, #tpu.memory_space<vmem>> -> memref<50xi32, #tpu.memory_space<vmem>>
    %dma_start3A_54 = arith.constant 0 : i32
    %dma_start3A_55 = arith.constant 0 : i32
    %dma_start3A_56 = tpu.memref_slice %arg2[%dma_start3A_54, %dma_start3A_55] : memref<100000x128xf32, #tpu.memory_space<hbm>> -> memref<100000x128xf32, #tpu.memory_space<hbm>>
    tpu.enqueue_indirect_dma source(%dma_start3A_56 : memref<100000x128xf32, #tpu.memory_space<hbm>>) target(%dma_start3A_50 : memref<50x128xf32, #tpu.memory_space<vmem>>) offsets(%dma_start3A_53 : memref<50xi32, #tpu.memory_space<vmem>>) semaphore(%arg13 : memref<!tpu.dma_semaphore, #tpu.memory_space<semaphore_mem>>)
    %dma_start3A_57 = arith.constant 1 : i32
    %dma_start3A_58 = arith.constant 1 : i32
    %dma_start3A_59 = arith.constant 50 : i32
    %dma_start3A_60 = arith.constant 0 : i32
    %dma_start3A_61 = tpu.memref_slice %arg9[%dma_start3A_59, %dma_start3A_60] : memref<200x128xf32, #tpu.memory_space<vmem>> -> memref<50x128xf32, #tpu.memory_space<vmem>>
    %dma_start3A_62 = arith.constant 0 : i32
    %dma_start3A_63 = tpu.memref_slice %arg6[%dma_start3A_57, %dma_start3A_58, %dma_start3A_62] : memref<32x4x50xi32, #tpu.memory_space<vmem>> -> memref<1x1x50xi32, #tpu.memory_space<vmem>>
    %dma_start3A_64 = tpu.memref_squeeze %dma_start3A_63 : memref<1x1x50xi32, #tpu.memory_space<vmem>> -> memref<50xi32, #tpu.memory_space<vmem>>
    %dma_start3A_65 = arith.constant 0 : i32
    %dma_start3A_66 = arith.constant 0 : i32
    %dma_start3A_67 = tpu.memref_slice %arg2[%dma_start3A_65, %dma_start3A_66] : memref<100000x128xf32, #tpu.memory_space<hbm>> -> memref<100000x128xf32, #tpu.memory_space<hbm>>
    tpu.enqueue_indirect_dma source(%dma_start3A_67 : memref<100000x128xf32, #tpu.memory_space<hbm>>) target(%dma_start3A_61 : memref<50x128xf32, #tpu.memory_space<vmem>>) offsets(%dma_start3A_64 : memref<50xi32, #tpu.memory_space<vmem>>) semaphore(%arg13 : memref<!tpu.dma_semaphore, #tpu.memory_space<semaphore_mem>>)
    %dma_start3A_68 = arith.constant 1 : i32
    %dma_start3A_69 = arith.constant 2 : i32
    %dma_start3A_70 = arith.constant 100 : i32
    %dma_start3A_71 = arith.constant 0 : i32
    %dma_start3A_72 = tpu.memref_slice %arg9[%dma_start3A_70, %dma_start3A_71] : memref<200x128xf32, #tpu.memory_space<vmem>> -> memref<50x128xf32, #tpu.memory_space<vmem>>
    %dma_start3A_73 = arith.constant 0 : i32
    %dma_start3A_74 = tpu.memref_slice %arg6[%dma_start3A_68, %dma_start3A_69, %dma_start3A_73] : memref<32x4x50xi32, #tpu.memory_space<vmem>> -> memref<1x1x50xi32, #tpu.memory_space<vmem>>
    %dma_start3A_75 = tpu.memref_squeeze %dma_start3A_74 : memref<1x1x50xi32, #tpu.memory_space<vmem>> -> memref<50xi32, #tpu.memory_space<vmem>>
    %dma_start3A_76 = arith.constant 0 : i32
    %dma_start3A_77 = arith.constant 0 : i32
    %dma_start3A_78 = tpu.memref_slice %arg2[%dma_start3A_76, %dma_start3A_77] : memref<100000x128xf32, #tpu.memory_space<hbm>> -> memref<100000x128xf32, #tpu.memory_space<hbm>>
    tpu.enqueue_indirect_dma source(%dma_start3A_78 : memref<100000x128xf32, #tpu.memory_space<hbm>>) target(%dma_start3A_72 : memref<50x128xf32, #tpu.memory_space<vmem>>) offsets(%dma_start3A_75 : memref<50xi32, #tpu.memory_space<vmem>>) semaphore(%arg13 : memref<!tpu.dma_semaphore, #tpu.memory_space<semaphore_mem>>)
    %dma_start3A_79 = arith.constant 1 : i32
    %dma_start3A_80 = arith.constant 3 : i32
    %dma_start3A_81 = arith.constant 150 : i32
    %dma_start3A_82 = arith.constant 0 : i32
    %dma_start3A_83 = tpu.memref_slice %arg9[%dma_start3A_81, %dma_start3A_82] : memref<200x128xf32, #tpu.memory_space<vmem>> -> memref<50x128xf32, #tpu.memory_space<vmem>>
    %dma_start3A_84 = arith.constant 0 : i32
    %dma_start3A_85 = tpu.memref_slice %arg6[%dma_start3A_79, %dma_start3A_80, %dma_start3A_84] : memref<32x4x50xi32, #tpu.memory_space<vmem>> -> memref<1x1x50xi32, #tpu.memory_space<vmem>>
    %dma_start3A_86 = tpu.memref_squeeze %dma_start3A_85 : memref<1x1x50xi32, #tpu.memory_space<vmem>> -> memref<50xi32, #tpu.memory_space<vmem>>
    %dma_start3A_87 = arith.constant 0 : i32
    %dma_start3A_88 = arith.constant 0 : i32
    %dma_start3A_89 = tpu.memref_slice %arg2[%dma_start3A_87, %dma_start3A_88] : memref<100000x128xf32, #tpu.memory_space<hbm>> -> memref<100000x128xf32, #tpu.memory_space<hbm>>
    tpu.enqueue_indirect_dma source(%dma_start3A_89 : memref<100000x128xf32, #tpu.memory_space<hbm>>) target(%dma_start3A_83 : memref<50x128xf32, #tpu.memory_space<vmem>>) offsets(%dma_start3A_86 : memref<50xi32, #tpu.memory_space<vmem>>) semaphore(%arg13 : memref<!tpu.dma_semaphore, #tpu.memory_space<semaphore_mem>>)
    "tpu.region"() ({
      %run_scoped3A = tpu.sem_alloc : memref<!tpu.dma_semaphore, #tpu.memory_space<semaphore_mem>>
      %dma_start3A_163 = arith.constant 2 : i32
      %dma_start3A_164 = arith.constant 0 : i32
      %dma_start3A_165 = arith.constant 0 : i32
      %dma_start3A_166 = tpu.memref_slice %arg6[%dma_start3A_163, %dma_start3A_164, %dma_start3A_165] : memref<32x4x50xi32, #tpu.memory_space<vmem>> -> memref<30x4x50xi32, #tpu.memory_space<vmem>>
      %dma_start3A_167 = arith.constant 2 : i32
      %dma_start3A_168 = arith.constant 0 : i32
      %dma_start3A_169 = arith.constant 0 : i32
      %dma_start3A_170 = tpu.memref_slice %arg3[%add3A, %dma_start3A_167, %dma_start3A_168, %dma_start3A_169] : memref<32x32x4x50xi32, #tpu.memory_space<hbm>> -> memref<1x30x4x50xi32, #tpu.memory_space<hbm>>
      %dma_start3A_171 = tpu.memref_squeeze %dma_start3A_170 : memref<1x30x4x50xi32, #tpu.memory_space<hbm>> -> memref<30x4x50xi32, #tpu.memory_space<hbm>>
      %dma_start3A_172 = arith.constant 2 : i32
      %dma_start3A_173 = arith.constant 0 : i32
      %dma_start3A_174 = arith.constant 0 : i32
      %dma_start3A_175 = tpu.memref_slice %arg6[%dma_start3A_172, %dma_start3A_173, %dma_start3A_174] : memref<32x4x50xi32, #tpu.memory_space<vmem>> -> memref<30x4x50xi32, #tpu.memory_space<vmem>>
      %dma_start3A_176 = arith.constant 2 : i32
      %dma_start3A_177 = arith.constant 0 : i32
      %dma_start3A_178 = arith.constant 0 : i32
      %dma_start3A_179 = tpu.memref_slice %arg3[%add3A, %dma_start3A_176, %dma_start3A_177, %dma_start3A_178] : memref<32x32x4x50xi32, #tpu.memory_space<hbm>> -> memref<1x30x4x50xi32, #tpu.memory_space<hbm>>
      %dma_start3A_180 = tpu.memref_squeeze %dma_start3A_179 : memref<1x30x4x50xi32, #tpu.memory_space<hbm>> -> memref<30x4x50xi32, #tpu.memory_space<hbm>>
      tpu.enqueue_dma source(%dma_start3A_180 : memref<30x4x50xi32, #tpu.memory_space<hbm>>) target(%dma_start3A_175 : memref<30x4x50xi32, #tpu.memory_space<vmem>>) target_semaphore(%run_scoped3A : memref<!tpu.dma_semaphore, #tpu.memory_space<semaphore_mem>>)
      %dma_wait3A_181 = arith.constant 2 : i32
      %dma_wait3A_182 = arith.constant 0 : i32
      %dma_wait3A_183 = arith.constant 0 : i32
      %dma_wait3A_184 = tpu.memref_slice %arg6[%dma_wait3A_181, %dma_wait3A_182, %dma_wait3A_183] : memref<32x4x50xi32, #tpu.memory_space<vmem>> -> memref<30x4x50xi32, #tpu.memory_space<vmem>>
      %dma_wait3A_185 = arith.constant 2 : i32
      %dma_wait3A_186 = arith.constant 0 : i32
      %dma_wait3A_187 = arith.constant 0 : i32
      %dma_wait3A_188 = tpu.memref_slice %arg3[%add3A, %dma_wait3A_185, %dma_wait3A_186, %dma_wait3A_187] : memref<32x32x4x50xi32, #tpu.memory_space<hbm>> -> memref<1x30x4x50xi32, #tpu.memory_space<hbm>>
      %dma_wait3A_189 = tpu.memref_squeeze %dma_wait3A_188 : memref<1x30x4x50xi32, #tpu.memory_space<hbm>> -> memref<30x4x50xi32, #tpu.memory_space<hbm>>
      %dma_wait3A_190 = arith.constant 2 : i32
      %dma_wait3A_191 = arith.constant 0 : i32
      %dma_wait3A_192 = arith.constant 0 : i32
      %dma_wait3A_193 = tpu.memref_slice %arg6[%dma_wait3A_190, %dma_wait3A_191, %dma_wait3A_192] : memref<32x4x50xi32, #tpu.memory_space<vmem>> -> memref<30x4x50xi32, #tpu.memory_space<vmem>>
      %dma_wait3A_194 = arith.constant 2 : i32
      %dma_wait3A_195 = arith.constant 0 : i32
      %dma_wait3A_196 = arith.constant 0 : i32
      %dma_wait3A_197 = tpu.memref_slice %arg3[%add3A, %dma_wait3A_194, %dma_wait3A_195, %dma_wait3A_196] : memref<32x32x4x50xi32, #tpu.memory_space<hbm>> -> memref<1x30x4x50xi32, #tpu.memory_space<hbm>>
      %dma_wait3A_198 = tpu.memref_squeeze %dma_wait3A_197 : memref<1x30x4x50xi32, #tpu.memory_space<hbm>> -> memref<30x4x50xi32, #tpu.memory_space<hbm>>
      tpu.wait_dma2 semaphore(%run_scoped3A : memref<!tpu.dma_semaphore, #tpu.memory_space<semaphore_mem>>) src(%dma_wait3A_198 : memref<30x4x50xi32, #tpu.memory_space<hbm>>) dst(%dma_wait3A_193 : memref<30x4x50xi32, #tpu.memory_space<vmem>>)
      tpu.yield
    }) : () -> ()
    %dma_start3A_90 = arith.constant 2 : i32
    %dma_start3A_91 = arith.constant 0 : i32
    %dma_start3A_92 = arith.constant 0 : i32
    %dma_start3A_93 = arith.constant 0 : i32
    %dma_start3A_94 = tpu.memref_slice %arg10[%dma_start3A_92, %dma_start3A_93] : memref<200x128xf32, #tpu.memory_space<vmem>> -> memref<50x128xf32, #tpu.memory_space<vmem>>
    %dma_start3A_95 = arith.constant 0 : i32
    %dma_start3A_96 = tpu.memref_slice %arg6[%dma_start3A_90, %dma_start3A_91, %dma_start3A_95] : memref<32x4x50xi32, #tpu.memory_space<vmem>> -> memref<1x1x50xi32, #tpu.memory_space<vmem>>
    %dma_start3A_97 = tpu.memref_squeeze %dma_start3A_96 : memref<1x1x50xi32, #tpu.memory_space<vmem>> -> memref<50xi32, #tpu.memory_space<vmem>>
    %dma_start3A_98 = arith.constant 0 : i32
    %dma_start3A_99 = arith.constant 0 : i32
    %dma_start3A_100 = tpu.memref_slice %arg2[%dma_start3A_98, %dma_start3A_99] : memref<100000x128xf32, #tpu.memory_space<hbm>> -> memref<100000x128xf32, #tpu.memory_space<hbm>>
    tpu.enqueue_indirect_dma source(%dma_start3A_100 : memref<100000x128xf32, #tpu.memory_space<hbm>>) target(%dma_start3A_94 : memref<50x128xf32, #tpu.memory_space<vmem>>) offsets(%dma_start3A_97 : memref<50xi32, #tpu.memory_space<vmem>>) semaphore(%arg14 : memref<!tpu.dma_semaphore, #tpu.memory_space<semaphore_mem>>)
    %dma_start3A_101 = arith.constant 2 : i32
    %dma_start3A_102 = arith.constant 1 : i32
    %dma_start3A_103 = arith.constant 50 : i32
    %dma_start3A_104 = arith.constant 0 : i32
    %dma_start3A_105 = tpu.memref_slice %arg10[%dma_start3A_103, %dma_start3A_104] : memref<200x128xf32, #tpu.memory_space<vmem>> -> memref<50x128xf32, #tpu.memory_space<vmem>>
    %dma_start3A_106 = arith.constant 0 : i32
    %dma_start3A_107 = tpu.memref_slice %arg6[%dma_start3A_101, %dma_start3A_102, %dma_start3A_106] : memref<32x4x50xi32, #tpu.memory_space<vmem>> -> memref<1x1x50xi32, #tpu.memory_space<vmem>>
    %dma_start3A_108 = tpu.memref_squeeze %dma_start3A_107 : memref<1x1x50xi32, #tpu.memory_space<vmem>> -> memref<50xi32, #tpu.memory_space<vmem>>
    %dma_start3A_109 = arith.constant 0 : i32
    %dma_start3A_110 = arith.constant 0 : i32
    %dma_start3A_111 = tpu.memref_slice %arg2[%dma_start3A_109, %dma_start3A_110] : memref<100000x128xf32, #tpu.memory_space<hbm>> -> memref<100000x128xf32, #tpu.memory_space<hbm>>
    tpu.enqueue_indirect_dma source(%dma_start3A_111 : memref<100000x128xf32, #tpu.memory_space<hbm>>) target(%dma_start3A_105 : memref<50x128xf32, #tpu.memory_space<vmem>>) offsets(%dma_start3A_108 : memref<50xi32, #tpu.memory_space<vmem>>) semaphore(%arg14 : memref<!tpu.dma_semaphore, #tpu.memory_space<semaphore_mem>>)
    %dma_start3A_112 = arith.constant 2 : i32
    %dma_start3A_113 = arith.constant 2 : i32
    %dma_start3A_114 = arith.constant 100 : i32
    %dma_start3A_115 = arith.constant 0 : i32
    %dma_start3A_116 = tpu.memref_slice %arg10[%dma_start3A_114, %dma_start3A_115] : memref<200x128xf32, #tpu.memory_space<vmem>> -> memref<50x128xf32, #tpu.memory_space<vmem>>
    %dma_start3A_117 = arith.constant 0 : i32
    %dma_start3A_118 = tpu.memref_slice %arg6[%dma_start3A_112, %dma_start3A_113, %dma_start3A_117] : memref<32x4x50xi32, #tpu.memory_space<vmem>> -> memref<1x1x50xi32, #tpu.memory_space<vmem>>
    %dma_start3A_119 = tpu.memref_squeeze %dma_start3A_118 : memref<1x1x50xi32, #tpu.memory_space<vmem>> -> memref<50xi32, #tpu.memory_space<vmem>>
    %dma_start3A_120 = arith.constant 0 : i32
    %dma_start3A_121 = arith.constant 0 : i32
    %dma_start3A_122 = tpu.memref_slice %arg2[%dma_start3A_120, %dma_start3A_121] : memref<100000x128xf32, #tpu.memory_space<hbm>> -> memref<100000x128xf32, #tpu.memory_space<hbm>>
    tpu.enqueue_indirect_dma source(%dma_start3A_122 : memref<100000x128xf32, #tpu.memory_space<hbm>>) target(%dma_start3A_116 : memref<50x128xf32, #tpu.memory_space<vmem>>) offsets(%dma_start3A_119 : memref<50xi32, #tpu.memory_space<vmem>>) semaphore(%arg14 : memref<!tpu.dma_semaphore, #tpu.memory_space<semaphore_mem>>)
    %dma_start3A_123 = arith.constant 2 : i32
    %dma_start3A_124 = arith.constant 3 : i32
    %dma_start3A_125 = arith.constant 150 : i32
    %dma_start3A_126 = arith.constant 0 : i32
    %dma_start3A_127 = tpu.memref_slice %arg10[%dma_start3A_125, %dma_start3A_126] : memref<200x128xf32, #tpu.memory_space<vmem>> -> memref<50x128xf32, #tpu.memory_space<vmem>>
    %dma_start3A_128 = arith.constant 0 : i32
    %dma_start3A_129 = tpu.memref_slice %arg6[%dma_start3A_123, %dma_start3A_124, %dma_start3A_128] : memref<32x4x50xi32, #tpu.memory_space<vmem>> -> memref<1x1x50xi32, #tpu.memory_space<vmem>>
    %dma_start3A_130 = tpu.memref_squeeze %dma_start3A_129 : memref<1x1x50xi32, #tpu.memory_space<vmem>> -> memref<50xi32, #tpu.memory_space<vmem>>
    %dma_start3A_131 = arith.constant 0 : i32
    %dma_start3A_132 = arith.constant 0 : i32
    %dma_start3A_133 = tpu.memref_slice %arg2[%dma_start3A_131, %dma_start3A_132] : memref<100000x128xf32, #tpu.memory_space<hbm>> -> memref<100000x128xf32, #tpu.memory_space<hbm>>
    tpu.enqueue_indirect_dma source(%dma_start3A_133 : memref<100000x128xf32, #tpu.memory_space<hbm>>) target(%dma_start3A_127 : memref<50x128xf32, #tpu.memory_space<vmem>>) offsets(%dma_start3A_130 : memref<50xi32, #tpu.memory_space<vmem>>) semaphore(%arg14 : memref<!tpu.dma_semaphore, #tpu.memory_space<semaphore_mem>>)
    "tpu.region"() ({
      %run_scoped3A = tpu.sem_alloc : memref<!tpu.dma_semaphore, #tpu.memory_space<semaphore_mem>>
      tpu.enqueue_dma source(%arg4 : memref<50x128xf32, #tpu.memory_space<hbm>>) target(%arg7 : memref<50x128xf32, #tpu.memory_space<vmem>>) target_semaphore(%run_scoped3A : memref<!tpu.dma_semaphore, #tpu.memory_space<semaphore_mem>>)
      tpu.wait_dma2 semaphore(%run_scoped3A : memref<!tpu.dma_semaphore, #tpu.memory_space<semaphore_mem>>) src(%arg4 : memref<50x128xf32, #tpu.memory_space<hbm>>) dst(%arg7 : memref<50x128xf32, #tpu.memory_space<vmem>>)
      tpu.yield
    }) : () -> ()
    %scan3A = arith.constant 0 : i32
    %scan3A_134 = arith.constant 0 : i32
    %scan3A_135 = arith.constant 8 : i32
    %scan3A_136 = arith.addi %scan3A_134, %scan3A_135 : i32
    %scan3A_137 = arith.constant 1 : i32
    %scan3A_138 = scf.for %scan3A_163 = %scan3A_134 to %scan3A_136 step %scan3A_137 iter_args(%scan3A_164 = %scan3A) -> (i32)  : i32 {
      %mul3A_165 = arith.constant 4 : i32
      %mul3A_166 = arith.muli %scan3A_163, %mul3A_165 : i32
      %add3A_167 = arith.constant 0 : i32
      %add3A_168 = arith.addi %mul3A_166, %add3A_167 : i32
      %dma_wait3A_169 = arith.constant 0 : i32
      %dma_wait3A_170 = arith.constant 0 : i32
      %dma_wait3A_171 = arith.constant 0 : i32
      %dma_wait3A_172 = tpu.memref_slice %arg8[%dma_wait3A_170, %dma_wait3A_171] : memref<200x128xf32, #tpu.memory_space<vmem>> -> memref<50x128xf32, #tpu.memory_space<vmem>>
      %dma_wait3A_173 = arith.constant 0 : i32
      %dma_wait3A_174 = tpu.memref_slice %arg6[%add3A_168, %dma_wait3A_169, %dma_wait3A_173] : memref<32x4x50xi32, #tpu.memory_space<vmem>> -> memref<1x1x50xi32, #tpu.memory_space<vmem>>
      %dma_wait3A_175 = tpu.memref_squeeze %dma_wait3A_174 : memref<1x1x50xi32, #tpu.memory_space<vmem>> -> memref<50xi32, #tpu.memory_space<vmem>>
      %dma_wait3A_176 = arith.constant 0 : i32
      %dma_wait3A_177 = arith.constant 0 : i32
      %dma_wait3A_178 = tpu.memref_slice %arg2[%dma_wait3A_176, %dma_wait3A_177] : memref<100000x128xf32, #tpu.memory_space<hbm>> -> memref<100000x128xf32, #tpu.memory_space<hbm>>
      tpu.wait_indirect_dma semaphore(%arg12 : memref<!tpu.dma_semaphore, #tpu.memory_space<semaphore_mem>>) src(%dma_wait3A_178 : memref<100000x128xf32, #tpu.memory_space<hbm>>) dst(%dma_wait3A_172 : memref<50x128xf32, #tpu.memory_space<vmem>>)
      %dma_wait3A_179 = arith.constant 1 : i32
      %dma_wait3A_180 = arith.constant 50 : i32
      %dma_wait3A_181 = arith.constant 0 : i32
      %dma_wait3A_182 = tpu.memref_slice %arg8[%dma_wait3A_180, %dma_wait3A_181] : memref<200x128xf32, #tpu.memory_space<vmem>> -> memref<50x128xf32, #tpu.memory_space<vmem>>
      %dma_wait3A_183 = arith.constant 0 : i32
      %dma_wait3A_184 = tpu.memref_slice %arg6[%add3A_168, %dma_wait3A_179, %dma_wait3A_183] : memref<32x4x50xi32, #tpu.memory_space<vmem>> -> memref<1x1x50xi32, #tpu.memory_space<vmem>>
      %dma_wait3A_185 = tpu.memref_squeeze %dma_wait3A_184 : memref<1x1x50xi32, #tpu.memory_space<vmem>> -> memref<50xi32, #tpu.memory_space<vmem>>
      %dma_wait3A_186 = arith.constant 0 : i32
      %dma_wait3A_187 = arith.constant 0 : i32
      %dma_wait3A_188 = tpu.memref_slice %arg2[%dma_wait3A_186, %dma_wait3A_187] : memref<100000x128xf32, #tpu.memory_space<hbm>> -> memref<100000x128xf32, #tpu.memory_space<hbm>>
      tpu.wait_indirect_dma semaphore(%arg12 : memref<!tpu.dma_semaphore, #tpu.memory_space<semaphore_mem>>) src(%dma_wait3A_188 : memref<100000x128xf32, #tpu.memory_space<hbm>>) dst(%dma_wait3A_182 : memref<50x128xf32, #tpu.memory_space<vmem>>)
      %dma_wait3A_189 = arith.constant 2 : i32
      %dma_wait3A_190 = arith.constant 100 : i32
      %dma_wait3A_191 = arith.constant 0 : i32
      %dma_wait3A_192 = tpu.memref_slice %arg8[%dma_wait3A_190, %dma_wait3A_191] : memref<200x128xf32, #tpu.memory_space<vmem>> -> memref<50x128xf32, #tpu.memory_space<vmem>>
      %dma_wait3A_193 = arith.constant 0 : i32
      %dma_wait3A_194 = tpu.memref_slice %arg6[%add3A_168, %dma_wait3A_189, %dma_wait3A_193] : memref<32x4x50xi32, #tpu.memory_space<vmem>> -> memref<1x1x50xi32, #tpu.memory_space<vmem>>
      %dma_wait3A_195 = tpu.memref_squeeze %dma_wait3A_194 : memref<1x1x50xi32, #tpu.memory_space<vmem>> -> memref<50xi32, #tpu.memory_space<vmem>>
      %dma_wait3A_196 = arith.constant 0 : i32
      %dma_wait3A_197 = arith.constant 0 : i32
      %dma_wait3A_198 = tpu.memref_slice %arg2[%dma_wait3A_196, %dma_wait3A_197] : memref<100000x128xf32, #tpu.memory_space<hbm>> -> memref<100000x128xf32, #tpu.memory_space<hbm>>
      tpu.wait_indirect_dma semaphore(%arg12 : memref<!tpu.dma_semaphore, #tpu.memory_space<semaphore_mem>>) src(%dma_wait3A_198 : memref<100000x128xf32, #tpu.memory_space<hbm>>) dst(%dma_wait3A_192 : memref<50x128xf32, #tpu.memory_space<vmem>>)
      %dma_wait3A_199 = arith.constant 3 : i32
      %dma_wait3A_200 = arith.constant 150 : i32
      %dma_wait3A_201 = arith.constant 0 : i32
      %dma_wait3A_202 = tpu.memref_slice %arg8[%dma_wait3A_200, %dma_wait3A_201] : memref<200x128xf32, #tpu.memory_space<vmem>> -> memref<50x128xf32, #tpu.memory_space<vmem>>
      %dma_wait3A_203 = arith.constant 0 : i32
      %dma_wait3A_204 = tpu.memref_slice %arg6[%add3A_168, %dma_wait3A_199, %dma_wait3A_203] : memref<32x4x50xi32, #tpu.memory_space<vmem>> -> memref<1x1x50xi32, #tpu.memory_space<vmem>>
      %dma_wait3A_205 = tpu.memref_squeeze %dma_wait3A_204 : memref<1x1x50xi32, #tpu.memory_space<vmem>> -> memref<50xi32, #tpu.memory_space<vmem>>
      %dma_wait3A_206 = arith.constant 0 : i32
      %dma_wait3A_207 = arith.constant 0 : i32
      %dma_wait3A_208 = tpu.memref_slice %arg2[%dma_wait3A_206, %dma_wait3A_207] : memref<100000x128xf32, #tpu.memory_space<hbm>> -> memref<100000x128xf32, #tpu.memory_space<hbm>>
      tpu.wait_indirect_dma semaphore(%arg12 : memref<!tpu.dma_semaphore, #tpu.memory_space<semaphore_mem>>) src(%dma_wait3A_208 : memref<100000x128xf32, #tpu.memory_space<hbm>>) dst(%dma_wait3A_202 : memref<50x128xf32, #tpu.memory_space<vmem>>)
      %add3A_209 = arith.constant 3 : i32
      %add3A_210 = arith.addi %add3A_168, %add3A_209 : i32
      %lt3A = arith.constant 32 : i32
      %lt3A_211 = arith.cmpi slt, %add3A_210, %lt3A : i32
      %convert_element_type3A = arith.extui %lt3A_211 : i1 to i32
      %cond3A = arith.constant 0 : i32
      %cond3A_212 = arith.cmpi ne, %convert_element_type3A, %cond3A : i32
      scf.if %cond3A_212 {
        %ge3A = arith.constant 1 : i32
        %ge3A_423 = arith.cmpi sge, %add3A_168, %ge3A : i32
        %convert_element_type3A_424 = arith.extui %ge3A_423 : i1 to i32
        %cond3A_425 = arith.constant 0 : i32
        %cond3A_426 = arith.cmpi ne, %convert_element_type3A_424, %cond3A_425 : i32
        scf.if %cond3A_426 {
          %sub3A = arith.constant 1 : i32
          %sub3A_469 = arith.subi %add3A_168, %sub3A : i32
          %mul3A_470 = arith.constant 200 : i32
          %mul3A_471 = arith.muli %sub3A_469, %mul3A_470 : i32
          %add3A_472 = arith.addi %mul3A_2, %mul3A_471 : i32
          %dma_wait3A_473 = arith.constant 0 : i32
          %dma_wait3A_474 = tpu.memref_slice %arg5[%add3A_472, %dma_wait3A_473] : memref<204800x128xf32, #tpu.memory_space<hbm>> -> memref<200x128xf32, #tpu.memory_space<hbm>>
          %dma_wait3A_475 = arith.constant 0 : i32
          %dma_wait3A_476 = tpu.memref_slice %arg5[%add3A_472, %dma_wait3A_475] : memref<204800x128xf32, #tpu.memory_space<hbm>> -> memref<200x128xf32, #tpu.memory_space<hbm>>
          tpu.wait_dma2 semaphore(%arg19 : memref<!tpu.dma_semaphore, #tpu.memory_space<semaphore_mem>>) src(%arg11 : memref<200x128xf32, #tpu.memory_space<vmem>>) dst(%dma_wait3A_476 : memref<200x128xf32, #tpu.memory_space<hbm>>)
        } else {
        }
        %add3A_427 = arith.constant 3 : i32
        %add3A_428 = arith.addi %add3A_168, %add3A_427 : i32
        %dma_start3A_429 = arith.constant 0 : i32
        %dma_start3A_430 = arith.constant 0 : i32
        %dma_start3A_431 = arith.constant 0 : i32
        %dma_start3A_432 = tpu.memref_slice %arg11[%dma_start3A_430, %dma_start3A_431] : memref<200x128xf32, #tpu.memory_space<vmem>> -> memref<50x128xf32, #tpu.memory_space<vmem>>
        %dma_start3A_433 = arith.constant 0 : i32
        %dma_start3A_434 = tpu.memref_slice %arg6[%add3A_428, %dma_start3A_429, %dma_start3A_433] : memref<32x4x50xi32, #tpu.memory_space<vmem>> -> memref<1x1x50xi32, #tpu.memory_space<vmem>>
        %dma_start3A_435 = tpu.memref_squeeze %dma_start3A_434 : memref<1x1x50xi32, #tpu.memory_space<vmem>> -> memref<50xi32, #tpu.memory_space<vmem>>
        %dma_start3A_436 = arith.constant 0 : i32
        %dma_start3A_437 = arith.constant 0 : i32
        %dma_start3A_438 = tpu.memref_slice %arg2[%dma_start3A_436, %dma_start3A_437] : memref<100000x128xf32, #tpu.memory_space<hbm>> -> memref<100000x128xf32, #tpu.memory_space<hbm>>
        tpu.enqueue_indirect_dma source(%dma_start3A_438 : memref<100000x128xf32, #tpu.memory_space<hbm>>) target(%dma_start3A_432 : memref<50x128xf32, #tpu.memory_space<vmem>>) offsets(%dma_start3A_435 : memref<50xi32, #tpu.memory_space<vmem>>) semaphore(%arg15 : memref<!tpu.dma_semaphore, #tpu.memory_space<semaphore_mem>>)
        %dma_start3A_439 = arith.constant 1 : i32
        %dma_start3A_440 = arith.constant 50 : i32
        %dma_start3A_441 = arith.constant 0 : i32
        %dma_start3A_442 = tpu.memref_slice %arg11[%dma_start3A_440, %dma_start3A_441] : memref<200x128xf32, #tpu.memory_space<vmem>> -> memref<50x128xf32, #tpu.memory_space<vmem>>
        %dma_start3A_443 = arith.constant 0 : i32
        %dma_start3A_444 = tpu.memref_slice %arg6[%add3A_428, %dma_start3A_439, %dma_start3A_443] : memref<32x4x50xi32, #tpu.memory_space<vmem>> -> memref<1x1x50xi32, #tpu.memory_space<vmem>>
        %dma_start3A_445 = tpu.memref_squeeze %dma_start3A_444 : memref<1x1x50xi32, #tpu.memory_space<vmem>> -> memref<50xi32, #tpu.memory_space<vmem>>
        %dma_start3A_446 = arith.constant 0 : i32
        %dma_start3A_447 = arith.constant 0 : i32
        %dma_start3A_448 = tpu.memref_slice %arg2[%dma_start3A_446, %dma_start3A_447] : memref<100000x128xf32, #tpu.memory_space<hbm>> -> memref<100000x128xf32, #tpu.memory_space<hbm>>
        tpu.enqueue_indirect_dma source(%dma_start3A_448 : memref<100000x128xf32, #tpu.memory_space<hbm>>) target(%dma_start3A_442 : memref<50x128xf32, #tpu.memory_space<vmem>>) offsets(%dma_start3A_445 : memref<50xi32, #tpu.memory_space<vmem>>) semaphore(%arg15 : memref<!tpu.dma_semaphore, #tpu.memory_space<semaphore_mem>>)
        %dma_start3A_449 = arith.constant 2 : i32
        %dma_start3A_450 = arith.constant 100 : i32
        %dma_start3A_451 = arith.constant 0 : i32
        %dma_start3A_452 = tpu.memref_slice %arg11[%dma_start3A_450, %dma_start3A_451] : memref<200x128xf32, #tpu.memory_space<vmem>> -> memref<50x128xf32, #tpu.memory_space<vmem>>
        %dma_start3A_453 = arith.constant 0 : i32
        %dma_start3A_454 = tpu.memref_slice %arg6[%add3A_428, %dma_start3A_449, %dma_start3A_453] : memref<32x4x50xi32, #tpu.memory_space<vmem>> -> memref<1x1x50xi32, #tpu.memory_space<vmem>>
        %dma_start3A_455 = tpu.memref_squeeze %dma_start3A_454 : memref<1x1x50xi32, #tpu.memory_space<vmem>> -> memref<50xi32, #tpu.memory_space<vmem>>
        %dma_start3A_456 = arith.constant 0 : i32
        %dma_start3A_457 = arith.constant 0 : i32
        %dma_start3A_458 = tpu.memref_slice %arg2[%dma_start3A_456, %dma_start3A_457] : memref<100000x128xf32, #tpu.memory_space<hbm>> -> memref<100000x128xf32, #tpu.memory_space<hbm>>
        tpu.enqueue_indirect_dma source(%dma_start3A_458 : memref<100000x128xf32, #tpu.memory_space<hbm>>) target(%dma_start3A_452 : memref<50x128xf32, #tpu.memory_space<vmem>>) offsets(%dma_start3A_455 : memref<50xi32, #tpu.memory_space<vmem>>) semaphore(%arg15 : memref<!tpu.dma_semaphore, #tpu.memory_space<semaphore_mem>>)
        %dma_start3A_459 = arith.constant 3 : i32
        %dma_start3A_460 = arith.constant 150 : i32
        %dma_start3A_461 = arith.constant 0 : i32
        %dma_start3A_462 = tpu.memref_slice %arg11[%dma_start3A_460, %dma_start3A_461] : memref<200x128xf32, #tpu.memory_space<vmem>> -> memref<50x128xf32, #tpu.memory_space<vmem>>
        %dma_start3A_463 = arith.constant 0 : i32
        %dma_start3A_464 = tpu.memref_slice %arg6[%add3A_428, %dma_start3A_459, %dma_start3A_463] : memref<32x4x50xi32, #tpu.memory_space<vmem>> -> memref<1x1x50xi32, #tpu.memory_space<vmem>>
        %dma_start3A_465 = tpu.memref_squeeze %dma_start3A_464 : memref<1x1x50xi32, #tpu.memory_space<vmem>> -> memref<50xi32, #tpu.memory_space<vmem>>
        %dma_start3A_466 = arith.constant 0 : i32
        %dma_start3A_467 = arith.constant 0 : i32
        %dma_start3A_468 = tpu.memref_slice %arg2[%dma_start3A_466, %dma_start3A_467] : memref<100000x128xf32, #tpu.memory_space<hbm>> -> memref<100000x128xf32, #tpu.memory_space<hbm>>
        tpu.enqueue_indirect_dma source(%dma_start3A_468 : memref<100000x128xf32, #tpu.memory_space<hbm>>) target(%dma_start3A_462 : memref<50x128xf32, #tpu.memory_space<vmem>>) offsets(%dma_start3A_465 : memref<50xi32, #tpu.memory_space<vmem>>) semaphore(%arg15 : memref<!tpu.dma_semaphore, #tpu.memory_space<semaphore_mem>>)
      } else {
      }
      %scan3A_213 = arith.constant 0 : i32
      %scan3A_214 = arith.constant 0 : i32
      %scan3A_215 = arith.constant 50 : i32
      %scan3A_216 = arith.addi %scan3A_214, %scan3A_215 : i32
      %scan3A_217 = arith.constant 1 : i32
      %scan3A_218 = scf.for %scan3A_423 = %scan3A_214 to %scan3A_216 step %scan3A_217 iter_args(%scan3A_424 = %scan3A_213) -> (i32)  : i32 {
        %get3A = arith.index_cast %scan3A_423 : i32 to index
        %get3A_425 = arith.constant 0 : index
        %get3A_426 = tpu.vector_load %arg7[%get3A, %get3A_425] {strides = array<i32>} : memref<50x128xf32, #tpu.memory_space<vmem>>, vector<1x16xf32>,
        %get3A_427 = vector.shape_cast %get3A_426 : vector<1x16xf32> to vector<16xf32>
        %get3A_428 = arith.index_cast %scan3A_423 : i32 to index
        %get3A_429 = arith.constant 16 : index
        %get3A_430 = tpu.vector_load %arg7[%get3A_428, %get3A_429] {strides = array<i32>} : memref<50x128xf32, #tpu.memory_space<vmem>>, vector<1x16xf32>,
        %get3A_431 = vector.shape_cast %get3A_430 : vector<1x16xf32> to vector<16xf32>
        %get3A_432 = arith.index_cast %scan3A_423 : i32 to index
        %get3A_433 = arith.constant 32 : index
        %get3A_434 = tpu.vector_load %arg7[%get3A_432, %get3A_433] {strides = array<i32>} : memref<50x128xf32, #tpu.memory_space<vmem>>, vector<1x16xf32>,
        %get3A_435 = vector.shape_cast %get3A_434 : vector<1x16xf32> to vector<16xf32>
        %get3A_436 = arith.index_cast %scan3A_423 : i32 to index
        %get3A_437 = arith.constant 48 : index
        %get3A_438 = tpu.vector_load %arg7[%get3A_436, %get3A_437] {strides = array<i32>} : memref<50x128xf32, #tpu.memory_space<vmem>>, vector<1x16xf32>,
        %get3A_439 = vector.shape_cast %get3A_438 : vector<1x16xf32> to vector<16xf32>
        %get3A_440 = arith.index_cast %scan3A_423 : i32 to index
        %get3A_441 = arith.constant 64 : index
        %get3A_442 = tpu.vector_load %arg7[%get3A_440, %get3A_441] {strides = array<i32>} : memref<50x128xf32, #tpu.memory_space<vmem>>, vector<1x16xf32>,
        %get3A_443 = vector.shape_cast %get3A_442 : vector<1x16xf32> to vector<16xf32>
        %get3A_444 = arith.index_cast %scan3A_423 : i32 to index
        %get3A_445 = arith.constant 80 : index
        %get3A_446 = tpu.vector_load %arg7[%get3A_444, %get3A_445] {strides = array<i32>} : memref<50x128xf32, #tpu.memory_space<vmem>>, vector<1x16xf32>,
        %get3A_447 = vector.shape_cast %get3A_446 : vector<1x16xf32> to vector<16xf32>
        %get3A_448 = arith.index_cast %scan3A_423 : i32 to index
        %get3A_449 = arith.constant 96 : index
        %get3A_450 = tpu.vector_load %arg7[%get3A_448, %get3A_449] {strides = array<i32>} : memref<50x128xf32, #tpu.memory_space<vmem>>, vector<1x16xf32>,
        %get3A_451 = vector.shape_cast %get3A_450 : vector<1x16xf32> to vector<16xf32>
        %get3A_452 = arith.index_cast %scan3A_423 : i32 to index
        %get3A_453 = arith.constant 112 : index
        %get3A_454 = tpu.vector_load %arg7[%get3A_452, %get3A_453] {strides = array<i32>} : memref<50x128xf32, #tpu.memory_space<vmem>>, vector<1x16xf32>,
        %get3A_455 = vector.shape_cast %get3A_454 : vector<1x16xf32> to vector<16xf32>
        %add3A_456 = arith.constant 0 : i32
        %add3A_457 = arith.addi %add3A_456, %scan3A_423 : i32
        %get3A_458 = arith.index_cast %add3A_457 : i32 to index
        %get3A_459 = arith.constant 0 : index
        %get3A_460 = tpu.vector_load %arg8[%get3A_458, %get3A_459] {strides = array<i32>} : memref<200x128xf32, #tpu.memory_space<vmem>>, vector<1x16xf32>,
        %get3A_461 = vector.shape_cast %get3A_460 : vector<1x16xf32> to vector<16xf32>
        %mul3A_462 = arith.constant 11.3137083 : f32
        %mul3A_463 = vector.broadcast %mul3A_462 : f32 to vector<16xf32>
        %mul3A_464 = arith.mulf %get3A_461, %mul3A_463 : vector<16xf32>
        %add3A_465 = arith.addf %mul3A_464, %get3A_427 : vector<16xf32>
        %add3A_466 = arith.constant 0 : i32
        %add3A_467 = arith.addi %add3A_466, %scan3A_423 : i32
        %swap3A = arith.index_cast %add3A_467 : i32 to index
        %swap3A_468 = arith.constant 0 : index
        %swap3A_469 = tpu.vector_load %arg8[%swap3A, %swap3A_468] {strides = array<i32>} : memref<200x128xf32, #tpu.memory_space<vmem>>, vector<1x16xf32>,
        %swap3A_470 = vector.shape_cast %swap3A_469 : vector<1x16xf32> to vector<16xf32>
        %swap3A_471 = vector.shape_cast %add3A_465 : vector<16xf32> to vector<1x16xf32>
        tpu.vector_store %arg8[%swap3A, %swap3A_468], %swap3A_471 {strides = array<i32>} : memref<200x128xf32, #tpu.memory_space<vmem>>, vector<1x16xf32>,
        %add3A_472 = arith.constant 0 : i32
        %add3A_473 = arith.addi %add3A_472, %scan3A_423 : i32
        %get3A_474 = arith.index_cast %add3A_473 : i32 to index
        %get3A_475 = arith.constant 16 : index
        %get3A_476 = tpu.vector_load %arg8[%get3A_474, %get3A_475] {strides = array<i32>} : memref<200x128xf32, #tpu.memory_space<vmem>>, vector<1x16xf32>,
        %get3A_477 = vector.shape_cast %get3A_476 : vector<1x16xf32> to vector<16xf32>
        %mul3A_478 = arith.constant 11.3137083 : f32
        %mul3A_479 = vector.broadcast %mul3A_478 : f32 to vector<16xf32>
        %mul3A_480 = arith.mulf %get3A_477, %mul3A_479 : vector<16xf32>
        %add3A_481 = arith.addf %mul3A_480, %get3A_431 : vector<16xf32>
        %add3A_482 = arith.constant 0 : i32
        %add3A_483 = arith.addi %add3A_482, %scan3A_423 : i32
        %swap3A_484 = arith.index_cast %add3A_483 : i32 to index
        %swap3A_485 = arith.constant 16 : index
        %swap3A_486 = tpu.vector_load %arg8[%swap3A_484, %swap3A_485] {strides = array<i32>} : memref<200x128xf32, #tpu.memory_space<vmem>>, vector<1x16xf32>,
        %swap3A_487 = vector.shape_cast %swap3A_486 : vector<1x16xf32> to vector<16xf32>
        %swap3A_488 = vector.shape_cast %add3A_481 : vector<16xf32> to vector<1x16xf32>
        tpu.vector_store %arg8[%swap3A_484, %swap3A_485], %swap3A_488 {strides = array<i32>} : memref<200x128xf32, #tpu.memory_space<vmem>>, vector<1x16xf32>,
        %add3A_489 = arith.constant 0 : i32
        %add3A_490 = arith.addi %add3A_489, %scan3A_423 : i32
        %get3A_491 = arith.index_cast %add3A_490 : i32 to index
        %get3A_492 = arith.constant 32 : index
        %get3A_493 = tpu.vector_load %arg8[%get3A_491, %get3A_492] {strides = array<i32>} : memref<200x128xf32, #tpu.memory_space<vmem>>, vector<1x16xf32>,
        %get3A_494 = vector.shape_cast %get3A_493 : vector<1x16xf32> to vector<16xf32>
        %mul3A_495 = arith.constant 11.3137083 : f32
        %mul3A_496 = vector.broadcast %mul3A_495 : f32 to vector<16xf32>
        %mul3A_497 = arith.mulf %get3A_494, %mul3A_496 : vector<16xf32>
        %add3A_498 = arith.addf %mul3A_497, %get3A_435 : vector<16xf32>
        %add3A_499 = arith.constant 0 : i32
        %add3A_500 = arith.addi %add3A_499, %scan3A_423 : i32
        %swap3A_501 = arith.index_cast %add3A_500 : i32 to index
        %swap3A_502 = arith.constant 32 : index
        %swap3A_503 = tpu.vector_load %arg8[%swap3A_501, %swap3A_502] {strides = array<i32>} : memref<200x128xf32, #tpu.memory_space<vmem>>, vector<1x16xf32>,
        %swap3A_504 = vector.shape_cast %swap3A_503 : vector<1x16xf32> to vector<16xf32>
        %swap3A_505 = vector.shape_cast %add3A_498 : vector<16xf32> to vector<1x16xf32>
        tpu.vector_store %arg8[%swap3A_501, %swap3A_502], %swap3A_505 {strides = array<i32>} : memref<200x128xf32, #tpu.memory_space<vmem>>, vector<1x16xf32>,
        %add3A_506 = arith.constant 0 : i32
        %add3A_507 = arith.addi %add3A_506, %scan3A_423 : i32
        %get3A_508 = arith.index_cast %add3A_507 : i32 to index
        %get3A_509 = arith.constant 48 : index
        %get3A_510 = tpu.vector_load %arg8[%get3A_508, %get3A_509] {strides = array<i32>} : memref<200x128xf32, #tpu.memory_space<vmem>>, vector<1x16xf32>,
        %get3A_511 = vector.shape_cast %get3A_510 : vector<1x16xf32> to vector<16xf32>
        %mul3A_512 = arith.constant 11.3137083 : f32
        %mul3A_513 = vector.broadcast %mul3A_512 : f32 to vector<16xf32>
        %mul3A_514 = arith.mulf %get3A_511, %mul3A_513 : vector<16xf32>
        %add3A_515 = arith.addf %mul3A_514, %get3A_439 : vector<16xf32>
        %add3A_516 = arith.constant 0 : i32
        %add3A_517 = arith.addi %add3A_516, %scan3A_423 : i32
        %swap3A_518 = arith.index_cast %add3A_517 : i32 to index
        %swap3A_519 = arith.constant 48 : index
        %swap3A_520 = tpu.vector_load %arg8[%swap3A_518, %swap3A_519] {strides = array<i32>} : memref<200x128xf32, #tpu.memory_space<vmem>>, vector<1x16xf32>,
        %swap3A_521 = vector.shape_cast %swap3A_520 : vector<1x16xf32> to vector<16xf32>
        %swap3A_522 = vector.shape_cast %add3A_515 : vector<16xf32> to vector<1x16xf32>
        tpu.vector_store %arg8[%swap3A_518, %swap3A_519], %swap3A_522 {strides = array<i32>} : memref<200x128xf32, #tpu.memory_space<vmem>>, vector<1x16xf32>,
        %add3A_523 = arith.constant 0 : i32
        %add3A_524 = arith.addi %add3A_523, %scan3A_423 : i32
        %get3A_525 = arith.index_cast %add3A_524 : i32 to index
        %get3A_526 = arith.constant 64 : index
        %get3A_527 = tpu.vector_load %arg8[%get3A_525, %get3A_526] {strides = array<i32>} : memref<200x128xf32, #tpu.memory_space<vmem>>, vector<1x16xf32>,
        %get3A_528 = vector.shape_cast %get3A_527 : vector<1x16xf32> to vector<16xf32>
        %mul3A_529 = arith.constant 11.3137083 : f32
        %mul3A_530 = vector.broadcast %mul3A_529 : f32 to vector<16xf32>
        %mul3A_531 = arith.mulf %get3A_528, %mul3A_530 : vector<16xf32>
        %add3A_532 = arith.addf %mul3A_531, %get3A_443 : vector<16xf32>
        %add3A_533 = arith.constant 0 : i32
        %add3A_534 = arith.addi %add3A_533, %scan3A_423 : i32
        %swap3A_535 = arith.index_cast %add3A_534 : i32 to index
        %swap3A_536 = arith.constant 64 : index
        %swap3A_537 = tpu.vector_load %arg8[%swap3A_535, %swap3A_536] {strides = array<i32>} : memref<200x128xf32, #tpu.memory_space<vmem>>, vector<1x16xf32>,
        %swap3A_538 = vector.shape_cast %swap3A_537 : vector<1x16xf32> to vector<16xf32>
        %swap3A_539 = vector.shape_cast %add3A_532 : vector<16xf32> to vector<1x16xf32>
        tpu.vector_store %arg8[%swap3A_535, %swap3A_536], %swap3A_539 {strides = array<i32>} : memref<200x128xf32, #tpu.memory_space<vmem>>, vector<1x16xf32>,
        %add3A_540 = arith.constant 0 : i32
        %add3A_541 = arith.addi %add3A_540, %scan3A_423 : i32
        %get3A_542 = arith.index_cast %add3A_541 : i32 to index
        %get3A_543 = arith.constant 80 : index
        %get3A_544 = tpu.vector_load %arg8[%get3A_542, %get3A_543] {strides = array<i32>} : memref<200x128xf32, #tpu.memory_space<vmem>>, vector<1x16xf32>,
        %get3A_545 = vector.shape_cast %get3A_544 : vector<1x16xf32> to vector<16xf32>
        %mul3A_546 = arith.constant 11.3137083 : f32
        %mul3A_547 = vector.broadcast %mul3A_546 : f32 to vector<16xf32>
        %mul3A_548 = arith.mulf %get3A_545, %mul3A_547 : vector<16xf32>
        %add3A_549 = arith.addf %mul3A_548, %get3A_447 : vector<16xf32>
        %add3A_550 = arith.constant 0 : i32
        %add3A_551 = arith.addi %add3A_550, %scan3A_423 : i32
        %swap3A_552 = arith.index_cast %add3A_551 : i32 to index
        %swap3A_553 = arith.constant 80 : index
        %swap3A_554 = tpu.vector_load %arg8[%swap3A_552, %swap3A_553] {strides = array<i32>} : memref<200x128xf32, #tpu.memory_space<vmem>>, vector<1x16xf32>,
        %swap3A_555 = vector.shape_cast %swap3A_554 : vector<1x16xf32> to vector<16xf32>
        %swap3A_556 = vector.shape_cast %add3A_549 : vector<16xf32> to vector<1x16xf32>
        tpu.vector_store %arg8[%swap3A_552, %swap3A_553], %swap3A_556 {strides = array<i32>} : memref<200x128xf32, #tpu.memory_space<vmem>>, vector<1x16xf32>,
        %add3A_557 = arith.constant 0 : i32
        %add3A_558 = arith.addi %add3A_557, %scan3A_423 : i32
        %get3A_559 = arith.index_cast %add3A_558 : i32 to index
        %get3A_560 = arith.constant 96 : index
        %get3A_561 = tpu.vector_load %arg8[%get3A_559, %get3A_560] {strides = array<i32>} : memref<200x128xf32, #tpu.memory_space<vmem>>, vector<1x16xf32>,
        %get3A_562 = vector.shape_cast %get3A_561 : vector<1x16xf32> to vector<16xf32>
        %mul3A_563 = arith.constant 11.3137083 : f32
        %mul3A_564 = vector.broadcast %mul3A_563 : f32 to vector<16xf32>
        %mul3A_565 = arith.mulf %get3A_562, %mul3A_564 : vector<16xf32>
        %add3A_566 = arith.addf %mul3A_565, %get3A_451 : vector<16xf32>
        %add3A_567 = arith.constant 0 : i32
        %add3A_568 = arith.addi %add3A_567, %scan3A_423 : i32
        %swap3A_569 = arith.index_cast %add3A_568 : i32 to index
        %swap3A_570 = arith.constant 96 : index
        %swap3A_571 = tpu.vector_load %arg8[%swap3A_569, %swap3A_570] {strides = array<i32>} : memref<200x128xf32, #tpu.memory_space<vmem>>, vector<1x16xf32>,
        %swap3A_572 = vector.shape_cast %swap3A_571 : vector<1x16xf32> to vector<16xf32>
        %swap3A_573 = vector.shape_cast %add3A_566 : vector<16xf32> to vector<1x16xf32>
        tpu.vector_store %arg8[%swap3A_569, %swap3A_570], %swap3A_573 {strides = array<i32>} : memref<200x128xf32, #tpu.memory_space<vmem>>, vector<1x16xf32>,
        %add3A_574 = arith.constant 0 : i32
        %add3A_575 = arith.addi %add3A_574, %scan3A_423 : i32
        %get3A_576 = arith.index_cast %add3A_575 : i32 to index
        %get3A_577 = arith.constant 112 : index
        %get3A_578 = tpu.vector_load %arg8[%get3A_576, %get3A_577] {strides = array<i32>} : memref<200x128xf32, #tpu.memory_space<vmem>>, vector<1x16xf32>,
        %get3A_579 = vector.shape_cast %get3A_578 : vector<1x16xf32> to vector<16xf32>
        %mul3A_580 = arith.constant 11.3137083 : f32
        %mul3A_581 = vector.broadcast %mul3A_580 : f32 to vector<16xf32>
        %mul3A_582 = arith.mulf %get3A_579, %mul3A_581 : vector<16xf32>
        %add3A_583 = arith.addf %mul3A_582, %get3A_455 : vector<16xf32>
        %add3A_584 = arith.constant 0 : i32
        %add3A_585 = arith.addi %add3A_584, %scan3A_423 : i32
        %swap3A_586 = arith.index_cast %add3A_585 : i32 to index
        %swap3A_587 = arith.constant 112 : index
        %swap3A_588 = tpu.vector_load %arg8[%swap3A_586, %swap3A_587] {strides = array<i32>} : memref<200x128xf32, #tpu.memory_space<vmem>>, vector<1x16xf32>,
        %swap3A_589 = vector.shape_cast %swap3A_588 : vector<1x16xf32> to vector<16xf32>
        %swap3A_590 = vector.shape_cast %add3A_583 : vector<16xf32> to vector<1x16xf32>
        tpu.vector_store %arg8[%swap3A_586, %swap3A_587], %swap3A_590 {strides = array<i32>} : memref<200x128xf32, #tpu.memory_space<vmem>>, vector<1x16xf32>,
        %add3A_591 = arith.constant 50 : i32
        %add3A_592 = arith.addi %add3A_591, %scan3A_423 : i32
        %get3A_593 = arith.index_cast %add3A_592 : i32 to index
        %get3A_594 = arith.constant 0 : index
        %get3A_595 = tpu.vector_load %arg8[%get3A_593, %get3A_594] {strides = array<i32>} : memref<200x128xf32, #tpu.memory_space<vmem>>, vector<1x16xf32>,
        %get3A_596 = vector.shape_cast %get3A_595 : vector<1x16xf32> to vector<16xf32>
        %mul3A_597 = arith.constant 11.3137083 : f32
        %mul3A_598 = vector.broadcast %mul3A_597 : f32 to vector<16xf32>
        %mul3A_599 = arith.mulf %get3A_596, %mul3A_598 : vector<16xf32>
        %add3A_600 = arith.addf %mul3A_599, %get3A_427 : vector<16xf32>
        %add3A_601 = arith.constant 50 : i32
        %add3A_602 = arith.addi %add3A_601, %scan3A_423 : i32
        %swap3A_603 = arith.index_cast %add3A_602 : i32 to index
        %swap3A_604 = arith.constant 0 : index
        %swap3A_605 = tpu.vector_load %arg8[%swap3A_603, %swap3A_604] {strides = array<i32>} : memref<200x128xf32, #tpu.memory_space<vmem>>, vector<1x16xf32>,
        %swap3A_606 = vector.shape_cast %swap3A_605 : vector<1x16xf32> to vector<16xf32>
        %swap3A_607 = vector.shape_cast %add3A_600 : vector<16xf32> to vector<1x16xf32>
        tpu.vector_store %arg8[%swap3A_603, %swap3A_604], %swap3A_607 {strides = array<i32>} : memref<200x128xf32, #tpu.memory_space<vmem>>, vector<1x16xf32>,
        %add3A_608 = arith.constant 50 : i32
        %add3A_609 = arith.addi %add3A_608, %scan3A_423 : i32
        %get3A_610 = arith.index_cast %add3A_609 : i32 to index
        %get3A_611 = arith.constant 16 : index
        %get3A_612 = tpu.vector_load %arg8[%get3A_610, %get3A_611] {strides = array<i32>} : memref<200x128xf32, #tpu.memory_space<vmem>>, vector<1x16xf32>,
        %get3A_613 = vector.shape_cast %get3A_612 : vector<1x16xf32> to vector<16xf32>
        %mul3A_614 = arith.constant 11.3137083 : f32
        %mul3A_615 = vector.broadcast %mul3A_614 : f32 to vector<16xf32>
        %mul3A_616 = arith.mulf %get3A_613, %mul3A_615 : vector<16xf32>
        %add3A_617 = arith.addf %mul3A_616, %get3A_431 : vector<16xf32>
        %add3A_618 = arith.constant 50 : i32
        %add3A_619 = arith.addi %add3A_618, %scan3A_423 : i32
        %swap3A_620 = arith.index_cast %add3A_619 : i32 to index
        %swap3A_621 = arith.constant 16 : index
        %swap3A_622 = tpu.vector_load %arg8[%swap3A_620, %swap3A_621] {strides = array<i32>} : memref<200x128xf32, #tpu.memory_space<vmem>>, vector<1x16xf32>,
        %swap3A_623 = vector.shape_cast %swap3A_622 : vector<1x16xf32> to vector<16xf32>
        %swap3A_624 = vector.shape_cast %add3A_617 : vector<16xf32> to vector<1x16xf32>
        tpu.vector_store %arg8[%swap3A_620, %swap3A_621], %swap3A_624 {strides = array<i32>} : memref<200x128xf32, #tpu.memory_space<vmem>>, vector<1x16xf32>,
        %add3A_625 = arith.constant 50 : i32
        %add3A_626 = arith.addi %add3A_625, %scan3A_423 : i32
        %get3A_627 = arith.index_cast %add3A_626 : i32 to index
        %get3A_628 = arith.constant 32 : index
        %get3A_629 = tpu.vector_load %arg8[%get3A_627, %get3A_628] {strides = array<i32>} : memref<200x128xf32, #tpu.memory_space<vmem>>, vector<1x16xf32>,
        %get3A_630 = vector.shape_cast %get3A_629 : vector<1x16xf32> to vector<16xf32>
        %mul3A_631 = arith.constant 11.3137083 : f32
        %mul3A_632 = vector.broadcast %mul3A_631 : f32 to vector<16xf32>
        %mul3A_633 = arith.mulf %get3A_630, %mul3A_632 : vector<16xf32>
        %add3A_634 = arith.addf %mul3A_633, %get3A_435 : vector<16xf32>
        %add3A_635 = arith.constant 50 : i32
        %add3A_636 = arith.addi %add3A_635, %scan3A_423 : i32
        %swap3A_637 = arith.index_cast %add3A_636 : i32 to index
        %swap3A_638 = arith.constant 32 : index
        %swap3A_639 = tpu.vector_load %arg8[%swap3A_637, %swap3A_638] {strides = array<i32>} : memref<200x128xf32, #tpu.memory_space<vmem>>, vector<1x16xf32>,
        %swap3A_640 = vector.shape_cast %swap3A_639 : vector<1x16xf32> to vector<16xf32>
        %swap3A_641 = vector.shape_cast %add3A_634 : vector<16xf32> to vector<1x16xf32>
        tpu.vector_store %arg8[%swap3A_637, %swap3A_638], %swap3A_641 {strides = array<i32>} : memref<200x128xf32, #tpu.memory_space<vmem>>, vector<1x16xf32>,
        %add3A_642 = arith.constant 50 : i32
        %add3A_643 = arith.addi %add3A_642, %scan3A_423 : i32
        %get3A_644 = arith.index_cast %add3A_643 : i32 to index
        %get3A_645 = arith.constant 48 : index
        %get3A_646 = tpu.vector_load %arg8[%get3A_644, %get3A_645] {strides = array<i32>} : memref<200x128xf32, #tpu.memory_space<vmem>>, vector<1x16xf32>,
        %get3A_647 = vector.shape_cast %get3A_646 : vector<1x16xf32> to vector<16xf32>
        %mul3A_648 = arith.constant 11.3137083 : f32
        %mul3A_649 = vector.broadcast %mul3A_648 : f32 to vector<16xf32>
        %mul3A_650 = arith.mulf %get3A_647, %mul3A_649 : vector<16xf32>
        %add3A_651 = arith.addf %mul3A_650, %get3A_439 : vector<16xf32>
        %add3A_652 = arith.constant 50 : i32
        %add3A_653 = arith.addi %add3A_652, %scan3A_423 : i32
        %swap3A_654 = arith.index_cast %add3A_653 : i32 to index
        %swap3A_655 = arith.constant 48 : index
        %swap3A_656 = tpu.vector_load %arg8[%swap3A_654, %swap3A_655] {strides = array<i32>} : memref<200x128xf32, #tpu.memory_space<vmem>>, vector<1x16xf32>,
        %swap3A_657 = vector.shape_cast %swap3A_656 : vector<1x16xf32> to vector<16xf32>
        %swap3A_658 = vector.shape_cast %add3A_651 : vector<16xf32> to vector<1x16xf32>
        tpu.vector_store %arg8[%swap3A_654, %swap3A_655], %swap3A_658 {strides = array<i32>} : memref<200x128xf32, #tpu.memory_space<vmem>>, vector<1x16xf32>,
        %add3A_659 = arith.constant 50 : i32
        %add3A_660 = arith.addi %add3A_659, %scan3A_423 : i32
        %get3A_661 = arith.index_cast %add3A_660 : i32 to index
        %get3A_662 = arith.constant 64 : index
        %get3A_663 = tpu.vector_load %arg8[%get3A_661, %get3A_662] {strides = array<i32>} : memref<200x128xf32, #tpu.memory_space<vmem>>, vector<1x16xf32>,
        %get3A_664 = vector.shape_cast %get3A_663 : vector<1x16xf32> to vector<16xf32>
        %mul3A_665 = arith.constant 11.3137083 : f32
        %mul3A_666 = vector.broadcast %mul3A_665 : f32 to vector<16xf32>
        %mul3A_667 = arith.mulf %get3A_664, %mul3A_666 : vector<16xf32>
        %add3A_668 = arith.addf %mul3A_667, %get3A_443 : vector<16xf32>
        %add3A_669 = arith.constant 50 : i32
        %add3A_670 = arith.addi %add3A_669, %scan3A_423 : i32
        %swap3A_671 = arith.index_cast %add3A_670 : i32 to index
        %swap3A_672 = arith.constant 64 : index
        %swap3A_673 = tpu.vector_load %arg8[%swap3A_671, %swap3A_672] {strides = array<i32>} : memref<200x128xf32, #tpu.memory_space<vmem>>, vector<1x16xf32>,
        %swap3A_674 = vector.shape_cast %swap3A_673 : vector<1x16xf32> to vector<16xf32>
        %swap3A_675 = vector.shape_cast %add3A_668 : vector<16xf32> to vector<1x16xf32>
        tpu.vector_store %arg8[%swap3A_671, %swap3A_672], %swap3A_675 {strides = array<i32>} : memref<200x128xf32, #tpu.memory_space<vmem>>, vector<1x16xf32>,
        %add3A_676 = arith.constant 50 : i32
        %add3A_677 = arith.addi %add3A_676, %scan3A_423 : i32
        %get3A_678 = arith.index_cast %add3A_677 : i32 to index
        %get3A_679 = arith.constant 80 : index
        %get3A_680 = tpu.vector_load %arg8[%get3A_678, %get3A_679] {strides = array<i32>} : memref<200x128xf32, #tpu.memory_space<vmem>>, vector<1x16xf32>,
        %get3A_681 = vector.shape_cast %get3A_680 : vector<1x16xf32> to vector<16xf32>
        %mul3A_682 = arith.constant 11.3137083 : f32
        %mul3A_683 = vector.broadcast %mul3A_682 : f32 to vector<16xf32>
        %mul3A_684 = arith.mulf %get3A_681, %mul3A_683 : vector<16xf32>
        %add3A_685 = arith.addf %mul3A_684, %get3A_447 : vector<16xf32>
        %add3A_686 = arith.constant 50 : i32
        %add3A_687 = arith.addi %add3A_686, %scan3A_423 : i32
        %swap3A_688 = arith.index_cast %add3A_687 : i32 to index
        %swap3A_689 = arith.constant 80 : index
        %swap3A_690 = tpu.vector_load %arg8[%swap3A_688, %swap3A_689] {strides = array<i32>} : memref<200x128xf32, #tpu.memory_space<vmem>>, vector<1x16xf32>,
        %swap3A_691 = vector.shape_cast %swap3A_690 : vector<1x16xf32> to vector<16xf32>
        %swap3A_692 = vector.shape_cast %add3A_685 : vector<16xf32> to vector<1x16xf32>
        tpu.vector_store %arg8[%swap3A_688, %swap3A_689], %swap3A_692 {strides = array<i32>} : memref<200x128xf32, #tpu.memory_space<vmem>>, vector<1x16xf32>,
        %add3A_693 = arith.constant 50 : i32
        %add3A_694 = arith.addi %add3A_693, %scan3A_423 : i32
        %get3A_695 = arith.index_cast %add3A_694 : i32 to index
        %get3A_696 = arith.constant 96 : index
        %get3A_697 = tpu.vector_load %arg8[%get3A_695, %get3A_696] {strides = array<i32>} : memref<200x128xf32, #tpu.memory_space<vmem>>, vector<1x16xf32>,
        %get3A_698 = vector.shape_cast %get3A_697 : vector<1x16xf32> to vector<16xf32>
        %mul3A_699 = arith.constant 11.3137083 : f32
        %mul3A_700 = vector.broadcast %mul3A_699 : f32 to vector<16xf32>
        %mul3A_701 = arith.mulf %get3A_698, %mul3A_700 : vector<16xf32>
        %add3A_702 = arith.addf %mul3A_701, %get3A_451 : vector<16xf32>
        %add3A_703 = arith.constant 50 : i32
        %add3A_704 = arith.addi %add3A_703, %scan3A_423 : i32
        %swap3A_705 = arith.index_cast %add3A_704 : i32 to index
        %swap3A_706 = arith.constant 96 : index
        %swap3A_707 = tpu.vector_load %arg8[%swap3A_705, %swap3A_706] {strides = array<i32>} : memref<200x128xf32, #tpu.memory_space<vmem>>, vector<1x16xf32>,
        %swap3A_708 = vector.shape_cast %swap3A_707 : vector<1x16xf32> to vector<16xf32>
        %swap3A_709 = vector.shape_cast %add3A_702 : vector<16xf32> to vector<1x16xf32>
        tpu.vector_store %arg8[%swap3A_705, %swap3A_706], %swap3A_709 {strides = array<i32>} : memref<200x128xf32, #tpu.memory_space<vmem>>, vector<1x16xf32>,
        %add3A_710 = arith.constant 50 : i32
        %add3A_711 = arith.addi %add3A_710, %scan3A_423 : i32
        %get3A_712 = arith.index_cast %add3A_711 : i32 to index
        %get3A_713 = arith.constant 112 : index
        %get3A_714 = tpu.vector_load %arg8[%get3A_712, %get3A_713] {strides = array<i32>} : memref<200x128xf32, #tpu.memory_space<vmem>>, vector<1x16xf32>,
        %get3A_715 = vector.shape_cast %get3A_714 : vector<1x16xf32> to vector<16xf32>
        %mul3A_716 = arith.constant 11.3137083 : f32
        %mul3A_717 = vector.broadcast %mul3A_716 : f32 to vector<16xf32>
        %mul3A_718 = arith.mulf %get3A_715, %mul3A_717 : vector<16xf32>
        %add3A_719 = arith.addf %mul3A_718, %get3A_455 : vector<16xf32>
        %add3A_720 = arith.constant 50 : i32
        %add3A_721 = arith.addi %add3A_720, %scan3A_423 : i32
        %swap3A_722 = arith.index_cast %add3A_721 : i32 to index
        %swap3A_723 = arith.constant 112 : index
        %swap3A_724 = tpu.vector_load %arg8[%swap3A_722, %swap3A_723] {strides = array<i32>} : memref<200x128xf32, #tpu.memory_space<vmem>>, vector<1x16xf32>,
        %swap3A_725 = vector.shape_cast %swap3A_724 : vector<1x16xf32> to vector<16xf32>
        %swap3A_726 = vector.shape_cast %add3A_719 : vector<16xf32> to vector<1x16xf32>
        tpu.vector_store %arg8[%swap3A_722, %swap3A_723], %swap3A_726 {strides = array<i32>} : memref<200x128xf32, #tpu.memory_space<vmem>>, vector<1x16xf32>,
        %add3A_727 = arith.constant 100 : i32
        %add3A_728 = arith.addi %add3A_727, %scan3A_423 : i32
        %get3A_729 = arith.index_cast %add3A_728 : i32 to index
        %get3A_730 = arith.constant 0 : index
        %get3A_731 = tpu.vector_load %arg8[%get3A_729, %get3A_730] {strides = array<i32>} : memref<200x128xf32, #tpu.memory_space<vmem>>, vector<1x16xf32>,
        %get3A_732 = vector.shape_cast %get3A_731 : vector<1x16xf32> to vector<16xf32>
        %mul3A_733 = arith.constant 11.3137083 : f32
        %mul3A_734 = vector.broadcast %mul3A_733 : f32 to vector<16xf32>
        %mul3A_735 = arith.mulf %get3A_732, %mul3A_734 : vector<16xf32>
        %add3A_736 = arith.addf %mul3A_735, %get3A_427 : vector<16xf32>
        %add3A_737 = arith.constant 100 : i32
        %add3A_738 = arith.addi %add3A_737, %scan3A_423 : i32
        %swap3A_739 = arith.index_cast %add3A_738 : i32 to index
        %swap3A_740 = arith.constant 0 : index
        %swap3A_741 = tpu.vector_load %arg8[%swap3A_739, %swap3A_740] {strides = array<i32>} : memref<200x128xf32, #tpu.memory_space<vmem>>, vector<1x16xf32>,
        %swap3A_742 = vector.shape_cast %swap3A_741 : vector<1x16xf32> to vector<16xf32>
        %swap3A_743 = vector.shape_cast %add3A_736 : vector<16xf32> to vector<1x16xf32>
        tpu.vector_store %arg8[%swap3A_739, %swap3A_740], %swap3A_743 {strides = array<i32>} : memref<200x128xf32, #tpu.memory_space<vmem>>, vector<1x16xf32>,
        %add3A_744 = arith.constant 100 : i32
        %add3A_745 = arith.addi %add3A_744, %scan3A_423 : i32
        %get3A_746 = arith.index_cast %add3A_745 : i32 to index
        %get3A_747 = arith.constant 16 : index
        %get3A_748 = tpu.vector_load %arg8[%get3A_746, %get3A_747] {strides = array<i32>} : memref<200x128xf32, #tpu.memory_space<vmem>>, vector<1x16xf32>,
        %get3A_749 = vector.shape_cast %get3A_748 : vector<1x16xf32> to vector<16xf32>
        %mul3A_750 = arith.constant 11.3137083 : f32
        %mul3A_751 = vector.broadcast %mul3A_750 : f32 to vector<16xf32>
        %mul3A_752 = arith.mulf %get3A_749, %mul3A_751 : vector<16xf32>
        %add3A_753 = arith.addf %mul3A_752, %get3A_431 : vector<16xf32>
        %add3A_754 = arith.constant 100 : i32
        %add3A_755 = arith.addi %add3A_754, %scan3A_423 : i32
        %swap3A_756 = arith.index_cast %add3A_755 : i32 to index
        %swap3A_757 = arith.constant 16 : index
        %swap3A_758 = tpu.vector_load %arg8[%swap3A_756, %swap3A_757] {strides = array<i32>} : memref<200x128xf32, #tpu.memory_space<vmem>>, vector<1x16xf32>,
        %swap3A_759 = vector.shape_cast %swap3A_758 : vector<1x16xf32> to vector<16xf32>
        %swap3A_760 = vector.shape_cast %add3A_753 : vector<16xf32> to vector<1x16xf32>
        tpu.vector_store %arg8[%swap3A_756, %swap3A_757], %swap3A_760 {strides = array<i32>} : memref<200x128xf32, #tpu.memory_space<vmem>>, vector<1x16xf32>,
        %add3A_761 = arith.constant 100 : i32
        %add3A_762 = arith.addi %add3A_761, %scan3A_423 : i32
        %get3A_763 = arith.index_cast %add3A_762 : i32 to index
        %get3A_764 = arith.constant 32 : index
        %get3A_765 = tpu.vector_load %arg8[%get3A_763, %get3A_764] {strides = array<i32>} : memref<200x128xf32, #tpu.memory_space<vmem>>, vector<1x16xf32>,
        %get3A_766 = vector.shape_cast %get3A_765 : vector<1x16xf32> to vector<16xf32>
        %mul3A_767 = arith.constant 11.3137083 : f32
        %mul3A_768 = vector.broadcast %mul3A_767 : f32 to vector<16xf32>
        %mul3A_769 = arith.mulf %get3A_766, %mul3A_768 : vector<16xf32>
        %add3A_770 = arith.addf %mul3A_769, %get3A_435 : vector<16xf32>
        %add3A_771 = arith.constant 100 : i32
        %add3A_772 = arith.addi %add3A_771, %scan3A_423 : i32
        %swap3A_773 = arith.index_cast %add3A_772 : i32 to index
        %swap3A_774 = arith.constant 32 : index
        %swap3A_775 = tpu.vector_load %arg8[%swap3A_773, %swap3A_774] {strides = array<i32>} : memref<200x128xf32, #tpu.memory_space<vmem>>, vector<1x16xf32>,
        %swap3A_776 = vector.shape_cast %swap3A_775 : vector<1x16xf32> to vector<16xf32>
        %swap3A_777 = vector.shape_cast %add3A_770 : vector<16xf32> to vector<1x16xf32>
        tpu.vector_store %arg8[%swap3A_773, %swap3A_774], %swap3A_777 {strides = array<i32>} : memref<200x128xf32, #tpu.memory_space<vmem>>, vector<1x16xf32>,
        %add3A_778 = arith.constant 100 : i32
        %add3A_779 = arith.addi %add3A_778, %scan3A_423 : i32
        %get3A_780 = arith.index_cast %add3A_779 : i32 to index
        %get3A_781 = arith.constant 48 : index
        %get3A_782 = tpu.vector_load %arg8[%get3A_780, %get3A_781] {strides = array<i32>} : memref<200x128xf32, #tpu.memory_space<vmem>>, vector<1x16xf32>,
        %get3A_783 = vector.shape_cast %get3A_782 : vector<1x16xf32> to vector<16xf32>
        %mul3A_784 = arith.constant 11.3137083 : f32
        %mul3A_785 = vector.broadcast %mul3A_784 : f32 to vector<16xf32>
        %mul3A_786 = arith.mulf %get3A_783, %mul3A_785 : vector<16xf32>
        %add3A_787 = arith.addf %mul3A_786, %get3A_439 : vector<16xf32>
        %add3A_788 = arith.constant 100 : i32
        %add3A_789 = arith.addi %add3A_788, %scan3A_423 : i32
        %swap3A_790 = arith.index_cast %add3A_789 : i32 to index
        %swap3A_791 = arith.constant 48 : index
        %swap3A_792 = tpu.vector_load %arg8[%swap3A_790, %swap3A_791] {strides = array<i32>} : memref<200x128xf32, #tpu.memory_space<vmem>>, vector<1x16xf32>,
        %swap3A_793 = vector.shape_cast %swap3A_792 : vector<1x16xf32> to vector<16xf32>
        %swap3A_794 = vector.shape_cast %add3A_787 : vector<16xf32> to vector<1x16xf32>
        tpu.vector_store %arg8[%swap3A_790, %swap3A_791], %swap3A_794 {strides = array<i32>} : memref<200x128xf32, #tpu.memory_space<vmem>>, vector<1x16xf32>,
        %add3A_795 = arith.constant 100 : i32
        %add3A_796 = arith.addi %add3A_795, %scan3A_423 : i32
        %get3A_797 = arith.index_cast %add3A_796 : i32 to index
        %get3A_798 = arith.constant 64 : index
        %get3A_799 = tpu.vector_load %arg8[%get3A_797, %get3A_798] {strides = array<i32>} : memref<200x128xf32, #tpu.memory_space<vmem>>, vector<1x16xf32>,
        %get3A_800 = vector.shape_cast %get3A_799 : vector<1x16xf32> to vector<16xf32>
        %mul3A_801 = arith.constant 11.3137083 : f32
        %mul3A_802 = vector.broadcast %mul3A_801 : f32 to vector<16xf32>
        %mul3A_803 = arith.mulf %get3A_800, %mul3A_802 : vector<16xf32>
        %add3A_804 = arith.addf %mul3A_803, %get3A_443 : vector<16xf32>
        %add3A_805 = arith.constant 100 : i32
        %add3A_806 = arith.addi %add3A_805, %scan3A_423 : i32
        %swap3A_807 = arith.index_cast %add3A_806 : i32 to index
        %swap3A_808 = arith.constant 64 : index
        %swap3A_809 = tpu.vector_load %arg8[%swap3A_807, %swap3A_808] {strides = array<i32>} : memref<200x128xf32, #tpu.memory_space<vmem>>, vector<1x16xf32>,
        %swap3A_810 = vector.shape_cast %swap3A_809 : vector<1x16xf32> to vector<16xf32>
        %swap3A_811 = vector.shape_cast %add3A_804 : vector<16xf32> to vector<1x16xf32>
        tpu.vector_store %arg8[%swap3A_807, %swap3A_808], %swap3A_811 {strides = array<i32>} : memref<200x128xf32, #tpu.memory_space<vmem>>, vector<1x16xf32>,
        %add3A_812 = arith.constant 100 : i32
        %add3A_813 = arith.addi %add3A_812, %scan3A_423 : i32
        %get3A_814 = arith.index_cast %add3A_813 : i32 to index
        %get3A_815 = arith.constant 80 : index
        %get3A_816 = tpu.vector_load %arg8[%get3A_814, %get3A_815] {strides = array<i32>} : memref<200x128xf32, #tpu.memory_space<vmem>>, vector<1x16xf32>,
        %get3A_817 = vector.shape_cast %get3A_816 : vector<1x16xf32> to vector<16xf32>
        %mul3A_818 = arith.constant 11.3137083 : f32
        %mul3A_819 = vector.broadcast %mul3A_818 : f32 to vector<16xf32>
        %mul3A_820 = arith.mulf %get3A_817, %mul3A_819 : vector<16xf32>
        %add3A_821 = arith.addf %mul3A_820, %get3A_447 : vector<16xf32>
        %add3A_822 = arith.constant 100 : i32
        %add3A_823 = arith.addi %add3A_822, %scan3A_423 : i32
        %swap3A_824 = arith.index_cast %add3A_823 : i32 to index
        %swap3A_825 = arith.constant 80 : index
        %swap3A_826 = tpu.vector_load %arg8[%swap3A_824, %swap3A_825] {strides = array<i32>} : memref<200x128xf32, #tpu.memory_space<vmem>>, vector<1x16xf32>,
        %swap3A_827 = vector.shape_cast %swap3A_826 : vector<1x16xf32> to vector<16xf32>
        %swap3A_828 = vector.shape_cast %add3A_821 : vector<16xf32> to vector<1x16xf32>
        tpu.vector_store %arg8[%swap3A_824, %swap3A_825], %swap3A_828 {strides = array<i32>} : memref<200x128xf32, #tpu.memory_space<vmem>>, vector<1x16xf32>,
        %add3A_829 = arith.constant 100 : i32
        %add3A_830 = arith.addi %add3A_829, %scan3A_423 : i32
        %get3A_831 = arith.index_cast %add3A_830 : i32 to index
        %get3A_832 = arith.constant 96 : index
        %get3A_833 = tpu.vector_load %arg8[%get3A_831, %get3A_832] {strides = array<i32>} : memref<200x128xf32, #tpu.memory_space<vmem>>, vector<1x16xf32>,
        %get3A_834 = vector.shape_cast %get3A_833 : vector<1x16xf32> to vector<16xf32>
        %mul3A_835 = arith.constant 11.3137083 : f32
        %mul3A_836 = vector.broadcast %mul3A_835 : f32 to vector<16xf32>
        %mul3A_837 = arith.mulf %get3A_834, %mul3A_836 : vector<16xf32>
        %add3A_838 = arith.addf %mul3A_837, %get3A_451 : vector<16xf32>
        %add3A_839 = arith.constant 100 : i32
        %add3A_840 = arith.addi %add3A_839, %scan3A_423 : i32
        %swap3A_841 = arith.index_cast %add3A_840 : i32 to index
        %swap3A_842 = arith.constant 96 : index
        %swap3A_843 = tpu.vector_load %arg8[%swap3A_841, %swap3A_842] {strides = array<i32>} : memref<200x128xf32, #tpu.memory_space<vmem>>, vector<1x16xf32>,
        %swap3A_844 = vector.shape_cast %swap3A_843 : vector<1x16xf32> to vector<16xf32>
        %swap3A_845 = vector.shape_cast %add3A_838 : vector<16xf32> to vector<1x16xf32>
        tpu.vector_store %arg8[%swap3A_841, %swap3A_842], %swap3A_845 {strides = array<i32>} : memref<200x128xf32, #tpu.memory_space<vmem>>, vector<1x16xf32>,
        %add3A_846 = arith.constant 100 : i32
        %add3A_847 = arith.addi %add3A_846, %scan3A_423 : i32
        %get3A_848 = arith.index_cast %add3A_847 : i32 to index
        %get3A_849 = arith.constant 112 : index
        %get3A_850 = tpu.vector_load %arg8[%get3A_848, %get3A_849] {strides = array<i32>} : memref<200x128xf32, #tpu.memory_space<vmem>>, vector<1x16xf32>,
        %get3A_851 = vector.shape_cast %get3A_850 : vector<1x16xf32> to vector<16xf32>
        %mul3A_852 = arith.constant 11.3137083 : f32
        %mul3A_853 = vector.broadcast %mul3A_852 : f32 to vector<16xf32>
        %mul3A_854 = arith.mulf %get3A_851, %mul3A_853 : vector<16xf32>
        %add3A_855 = arith.addf %mul3A_854, %get3A_455 : vector<16xf32>
        %add3A_856 = arith.constant 100 : i32
        %add3A_857 = arith.addi %add3A_856, %scan3A_423 : i32
        %swap3A_858 = arith.index_cast %add3A_857 : i32 to index
        %swap3A_859 = arith.constant 112 : index
        %swap3A_860 = tpu.vector_load %arg8[%swap3A_858, %swap3A_859] {strides = array<i32>} : memref<200x128xf32, #tpu.memory_space<vmem>>, vector<1x16xf32>,
        %swap3A_861 = vector.shape_cast %swap3A_860 : vector<1x16xf32> to vector<16xf32>
        %swap3A_862 = vector.shape_cast %add3A_855 : vector<16xf32> to vector<1x16xf32>
        tpu.vector_store %arg8[%swap3A_858, %swap3A_859], %swap3A_862 {strides = array<i32>} : memref<200x128xf32, #tpu.memory_space<vmem>>, vector<1x16xf32>,
        %add3A_863 = arith.constant 150 : i32
        %add3A_864 = arith.addi %add3A_863, %scan3A_423 : i32
        %get3A_865 = arith.index_cast %add3A_864 : i32 to index
        %get3A_866 = arith.constant 0 : index
        %get3A_867 = tpu.vector_load %arg8[%get3A_865, %get3A_866] {strides = array<i32>} : memref<200x128xf32, #tpu.memory_space<vmem>>, vector<1x16xf32>,
        %get3A_868 = vector.shape_cast %get3A_867 : vector<1x16xf32> to vector<16xf32>
        %mul3A_869 = arith.constant 11.3137083 : f32
        %mul3A_870 = vector.broadcast %mul3A_869 : f32 to vector<16xf32>
        %mul3A_871 = arith.mulf %get3A_868, %mul3A_870 : vector<16xf32>
        %add3A_872 = arith.addf %mul3A_871, %get3A_427 : vector<16xf32>
        %add3A_873 = arith.constant 150 : i32
        %add3A_874 = arith.addi %add3A_873, %scan3A_423 : i32
        %swap3A_875 = arith.index_cast %add3A_874 : i32 to index
        %swap3A_876 = arith.constant 0 : index
        %swap3A_877 = tpu.vector_load %arg8[%swap3A_875, %swap3A_876] {strides = array<i32>} : memref<200x128xf32, #tpu.memory_space<vmem>>, vector<1x16xf32>,
        %swap3A_878 = vector.shape_cast %swap3A_877 : vector<1x16xf32> to vector<16xf32>
        %swap3A_879 = vector.shape_cast %add3A_872 : vector<16xf32> to vector<1x16xf32>
        tpu.vector_store %arg8[%swap3A_875, %swap3A_876], %swap3A_879 {strides = array<i32>} : memref<200x128xf32, #tpu.memory_space<vmem>>, vector<1x16xf32>,
        %add3A_880 = arith.constant 150 : i32
        %add3A_881 = arith.addi %add3A_880, %scan3A_423 : i32
        %get3A_882 = arith.index_cast %add3A_881 : i32 to index
        %get3A_883 = arith.constant 16 : index
        %get3A_884 = tpu.vector_load %arg8[%get3A_882, %get3A_883] {strides = array<i32>} : memref<200x128xf32, #tpu.memory_space<vmem>>, vector<1x16xf32>,
        %get3A_885 = vector.shape_cast %get3A_884 : vector<1x16xf32> to vector<16xf32>
        %mul3A_886 = arith.constant 11.3137083 : f32
        %mul3A_887 = vector.broadcast %mul3A_886 : f32 to vector<16xf32>
        %mul3A_888 = arith.mulf %get3A_885, %mul3A_887 : vector<16xf32>
        %add3A_889 = arith.addf %mul3A_888, %get3A_431 : vector<16xf32>
        %add3A_890 = arith.constant 150 : i32
        %add3A_891 = arith.addi %add3A_890, %scan3A_423 : i32
        %swap3A_892 = arith.index_cast %add3A_891 : i32 to index
        %swap3A_893 = arith.constant 16 : index
        %swap3A_894 = tpu.vector_load %arg8[%swap3A_892, %swap3A_893] {strides = array<i32>} : memref<200x128xf32, #tpu.memory_space<vmem>>, vector<1x16xf32>,
        %swap3A_895 = vector.shape_cast %swap3A_894 : vector<1x16xf32> to vector<16xf32>
        %swap3A_896 = vector.shape_cast %add3A_889 : vector<16xf32> to vector<1x16xf32>
        tpu.vector_store %arg8[%swap3A_892, %swap3A_893], %swap3A_896 {strides = array<i32>} : memref<200x128xf32, #tpu.memory_space<vmem>>, vector<1x16xf32>,
        %add3A_897 = arith.constant 150 : i32
        %add3A_898 = arith.addi %add3A_897, %scan3A_423 : i32
        %get3A_899 = arith.index_cast %add3A_898 : i32 to index
        %get3A_900 = arith.constant 32 : index
        %get3A_901 = tpu.vector_load %arg8[%get3A_899, %get3A_900] {strides = array<i32>} : memref<200x128xf32, #tpu.memory_space<vmem>>, vector<1x16xf32>,
        %get3A_902 = vector.shape_cast %get3A_901 : vector<1x16xf32> to vector<16xf32>
        %mul3A_903 = arith.constant 11.3137083 : f32
        %mul3A_904 = vector.broadcast %mul3A_903 : f32 to vector<16xf32>
        %mul3A_905 = arith.mulf %get3A_902, %mul3A_904 : vector<16xf32>
        %add3A_906 = arith.addf %mul3A_905, %get3A_435 : vector<16xf32>
        %add3A_907 = arith.constant 150 : i32
        %add3A_908 = arith.addi %add3A_907, %scan3A_423 : i32
        %swap3A_909 = arith.index_cast %add3A_908 : i32 to index
        %swap3A_910 = arith.constant 32 : index
        %swap3A_911 = tpu.vector_load %arg8[%swap3A_909, %swap3A_910] {strides = array<i32>} : memref<200x128xf32, #tpu.memory_space<vmem>>, vector<1x16xf32>,
        %swap3A_912 = vector.shape_cast %swap3A_911 : vector<1x16xf32> to vector<16xf32>
        %swap3A_913 = vector.shape_cast %add3A_906 : vector<16xf32> to vector<1x16xf32>
        tpu.vector_store %arg8[%swap3A_909, %swap3A_910], %swap3A_913 {strides = array<i32>} : memref<200x128xf32, #tpu.memory_space<vmem>>, vector<1x16xf32>,
        %add3A_914 = arith.constant 150 : i32
        %add3A_915 = arith.addi %add3A_914, %scan3A_423 : i32
        %get3A_916 = arith.index_cast %add3A_915 : i32 to index
        %get3A_917 = arith.constant 48 : index
        %get3A_918 = tpu.vector_load %arg8[%get3A_916, %get3A_917] {strides = array<i32>} : memref<200x128xf32, #tpu.memory_space<vmem>>, vector<1x16xf32>,
        %get3A_919 = vector.shape_cast %get3A_918 : vector<1x16xf32> to vector<16xf32>
        %mul3A_920 = arith.constant 11.3137083 : f32
        %mul3A_921 = vector.broadcast %mul3A_920 : f32 to vector<16xf32>
        %mul3A_922 = arith.mulf %get3A_919, %mul3A_921 : vector<16xf32>
        %add3A_923 = arith.addf %mul3A_922, %get3A_439 : vector<16xf32>
        %add3A_924 = arith.constant 150 : i32
        %add3A_925 = arith.addi %add3A_924, %scan3A_423 : i32
        %swap3A_926 = arith.index_cast %add3A_925 : i32 to index
        %swap3A_927 = arith.constant 48 : index
        %swap3A_928 = tpu.vector_load %arg8[%swap3A_926, %swap3A_927] {strides = array<i32>} : memref<200x128xf32, #tpu.memory_space<vmem>>, vector<1x16xf32>,
        %swap3A_929 = vector.shape_cast %swap3A_928 : vector<1x16xf32> to vector<16xf32>
        %swap3A_930 = vector.shape_cast %add3A_923 : vector<16xf32> to vector<1x16xf32>
        tpu.vector_store %arg8[%swap3A_926, %swap3A_927], %swap3A_930 {strides = array<i32>} : memref<200x128xf32, #tpu.memory_space<vmem>>, vector<1x16xf32>,
        %add3A_931 = arith.constant 150 : i32
        %add3A_932 = arith.addi %add3A_931, %scan3A_423 : i32
        %get3A_933 = arith.index_cast %add3A_932 : i32 to index
        %get3A_934 = arith.constant 64 : index
        %get3A_935 = tpu.vector_load %arg8[%get3A_933, %get3A_934] {strides = array<i32>} : memref<200x128xf32, #tpu.memory_space<vmem>>, vector<1x16xf32>,
        %get3A_936 = vector.shape_cast %get3A_935 : vector<1x16xf32> to vector<16xf32>
        %mul3A_937 = arith.constant 11.3137083 : f32
        %mul3A_938 = vector.broadcast %mul3A_937 : f32 to vector<16xf32>
        %mul3A_939 = arith.mulf %get3A_936, %mul3A_938 : vector<16xf32>
        %add3A_940 = arith.addf %mul3A_939, %get3A_443 : vector<16xf32>
        %add3A_941 = arith.constant 150 : i32
        %add3A_942 = arith.addi %add3A_941, %scan3A_423 : i32
        %swap3A_943 = arith.index_cast %add3A_942 : i32 to index
        %swap3A_944 = arith.constant 64 : index
        %swap3A_945 = tpu.vector_load %arg8[%swap3A_943, %swap3A_944] {strides = array<i32>} : memref<200x128xf32, #tpu.memory_space<vmem>>, vector<1x16xf32>,
        %swap3A_946 = vector.shape_cast %swap3A_945 : vector<1x16xf32> to vector<16xf32>
        %swap3A_947 = vector.shape_cast %add3A_940 : vector<16xf32> to vector<1x16xf32>
        tpu.vector_store %arg8[%swap3A_943, %swap3A_944], %swap3A_947 {strides = array<i32>} : memref<200x128xf32, #tpu.memory_space<vmem>>, vector<1x16xf32>,
        %add3A_948 = arith.constant 150 : i32
        %add3A_949 = arith.addi %add3A_948, %scan3A_423 : i32
        %get3A_950 = arith.index_cast %add3A_949 : i32 to index
        %get3A_951 = arith.constant 80 : index
        %get3A_952 = tpu.vector_load %arg8[%get3A_950, %get3A_951] {strides = array<i32>} : memref<200x128xf32, #tpu.memory_space<vmem>>, vector<1x16xf32>,
        %get3A_953 = vector.shape_cast %get3A_952 : vector<1x16xf32> to vector<16xf32>
        %mul3A_954 = arith.constant 11.3137083 : f32
        %mul3A_955 = vector.broadcast %mul3A_954 : f32 to vector<16xf32>
        %mul3A_956 = arith.mulf %get3A_953, %mul3A_955 : vector<16xf32>
        %add3A_957 = arith.addf %mul3A_956, %get3A_447 : vector<16xf32>
        %add3A_958 = arith.constant 150 : i32
        %add3A_959 = arith.addi %add3A_958, %scan3A_423 : i32
        %swap3A_960 = arith.index_cast %add3A_959 : i32 to index
        %swap3A_961 = arith.constant 80 : index
        %swap3A_962 = tpu.vector_load %arg8[%swap3A_960, %swap3A_961] {strides = array<i32>} : memref<200x128xf32, #tpu.memory_space<vmem>>, vector<1x16xf32>,
        %swap3A_963 = vector.shape_cast %swap3A_962 : vector<1x16xf32> to vector<16xf32>
        %swap3A_964 = vector.shape_cast %add3A_957 : vector<16xf32> to vector<1x16xf32>
        tpu.vector_store %arg8[%swap3A_960, %swap3A_961], %swap3A_964 {strides = array<i32>} : memref<200x128xf32, #tpu.memory_space<vmem>>, vector<1x16xf32>,
        %add3A_965 = arith.constant 150 : i32
        %add3A_966 = arith.addi %add3A_965, %scan3A_423 : i32
        %get3A_967 = arith.index_cast %add3A_966 : i32 to index
        %get3A_968 = arith.constant 96 : index
        %get3A_969 = tpu.vector_load %arg8[%get3A_967, %get3A_968] {strides = array<i32>} : memref<200x128xf32, #tpu.memory_space<vmem>>, vector<1x16xf32>,
        %get3A_970 = vector.shape_cast %get3A_969 : vector<1x16xf32> to vector<16xf32>
        %mul3A_971 = arith.constant 11.3137083 : f32
        %mul3A_972 = vector.broadcast %mul3A_971 : f32 to vector<16xf32>
        %mul3A_973 = arith.mulf %get3A_970, %mul3A_972 : vector<16xf32>
        %add3A_974 = arith.addf %mul3A_973, %get3A_451 : vector<16xf32>
        %add3A_975 = arith.constant 150 : i32
        %add3A_976 = arith.addi %add3A_975, %scan3A_423 : i32
        %swap3A_977 = arith.index_cast %add3A_976 : i32 to index
        %swap3A_978 = arith.constant 96 : index
        %swap3A_979 = tpu.vector_load %arg8[%swap3A_977, %swap3A_978] {strides = array<i32>} : memref<200x128xf32, #tpu.memory_space<vmem>>, vector<1x16xf32>,
        %swap3A_980 = vector.shape_cast %swap3A_979 : vector<1x16xf32> to vector<16xf32>
        %swap3A_981 = vector.shape_cast %add3A_974 : vector<16xf32> to vector<1x16xf32>
        tpu.vector_store %arg8[%swap3A_977, %swap3A_978], %swap3A_981 {strides = array<i32>} : memref<200x128xf32, #tpu.memory_space<vmem>>, vector<1x16xf32>,
        %add3A_982 = arith.constant 150 : i32
        %add3A_983 = arith.addi %add3A_982, %scan3A_423 : i32
        %get3A_984 = arith.index_cast %add3A_983 : i32 to index
        %get3A_985 = arith.constant 112 : index
        %get3A_986 = tpu.vector_load %arg8[%get3A_984, %get3A_985] {strides = array<i32>} : memref<200x128xf32, #tpu.memory_space<vmem>>, vector<1x16xf32>,
        %get3A_987 = vector.shape_cast %get3A_986 : vector<1x16xf32> to vector<16xf32>
        %mul3A_988 = arith.constant 11.3137083 : f32
        %mul3A_989 = vector.broadcast %mul3A_988 : f32 to vector<16xf32>
        %mul3A_990 = arith.mulf %get3A_987, %mul3A_989 : vector<16xf32>
        %add3A_991 = arith.addf %mul3A_990, %get3A_455 : vector<16xf32>
        %add3A_992 = arith.constant 150 : i32
        %add3A_993 = arith.addi %add3A_992, %scan3A_423 : i32
        %swap3A_994 = arith.index_cast %add3A_993 : i32 to index
        %swap3A_995 = arith.constant 112 : index
        %swap3A_996 = tpu.vector_load %arg8[%swap3A_994, %swap3A_995] {strides = array<i32>} : memref<200x128xf32, #tpu.memory_space<vmem>>, vector<1x16xf32>,
        %swap3A_997 = vector.shape_cast %swap3A_996 : vector<1x16xf32> to vector<16xf32>
        %swap3A_998 = vector.shape_cast %add3A_991 : vector<16xf32> to vector<1x16xf32>
        tpu.vector_store %arg8[%swap3A_994, %swap3A_995], %swap3A_998 {strides = array<i32>} : memref<200x128xf32, #tpu.memory_space<vmem>>, vector<1x16xf32>,
        %scan3A_999 = arith.constant 0 : i32
        scf.yield %scan3A_999 : i32
      }
      %scan3A_219 = arith.constant 50 : i32
      %mul3A_220 = arith.constant 200 : i32
      %mul3A_221 = arith.muli %add3A_168, %mul3A_220 : i32
      %add3A_222 = arith.addi %mul3A_2, %mul3A_221 : i32
      %dma_start3A_223 = arith.constant 0 : i32
      %dma_start3A_224 = tpu.memref_slice %arg5[%add3A_222, %dma_start3A_223] : memref<204800x128xf32, #tpu.memory_space<hbm>> -> memref<200x128xf32, #tpu.memory_space<hbm>>
      %dma_start3A_225 = arith.constant 0 : i32
      %dma_start3A_226 = tpu.memref_slice %arg5[%add3A_222, %dma_start3A_225] : memref<204800x128xf32, #tpu.memory_space<hbm>> -> memref<200x128xf32, #tpu.memory_space<hbm>>
      tpu.enqueue_dma source(%arg8 : memref<200x128xf32, #tpu.memory_space<vmem>>) target(%dma_start3A_226 : memref<200x128xf32, #tpu.memory_space<hbm>>) target_semaphore(%arg16 : memref<!tpu.dma_semaphore, #tpu.memory_space<semaphore_mem>>)
      %mul3A_227 = arith.constant 4 : i32
      %mul3A_228 = arith.muli %scan3A_163, %mul3A_227 : i32
      %add3A_229 = arith.constant 1 : i32
      %add3A_230 = arith.addi %mul3A_228, %add3A_229 : i32
      %dma_wait3A_231 = arith.constant 0 : i32
      %dma_wait3A_232 = arith.constant 0 : i32
      %dma_wait3A_233 = arith.constant 0 : i32
      %dma_wait3A_234 = tpu.memref_slice %arg9[%dma_wait3A_232, %dma_wait3A_233] : memref<200x128xf32, #tpu.memory_space<vmem>> -> memref<50x128xf32, #tpu.memory_space<vmem>>
      %dma_wait3A_235 = arith.constant 0 : i32
      %dma_wait3A_236 = tpu.memref_slice %arg6[%add3A_230, %dma_wait3A_231, %dma_wait3A_235] : memref<32x4x50xi32, #tpu.memory_space<vmem>> -> memref<1x1x50xi32, #tpu.memory_space<vmem>>
      %dma_wait3A_237 = tpu.memref_squeeze %dma_wait3A_236 : memref<1x1x50xi32, #tpu.memory_space<vmem>> -> memref<50xi32, #tpu.memory_space<vmem>>
      %dma_wait3A_238 = arith.constant 0 : i32
      %dma_wait3A_239 = arith.constant 0 : i32
      %dma_wait3A_240 = tpu.memref_slice %arg2[%dma_wait3A_238, %dma_wait3A_239] : memref<100000x128xf32, #tpu.memory_space<hbm>> -> memref<100000x128xf32, #tpu.memory_space<hbm>>
      tpu.wait_indirect_dma semaphore(%arg13 : memref<!tpu.dma_semaphore, #tpu.memory_space<semaphore_mem>>) src(%dma_wait3A_240 : memref<100000x128xf32, #tpu.memory_space<hbm>>) dst(%dma_wait3A_234 : memref<50x128xf32, #tpu.memory_space<vmem>>)
      %dma_wait3A_241 = arith.constant 1 : i32
      %dma_wait3A_242 = arith.constant 50 : i32
      %dma_wait3A_243 = arith.constant 0 : i32
      %dma_wait3A_244 = tpu.memref_slice %arg9[%dma_wait3A_242, %dma_wait3A_243] : memref<200x128xf32, #tpu.memory_space<vmem>> -> memref<50x128xf32, #tpu.memory_space<vmem>>
      %dma_wait3A_245 = arith.constant 0 : i32
      %dma_wait3A_246 = tpu.memref_slice %arg6[%add3A_230, %dma_wait3A_241, %dma_wait3A_245] : memref<32x4x50xi32, #tpu.memory_space<vmem>> -> memref<1x1x50xi32, #tpu.memory_space<vmem>>
      %dma_wait3A_247 = tpu.memref_squeeze %dma_wait3A_246 : memref<1x1x50xi32, #tpu.memory_space<vmem>> -> memref<50xi32, #tpu.memory_space<vmem>>
      %dma_wait3A_248 = arith.constant 0 : i32
      %dma_wait3A_249 = arith.constant 0 : i32
      %dma_wait3A_250 = tpu.memref_slice %arg2[%dma_wait3A_248, %dma_wait3A_249] : memref<100000x128xf32, #tpu.memory_space<hbm>> -> memref<100000x128xf32, #tpu.memory_space<hbm>>
      tpu.wait_indirect_dma semaphore(%arg13 : memref<!tpu.dma_semaphore, #tpu.memory_space<semaphore_mem>>) src(%dma_wait3A_250 : memref<100000x128xf32, #tpu.memory_space<hbm>>) dst(%dma_wait3A_244 : memref<50x128xf32, #tpu.memory_space<vmem>>)
      %dma_wait3A_251 = arith.constant 2 : i32
      %dma_wait3A_252 = arith.constant 100 : i32
      %dma_wait3A_253 = arith.constant 0 : i32
      %dma_wait3A_254 = tpu.memref_slice %arg9[%dma_wait3A_252, %dma_wait3A_253] : memref<200x128xf32, #tpu.memory_space<vmem>> -> memref<50x128xf32, #tpu.memory_space<vmem>>
      %dma_wait3A_255 = arith.constant 0 : i32
      %dma_wait3A_256 = tpu.memref_slice %arg6[%add3A_230, %dma_wait3A_251, %dma_wait3A_255] : memref<32x4x50xi32, #tpu.memory_space<vmem>> -> memref<1x1x50xi32, #tpu.memory_space<vmem>>
      %dma_wait3A_257 = tpu.memref_squeeze %dma_wait3A_256 : memref<1x1x50xi32, #tpu.memory_space<vmem>> -> memref<50xi32, #tpu.memory_space<vmem>>
      %dma_wait3A_258 = arith.constant 0 : i32
      %dma_wait3A_259 = arith.constant 0 : i32
      %dma_wait3A_260 = tpu.memref_slice %arg2[%dma_wait3A_258, %dma_wait3A_259] : memref<100000x128xf32, #tpu.memory_space<hbm>> -> memref<100000x128xf32, #tpu.memory_space<hbm>>
      tpu.wait_indirect_dma semaphore(%arg13 : memref<!tpu.dma_semaphore, #tpu.memory_space<semaphore_mem>>) src(%dma_wait3A_260 : memref<100000x128xf32, #tpu.memory_space<hbm>>) dst(%dma_wait3A_254 : memref<50x128xf32, #tpu.memory_space<vmem>>)
      %dma_wait3A_261 = arith.constant 3 : i32
      %dma_wait3A_262 = arith.constant 150 : i32
      %dma_wait3A_263 = arith.constant 0 : i32
      %dma_wait3A_264 = tpu.memref_slice %arg9[%dma_wait3A_262, %dma_wait3A_263] : memref<200x128xf32, #tpu.memory_space<vmem>> -> memref<50x128xf32, #tpu.memory_space<vmem>>
      %dma_wait3A_265 = arith.constant 0 : i32
      %dma_wait3A_266 = tpu.memref_slice %arg6[%add3A_230, %dma_wait3A_261, %dma_wait3A_265] : memref<32x4x50xi32, #tpu.memory_space<vmem>> -> memref<1x1x50xi32, #tpu.memory_space<vmem>>
      %dma_wait3A_267 = tpu.memref_squeeze %dma_wait3A_266 : memref<1x1x50xi32, #tpu.memory_space<vmem>> -> memref<50xi32, #tpu.memory_space<vmem>>
      %dma_wait3A_268 = arith.constant 0 : i32
      %dma_wait3A_269 = arith.constant 0 : i32
      %dma_wait3A_270 = tpu.memref_slice %arg2[%dma_wait3A_268, %dma_wait3A_269] : memref<100000x128xf32, #tpu.memory_space<hbm>> -> memref<100000x128xf32, #tpu.memory_space<hbm>>
      tpu.wait_indirect_dma semaphore(%arg13 : memref<!tpu.dma_semaphore, #tpu.memory_space<semaphore_mem>>) src(%dma_wait3A_270 : memref<100000x128xf32, #tpu.memory_space<hbm>>) dst(%dma_wait3A_264 : memref<50x128xf32, #tpu.memory_space<vmem>>)
      %add3A_271 = arith.constant 3 : i32
      %add3A_272 = arith.addi %add3A_230, %add3A_271 : i32
      %lt3A_273 = arith.constant 32 : i32
      %lt3A_274 = arith.cmpi slt, %add3A_272, %lt3A_273 : i32
      %convert_element_type3A_275 = arith.extui %lt3A_274 : i1 to i32
      %cond3A_276 = arith.constant 0 : i32
      %cond3A_277 = arith.cmpi ne, %convert_element_type3A_275, %cond3A_276 : i32
      scf.if %cond3A_277 {
        %ge3A = arith.constant 1 : i32
        %ge3A_423 = arith.cmpi sge, %add3A_230, %ge3A : i32
        %convert_element_type3A_424 = arith.extui %ge3A_423 : i1 to i32
        %cond3A_425 = arith.constant 0 : i32
        %cond3A_426 = arith.cmpi ne, %convert_element_type3A_424, %cond3A_425 : i32
        scf.if %cond3A_426 {
          %sub3A = arith.constant 1 : i32
          %sub3A_469 = arith.subi %add3A_230, %sub3A : i32
          %mul3A_470 = arith.constant 200 : i32
          %mul3A_471 = arith.muli %sub3A_469, %mul3A_470 : i32
          %add3A_472 = arith.addi %mul3A_2, %mul3A_471 : i32
          %dma_wait3A_473 = arith.constant 0 : i32
          %dma_wait3A_474 = tpu.memref_slice %arg5[%add3A_472, %dma_wait3A_473] : memref<204800x128xf32, #tpu.memory_space<hbm>> -> memref<200x128xf32, #tpu.memory_space<hbm>>
          %dma_wait3A_475 = arith.constant 0 : i32
          %dma_wait3A_476 = tpu.memref_slice %arg5[%add3A_472, %dma_wait3A_475] : memref<204800x128xf32, #tpu.memory_space<hbm>> -> memref<200x128xf32, #tpu.memory_space<hbm>>
          tpu.wait_dma2 semaphore(%arg16 : memref<!tpu.dma_semaphore, #tpu.memory_space<semaphore_mem>>) src(%arg8 : memref<200x128xf32, #tpu.memory_space<vmem>>) dst(%dma_wait3A_476 : memref<200x128xf32, #tpu.memory_space<hbm>>)
        } else {
        }
        %add3A_427 = arith.constant 3 : i32
        %add3A_428 = arith.addi %add3A_230, %add3A_427 : i32
        %dma_start3A_429 = arith.constant 0 : i32
        %dma_start3A_430 = arith.constant 0 : i32
        %dma_start3A_431 = arith.constant 0 : i32
        %dma_start3A_432 = tpu.memref_slice %arg8[%dma_start3A_430, %dma_start3A_431] : memref<200x128xf32, #tpu.memory_space<vmem>> -> memref<50x128xf32, #tpu.memory_space<vmem>>
        %dma_start3A_433 = arith.constant 0 : i32
        %dma_start3A_434 = tpu.memref_slice %arg6[%add3A_428, %dma_start3A_429, %dma_start3A_433] : memref<32x4x50xi32, #tpu.memory_space<vmem>> -> memref<1x1x50xi32, #tpu.memory_space<vmem>>
        %dma_start3A_435 = tpu.memref_squeeze %dma_start3A_434 : memref<1x1x50xi32, #tpu.memory_space<vmem>> -> memref<50xi32, #tpu.memory_space<vmem>>
        %dma_start3A_436 = arith.constant 0 : i32
        %dma_start3A_437 = arith.constant 0 : i32
        %dma_start3A_438 = tpu.memref_slice %arg2[%dma_start3A_436, %dma_start3A_437] : memref<100000x128xf32, #tpu.memory_space<hbm>> -> memref<100000x128xf32, #tpu.memory_space<hbm>>
        tpu.enqueue_indirect_dma source(%dma_start3A_438 : memref<100000x128xf32, #tpu.memory_space<hbm>>) target(%dma_start3A_432 : memref<50x128xf32, #tpu.memory_space<vmem>>) offsets(%dma_start3A_435 : memref<50xi32, #tpu.memory_space<vmem>>) semaphore(%arg12 : memref<!tpu.dma_semaphore, #tpu.memory_space<semaphore_mem>>)
        %dma_start3A_439 = arith.constant 1 : i32
        %dma_start3A_440 = arith.constant 50 : i32
        %dma_start3A_441 = arith.constant 0 : i32
        %dma_start3A_442 = tpu.memref_slice %arg8[%dma_start3A_440, %dma_start3A_441] : memref<200x128xf32, #tpu.memory_space<vmem>> -> memref<50x128xf32, #tpu.memory_space<vmem>>
        %dma_start3A_443 = arith.constant 0 : i32
        %dma_start3A_444 = tpu.memref_slice %arg6[%add3A_428, %dma_start3A_439, %dma_start3A_443] : memref<32x4x50xi32, #tpu.memory_space<vmem>> -> memref<1x1x50xi32, #tpu.memory_space<vmem>>
        %dma_start3A_445 = tpu.memref_squeeze %dma_start3A_444 : memref<1x1x50xi32, #tpu.memory_space<vmem>> -> memref<50xi32, #tpu.memory_space<vmem>>
        %dma_start3A_446 = arith.constant 0 : i32
        %dma_start3A_447 = arith.constant 0 : i32
        %dma_start3A_448 = tpu.memref_slice %arg2[%dma_start3A_446, %dma_start3A_447] : memref<100000x128xf32, #tpu.memory_space<hbm>> -> memref<100000x128xf32, #tpu.memory_space<hbm>>
        tpu.enqueue_indirect_dma source(%dma_start3A_448 : memref<100000x128xf32, #tpu.memory_space<hbm>>) target(%dma_start3A_442 : memref<50x128xf32, #tpu.memory_space<vmem>>) offsets(%dma_start3A_445 : memref<50xi32, #tpu.memory_space<vmem>>) semaphore(%arg12 : memref<!tpu.dma_semaphore, #tpu.memory_space<semaphore_mem>>)
        %dma_start3A_449 = arith.constant 2 : i32
        %dma_start3A_450 = arith.constant 100 : i32
        %dma_start3A_451 = arith.constant 0 : i32
        %dma_start3A_452 = tpu.memref_slice %arg8[%dma_start3A_450, %dma_start3A_451] : memref<200x128xf32, #tpu.memory_space<vmem>> -> memref<50x128xf32, #tpu.memory_space<vmem>>
        %dma_start3A_453 = arith.constant 0 : i32
        %dma_start3A_454 = tpu.memref_slice %arg6[%add3A_428, %dma_start3A_449, %dma_start3A_453] : memref<32x4x50xi32, #tpu.memory_space<vmem>> -> memref<1x1x50xi32, #tpu.memory_space<vmem>>
        %dma_start3A_455 = tpu.memref_squeeze %dma_start3A_454 : memref<1x1x50xi32, #tpu.memory_space<vmem>> -> memref<50xi32, #tpu.memory_space<vmem>>
        %dma_start3A_456 = arith.constant 0 : i32
        %dma_start3A_457 = arith.constant 0 : i32
        %dma_start3A_458 = tpu.memref_slice %arg2[%dma_start3A_456, %dma_start3A_457] : memref<100000x128xf32, #tpu.memory_space<hbm>> -> memref<100000x128xf32, #tpu.memory_space<hbm>>
        tpu.enqueue_indirect_dma source(%dma_start3A_458 : memref<100000x128xf32, #tpu.memory_space<hbm>>) target(%dma_start3A_452 : memref<50x128xf32, #tpu.memory_space<vmem>>) offsets(%dma_start3A_455 : memref<50xi32, #tpu.memory_space<vmem>>) semaphore(%arg12 : memref<!tpu.dma_semaphore, #tpu.memory_space<semaphore_mem>>)
        %dma_start3A_459 = arith.constant 3 : i32
        %dma_start3A_460 = arith.constant 150 : i32
        %dma_start3A_461 = arith.constant 0 : i32
        %dma_start3A_462 = tpu.memref_slice %arg8[%dma_start3A_460, %dma_start3A_461] : memref<200x128xf32, #tpu.memory_space<vmem>> -> memref<50x128xf32, #tpu.memory_space<vmem>>
        %dma_start3A_463 = arith.constant 0 : i32
        %dma_start3A_464 = tpu.memref_slice %arg6[%add3A_428, %dma_start3A_459, %dma_start3A_463] : memref<32x4x50xi32, #tpu.memory_space<vmem>> -> memref<1x1x50xi32, #tpu.memory_space<vmem>>
        %dma_start3A_465 = tpu.memref_squeeze %dma_start3A_464 : memref<1x1x50xi32, #tpu.memory_space<vmem>> -> memref<50xi32, #tpu.memory_space<vmem>>
        %dma_start3A_466 = arith.constant 0 : i32
        %dma_start3A_467 = arith.constant 0 : i32
        %dma_start3A_468 = tpu.memref_slice %arg2[%dma_start3A_466, %dma_start3A_467] : memref<100000x128xf32, #tpu.memory_space<hbm>> -> memref<100000x128xf32, #tpu.memory_space<hbm>>
        tpu.enqueue_indirect_dma source(%dma_start3A_468 : memref<100000x128xf32, #tpu.memory_space<hbm>>) target(%dma_start3A_462 : memref<50x128xf32, #tpu.memory_space<vmem>>) offsets(%dma_start3A_465 : memref<50xi32, #tpu.memory_space<vmem>>) semaphore(%arg12 : memref<!tpu.dma_semaphore, #tpu.memory_space<semaphore_mem>>)
      } else {
      }
      %scan3A_278 = arith.constant 0 : i32
      %scan3A_279 = arith.constant 0 : i32
      %scan3A_280 = arith.constant 50 : i32
      %scan3A_281 = arith.addi %scan3A_279, %scan3A_280 : i32
      %scan3A_282 = arith.constant 1 : i32
      %scan3A_283 = scf.for %scan3A_423 = %scan3A_279 to %scan3A_281 step %scan3A_282 iter_args(%scan3A_424 = %scan3A_278) -> (i32)  : i32 {
        %get3A = arith.index_cast %scan3A_423 : i32 to index
        %get3A_425 = arith.constant 0 : index
        %get3A_426 = tpu.vector_load %arg7[%get3A, %get3A_425] {strides = array<i32>} : memref<50x128xf32, #tpu.memory_space<vmem>>, vector<1x16xf32>,
        %get3A_427 = vector.shape_cast %get3A_426 : vector<1x16xf32> to vector<16xf32>
        %get3A_428 = arith.index_cast %scan3A_423 : i32 to index
        %get3A_429 = arith.constant 16 : index
        %get3A_430 = tpu.vector_load %arg7[%get3A_428, %get3A_429] {strides = array<i32>} : memref<50x128xf32, #tpu.memory_space<vmem>>, vector<1x16xf32>,
        %get3A_431 = vector.shape_cast %get3A_430 : vector<1x16xf32> to vector<16xf32>
        %get3A_432 = arith.index_cast %scan3A_423 : i32 to index
        %get3A_433 = arith.constant 32 : index
        %get3A_434 = tpu.vector_load %arg7[%get3A_432, %get3A_433] {strides = array<i32>} : memref<50x128xf32, #tpu.memory_space<vmem>>, vector<1x16xf32>,
        %get3A_435 = vector.shape_cast %get3A_434 : vector<1x16xf32> to vector<16xf32>
        %get3A_436 = arith.index_cast %scan3A_423 : i32 to index
        %get3A_437 = arith.constant 48 : index
        %get3A_438 = tpu.vector_load %arg7[%get3A_436, %get3A_437] {strides = array<i32>} : memref<50x128xf32, #tpu.memory_space<vmem>>, vector<1x16xf32>,
        %get3A_439 = vector.shape_cast %get3A_438 : vector<1x16xf32> to vector<16xf32>
        %get3A_440 = arith.index_cast %scan3A_423 : i32 to index
        %get3A_441 = arith.constant 64 : index
        %get3A_442 = tpu.vector_load %arg7[%get3A_440, %get3A_441] {strides = array<i32>} : memref<50x128xf32, #tpu.memory_space<vmem>>, vector<1x16xf32>,
        %get3A_443 = vector.shape_cast %get3A_442 : vector<1x16xf32> to vector<16xf32>
        %get3A_444 = arith.index_cast %scan3A_423 : i32 to index
        %get3A_445 = arith.constant 80 : index
        %get3A_446 = tpu.vector_load %arg7[%get3A_444, %get3A_445] {strides = array<i32>} : memref<50x128xf32, #tpu.memory_space<vmem>>, vector<1x16xf32>,
        %get3A_447 = vector.shape_cast %get3A_446 : vector<1x16xf32> to vector<16xf32>
        %get3A_448 = arith.index_cast %scan3A_423 : i32 to index
        %get3A_449 = arith.constant 96 : index
        %get3A_450 = tpu.vector_load %arg7[%get3A_448, %get3A_449] {strides = array<i32>} : memref<50x128xf32, #tpu.memory_space<vmem>>, vector<1x16xf32>,
        %get3A_451 = vector.shape_cast %get3A_450 : vector<1x16xf32> to vector<16xf32>
        %get3A_452 = arith.index_cast %scan3A_423 : i32 to index
        %get3A_453 = arith.constant 112 : index
        %get3A_454 = tpu.vector_load %arg7[%get3A_452, %get3A_453] {strides = array<i32>} : memref<50x128xf32, #tpu.memory_space<vmem>>, vector<1x16xf32>,
        %get3A_455 = vector.shape_cast %get3A_454 : vector<1x16xf32> to vector<16xf32>
        %add3A_456 = arith.constant 0 : i32
        %add3A_457 = arith.addi %add3A_456, %scan3A_423 : i32
        %get3A_458 = arith.index_cast %add3A_457 : i32 to index
        %get3A_459 = arith.constant 0 : index
        %get3A_460 = tpu.vector_load %arg9[%get3A_458, %get3A_459] {strides = array<i32>} : memref<200x128xf32, #tpu.memory_space<vmem>>, vector<1x16xf32>,
        %get3A_461 = vector.shape_cast %get3A_460 : vector<1x16xf32> to vector<16xf32>
        %mul3A_462 = arith.constant 11.3137083 : f32
        %mul3A_463 = vector.broadcast %mul3A_462 : f32 to vector<16xf32>
        %mul3A_464 = arith.mulf %get3A_461, %mul3A_463 : vector<16xf32>
        %add3A_465 = arith.addf %mul3A_464, %get3A_427 : vector<16xf32>
        %add3A_466 = arith.constant 0 : i32
        %add3A_467 = arith.addi %add3A_466, %scan3A_423 : i32
        %swap3A = arith.index_cast %add3A_467 : i32 to index
        %swap3A_468 = arith.constant 0 : index
        %swap3A_469 = tpu.vector_load %arg9[%swap3A, %swap3A_468] {strides = array<i32>} : memref<200x128xf32, #tpu.memory_space<vmem>>, vector<1x16xf32>,
        %swap3A_470 = vector.shape_cast %swap3A_469 : vector<1x16xf32> to vector<16xf32>
        %swap3A_471 = vector.shape_cast %add3A_465 : vector<16xf32> to vector<1x16xf32>
        tpu.vector_store %arg9[%swap3A, %swap3A_468], %swap3A_471 {strides = array<i32>} : memref<200x128xf32, #tpu.memory_space<vmem>>, vector<1x16xf32>,
        %add3A_472 = arith.constant 0 : i32
        %add3A_473 = arith.addi %add3A_472, %scan3A_423 : i32
        %get3A_474 = arith.index_cast %add3A_473 : i32 to index
        %get3A_475 = arith.constant 16 : index
        %get3A_476 = tpu.vector_load %arg9[%get3A_474, %get3A_475] {strides = array<i32>} : memref<200x128xf32, #tpu.memory_space<vmem>>, vector<1x16xf32>,
        %get3A_477 = vector.shape_cast %get3A_476 : vector<1x16xf32> to vector<16xf32>
        %mul3A_478 = arith.constant 11.3137083 : f32
        %mul3A_479 = vector.broadcast %mul3A_478 : f32 to vector<16xf32>
        %mul3A_480 = arith.mulf %get3A_477, %mul3A_479 : vector<16xf32>
        %add3A_481 = arith.addf %mul3A_480, %get3A_431 : vector<16xf32>
        %add3A_482 = arith.constant 0 : i32
        %add3A_483 = arith.addi %add3A_482, %scan3A_423 : i32
        %swap3A_484 = arith.index_cast %add3A_483 : i32 to index
        %swap3A_485 = arith.constant 16 : index
        %swap3A_486 = tpu.vector_load %arg9[%swap3A_484, %swap3A_485] {strides = array<i32>} : memref<200x128xf32, #tpu.memory_space<vmem>>, vector<1x16xf32>,
        %swap3A_487 = vector.shape_cast %swap3A_486 : vector<1x16xf32> to vector<16xf32>
        %swap3A_488 = vector.shape_cast %add3A_481 : vector<16xf32> to vector<1x16xf32>
        tpu.vector_store %arg9[%swap3A_484, %swap3A_485], %swap3A_488 {strides = array<i32>} : memref<200x128xf32, #tpu.memory_space<vmem>>, vector<1x16xf32>,
        %add3A_489 = arith.constant 0 : i32
        %add3A_490 = arith.addi %add3A_489, %scan3A_423 : i32
        %get3A_491 = arith.index_cast %add3A_490 : i32 to index
        %get3A_492 = arith.constant 32 : index
        %get3A_493 = tpu.vector_load %arg9[%get3A_491, %get3A_492] {strides = array<i32>} : memref<200x128xf32, #tpu.memory_space<vmem>>, vector<1x16xf32>,
        %get3A_494 = vector.shape_cast %get3A_493 : vector<1x16xf32> to vector<16xf32>
        %mul3A_495 = arith.constant 11.3137083 : f32
        %mul3A_496 = vector.broadcast %mul3A_495 : f32 to vector<16xf32>
        %mul3A_497 = arith.mulf %get3A_494, %mul3A_496 : vector<16xf32>
        %add3A_498 = arith.addf %mul3A_497, %get3A_435 : vector<16xf32>
        %add3A_499 = arith.constant 0 : i32
        %add3A_500 = arith.addi %add3A_499, %scan3A_423 : i32
        %swap3A_501 = arith.index_cast %add3A_500 : i32 to index
        %swap3A_502 = arith.constant 32 : index
        %swap3A_503 = tpu.vector_load %arg9[%swap3A_501, %swap3A_502] {strides = array<i32>} : memref<200x128xf32, #tpu.memory_space<vmem>>, vector<1x16xf32>,
        %swap3A_504 = vector.shape_cast %swap3A_503 : vector<1x16xf32> to vector<16xf32>
        %swap3A_505 = vector.shape_cast %add3A_498 : vector<16xf32> to vector<1x16xf32>
        tpu.vector_store %arg9[%swap3A_501, %swap3A_502], %swap3A_505 {strides = array<i32>} : memref<200x128xf32, #tpu.memory_space<vmem>>, vector<1x16xf32>,
        %add3A_506 = arith.constant 0 : i32
        %add3A_507 = arith.addi %add3A_506, %scan3A_423 : i32
        %get3A_508 = arith.index_cast %add3A_507 : i32 to index
        %get3A_509 = arith.constant 48 : index
        %get3A_510 = tpu.vector_load %arg9[%get3A_508, %get3A_509] {strides = array<i32>} : memref<200x128xf32, #tpu.memory_space<vmem>>, vector<1x16xf32>,
        %get3A_511 = vector.shape_cast %get3A_510 : vector<1x16xf32> to vector<16xf32>
        %mul3A_512 = arith.constant 11.3137083 : f32
        %mul3A_513 = vector.broadcast %mul3A_512 : f32 to vector<16xf32>
        %mul3A_514 = arith.mulf %get3A_511, %mul3A_513 : vector<16xf32>
        %add3A_515 = arith.addf %mul3A_514, %get3A_439 : vector<16xf32>
        %add3A_516 = arith.constant 0 : i32
        %add3A_517 = arith.addi %add3A_516, %scan3A_423 : i32
        %swap3A_518 = arith.index_cast %add3A_517 : i32 to index
        %swap3A_519 = arith.constant 48 : index
        %swap3A_520 = tpu.vector_load %arg9[%swap3A_518, %swap3A_519] {strides = array<i32>} : memref<200x128xf32, #tpu.memory_space<vmem>>, vector<1x16xf32>,
        %swap3A_521 = vector.shape_cast %swap3A_520 : vector<1x16xf32> to vector<16xf32>
        %swap3A_522 = vector.shape_cast %add3A_515 : vector<16xf32> to vector<1x16xf32>
        tpu.vector_store %arg9[%swap3A_518, %swap3A_519], %swap3A_522 {strides = array<i32>} : memref<200x128xf32, #tpu.memory_space<vmem>>, vector<1x16xf32>,
        %add3A_523 = arith.constant 0 : i32
        %add3A_524 = arith.addi %add3A_523, %scan3A_423 : i32
        %get3A_525 = arith.index_cast %add3A_524 : i32 to index
        %get3A_526 = arith.constant 64 : index
        %get3A_527 = tpu.vector_load %arg9[%get3A_525, %get3A_526] {strides = array<i32>} : memref<200x128xf32, #tpu.memory_space<vmem>>, vector<1x16xf32>,
        %get3A_528 = vector.shape_cast %get3A_527 : vector<1x16xf32> to vector<16xf32>
        %mul3A_529 = arith.constant 11.3137083 : f32
        %mul3A_530 = vector.broadcast %mul3A_529 : f32 to vector<16xf32>
        %mul3A_531 = arith.mulf %get3A_528, %mul3A_530 : vector<16xf32>
        %add3A_532 = arith.addf %mul3A_531, %get3A_443 : vector<16xf32>
        %add3A_533 = arith.constant 0 : i32
        %add3A_534 = arith.addi %add3A_533, %scan3A_423 : i32
        %swap3A_535 = arith.index_cast %add3A_534 : i32 to index
        %swap3A_536 = arith.constant 64 : index
        %swap3A_537 = tpu.vector_load %arg9[%swap3A_535, %swap3A_536] {strides = array<i32>} : memref<200x128xf32, #tpu.memory_space<vmem>>, vector<1x16xf32>,
        %swap3A_538 = vector.shape_cast %swap3A_537 : vector<1x16xf32> to vector<16xf32>
        %swap3A_539 = vector.shape_cast %add3A_532 : vector<16xf32> to vector<1x16xf32>
        tpu.vector_store %arg9[%swap3A_535, %swap3A_536], %swap3A_539 {strides = array<i32>} : memref<200x128xf32, #tpu.memory_space<vmem>>, vector<1x16xf32>,
        %add3A_540 = arith.constant 0 : i32
        %add3A_541 = arith.addi %add3A_540, %scan3A_423 : i32
        %get3A_542 = arith.index_cast %add3A_541 : i32 to index
        %get3A_543 = arith.constant 80 : index
        %get3A_544 = tpu.vector_load %arg9[%get3A_542, %get3A_543] {strides = array<i32>} : memref<200x128xf32, #tpu.memory_space<vmem>>, vector<1x16xf32>,
        %get3A_545 = vector.shape_cast %get3A_544 : vector<1x16xf32> to vector<16xf32>
        %mul3A_546 = arith.constant 11.3137083 : f32
        %mul3A_547 = vector.broadcast %mul3A_546 : f32 to vector<16xf32>
        %mul3A_548 = arith.mulf %get3A_545, %mul3A_547 : vector<16xf32>
        %add3A_549 = arith.addf %mul3A_548, %get3A_447 : vector<16xf32>
        %add3A_550 = arith.constant 0 : i32
        %add3A_551 = arith.addi %add3A_550, %scan3A_423 : i32
        %swap3A_552 = arith.index_cast %add3A_551 : i32 to index
        %swap3A_553 = arith.constant 80 : index
        %swap3A_554 = tpu.vector_load %arg9[%swap3A_552, %swap3A_553] {strides = array<i32>} : memref<200x128xf32, #tpu.memory_space<vmem>>, vector<1x16xf32>,
        %swap3A_555 = vector.shape_cast %swap3A_554 : vector<1x16xf32> to vector<16xf32>
        %swap3A_556 = vector.shape_cast %add3A_549 : vector<16xf32> to vector<1x16xf32>
        tpu.vector_store %arg9[%swap3A_552, %swap3A_553], %swap3A_556 {strides = array<i32>} : memref<200x128xf32, #tpu.memory_space<vmem>>, vector<1x16xf32>,
        %add3A_557 = arith.constant 0 : i32
        %add3A_558 = arith.addi %add3A_557, %scan3A_423 : i32
        %get3A_559 = arith.index_cast %add3A_558 : i32 to index
        %get3A_560 = arith.constant 96 : index
        %get3A_561 = tpu.vector_load %arg9[%get3A_559, %get3A_560] {strides = array<i32>} : memref<200x128xf32, #tpu.memory_space<vmem>>, vector<1x16xf32>,
        %get3A_562 = vector.shape_cast %get3A_561 : vector<1x16xf32> to vector<16xf32>
        %mul3A_563 = arith.constant 11.3137083 : f32
        %mul3A_564 = vector.broadcast %mul3A_563 : f32 to vector<16xf32>
        %mul3A_565 = arith.mulf %get3A_562, %mul3A_564 : vector<16xf32>
        %add3A_566 = arith.addf %mul3A_565, %get3A_451 : vector<16xf32>
        %add3A_567 = arith.constant 0 : i32
        %add3A_568 = arith.addi %add3A_567, %scan3A_423 : i32
        %swap3A_569 = arith.index_cast %add3A_568 : i32 to index
        %swap3A_570 = arith.constant 96 : index
        %swap3A_571 = tpu.vector_load %arg9[%swap3A_569, %swap3A_570] {strides = array<i32>} : memref<200x128xf32, #tpu.memory_space<vmem>>, vector<1x16xf32>,
        %swap3A_572 = vector.shape_cast %swap3A_571 : vector<1x16xf32> to vector<16xf32>
        %swap3A_573 = vector.shape_cast %add3A_566 : vector<16xf32> to vector<1x16xf32>
        tpu.vector_store %arg9[%swap3A_569, %swap3A_570], %swap3A_573 {strides = array<i32>} : memref<200x128xf32, #tpu.memory_space<vmem>>, vector<1x16xf32>,
        %add3A_574 = arith.constant 0 : i32
        %add3A_575 = arith.addi %add3A_574, %scan3A_423 : i32
        %get3A_576 = arith.index_cast %add3A_575 : i32 to index
        %get3A_577 = arith.constant 112 : index
        %get3A_578 = tpu.vector_load %arg9[%get3A_576, %get3A_577] {strides = array<i32>} : memref<200x128xf32, #tpu.memory_space<vmem>>, vector<1x16xf32>,
        %get3A_579 = vector.shape_cast %get3A_578 : vector<1x16xf32> to vector<16xf32>
        %mul3A_580 = arith.constant 11.3137083 : f32
        %mul3A_581 = vector.broadcast %mul3A_580 : f32 to vector<16xf32>
        %mul3A_582 = arith.mulf %get3A_579, %mul3A_581 : vector<16xf32>
        %add3A_583 = arith.addf %mul3A_582, %get3A_455 : vector<16xf32>
        %add3A_584 = arith.constant 0 : i32
        %add3A_585 = arith.addi %add3A_584, %scan3A_423 : i32
        %swap3A_586 = arith.index_cast %add3A_585 : i32 to index
        %swap3A_587 = arith.constant 112 : index
        %swap3A_588 = tpu.vector_load %arg9[%swap3A_586, %swap3A_587] {strides = array<i32>} : memref<200x128xf32, #tpu.memory_space<vmem>>, vector<1x16xf32>,
        %swap3A_589 = vector.shape_cast %swap3A_588 : vector<1x16xf32> to vector<16xf32>
        %swap3A_590 = vector.shape_cast %add3A_583 : vector<16xf32> to vector<1x16xf32>
        tpu.vector_store %arg9[%swap3A_586, %swap3A_587], %swap3A_590 {strides = array<i32>} : memref<200x128xf32, #tpu.memory_space<vmem>>, vector<1x16xf32>,
        %add3A_591 = arith.constant 50 : i32
        %add3A_592 = arith.addi %add3A_591, %scan3A_423 : i32
        %get3A_593 = arith.index_cast %add3A_592 : i32 to index
        %get3A_594 = arith.constant 0 : index
        %get3A_595 = tpu.vector_load %arg9[%get3A_593, %get3A_594] {strides = array<i32>} : memref<200x128xf32, #tpu.memory_space<vmem>>, vector<1x16xf32>,
        %get3A_596 = vector.shape_cast %get3A_595 : vector<1x16xf32> to vector<16xf32>
        %mul3A_597 = arith.constant 11.3137083 : f32
        %mul3A_598 = vector.broadcast %mul3A_597 : f32 to vector<16xf32>
        %mul3A_599 = arith.mulf %get3A_596, %mul3A_598 : vector<16xf32>
        %add3A_600 = arith.addf %mul3A_599, %get3A_427 : vector<16xf32>
        %add3A_601 = arith.constant 50 : i32
        %add3A_602 = arith.addi %add3A_601, %scan3A_423 : i32
        %swap3A_603 = arith.index_cast %add3A_602 : i32 to index
        %swap3A_604 = arith.constant 0 : index
        %swap3A_605 = tpu.vector_load %arg9[%swap3A_603, %swap3A_604] {strides = array<i32>} : memref<200x128xf32, #tpu.memory_space<vmem>>, vector<1x16xf32>,
        %swap3A_606 = vector.shape_cast %swap3A_605 : vector<1x16xf32> to vector<16xf32>
        %swap3A_607 = vector.shape_cast %add3A_600 : vector<16xf32> to vector<1x16xf32>
        tpu.vector_store %arg9[%swap3A_603, %swap3A_604], %swap3A_607 {strides = array<i32>} : memref<200x128xf32, #tpu.memory_space<vmem>>, vector<1x16xf32>,
        %add3A_608 = arith.constant 50 : i32
        %add3A_609 = arith.addi %add3A_608, %scan3A_423 : i32
        %get3A_610 = arith.index_cast %add3A_609 : i32 to index
        %get3A_611 = arith.constant 16 : index
        %get3A_612 = tpu.vector_load %arg9[%get3A_610, %get3A_611] {strides = array<i32>} : memref<200x128xf32, #tpu.memory_space<vmem>>, vector<1x16xf32>,
        %get3A_613 = vector.shape_cast %get3A_612 : vector<1x16xf32> to vector<16xf32>
        %mul3A_614 = arith.constant 11.3137083 : f32
        %mul3A_615 = vector.broadcast %mul3A_614 : f32 to vector<16xf32>
        %mul3A_616 = arith.mulf %get3A_613, %mul3A_615 : vector<16xf32>
        %add3A_617 = arith.addf %mul3A_616, %get3A_431 : vector<16xf32>
        %add3A_618 = arith.constant 50 : i32
        %add3A_619 = arith.addi %add3A_618, %scan3A_423 : i32
        %swap3A_620 = arith.index_cast %add3A_619 : i32 to index
        %swap3A_621 = arith.constant 16 : index
        %swap3A_622 = tpu.vector_load %arg9[%swap3A_620, %swap3A_621] {strides = array<i32>} : memref<200x128xf32, #tpu.memory_space<vmem>>, vector<1x16xf32>,
        %swap3A_623 = vector.shape_cast %swap3A_622 : vector<1x16xf32> to vector<16xf32>
        %swap3A_624 = vector.shape_cast %add3A_617 : vector<16xf32> to vector<1x16xf32>
        tpu.vector_store %arg9[%swap3A_620, %swap3A_621], %swap3A_624 {strides = array<i32>} : memref<200x128xf32, #tpu.memory_space<vmem>>, vector<1x16xf32>,
        %add3A_625 = arith.constant 50 : i32
        %add3A_626 = arith.addi %add3A_625, %scan3A_423 : i32
        %get3A_627 = arith.index_cast %add3A_626 : i32 to index
        %get3A_628 = arith.constant 32 : index
        %get3A_629 = tpu.vector_load %arg9[%get3A_627, %get3A_628] {strides = array<i32>} : memref<200x128xf32, #tpu.memory_space<vmem>>, vector<1x16xf32>,
        %get3A_630 = vector.shape_cast %get3A_629 : vector<1x16xf32> to vector<16xf32>
        %mul3A_631 = arith.constant 11.3137083 : f32
        %mul3A_632 = vector.broadcast %mul3A_631 : f32 to vector<16xf32>
        %mul3A_633 = arith.mulf %get3A_630, %mul3A_632 : vector<16xf32>
        %add3A_634 = arith.addf %mul3A_633, %get3A_435 : vector<16xf32>
        %add3A_635 = arith.constant 50 : i32
        %add3A_636 = arith.addi %add3A_635, %scan3A_423 : i32
        %swap3A_637 = arith.index_cast %add3A_636 : i32 to index
        %swap3A_638 = arith.constant 32 : index
        %swap3A_639 = tpu.vector_load %arg9[%swap3A_637, %swap3A_638] {strides = array<i32>} : memref<200x128xf32, #tpu.memory_space<vmem>>, vector<1x16xf32>,
        %swap3A_640 = vector.shape_cast %swap3A_639 : vector<1x16xf32> to vector<16xf32>
        %swap3A_641 = vector.shape_cast %add3A_634 : vector<16xf32> to vector<1x16xf32>
        tpu.vector_store %arg9[%swap3A_637, %swap3A_638], %swap3A_641 {strides = array<i32>} : memref<200x128xf32, #tpu.memory_space<vmem>>, vector<1x16xf32>,
        %add3A_642 = arith.constant 50 : i32
        %add3A_643 = arith.addi %add3A_642, %scan3A_423 : i32
        %get3A_644 = arith.index_cast %add3A_643 : i32 to index
        %get3A_645 = arith.constant 48 : index
        %get3A_646 = tpu.vector_load %arg9[%get3A_644, %get3A_645] {strides = array<i32>} : memref<200x128xf32, #tpu.memory_space<vmem>>, vector<1x16xf32>,
        %get3A_647 = vector.shape_cast %get3A_646 : vector<1x16xf32> to vector<16xf32>
        %mul3A_648 = arith.constant 11.3137083 : f32
        %mul3A_649 = vector.broadcast %mul3A_648 : f32 to vector<16xf32>
        %mul3A_650 = arith.mulf %get3A_647, %mul3A_649 : vector<16xf32>
        %add3A_651 = arith.addf %mul3A_650, %get3A_439 : vector<16xf32>
        %add3A_652 = arith.constant 50 : i32
        %add3A_653 = arith.addi %add3A_652, %scan3A_423 : i32
        %swap3A_654 = arith.index_cast %add3A_653 : i32 to index
        %swap3A_655 = arith.constant 48 : index
        %swap3A_656 = tpu.vector_load %arg9[%swap3A_654, %swap3A_655] {strides = array<i32>} : memref<200x128xf32, #tpu.memory_space<vmem>>, vector<1x16xf32>,
        %swap3A_657 = vector.shape_cast %swap3A_656 : vector<1x16xf32> to vector<16xf32>
        %swap3A_658 = vector.shape_cast %add3A_651 : vector<16xf32> to vector<1x16xf32>
        tpu.vector_store %arg9[%swap3A_654, %swap3A_655], %swap3A_658 {strides = array<i32>} : memref<200x128xf32, #tpu.memory_space<vmem>>, vector<1x16xf32>,
        %add3A_659 = arith.constant 50 : i32
        %add3A_660 = arith.addi %add3A_659, %scan3A_423 : i32
        %get3A_661 = arith.index_cast %add3A_660 : i32 to index
        %get3A_662 = arith.constant 64 : index
        %get3A_663 = tpu.vector_load %arg9[%get3A_661, %get3A_662] {strides = array<i32>} : memref<200x128xf32, #tpu.memory_space<vmem>>, vector<1x16xf32>,
        %get3A_664 = vector.shape_cast %get3A_663 : vector<1x16xf32> to vector<16xf32>
        %mul3A_665 = arith.constant 11.3137083 : f32
        %mul3A_666 = vector.broadcast %mul3A_665 : f32 to vector<16xf32>
        %mul3A_667 = arith.mulf %get3A_664, %mul3A_666 : vector<16xf32>
        %add3A_668 = arith.addf %mul3A_667, %get3A_443 : vector<16xf32>
        %add3A_669 = arith.constant 50 : i32
        %add3A_670 = arith.addi %add3A_669, %scan3A_423 : i32
        %swap3A_671 = arith.index_cast %add3A_670 : i32 to index
        %swap3A_672 = arith.constant 64 : index
        %swap3A_673 = tpu.vector_load %arg9[%swap3A_671, %swap3A_672] {strides = array<i32>} : memref<200x128xf32, #tpu.memory_space<vmem>>, vector<1x16xf32>,
        %swap3A_674 = vector.shape_cast %swap3A_673 : vector<1x16xf32> to vector<16xf32>
        %swap3A_675 = vector.shape_cast %add3A_668 : vector<16xf32> to vector<1x16xf32>
        tpu.vector_store %arg9[%swap3A_671, %swap3A_672], %swap3A_675 {strides = array<i32>} : memref<200x128xf32, #tpu.memory_space<vmem>>, vector<1x16xf32>,
        %add3A_676 = arith.constant 50 : i32
        %add3A_677 = arith.addi %add3A_676, %scan3A_423 : i32
        %get3A_678 = arith.index_cast %add3A_677 : i32 to index
        %get3A_679 = arith.constant 80 : index
        %get3A_680 = tpu.vector_load %arg9[%get3A_678, %get3A_679] {strides = array<i32>} : memref<200x128xf32, #tpu.memory_space<vmem>>, vector<1x16xf32>,
        %get3A_681 = vector.shape_cast %get3A_680 : vector<1x16xf32> to vector<16xf32>
        %mul3A_682 = arith.constant 11.3137083 : f32
        %mul3A_683 = vector.broadcast %mul3A_682 : f32 to vector<16xf32>
        %mul3A_684 = arith.mulf %get3A_681, %mul3A_683 : vector<16xf32>
        %add3A_685 = arith.addf %mul3A_684, %get3A_447 : vector<16xf32>
        %add3A_686 = arith.constant 50 : i32
        %add3A_687 = arith.addi %add3A_686, %scan3A_423 : i32
        %swap3A_688 = arith.index_cast %add3A_687 : i32 to index
        %swap3A_689 = arith.constant 80 : index
        %swap3A_690 = tpu.vector_load %arg9[%swap3A_688, %swap3A_689] {strides = array<i32>} : memref<200x128xf32, #tpu.memory_space<vmem>>, vector<1x16xf32>,
        %swap3A_691 = vector.shape_cast %swap3A_690 : vector<1x16xf32> to vector<16xf32>
        %swap3A_692 = vector.shape_cast %add3A_685 : vector<16xf32> to vector<1x16xf32>
        tpu.vector_store %arg9[%swap3A_688, %swap3A_689], %swap3A_692 {strides = array<i32>} : memref<200x128xf32, #tpu.memory_space<vmem>>, vector<1x16xf32>,
        %add3A_693 = arith.constant 50 : i32
        %add3A_694 = arith.addi %add3A_693, %scan3A_423 : i32
        %get3A_695 = arith.index_cast %add3A_694 : i32 to index
        %get3A_696 = arith.constant 96 : index
        %get3A_697 = tpu.vector_load %arg9[%get3A_695, %get3A_696] {strides = array<i32>} : memref<200x128xf32, #tpu.memory_space<vmem>>, vector<1x16xf32>,
        %get3A_698 = vector.shape_cast %get3A_697 : vector<1x16xf32> to vector<16xf32>
        %mul3A_699 = arith.constant 11.3137083 : f32
        %mul3A_700 = vector.broadcast %mul3A_699 : f32 to vector<16xf32>
        %mul3A_701 = arith.mulf %get3A_698, %mul3A_700 : vector<16xf32>
        %add3A_702 = arith.addf %mul3A_701, %get3A_451 : vector<16xf32>
        %add3A_703 = arith.constant 50 : i32
        %add3A_704 = arith.addi %add3A_703, %scan3A_423 : i32
        %swap3A_705 = arith.index_cast %add3A_704 : i32 to index
        %swap3A_706 = arith.constant 96 : index
        %swap3A_707 = tpu.vector_load %arg9[%swap3A_705, %swap3A_706] {strides = array<i32>} : memref<200x128xf32, #tpu.memory_space<vmem>>, vector<1x16xf32>,
        %swap3A_708 = vector.shape_cast %swap3A_707 : vector<1x16xf32> to vector<16xf32>
        %swap3A_709 = vector.shape_cast %add3A_702 : vector<16xf32> to vector<1x16xf32>
        tpu.vector_store %arg9[%swap3A_705, %swap3A_706], %swap3A_709 {strides = array<i32>} : memref<200x128xf32, #tpu.memory_space<vmem>>, vector<1x16xf32>,
        %add3A_710 = arith.constant 50 : i32
        %add3A_711 = arith.addi %add3A_710, %scan3A_423 : i32
        %get3A_712 = arith.index_cast %add3A_711 : i32 to index
        %get3A_713 = arith.constant 112 : index
        %get3A_714 = tpu.vector_load %arg9[%get3A_712, %get3A_713] {strides = array<i32>} : memref<200x128xf32, #tpu.memory_space<vmem>>, vector<1x16xf32>,
        %get3A_715 = vector.shape_cast %get3A_714 : vector<1x16xf32> to vector<16xf32>
        %mul3A_716 = arith.constant 11.3137083 : f32
        %mul3A_717 = vector.broadcast %mul3A_716 : f32 to vector<16xf32>
        %mul3A_718 = arith.mulf %get3A_715, %mul3A_717 : vector<16xf32>
        %add3A_719 = arith.addf %mul3A_718, %get3A_455 : vector<16xf32>
        %add3A_720 = arith.constant 50 : i32
        %add3A_721 = arith.addi %add3A_720, %scan3A_423 : i32
        %swap3A_722 = arith.index_cast %add3A_721 : i32 to index
        %swap3A_723 = arith.constant 112 : index
        %swap3A_724 = tpu.vector_load %arg9[%swap3A_722, %swap3A_723] {strides = array<i32>} : memref<200x128xf32, #tpu.memory_space<vmem>>, vector<1x16xf32>,
        %swap3A_725 = vector.shape_cast %swap3A_724 : vector<1x16xf32> to vector<16xf32>
        %swap3A_726 = vector.shape_cast %add3A_719 : vector<16xf32> to vector<1x16xf32>
        tpu.vector_store %arg9[%swap3A_722, %swap3A_723], %swap3A_726 {strides = array<i32>} : memref<200x128xf32, #tpu.memory_space<vmem>>, vector<1x16xf32>,
        %add3A_727 = arith.constant 100 : i32
        %add3A_728 = arith.addi %add3A_727, %scan3A_423 : i32
        %get3A_729 = arith.index_cast %add3A_728 : i32 to index
        %get3A_730 = arith.constant 0 : index
        %get3A_731 = tpu.vector_load %arg9[%get3A_729, %get3A_730] {strides = array<i32>} : memref<200x128xf32, #tpu.memory_space<vmem>>, vector<1x16xf32>,
        %get3A_732 = vector.shape_cast %get3A_731 : vector<1x16xf32> to vector<16xf32>
        %mul3A_733 = arith.constant 11.3137083 : f32
        %mul3A_734 = vector.broadcast %mul3A_733 : f32 to vector<16xf32>
        %mul3A_735 = arith.mulf %get3A_732, %mul3A_734 : vector<16xf32>
        %add3A_736 = arith.addf %mul3A_735, %get3A_427 : vector<16xf32>
        %add3A_737 = arith.constant 100 : i32
        %add3A_738 = arith.addi %add3A_737, %scan3A_423 : i32
        %swap3A_739 = arith.index_cast %add3A_738 : i32 to index
        %swap3A_740 = arith.constant 0 : index
        %swap3A_741 = tpu.vector_load %arg9[%swap3A_739, %swap3A_740] {strides = array<i32>} : memref<200x128xf32, #tpu.memory_space<vmem>>, vector<1x16xf32>,
        %swap3A_742 = vector.shape_cast %swap3A_741 : vector<1x16xf32> to vector<16xf32>
        %swap3A_743 = vector.shape_cast %add3A_736 : vector<16xf32> to vector<1x16xf32>
        tpu.vector_store %arg9[%swap3A_739, %swap3A_740], %swap3A_743 {strides = array<i32>} : memref<200x128xf32, #tpu.memory_space<vmem>>, vector<1x16xf32>,
        %add3A_744 = arith.constant 100 : i32
        %add3A_745 = arith.addi %add3A_744, %scan3A_423 : i32
        %get3A_746 = arith.index_cast %add3A_745 : i32 to index
        %get3A_747 = arith.constant 16 : index
        %get3A_748 = tpu.vector_load %arg9[%get3A_746, %get3A_747] {strides = array<i32>} : memref<200x128xf32, #tpu.memory_space<vmem>>, vector<1x16xf32>,
        %get3A_749 = vector.shape_cast %get3A_748 : vector<1x16xf32> to vector<16xf32>
        %mul3A_750 = arith.constant 11.3137083 : f32
        %mul3A_751 = vector.broadcast %mul3A_750 : f32 to vector<16xf32>
        %mul3A_752 = arith.mulf %get3A_749, %mul3A_751 : vector<16xf32>
        %add3A_753 = arith.addf %mul3A_752, %get3A_431 : vector<16xf32>
        %add3A_754 = arith.constant 100 : i32
        %add3A_755 = arith.addi %add3A_754, %scan3A_423 : i32
        %swap3A_756 = arith.index_cast %add3A_755 : i32 to index
        %swap3A_757 = arith.constant 16 : index
        %swap3A_758 = tpu.vector_load %arg9[%swap3A_756, %swap3A_757] {strides = array<i32>} : memref<200x128xf32, #tpu.memory_space<vmem>>, vector<1x16xf32>,
        %swap3A_759 = vector.shape_cast %swap3A_758 : vector<1x16xf32> to vector<16xf32>
        %swap3A_760 = vector.shape_cast %add3A_753 : vector<16xf32> to vector<1x16xf32>
        tpu.vector_store %arg9[%swap3A_756, %swap3A_757], %swap3A_760 {strides = array<i32>} : memref<200x128xf32, #tpu.memory_space<vmem>>, vector<1x16xf32>,
        %add3A_761 = arith.constant 100 : i32
        %add3A_762 = arith.addi %add3A_761, %scan3A_423 : i32
        %get3A_763 = arith.index_cast %add3A_762 : i32 to index
        %get3A_764 = arith.constant 32 : index
        %get3A_765 = tpu.vector_load %arg9[%get3A_763, %get3A_764] {strides = array<i32>} : memref<200x128xf32, #tpu.memory_space<vmem>>, vector<1x16xf32>,
        %get3A_766 = vector.shape_cast %get3A_765 : vector<1x16xf32> to vector<16xf32>
        %mul3A_767 = arith.constant 11.3137083 : f32
        %mul3A_768 = vector.broadcast %mul3A_767 : f32 to vector<16xf32>
        %mul3A_769 = arith.mulf %get3A_766, %mul3A_768 : vector<16xf32>
        %add3A_770 = arith.addf %mul3A_769, %get3A_435 : vector<16xf32>
        %add3A_771 = arith.constant 100 : i32
        %add3A_772 = arith.addi %add3A_771, %scan3A_423 : i32
        %swap3A_773 = arith.index_cast %add3A_772 : i32 to index
        %swap3A_774 = arith.constant 32 : index
        %swap3A_775 = tpu.vector_load %arg9[%swap3A_773, %swap3A_774] {strides = array<i32>} : memref<200x128xf32, #tpu.memory_space<vmem>>, vector<1x16xf32>,
        %swap3A_776 = vector.shape_cast %swap3A_775 : vector<1x16xf32> to vector<16xf32>
        %swap3A_777 = vector.shape_cast %add3A_770 : vector<16xf32> to vector<1x16xf32>
        tpu.vector_store %arg9[%swap3A_773, %swap3A_774], %swap3A_777 {strides = array<i32>} : memref<200x128xf32, #tpu.memory_space<vmem>>, vector<1x16xf32>,
        %add3A_778 = arith.constant 100 : i32
        %add3A_779 = arith.addi %add3A_778, %scan3A_423 : i32
        %get3A_780 = arith.index_cast %add3A_779 : i32 to index
        %get3A_781 = arith.constant 48 : index
        %get3A_782 = tpu.vector_load %arg9[%get3A_780, %get3A_781] {strides = array<i32>} : memref<200x128xf32, #tpu.memory_space<vmem>>, vector<1x16xf32>,
        %get3A_783 = vector.shape_cast %get3A_782 : vector<1x16xf32> to vector<16xf32>
        %mul3A_784 = arith.constant 11.3137083 : f32
        %mul3A_785 = vector.broadcast %mul3A_784 : f32 to vector<16xf32>
        %mul3A_786 = arith.mulf %get3A_783, %mul3A_785 : vector<16xf32>
        %add3A_787 = arith.addf %mul3A_786, %get3A_439 : vector<16xf32>
        %add3A_788 = arith.constant 100 : i32
        %add3A_789 = arith.addi %add3A_788, %scan3A_423 : i32
        %swap3A_790 = arith.index_cast %add3A_789 : i32 to index
        %swap3A_791 = arith.constant 48 : index
        %swap3A_792 = tpu.vector_load %arg9[%swap3A_790, %swap3A_791] {strides = array<i32>} : memref<200x128xf32, #tpu.memory_space<vmem>>, vector<1x16xf32>,
        %swap3A_793 = vector.shape_cast %swap3A_792 : vector<1x16xf32> to vector<16xf32>
        %swap3A_794 = vector.shape_cast %add3A_787 : vector<16xf32> to vector<1x16xf32>
        tpu.vector_store %arg9[%swap3A_790, %swap3A_791], %swap3A_794 {strides = array<i32>} : memref<200x128xf32, #tpu.memory_space<vmem>>, vector<1x16xf32>,
        %add3A_795 = arith.constant 100 : i32
        %add3A_796 = arith.addi %add3A_795, %scan3A_423 : i32
        %get3A_797 = arith.index_cast %add3A_796 : i32 to index
        %get3A_798 = arith.constant 64 : index
        %get3A_799 = tpu.vector_load %arg9[%get3A_797, %get3A_798] {strides = array<i32>} : memref<200x128xf32, #tpu.memory_space<vmem>>, vector<1x16xf32>,
        %get3A_800 = vector.shape_cast %get3A_799 : vector<1x16xf32> to vector<16xf32>
        %mul3A_801 = arith.constant 11.3137083 : f32
        %mul3A_802 = vector.broadcast %mul3A_801 : f32 to vector<16xf32>
        %mul3A_803 = arith.mulf %get3A_800, %mul3A_802 : vector<16xf32>
        %add3A_804 = arith.addf %mul3A_803, %get3A_443 : vector<16xf32>
        %add3A_805 = arith.constant 100 : i32
        %add3A_806 = arith.addi %add3A_805, %scan3A_423 : i32
        %swap3A_807 = arith.index_cast %add3A_806 : i32 to index
        %swap3A_808 = arith.constant 64 : index
        %swap3A_809 = tpu.vector_load %arg9[%swap3A_807, %swap3A_808] {strides = array<i32>} : memref<200x128xf32, #tpu.memory_space<vmem>>, vector<1x16xf32>,
        %swap3A_810 = vector.shape_cast %swap3A_809 : vector<1x16xf32> to vector<16xf32>
        %swap3A_811 = vector.shape_cast %add3A_804 : vector<16xf32> to vector<1x16xf32>
        tpu.vector_store %arg9[%swap3A_807, %swap3A_808], %swap3A_811 {strides = array<i32>} : memref<200x128xf32, #tpu.memory_space<vmem>>, vector<1x16xf32>,
        %add3A_812 = arith.constant 100 : i32
        %add3A_813 = arith.addi %add3A_812, %scan3A_423 : i32
        %get3A_814 = arith.index_cast %add3A_813 : i32 to index
        %get3A_815 = arith.constant 80 : index
        %get3A_816 = tpu.vector_load %arg9[%get3A_814, %get3A_815] {strides = array<i32>} : memref<200x128xf32, #tpu.memory_space<vmem>>, vector<1x16xf32>,
        %get3A_817 = vector.shape_cast %get3A_816 : vector<1x16xf32> to vector<16xf32>
        %mul3A_818 = arith.constant 11.3137083 : f32
        %mul3A_819 = vector.broadcast %mul3A_818 : f32 to vector<16xf32>
        %mul3A_820 = arith.mulf %get3A_817, %mul3A_819 : vector<16xf32>
        %add3A_821 = arith.addf %mul3A_820, %get3A_447 : vector<16xf32>
        %add3A_822 = arith.constant 100 : i32
        %add3A_823 = arith.addi %add3A_822, %scan3A_423 : i32
        %swap3A_824 = arith.index_cast %add3A_823 : i32 to index
        %swap3A_825 = arith.constant 80 : index
        %swap3A_826 = tpu.vector_load %arg9[%swap3A_824, %swap3A_825] {strides = array<i32>} : memref<200x128xf32, #tpu.memory_space<vmem>>, vector<1x16xf32>,
        %swap3A_827 = vector.shape_cast %swap3A_826 : vector<1x16xf32> to vector<16xf32>
        %swap3A_828 = vector.shape_cast %add3A_821 : vector<16xf32> to vector<1x16xf32>
        tpu.vector_store %arg9[%swap3A_824, %swap3A_825], %swap3A_828 {strides = array<i32>} : memref<200x128xf32, #tpu.memory_space<vmem>>, vector<1x16xf32>,
        %add3A_829 = arith.constant 100 : i32
        %add3A_830 = arith.addi %add3A_829, %scan3A_423 : i32
        %get3A_831 = arith.index_cast %add3A_830 : i32 to index
        %get3A_832 = arith.constant 96 : index
        %get3A_833 = tpu.vector_load %arg9[%get3A_831, %get3A_832] {strides = array<i32>} : memref<200x128xf32, #tpu.memory_space<vmem>>, vector<1x16xf32>,
        %get3A_834 = vector.shape_cast %get3A_833 : vector<1x16xf32> to vector<16xf32>
        %mul3A_835 = arith.constant 11.3137083 : f32
        %mul3A_836 = vector.broadcast %mul3A_835 : f32 to vector<16xf32>
        %mul3A_837 = arith.mulf %get3A_834, %mul3A_836 : vector<16xf32>
        %add3A_838 = arith.addf %mul3A_837, %get3A_451 : vector<16xf32>
        %add3A_839 = arith.constant 100 : i32
        %add3A_840 = arith.addi %add3A_839, %scan3A_423 : i32
        %swap3A_841 = arith.index_cast %add3A_840 : i32 to index
        %swap3A_842 = arith.constant 96 : index
        %swap3A_843 = tpu.vector_load %arg9[%swap3A_841, %swap3A_842] {strides = array<i32>} : memref<200x128xf32, #tpu.memory_space<vmem>>, vector<1x16xf32>,
        %swap3A_844 = vector.shape_cast %swap3A_843 : vector<1x16xf32> to vector<16xf32>
        %swap3A_845 = vector.shape_cast %add3A_838 : vector<16xf32> to vector<1x16xf32>
        tpu.vector_store %arg9[%swap3A_841, %swap3A_842], %swap3A_845 {strides = array<i32>} : memref<200x128xf32, #tpu.memory_space<vmem>>, vector<1x16xf32>,
        %add3A_846 = arith.constant 100 : i32
        %add3A_847 = arith.addi %add3A_846, %scan3A_423 : i32
        %get3A_848 = arith.index_cast %add3A_847 : i32 to index
        %get3A_849 = arith.constant 112 : index
        %get3A_850 = tpu.vector_load %arg9[%get3A_848, %get3A_849] {strides = array<i32>} : memref<200x128xf32, #tpu.memory_space<vmem>>, vector<1x16xf32>,
        %get3A_851 = vector.shape_cast %get3A_850 : vector<1x16xf32> to vector<16xf32>
        %mul3A_852 = arith.constant 11.3137083 : f32
        %mul3A_853 = vector.broadcast %mul3A_852 : f32 to vector<16xf32>
        %mul3A_854 = arith.mulf %get3A_851, %mul3A_853 : vector<16xf32>
        %add3A_855 = arith.addf %mul3A_854, %get3A_455 : vector<16xf32>
        %add3A_856 = arith.constant 100 : i32
        %add3A_857 = arith.addi %add3A_856, %scan3A_423 : i32
        %swap3A_858 = arith.index_cast %add3A_857 : i32 to index
        %swap3A_859 = arith.constant 112 : index
        %swap3A_860 = tpu.vector_load %arg9[%swap3A_858, %swap3A_859] {strides = array<i32>} : memref<200x128xf32, #tpu.memory_space<vmem>>, vector<1x16xf32>,
        %swap3A_861 = vector.shape_cast %swap3A_860 : vector<1x16xf32> to vector<16xf32>
        %swap3A_862 = vector.shape_cast %add3A_855 : vector<16xf32> to vector<1x16xf32>
        tpu.vector_store %arg9[%swap3A_858, %swap3A_859], %swap3A_862 {strides = array<i32>} : memref<200x128xf32, #tpu.memory_space<vmem>>, vector<1x16xf32>,
        %add3A_863 = arith.constant 150 : i32
        %add3A_864 = arith.addi %add3A_863, %scan3A_423 : i32
        %get3A_865 = arith.index_cast %add3A_864 : i32 to index
        %get3A_866 = arith.constant 0 : index
        %get3A_867 = tpu.vector_load %arg9[%get3A_865, %get3A_866] {strides = array<i32>} : memref<200x128xf32, #tpu.memory_space<vmem>>, vector<1x16xf32>,
        %get3A_868 = vector.shape_cast %get3A_867 : vector<1x16xf32> to vector<16xf32>
        %mul3A_869 = arith.constant 11.3137083 : f32
        %mul3A_870 = vector.broadcast %mul3A_869 : f32 to vector<16xf32>
        %mul3A_871 = arith.mulf %get3A_868, %mul3A_870 : vector<16xf32>
        %add3A_872 = arith.addf %mul3A_871, %get3A_427 : vector<16xf32>
        %add3A_873 = arith.constant 150 : i32
        %add3A_874 = arith.addi %add3A_873, %scan3A_423 : i32
        %swap3A_875 = arith.index_cast %add3A_874 : i32 to index
        %swap3A_876 = arith.constant 0 : index
        %swap3A_877 = tpu.vector_load %arg9[%swap3A_875, %swap3A_876] {strides = array<i32>} : memref<200x128xf32, #tpu.memory_space<vmem>>, vector<1x16xf32>,
        %swap3A_878 = vector.shape_cast %swap3A_877 : vector<1x16xf32> to vector<16xf32>
        %swap3A_879 = vector.shape_cast %add3A_872 : vector<16xf32> to vector<1x16xf32>
        tpu.vector_store %arg9[%swap3A_875, %swap3A_876], %swap3A_879 {strides = array<i32>} : memref<200x128xf32, #tpu.memory_space<vmem>>, vector<1x16xf32>,
        %add3A_880 = arith.constant 150 : i32
        %add3A_881 = arith.addi %add3A_880, %scan3A_423 : i32
        %get3A_882 = arith.index_cast %add3A_881 : i32 to index
        %get3A_883 = arith.constant 16 : index
        %get3A_884 = tpu.vector_load %arg9[%get3A_882, %get3A_883] {strides = array<i32>} : memref<200x128xf32, #tpu.memory_space<vmem>>, vector<1x16xf32>,
        %get3A_885 = vector.shape_cast %get3A_884 : vector<1x16xf32> to vector<16xf32>
        %mul3A_886 = arith.constant 11.3137083 : f32
        %mul3A_887 = vector.broadcast %mul3A_886 : f32 to vector<16xf32>
        %mul3A_888 = arith.mulf %get3A_885, %mul3A_887 : vector<16xf32>
        %add3A_889 = arith.addf %mul3A_888, %get3A_431 : vector<16xf32>
        %add3A_890 = arith.constant 150 : i32
        %add3A_891 = arith.addi %add3A_890, %scan3A_423 : i32
        %swap3A_892 = arith.index_cast %add3A_891 : i32 to index
        %swap3A_893 = arith.constant 16 : index
        %swap3A_894 = tpu.vector_load %arg9[%swap3A_892, %swap3A_893] {strides = array<i32>} : memref<200x128xf32, #tpu.memory_space<vmem>>, vector<1x16xf32>,
        %swap3A_895 = vector.shape_cast %swap3A_894 : vector<1x16xf32> to vector<16xf32>
        %swap3A_896 = vector.shape_cast %add3A_889 : vector<16xf32> to vector<1x16xf32>
        tpu.vector_store %arg9[%swap3A_892, %swap3A_893], %swap3A_896 {strides = array<i32>} : memref<200x128xf32, #tpu.memory_space<vmem>>, vector<1x16xf32>,
        %add3A_897 = arith.constant 150 : i32
        %add3A_898 = arith.addi %add3A_897, %scan3A_423 : i32
        %get3A_899 = arith.index_cast %add3A_898 : i32 to index
        %get3A_900 = arith.constant 32 : index
        %get3A_901 = tpu.vector_load %arg9[%get3A_899, %get3A_900] {strides = array<i32>} : memref<200x128xf32, #tpu.memory_space<vmem>>, vector<1x16xf32>,
        %get3A_902 = vector.shape_cast %get3A_901 : vector<1x16xf32> to vector<16xf32>
        %mul3A_903 = arith.constant 11.3137083 : f32
        %mul3A_904 = vector.broadcast %mul3A_903 : f32 to vector<16xf32>
        %mul3A_905 = arith.mulf %get3A_902, %mul3A_904 : vector<16xf32>
        %add3A_906 = arith.addf %mul3A_905, %get3A_435 : vector<16xf32>
        %add3A_907 = arith.constant 150 : i32
        %add3A_908 = arith.addi %add3A_907, %scan3A_423 : i32
        %swap3A_909 = arith.index_cast %add3A_908 : i32 to index
        %swap3A_910 = arith.constant 32 : index
        %swap3A_911 = tpu.vector_load %arg9[%swap3A_909, %swap3A_910] {strides = array<i32>} : memref<200x128xf32, #tpu.memory_space<vmem>>, vector<1x16xf32>,
        %swap3A_912 = vector.shape_cast %swap3A_911 : vector<1x16xf32> to vector<16xf32>
        %swap3A_913 = vector.shape_cast %add3A_906 : vector<16xf32> to vector<1x16xf32>
        tpu.vector_store %arg9[%swap3A_909, %swap3A_910], %swap3A_913 {strides = array<i32>} : memref<200x128xf32, #tpu.memory_space<vmem>>, vector<1x16xf32>,
        %add3A_914 = arith.constant 150 : i32
        %add3A_915 = arith.addi %add3A_914, %scan3A_423 : i32
        %get3A_916 = arith.index_cast %add3A_915 : i32 to index
        %get3A_917 = arith.constant 48 : index
        %get3A_918 = tpu.vector_load %arg9[%get3A_916, %get3A_917] {strides = array<i32>} : memref<200x128xf32, #tpu.memory_space<vmem>>, vector<1x16xf32>,
        %get3A_919 = vector.shape_cast %get3A_918 : vector<1x16xf32> to vector<16xf32>
        %mul3A_920 = arith.constant 11.3137083 : f32
        %mul3A_921 = vector.broadcast %mul3A_920 : f32 to vector<16xf32>
        %mul3A_922 = arith.mulf %get3A_919, %mul3A_921 : vector<16xf32>
        %add3A_923 = arith.addf %mul3A_922, %get3A_439 : vector<16xf32>
        %add3A_924 = arith.constant 150 : i32
        %add3A_925 = arith.addi %add3A_924, %scan3A_423 : i32
        %swap3A_926 = arith.index_cast %add3A_925 : i32 to index
        %swap3A_927 = arith.constant 48 : index
        %swap3A_928 = tpu.vector_load %arg9[%swap3A_926, %swap3A_927] {strides = array<i32>} : memref<200x128xf32, #tpu.memory_space<vmem>>, vector<1x16xf32>,
        %swap3A_929 = vector.shape_cast %swap3A_928 : vector<1x16xf32> to vector<16xf32>
        %swap3A_930 = vector.shape_cast %add3A_923 : vector<16xf32> to vector<1x16xf32>
        tpu.vector_store %arg9[%swap3A_926, %swap3A_927], %swap3A_930 {strides = array<i32>} : memref<200x128xf32, #tpu.memory_space<vmem>>, vector<1x16xf32>,
        %add3A_931 = arith.constant 150 : i32
        %add3A_932 = arith.addi %add3A_931, %scan3A_423 : i32
        %get3A_933 = arith.index_cast %add3A_932 : i32 to index
        %get3A_934 = arith.constant 64 : index
        %get3A_935 = tpu.vector_load %arg9[%get3A_933, %get3A_934] {strides = array<i32>} : memref<200x128xf32, #tpu.memory_space<vmem>>, vector<1x16xf32>,
        %get3A_936 = vector.shape_cast %get3A_935 : vector<1x16xf32> to vector<16xf32>
        %mul3A_937 = arith.constant 11.3137083 : f32
        %mul3A_938 = vector.broadcast %mul3A_937 : f32 to vector<16xf32>
        %mul3A_939 = arith.mulf %get3A_936, %mul3A_938 : vector<16xf32>
        %add3A_940 = arith.addf %mul3A_939, %get3A_443 : vector<16xf32>
        %add3A_941 = arith.constant 150 : i32
        %add3A_942 = arith.addi %add3A_941, %scan3A_423 : i32
        %swap3A_943 = arith.index_cast %add3A_942 : i32 to index
        %swap3A_944 = arith.constant 64 : index
        %swap3A_945 = tpu.vector_load %arg9[%swap3A_943, %swap3A_944] {strides = array<i32>} : memref<200x128xf32, #tpu.memory_space<vmem>>, vector<1x16xf32>,
        %swap3A_946 = vector.shape_cast %swap3A_945 : vector<1x16xf32> to vector<16xf32>
        %swap3A_947 = vector.shape_cast %add3A_940 : vector<16xf32> to vector<1x16xf32>
        tpu.vector_store %arg9[%swap3A_943, %swap3A_944], %swap3A_947 {strides = array<i32>} : memref<200x128xf32, #tpu.memory_space<vmem>>, vector<1x16xf32>,
        %add3A_948 = arith.constant 150 : i32
        %add3A_949 = arith.addi %add3A_948, %scan3A_423 : i32
        %get3A_950 = arith.index_cast %add3A_949 : i32 to index
        %get3A_951 = arith.constant 80 : index
        %get3A_952 = tpu.vector_load %arg9[%get3A_950, %get3A_951] {strides = array<i32>} : memref<200x128xf32, #tpu.memory_space<vmem>>, vector<1x16xf32>,
        %get3A_953 = vector.shape_cast %get3A_952 : vector<1x16xf32> to vector<16xf32>
        %mul3A_954 = arith.constant 11.3137083 : f32
        %mul3A_955 = vector.broadcast %mul3A_954 : f32 to vector<16xf32>
        %mul3A_956 = arith.mulf %get3A_953, %mul3A_955 : vector<16xf32>
        %add3A_957 = arith.addf %mul3A_956, %get3A_447 : vector<16xf32>
        %add3A_958 = arith.constant 150 : i32
        %add3A_959 = arith.addi %add3A_958, %scan3A_423 : i32
        %swap3A_960 = arith.index_cast %add3A_959 : i32 to index
        %swap3A_961 = arith.constant 80 : index
        %swap3A_962 = tpu.vector_load %arg9[%swap3A_960, %swap3A_961] {strides = array<i32>} : memref<200x128xf32, #tpu.memory_space<vmem>>, vector<1x16xf32>,
        %swap3A_963 = vector.shape_cast %swap3A_962 : vector<1x16xf32> to vector<16xf32>
        %swap3A_964 = vector.shape_cast %add3A_957 : vector<16xf32> to vector<1x16xf32>
        tpu.vector_store %arg9[%swap3A_960, %swap3A_961], %swap3A_964 {strides = array<i32>} : memref<200x128xf32, #tpu.memory_space<vmem>>, vector<1x16xf32>,
        %add3A_965 = arith.constant 150 : i32
        %add3A_966 = arith.addi %add3A_965, %scan3A_423 : i32
        %get3A_967 = arith.index_cast %add3A_966 : i32 to index
        %get3A_968 = arith.constant 96 : index
        %get3A_969 = tpu.vector_load %arg9[%get3A_967, %get3A_968] {strides = array<i32>} : memref<200x128xf32, #tpu.memory_space<vmem>>, vector<1x16xf32>,
        %get3A_970 = vector.shape_cast %get3A_969 : vector<1x16xf32> to vector<16xf32>
        %mul3A_971 = arith.constant 11.3137083 : f32
        %mul3A_972 = vector.broadcast %mul3A_971 : f32 to vector<16xf32>
        %mul3A_973 = arith.mulf %get3A_970, %mul3A_972 : vector<16xf32>
        %add3A_974 = arith.addf %mul3A_973, %get3A_451 : vector<16xf32>
        %add3A_975 = arith.constant 150 : i32
        %add3A_976 = arith.addi %add3A_975, %scan3A_423 : i32
        %swap3A_977 = arith.index_cast %add3A_976 : i32 to index
        %swap3A_978 = arith.constant 96 : index
        %swap3A_979 = tpu.vector_load %arg9[%swap3A_977, %swap3A_978] {strides = array<i32>} : memref<200x128xf32, #tpu.memory_space<vmem>>, vector<1x16xf32>,
        %swap3A_980 = vector.shape_cast %swap3A_979 : vector<1x16xf32> to vector<16xf32>
        %swap3A_981 = vector.shape_cast %add3A_974 : vector<16xf32> to vector<1x16xf32>
        tpu.vector_store %arg9[%swap3A_977, %swap3A_978], %swap3A_981 {strides = array<i32>} : memref<200x128xf32, #tpu.memory_space<vmem>>, vector<1x16xf32>,
        %add3A_982 = arith.constant 150 : i32
        %add3A_983 = arith.addi %add3A_982, %scan3A_423 : i32
        %get3A_984 = arith.index_cast %add3A_983 : i32 to index
        %get3A_985 = arith.constant 112 : index
        %get3A_986 = tpu.vector_load %arg9[%get3A_984, %get3A_985] {strides = array<i32>} : memref<200x128xf32, #tpu.memory_space<vmem>>, vector<1x16xf32>,
        %get3A_987 = vector.shape_cast %get3A_986 : vector<1x16xf32> to vector<16xf32>
        %mul3A_988 = arith.constant 11.3137083 : f32
        %mul3A_989 = vector.broadcast %mul3A_988 : f32 to vector<16xf32>
        %mul3A_990 = arith.mulf %get3A_987, %mul3A_989 : vector<16xf32>
        %add3A_991 = arith.addf %mul3A_990, %get3A_455 : vector<16xf32>
        %add3A_992 = arith.constant 150 : i32
        %add3A_993 = arith.addi %add3A_992, %scan3A_423 : i32
        %swap3A_994 = arith.index_cast %add3A_993 : i32 to index
        %swap3A_995 = arith.constant 112 : index
        %swap3A_996 = tpu.vector_load %arg9[%swap3A_994, %swap3A_995] {strides = array<i32>} : memref<200x128xf32, #tpu.memory_space<vmem>>, vector<1x16xf32>,
        %swap3A_997 = vector.shape_cast %swap3A_996 : vector<1x16xf32> to vector<16xf32>
        %swap3A_998 = vector.shape_cast %add3A_991 : vector<16xf32> to vector<1x16xf32>
        tpu.vector_store %arg9[%swap3A_994, %swap3A_995], %swap3A_998 {strides = array<i32>} : memref<200x128xf32, #tpu.memory_space<vmem>>, vector<1x16xf32>,
        %scan3A_999 = arith.constant 0 : i32
        scf.yield %scan3A_999 : i32
      }
      %scan3A_284 = arith.constant 50 : i32
      %mul3A_285 = arith.constant 200 : i32
      %mul3A_286 = arith.muli %add3A_230, %mul3A_285 : i32
      %add3A_287 = arith.addi %mul3A_2, %mul3A_286 : i32
      %dma_start3A_288 = arith.constant 0 : i32
      %dma_start3A_289 = tpu.memref_slice %arg5[%add3A_287, %dma_start3A_288] : memref<204800x128xf32, #tpu.memory_space<hbm>> -> memref<200x128xf32, #tpu.memory_space<hbm>>
      %dma_start3A_290 = arith.constant 0 : i32
      %dma_start3A_291 = tpu.memref_slice %arg5[%add3A_287, %dma_start3A_290] : memref<204800x128xf32, #tpu.memory_space<hbm>> -> memref<200x128xf32, #tpu.memory_space<hbm>>
      tpu.enqueue_dma source(%arg9 : memref<200x128xf32, #tpu.memory_space<vmem>>) target(%dma_start3A_291 : memref<200x128xf32, #tpu.memory_space<hbm>>) target_semaphore(%arg17 : memref<!tpu.dma_semaphore, #tpu.memory_space<semaphore_mem>>)
      %mul3A_292 = arith.constant 4 : i32
      %mul3A_293 = arith.muli %scan3A_163, %mul3A_292 : i32
      %add3A_294 = arith.constant 2 : i32
      %add3A_295 = arith.addi %mul3A_293, %add3A_294 : i32
      %dma_wait3A_296 = arith.constant 0 : i32
      %dma_wait3A_297 = arith.constant 0 : i32
      %dma_wait3A_298 = arith.constant 0 : i32
      %dma_wait3A_299 = tpu.memref_slice %arg10[%dma_wait3A_297, %dma_wait3A_298] : memref<200x128xf32, #tpu.memory_space<vmem>> -> memref<50x128xf32, #tpu.memory_space<vmem>>
      %dma_wait3A_300 = arith.constant 0 : i32
      %dma_wait3A_301 = tpu.memref_slice %arg6[%add3A_295, %dma_wait3A_296, %dma_wait3A_300] : memref<32x4x50xi32, #tpu.memory_space<vmem>> -> memref<1x1x50xi32, #tpu.memory_space<vmem>>
      %dma_wait3A_302 = tpu.memref_squeeze %dma_wait3A_301 : memref<1x1x50xi32, #tpu.memory_space<vmem>> -> memref<50xi32, #tpu.memory_space<vmem>>
      %dma_wait3A_303 = arith.constant 0 : i32
      %dma_wait3A_304 = arith.constant 0 : i32
      %dma_wait3A_305 = tpu.memref_slice %arg2[%dma_wait3A_303, %dma_wait3A_304] : memref<100000x128xf32, #tpu.memory_space<hbm>> -> memref<100000x128xf32, #tpu.memory_space<hbm>>
      tpu.wait_indirect_dma semaphore(%arg14 : memref<!tpu.dma_semaphore, #tpu.memory_space<semaphore_mem>>) src(%dma_wait3A_305 : memref<100000x128xf32, #tpu.memory_space<hbm>>) dst(%dma_wait3A_299 : memref<50x128xf32, #tpu.memory_space<vmem>>)
      %dma_wait3A_306 = arith.constant 1 : i32
      %dma_wait3A_307 = arith.constant 50 : i32
      %dma_wait3A_308 = arith.constant 0 : i32
      %dma_wait3A_309 = tpu.memref_slice %arg10[%dma_wait3A_307, %dma_wait3A_308] : memref<200x128xf32, #tpu.memory_space<vmem>> -> memref<50x128xf32, #tpu.memory_space<vmem>>
      %dma_wait3A_310 = arith.constant 0 : i32
      %dma_wait3A_311 = tpu.memref_slice %arg6[%add3A_295, %dma_wait3A_306, %dma_wait3A_310] : memref<32x4x50xi32, #tpu.memory_space<vmem>> -> memref<1x1x50xi32, #tpu.memory_space<vmem>>
      %dma_wait3A_312 = tpu.memref_squeeze %dma_wait3A_311 : memref<1x1x50xi32, #tpu.memory_space<vmem>> -> memref<50xi32, #tpu.memory_space<vmem>>
      %dma_wait3A_313 = arith.constant 0 : i32
      %dma_wait3A_314 = arith.constant 0 : i32
      %dma_wait3A_315 = tpu.memref_slice %arg2[%dma_wait3A_313, %dma_wait3A_314] : memref<100000x128xf32, #tpu.memory_space<hbm>> -> memref<100000x128xf32, #tpu.memory_space<hbm>>
      tpu.wait_indirect_dma semaphore(%arg14 : memref<!tpu.dma_semaphore, #tpu.memory_space<semaphore_mem>>) src(%dma_wait3A_315 : memref<100000x128xf32, #tpu.memory_space<hbm>>) dst(%dma_wait3A_309 : memref<50x128xf32, #tpu.memory_space<vmem>>)
      %dma_wait3A_316 = arith.constant 2 : i32
      %dma_wait3A_317 = arith.constant 100 : i32
      %dma_wait3A_318 = arith.constant 0 : i32
      %dma_wait3A_319 = tpu.memref_slice %arg10[%dma_wait3A_317, %dma_wait3A_318] : memref<200x128xf32, #tpu.memory_space<vmem>> -> memref<50x128xf32, #tpu.memory_space<vmem>>
      %dma_wait3A_320 = arith.constant 0 : i32
      %dma_wait3A_321 = tpu.memref_slice %arg6[%add3A_295, %dma_wait3A_316, %dma_wait3A_320] : memref<32x4x50xi32, #tpu.memory_space<vmem>> -> memref<1x1x50xi32, #tpu.memory_space<vmem>>
      %dma_wait3A_322 = tpu.memref_squeeze %dma_wait3A_321 : memref<1x1x50xi32, #tpu.memory_space<vmem>> -> memref<50xi32, #tpu.memory_space<vmem>>
      %dma_wait3A_323 = arith.constant 0 : i32
      %dma_wait3A_324 = arith.constant 0 : i32
      %dma_wait3A_325 = tpu.memref_slice %arg2[%dma_wait3A_323, %dma_wait3A_324] : memref<100000x128xf32, #tpu.memory_space<hbm>> -> memref<100000x128xf32, #tpu.memory_space<hbm>>
      tpu.wait_indirect_dma semaphore(%arg14 : memref<!tpu.dma_semaphore, #tpu.memory_space<semaphore_mem>>) src(%dma_wait3A_325 : memref<100000x128xf32, #tpu.memory_space<hbm>>) dst(%dma_wait3A_319 : memref<50x128xf32, #tpu.memory_space<vmem>>)
      %dma_wait3A_326 = arith.constant 3 : i32
      %dma_wait3A_327 = arith.constant 150 : i32
      %dma_wait3A_328 = arith.constant 0 : i32
      %dma_wait3A_329 = tpu.memref_slice %arg10[%dma_wait3A_327, %dma_wait3A_328] : memref<200x128xf32, #tpu.memory_space<vmem>> -> memref<50x128xf32, #tpu.memory_space<vmem>>
      %dma_wait3A_330 = arith.constant 0 : i32
      %dma_wait3A_331 = tpu.memref_slice %arg6[%add3A_295, %dma_wait3A_326, %dma_wait3A_330] : memref<32x4x50xi32, #tpu.memory_space<vmem>> -> memref<1x1x50xi32, #tpu.memory_space<vmem>>
      %dma_wait3A_332 = tpu.memref_squeeze %dma_wait3A_331 : memref<1x1x50xi32, #tpu.memory_space<vmem>> -> memref<50xi32, #tpu.memory_space<vmem>>
      %dma_wait3A_333 = arith.constant 0 : i32
      %dma_wait3A_334 = arith.constant 0 : i32
      %dma_wait3A_335 = tpu.memref_slice %arg2[%dma_wait3A_333, %dma_wait3A_334] : memref<100000x128xf32, #tpu.memory_space<hbm>> -> memref<100000x128xf32, #tpu.memory_space<hbm>>
      tpu.wait_indirect_dma semaphore(%arg14 : memref<!tpu.dma_semaphore, #tpu.memory_space<semaphore_mem>>) src(%dma_wait3A_335 : memref<100000x128xf32, #tpu.memory_space<hbm>>) dst(%dma_wait3A_329 : memref<50x128xf32, #tpu.memory_space<vmem>>)
      %add3A_336 = arith.constant 3 : i32
      %add3A_337 = arith.addi %add3A_295, %add3A_336 : i32
      %lt3A_338 = arith.constant 32 : i32
      %lt3A_339 = arith.cmpi slt, %add3A_337, %lt3A_338 : i32
      %convert_element_type3A_340 = arith.extui %lt3A_339 : i1 to i32
      %cond3A_341 = arith.constant 0 : i32
      %cond3A_342 = arith.cmpi ne, %convert_element_type3A_340, %cond3A_341 : i32
      scf.if %cond3A_342 {
        %ge3A = arith.constant 1 : i32
        %ge3A_423 = arith.cmpi sge, %add3A_295, %ge3A : i32
        %convert_element_type3A_424 = arith.extui %ge3A_423 : i1 to i32
        %cond3A_425 = arith.constant 0 : i32
        %cond3A_426 = arith.cmpi ne, %convert_element_type3A_424, %cond3A_425 : i32
        scf.if %cond3A_426 {
          %sub3A = arith.constant 1 : i32
          %sub3A_469 = arith.subi %add3A_295, %sub3A : i32
          %mul3A_470 = arith.constant 200 : i32
          %mul3A_471 = arith.muli %sub3A_469, %mul3A_470 : i32
          %add3A_472 = arith.addi %mul3A_2, %mul3A_471 : i32
          %dma_wait3A_473 = arith.constant 0 : i32
          %dma_wait3A_474 = tpu.memref_slice %arg5[%add3A_472, %dma_wait3A_473] : memref<204800x128xf32, #tpu.memory_space<hbm>> -> memref<200x128xf32, #tpu.memory_space<hbm>>
          %dma_wait3A_475 = arith.constant 0 : i32
          %dma_wait3A_476 = tpu.memref_slice %arg5[%add3A_472, %dma_wait3A_475] : memref<204800x128xf32, #tpu.memory_space<hbm>> -> memref<200x128xf32, #tpu.memory_space<hbm>>
          tpu.wait_dma2 semaphore(%arg17 : memref<!tpu.dma_semaphore, #tpu.memory_space<semaphore_mem>>) src(%arg9 : memref<200x128xf32, #tpu.memory_space<vmem>>) dst(%dma_wait3A_476 : memref<200x128xf32, #tpu.memory_space<hbm>>)
        } else {
        }
        %add3A_427 = arith.constant 3 : i32
        %add3A_428 = arith.addi %add3A_295, %add3A_427 : i32
        %dma_start3A_429 = arith.constant 0 : i32
        %dma_start3A_430 = arith.constant 0 : i32
        %dma_start3A_431 = arith.constant 0 : i32
        %dma_start3A_432 = tpu.memref_slice %arg9[%dma_start3A_430, %dma_start3A_431] : memref<200x128xf32, #tpu.memory_space<vmem>> -> memref<50x128xf32, #tpu.memory_space<vmem>>
        %dma_start3A_433 = arith.constant 0 : i32
        %dma_start3A_434 = tpu.memref_slice %arg6[%add3A_428, %dma_start3A_429, %dma_start3A_433] : memref<32x4x50xi32, #tpu.memory_space<vmem>> -> memref<1x1x50xi32, #tpu.memory_space<vmem>>
        %dma_start3A_435 = tpu.memref_squeeze %dma_start3A_434 : memref<1x1x50xi32, #tpu.memory_space<vmem>> -> memref<50xi32, #tpu.memory_space<vmem>>
        %dma_start3A_436 = arith.constant 0 : i32
        %dma_start3A_437 = arith.constant 0 : i32
        %dma_start3A_438 = tpu.memref_slice %arg2[%dma_start3A_436, %dma_start3A_437] : memref<100000x128xf32, #tpu.memory_space<hbm>> -> memref<100000x128xf32, #tpu.memory_space<hbm>>
        tpu.enqueue_indirect_dma source(%dma_start3A_438 : memref<100000x128xf32, #tpu.memory_space<hbm>>) target(%dma_start3A_432 : memref<50x128xf32, #tpu.memory_space<vmem>>) offsets(%dma_start3A_435 : memref<50xi32, #tpu.memory_space<vmem>>) semaphore(%arg13 : memref<!tpu.dma_semaphore, #tpu.memory_space<semaphore_mem>>)
        %dma_start3A_439 = arith.constant 1 : i32
        %dma_start3A_440 = arith.constant 50 : i32
        %dma_start3A_441 = arith.constant 0 : i32
        %dma_start3A_442 = tpu.memref_slice %arg9[%dma_start3A_440, %dma_start3A_441] : memref<200x128xf32, #tpu.memory_space<vmem>> -> memref<50x128xf32, #tpu.memory_space<vmem>>
        %dma_start3A_443 = arith.constant 0 : i32
        %dma_start3A_444 = tpu.memref_slice %arg6[%add3A_428, %dma_start3A_439, %dma_start3A_443] : memref<32x4x50xi32, #tpu.memory_space<vmem>> -> memref<1x1x50xi32, #tpu.memory_space<vmem>>
        %dma_start3A_445 = tpu.memref_squeeze %dma_start3A_444 : memref<1x1x50xi32, #tpu.memory_space<vmem>> -> memref<50xi32, #tpu.memory_space<vmem>>
        %dma_start3A_446 = arith.constant 0 : i32
        %dma_start3A_447 = arith.constant 0 : i32
        %dma_start3A_448 = tpu.memref_slice %arg2[%dma_start3A_446, %dma_start3A_447] : memref<100000x128xf32, #tpu.memory_space<hbm>> -> memref<100000x128xf32, #tpu.memory_space<hbm>>
        tpu.enqueue_indirect_dma source(%dma_start3A_448 : memref<100000x128xf32, #tpu.memory_space<hbm>>) target(%dma_start3A_442 : memref<50x128xf32, #tpu.memory_space<vmem>>) offsets(%dma_start3A_445 : memref<50xi32, #tpu.memory_space<vmem>>) semaphore(%arg13 : memref<!tpu.dma_semaphore, #tpu.memory_space<semaphore_mem>>)
        %dma_start3A_449 = arith.constant 2 : i32
        %dma_start3A_450 = arith.constant 100 : i32
        %dma_start3A_451 = arith.constant 0 : i32
        %dma_start3A_452 = tpu.memref_slice %arg9[%dma_start3A_450, %dma_start3A_451] : memref<200x128xf32, #tpu.memory_space<vmem>> -> memref<50x128xf32, #tpu.memory_space<vmem>>
        %dma_start3A_453 = arith.constant 0 : i32
        %dma_start3A_454 = tpu.memref_slice %arg6[%add3A_428, %dma_start3A_449, %dma_start3A_453] : memref<32x4x50xi32, #tpu.memory_space<vmem>> -> memref<1x1x50xi32, #tpu.memory_space<vmem>>
        %dma_start3A_455 = tpu.memref_squeeze %dma_start3A_454 : memref<1x1x50xi32, #tpu.memory_space<vmem>> -> memref<50xi32, #tpu.memory_space<vmem>>
        %dma_start3A_456 = arith.constant 0 : i32
        %dma_start3A_457 = arith.constant 0 : i32
        %dma_start3A_458 = tpu.memref_slice %arg2[%dma_start3A_456, %dma_start3A_457] : memref<100000x128xf32, #tpu.memory_space<hbm>> -> memref<100000x128xf32, #tpu.memory_space<hbm>>
        tpu.enqueue_indirect_dma source(%dma_start3A_458 : memref<100000x128xf32, #tpu.memory_space<hbm>>) target(%dma_start3A_452 : memref<50x128xf32, #tpu.memory_space<vmem>>) offsets(%dma_start3A_455 : memref<50xi32, #tpu.memory_space<vmem>>) semaphore(%arg13 : memref<!tpu.dma_semaphore, #tpu.memory_space<semaphore_mem>>)
        %dma_start3A_459 = arith.constant 3 : i32
        %dma_start3A_460 = arith.constant 150 : i32
        %dma_start3A_461 = arith.constant 0 : i32
        %dma_start3A_462 = tpu.memref_slice %arg9[%dma_start3A_460, %dma_start3A_461] : memref<200x128xf32, #tpu.memory_space<vmem>> -> memref<50x128xf32, #tpu.memory_space<vmem>>
        %dma_start3A_463 = arith.constant 0 : i32
        %dma_start3A_464 = tpu.memref_slice %arg6[%add3A_428, %dma_start3A_459, %dma_start3A_463] : memref<32x4x50xi32, #tpu.memory_space<vmem>> -> memref<1x1x50xi32, #tpu.memory_space<vmem>>
        %dma_start3A_465 = tpu.memref_squeeze %dma_start3A_464 : memref<1x1x50xi32, #tpu.memory_space<vmem>> -> memref<50xi32, #tpu.memory_space<vmem>>
        %dma_start3A_466 = arith.constant 0 : i32
        %dma_start3A_467 = arith.constant 0 : i32
        %dma_start3A_468 = tpu.memref_slice %arg2[%dma_start3A_466, %dma_start3A_467] : memref<100000x128xf32, #tpu.memory_space<hbm>> -> memref<100000x128xf32, #tpu.memory_space<hbm>>
        tpu.enqueue_indirect_dma source(%dma_start3A_468 : memref<100000x128xf32, #tpu.memory_space<hbm>>) target(%dma_start3A_462 : memref<50x128xf32, #tpu.memory_space<vmem>>) offsets(%dma_start3A_465 : memref<50xi32, #tpu.memory_space<vmem>>) semaphore(%arg13 : memref<!tpu.dma_semaphore, #tpu.memory_space<semaphore_mem>>)
      } else {
      }
      %scan3A_343 = arith.constant 0 : i32
      %scan3A_344 = arith.constant 0 : i32
      %scan3A_345 = arith.constant 50 : i32
      %scan3A_346 = arith.addi %scan3A_344, %scan3A_345 : i32
      %scan3A_347 = arith.constant 1 : i32
      %scan3A_348 = scf.for %scan3A_423 = %scan3A_344 to %scan3A_346 step %scan3A_347 iter_args(%scan3A_424 = %scan3A_343) -> (i32)  : i32 {
        %get3A = arith.index_cast %scan3A_423 : i32 to index
        %get3A_425 = arith.constant 0 : index
        %get3A_426 = tpu.vector_load %arg7[%get3A, %get3A_425] {strides = array<i32>} : memref<50x128xf32, #tpu.memory_space<vmem>>, vector<1x16xf32>,
        %get3A_427 = vector.shape_cast %get3A_426 : vector<1x16xf32> to vector<16xf32>
        %get3A_428 = arith.index_cast %scan3A_423 : i32 to index
        %get3A_429 = arith.constant 16 : index
        %get3A_430 = tpu.vector_load %arg7[%get3A_428, %get3A_429] {strides = array<i32>} : memref<50x128xf32, #tpu.memory_space<vmem>>, vector<1x16xf32>,
        %get3A_431 = vector.shape_cast %get3A_430 : vector<1x16xf32> to vector<16xf32>
        %get3A_432 = arith.index_cast %scan3A_423 : i32 to index
        %get3A_433 = arith.constant 32 : index
        %get3A_434 = tpu.vector_load %arg7[%get3A_432, %get3A_433] {strides = array<i32>} : memref<50x128xf32, #tpu.memory_space<vmem>>, vector<1x16xf32>,
        %get3A_435 = vector.shape_cast %get3A_434 : vector<1x16xf32> to vector<16xf32>
        %get3A_436 = arith.index_cast %scan3A_423 : i32 to index
        %get3A_437 = arith.constant 48 : index
        %get3A_438 = tpu.vector_load %arg7[%get3A_436, %get3A_437] {strides = array<i32>} : memref<50x128xf32, #tpu.memory_space<vmem>>, vector<1x16xf32>,
        %get3A_439 = vector.shape_cast %get3A_438 : vector<1x16xf32> to vector<16xf32>
        %get3A_440 = arith.index_cast %scan3A_423 : i32 to index
        %get3A_441 = arith.constant 64 : index
        %get3A_442 = tpu.vector_load %arg7[%get3A_440, %get3A_441] {strides = array<i32>} : memref<50x128xf32, #tpu.memory_space<vmem>>, vector<1x16xf32>,
        %get3A_443 = vector.shape_cast %get3A_442 : vector<1x16xf32> to vector<16xf32>
        %get3A_444 = arith.index_cast %scan3A_423 : i32 to index
        %get3A_445 = arith.constant 80 : index
        %get3A_446 = tpu.vector_load %arg7[%get3A_444, %get3A_445] {strides = array<i32>} : memref<50x128xf32, #tpu.memory_space<vmem>>, vector<1x16xf32>,
        %get3A_447 = vector.shape_cast %get3A_446 : vector<1x16xf32> to vector<16xf32>
        %get3A_448 = arith.index_cast %scan3A_423 : i32 to index
        %get3A_449 = arith.constant 96 : index
        %get3A_450 = tpu.vector_load %arg7[%get3A_448, %get3A_449] {strides = array<i32>} : memref<50x128xf32, #tpu.memory_space<vmem>>, vector<1x16xf32>,
        %get3A_451 = vector.shape_cast %get3A_450 : vector<1x16xf32> to vector<16xf32>
        %get3A_452 = arith.index_cast %scan3A_423 : i32 to index
        %get3A_453 = arith.constant 112 : index
        %get3A_454 = tpu.vector_load %arg7[%get3A_452, %get3A_453] {strides = array<i32>} : memref<50x128xf32, #tpu.memory_space<vmem>>, vector<1x16xf32>,
        %get3A_455 = vector.shape_cast %get3A_454 : vector<1x16xf32> to vector<16xf32>
        %add3A_456 = arith.constant 0 : i32
        %add3A_457 = arith.addi %add3A_456, %scan3A_423 : i32
        %get3A_458 = arith.index_cast %add3A_457 : i32 to index
        %get3A_459 = arith.constant 0 : index
        %get3A_460 = tpu.vector_load %arg10[%get3A_458, %get3A_459] {strides = array<i32>} : memref<200x128xf32, #tpu.memory_space<vmem>>, vector<1x16xf32>,
        %get3A_461 = vector.shape_cast %get3A_460 : vector<1x16xf32> to vector<16xf32>
        %mul3A_462 = arith.constant 11.3137083 : f32
        %mul3A_463 = vector.broadcast %mul3A_462 : f32 to vector<16xf32>
        %mul3A_464 = arith.mulf %get3A_461, %mul3A_463 : vector<16xf32>
        %add3A_465 = arith.addf %mul3A_464, %get3A_427 : vector<16xf32>
        %add3A_466 = arith.constant 0 : i32
        %add3A_467 = arith.addi %add3A_466, %scan3A_423 : i32
        %swap3A = arith.index_cast %add3A_467 : i32 to index
        %swap3A_468 = arith.constant 0 : index
        %swap3A_469 = tpu.vector_load %arg10[%swap3A, %swap3A_468] {strides = array<i32>} : memref<200x128xf32, #tpu.memory_space<vmem>>, vector<1x16xf32>,
        %swap3A_470 = vector.shape_cast %swap3A_469 : vector<1x16xf32> to vector<16xf32>
        %swap3A_471 = vector.shape_cast %add3A_465 : vector<16xf32> to vector<1x16xf32>
        tpu.vector_store %arg10[%swap3A, %swap3A_468], %swap3A_471 {strides = array<i32>} : memref<200x128xf32, #tpu.memory_space<vmem>>, vector<1x16xf32>,
        %add3A_472 = arith.constant 0 : i32
        %add3A_473 = arith.addi %add3A_472, %scan3A_423 : i32
        %get3A_474 = arith.index_cast %add3A_473 : i32 to index
        %get3A_475 = arith.constant 16 : index
        %get3A_476 = tpu.vector_load %arg10[%get3A_474, %get3A_475] {strides = array<i32>} : memref<200x128xf32, #tpu.memory_space<vmem>>, vector<1x16xf32>,
        %get3A_477 = vector.shape_cast %get3A_476 : vector<1x16xf32> to vector<16xf32>
        %mul3A_478 = arith.constant 11.3137083 : f32
        %mul3A_479 = vector.broadcast %mul3A_478 : f32 to vector<16xf32>
        %mul3A_480 = arith.mulf %get3A_477, %mul3A_479 : vector<16xf32>
        %add3A_481 = arith.addf %mul3A_480, %get3A_431 : vector<16xf32>
        %add3A_482 = arith.constant 0 : i32
        %add3A_483 = arith.addi %add3A_482, %scan3A_423 : i32
        %swap3A_484 = arith.index_cast %add3A_483 : i32 to index
        %swap3A_485 = arith.constant 16 : index
        %swap3A_486 = tpu.vector_load %arg10[%swap3A_484, %swap3A_485] {strides = array<i32>} : memref<200x128xf32, #tpu.memory_space<vmem>>, vector<1x16xf32>,
        %swap3A_487 = vector.shape_cast %swap3A_486 : vector<1x16xf32> to vector<16xf32>
        %swap3A_488 = vector.shape_cast %add3A_481 : vector<16xf32> to vector<1x16xf32>
        tpu.vector_store %arg10[%swap3A_484, %swap3A_485], %swap3A_488 {strides = array<i32>} : memref<200x128xf32, #tpu.memory_space<vmem>>, vector<1x16xf32>,
        %add3A_489 = arith.constant 0 : i32
        %add3A_490 = arith.addi %add3A_489, %scan3A_423 : i32
        %get3A_491 = arith.index_cast %add3A_490 : i32 to index
        %get3A_492 = arith.constant 32 : index
        %get3A_493 = tpu.vector_load %arg10[%get3A_491, %get3A_492] {strides = array<i32>} : memref<200x128xf32, #tpu.memory_space<vmem>>, vector<1x16xf32>,
        %get3A_494 = vector.shape_cast %get3A_493 : vector<1x16xf32> to vector<16xf32>
        %mul3A_495 = arith.constant 11.3137083 : f32
        %mul3A_496 = vector.broadcast %mul3A_495 : f32 to vector<16xf32>
        %mul3A_497 = arith.mulf %get3A_494, %mul3A_496 : vector<16xf32>
        %add3A_498 = arith.addf %mul3A_497, %get3A_435 : vector<16xf32>
        %add3A_499 = arith.constant 0 : i32
        %add3A_500 = arith.addi %add3A_499, %scan3A_423 : i32
        %swap3A_501 = arith.index_cast %add3A_500 : i32 to index
        %swap3A_502 = arith.constant 32 : index
        %swap3A_503 = tpu.vector_load %arg10[%swap3A_501, %swap3A_502] {strides = array<i32>} : memref<200x128xf32, #tpu.memory_space<vmem>>, vector<1x16xf32>,
        %swap3A_504 = vector.shape_cast %swap3A_503 : vector<1x16xf32> to vector<16xf32>
        %swap3A_505 = vector.shape_cast %add3A_498 : vector<16xf32> to vector<1x16xf32>
        tpu.vector_store %arg10[%swap3A_501, %swap3A_502], %swap3A_505 {strides = array<i32>} : memref<200x128xf32, #tpu.memory_space<vmem>>, vector<1x16xf32>,
        %add3A_506 = arith.constant 0 : i32
        %add3A_507 = arith.addi %add3A_506, %scan3A_423 : i32
        %get3A_508 = arith.index_cast %add3A_507 : i32 to index
        %get3A_509 = arith.constant 48 : index
        %get3A_510 = tpu.vector_load %arg10[%get3A_508, %get3A_509] {strides = array<i32>} : memref<200x128xf32, #tpu.memory_space<vmem>>, vector<1x16xf32>,
        %get3A_511 = vector.shape_cast %get3A_510 : vector<1x16xf32> to vector<16xf32>
        %mul3A_512 = arith.constant 11.3137083 : f32
        %mul3A_513 = vector.broadcast %mul3A_512 : f32 to vector<16xf32>
        %mul3A_514 = arith.mulf %get3A_511, %mul3A_513 : vector<16xf32>
        %add3A_515 = arith.addf %mul3A_514, %get3A_439 : vector<16xf32>
        %add3A_516 = arith.constant 0 : i32
        %add3A_517 = arith.addi %add3A_516, %scan3A_423 : i32
        %swap3A_518 = arith.index_cast %add3A_517 : i32 to index
        %swap3A_519 = arith.constant 48 : index
        %swap3A_520 = tpu.vector_load %arg10[%swap3A_518, %swap3A_519] {strides = array<i32>} : memref<200x128xf32, #tpu.memory_space<vmem>>, vector<1x16xf32>,
        %swap3A_521 = vector.shape_cast %swap3A_520 : vector<1x16xf32> to vector<16xf32>
        %swap3A_522 = vector.shape_cast %add3A_515 : vector<16xf32> to vector<1x16xf32>
        tpu.vector_store %arg10[%swap3A_518, %swap3A_519], %swap3A_522 {strides = array<i32>} : memref<200x128xf32, #tpu.memory_space<vmem>>, vector<1x16xf32>,
        %add3A_523 = arith.constant 0 : i32
        %add3A_524 = arith.addi %add3A_523, %scan3A_423 : i32
        %get3A_525 = arith.index_cast %add3A_524 : i32 to index
        %get3A_526 = arith.constant 64 : index
        %get3A_527 = tpu.vector_load %arg10[%get3A_525, %get3A_526] {strides = array<i32>} : memref<200x128xf32, #tpu.memory_space<vmem>>, vector<1x16xf32>,
        %get3A_528 = vector.shape_cast %get3A_527 : vector<1x16xf32> to vector<16xf32>
        %mul3A_529 = arith.constant 11.3137083 : f32
        %mul3A_530 = vector.broadcast %mul3A_529 : f32 to vector<16xf32>
        %mul3A_531 = arith.mulf %get3A_528, %mul3A_530 : vector<16xf32>
        %add3A_532 = arith.addf %mul3A_531, %get3A_443 : vector<16xf32>
        %add3A_533 = arith.constant 0 : i32
        %add3A_534 = arith.addi %add3A_533, %scan3A_423 : i32
        %swap3A_535 = arith.index_cast %add3A_534 : i32 to index
        %swap3A_536 = arith.constant 64 : index
        %swap3A_537 = tpu.vector_load %arg10[%swap3A_535, %swap3A_536] {strides = array<i32>} : memref<200x128xf32, #tpu.memory_space<vmem>>, vector<1x16xf32>,
        %swap3A_538 = vector.shape_cast %swap3A_537 : vector<1x16xf32> to vector<16xf32>
        %swap3A_539 = vector.shape_cast %add3A_532 : vector<16xf32> to vector<1x16xf32>
        tpu.vector_store %arg10[%swap3A_535, %swap3A_536], %swap3A_539 {strides = array<i32>} : memref<200x128xf32, #tpu.memory_space<vmem>>, vector<1x16xf32>,
        %add3A_540 = arith.constant 0 : i32
        %add3A_541 = arith.addi %add3A_540, %scan3A_423 : i32
        %get3A_542 = arith.index_cast %add3A_541 : i32 to index
        %get3A_543 = arith.constant 80 : index
        %get3A_544 = tpu.vector_load %arg10[%get3A_542, %get3A_543] {strides = array<i32>} : memref<200x128xf32, #tpu.memory_space<vmem>>, vector<1x16xf32>,
        %get3A_545 = vector.shape_cast %get3A_544 : vector<1x16xf32> to vector<16xf32>
        %mul3A_546 = arith.constant 11.3137083 : f32
        %mul3A_547 = vector.broadcast %mul3A_546 : f32 to vector<16xf32>
        %mul3A_548 = arith.mulf %get3A_545, %mul3A_547 : vector<16xf32>
        %add3A_549 = arith.addf %mul3A_548, %get3A_447 : vector<16xf32>
        %add3A_550 = arith.constant 0 : i32
        %add3A_551 = arith.addi %add3A_550, %scan3A_423 : i32
        %swap3A_552 = arith.index_cast %add3A_551 : i32 to index
        %swap3A_553 = arith.constant 80 : index
        %swap3A_554 = tpu.vector_load %arg10[%swap3A_552, %swap3A_553] {strides = array<i32>} : memref<200x128xf32, #tpu.memory_space<vmem>>, vector<1x16xf32>,
        %swap3A_555 = vector.shape_cast %swap3A_554 : vector<1x16xf32> to vector<16xf32>
        %swap3A_556 = vector.shape_cast %add3A_549 : vector<16xf32> to vector<1x16xf32>
        tpu.vector_store %arg10[%swap3A_552, %swap3A_553], %swap3A_556 {strides = array<i32>} : memref<200x128xf32, #tpu.memory_space<vmem>>, vector<1x16xf32>,
        %add3A_557 = arith.constant 0 : i32
        %add3A_558 = arith.addi %add3A_557, %scan3A_423 : i32
        %get3A_559 = arith.index_cast %add3A_558 : i32 to index
        %get3A_560 = arith.constant 96 : index
        %get3A_561 = tpu.vector_load %arg10[%get3A_559, %get3A_560] {strides = array<i32>} : memref<200x128xf32, #tpu.memory_space<vmem>>, vector<1x16xf32>,
        %get3A_562 = vector.shape_cast %get3A_561 : vector<1x16xf32> to vector<16xf32>
        %mul3A_563 = arith.constant 11.3137083 : f32
        %mul3A_564 = vector.broadcast %mul3A_563 : f32 to vector<16xf32>
        %mul3A_565 = arith.mulf %get3A_562, %mul3A_564 : vector<16xf32>
        %add3A_566 = arith.addf %mul3A_565, %get3A_451 : vector<16xf32>
        %add3A_567 = arith.constant 0 : i32
        %add3A_568 = arith.addi %add3A_567, %scan3A_423 : i32
        %swap3A_569 = arith.index_cast %add3A_568 : i32 to index
        %swap3A_570 = arith.constant 96 : index
        %swap3A_571 = tpu.vector_load %arg10[%swap3A_569, %swap3A_570] {strides = array<i32>} : memref<200x128xf32, #tpu.memory_space<vmem>>, vector<1x16xf32>,
        %swap3A_572 = vector.shape_cast %swap3A_571 : vector<1x16xf32> to vector<16xf32>
        %swap3A_573 = vector.shape_cast %add3A_566 : vector<16xf32> to vector<1x16xf32>
        tpu.vector_store %arg10[%swap3A_569, %swap3A_570], %swap3A_573 {strides = array<i32>} : memref<200x128xf32, #tpu.memory_space<vmem>>, vector<1x16xf32>,
        %add3A_574 = arith.constant 0 : i32
        %add3A_575 = arith.addi %add3A_574, %scan3A_423 : i32
        %get3A_576 = arith.index_cast %add3A_575 : i32 to index
        %get3A_577 = arith.constant 112 : index
        %get3A_578 = tpu.vector_load %arg10[%get3A_576, %get3A_577] {strides = array<i32>} : memref<200x128xf32, #tpu.memory_space<vmem>>, vector<1x16xf32>,
        %get3A_579 = vector.shape_cast %get3A_578 : vector<1x16xf32> to vector<16xf32>
        %mul3A_580 = arith.constant 11.3137083 : f32
        %mul3A_581 = vector.broadcast %mul3A_580 : f32 to vector<16xf32>
        %mul3A_582 = arith.mulf %get3A_579, %mul3A_581 : vector<16xf32>
        %add3A_583 = arith.addf %mul3A_582, %get3A_455 : vector<16xf32>
        %add3A_584 = arith.constant 0 : i32
        %add3A_585 = arith.addi %add3A_584, %scan3A_423 : i32
        %swap3A_586 = arith.index_cast %add3A_585 : i32 to index
        %swap3A_587 = arith.constant 112 : index
        %swap3A_588 = tpu.vector_load %arg10[%swap3A_586, %swap3A_587] {strides = array<i32>} : memref<200x128xf32, #tpu.memory_space<vmem>>, vector<1x16xf32>,
        %swap3A_589 = vector.shape_cast %swap3A_588 : vector<1x16xf32> to vector<16xf32>
        %swap3A_590 = vector.shape_cast %add3A_583 : vector<16xf32> to vector<1x16xf32>
        tpu.vector_store %arg10[%swap3A_586, %swap3A_587], %swap3A_590 {strides = array<i32>} : memref<200x128xf32, #tpu.memory_space<vmem>>, vector<1x16xf32>,
        %add3A_591 = arith.constant 50 : i32
        %add3A_592 = arith.addi %add3A_591, %scan3A_423 : i32
        %get3A_593 = arith.index_cast %add3A_592 : i32 to index
        %get3A_594 = arith.constant 0 : index
        %get3A_595 = tpu.vector_load %arg10[%get3A_593, %get3A_594] {strides = array<i32>} : memref<200x128xf32, #tpu.memory_space<vmem>>, vector<1x16xf32>,
        %get3A_596 = vector.shape_cast %get3A_595 : vector<1x16xf32> to vector<16xf32>
        %mul3A_597 = arith.constant 11.3137083 : f32
        %mul3A_598 = vector.broadcast %mul3A_597 : f32 to vector<16xf32>
        %mul3A_599 = arith.mulf %get3A_596, %mul3A_598 : vector<16xf32>
        %add3A_600 = arith.addf %mul3A_599, %get3A_427 : vector<16xf32>
        %add3A_601 = arith.constant 50 : i32
        %add3A_602 = arith.addi %add3A_601, %scan3A_423 : i32
        %swap3A_603 = arith.index_cast %add3A_602 : i32 to index
        %swap3A_604 = arith.constant 0 : index
        %swap3A_605 = tpu.vector_load %arg10[%swap3A_603, %swap3A_604] {strides = array<i32>} : memref<200x128xf32, #tpu.memory_space<vmem>>, vector<1x16xf32>,
        %swap3A_606 = vector.shape_cast %swap3A_605 : vector<1x16xf32> to vector<16xf32>
        %swap3A_607 = vector.shape_cast %add3A_600 : vector<16xf32> to vector<1x16xf32>
        tpu.vector_store %arg10[%swap3A_603, %swap3A_604], %swap3A_607 {strides = array<i32>} : memref<200x128xf32, #tpu.memory_space<vmem>>, vector<1x16xf32>,
        %add3A_608 = arith.constant 50 : i32
        %add3A_609 = arith.addi %add3A_608, %scan3A_423 : i32
        %get3A_610 = arith.index_cast %add3A_609 : i32 to index
        %get3A_611 = arith.constant 16 : index
        %get3A_612 = tpu.vector_load %arg10[%get3A_610, %get3A_611] {strides = array<i32>} : memref<200x128xf32, #tpu.memory_space<vmem>>, vector<1x16xf32>,
        %get3A_613 = vector.shape_cast %get3A_612 : vector<1x16xf32> to vector<16xf32>
        %mul3A_614 = arith.constant 11.3137083 : f32
        %mul3A_615 = vector.broadcast %mul3A_614 : f32 to vector<16xf32>
        %mul3A_616 = arith.mulf %get3A_613, %mul3A_615 : vector<16xf32>
        %add3A_617 = arith.addf %mul3A_616, %get3A_431 : vector<16xf32>
        %add3A_618 = arith.constant 50 : i32
        %add3A_619 = arith.addi %add3A_618, %scan3A_423 : i32
        %swap3A_620 = arith.index_cast %add3A_619 : i32 to index
        %swap3A_621 = arith.constant 16 : index
        %swap3A_622 = tpu.vector_load %arg10[%swap3A_620, %swap3A_621] {strides = array<i32>} : memref<200x128xf32, #tpu.memory_space<vmem>>, vector<1x16xf32>,
        %swap3A_623 = vector.shape_cast %swap3A_622 : vector<1x16xf32> to vector<16xf32>
        %swap3A_624 = vector.shape_cast %add3A_617 : vector<16xf32> to vector<1x16xf32>
        tpu.vector_store %arg10[%swap3A_620, %swap3A_621], %swap3A_624 {strides = array<i32>} : memref<200x128xf32, #tpu.memory_space<vmem>>, vector<1x16xf32>,
        %add3A_625 = arith.constant 50 : i32
        %add3A_626 = arith.addi %add3A_625, %scan3A_423 : i32
        %get3A_627 = arith.index_cast %add3A_626 : i32 to index
        %get3A_628 = arith.constant 32 : index
        %get3A_629 = tpu.vector_load %arg10[%get3A_627, %get3A_628] {strides = array<i32>} : memref<200x128xf32, #tpu.memory_space<vmem>>, vector<1x16xf32>,
        %get3A_630 = vector.shape_cast %get3A_629 : vector<1x16xf32> to vector<16xf32>
        %mul3A_631 = arith.constant 11.3137083 : f32
        %mul3A_632 = vector.broadcast %mul3A_631 : f32 to vector<16xf32>
        %mul3A_633 = arith.mulf %get3A_630, %mul3A_632 : vector<16xf32>
        %add3A_634 = arith.addf %mul3A_633, %get3A_435 : vector<16xf32>
        %add3A_635 = arith.constant 50 : i32
        %add3A_636 = arith.addi %add3A_635, %scan3A_423 : i32
        %swap3A_637 = arith.index_cast %add3A_636 : i32 to index
        %swap3A_638 = arith.constant 32 : index
        %swap3A_639 = tpu.vector_load %arg10[%swap3A_637, %swap3A_638] {strides = array<i32>} : memref<200x128xf32, #tpu.memory_space<vmem>>, vector<1x16xf32>,
        %swap3A_640 = vector.shape_cast %swap3A_639 : vector<1x16xf32> to vector<16xf32>
        %swap3A_641 = vector.shape_cast %add3A_634 : vector<16xf32> to vector<1x16xf32>
        tpu.vector_store %arg10[%swap3A_637, %swap3A_638], %swap3A_641 {strides = array<i32>} : memref<200x128xf32, #tpu.memory_space<vmem>>, vector<1x16xf32>,
        %add3A_642 = arith.constant 50 : i32
        %add3A_643 = arith.addi %add3A_642, %scan3A_423 : i32
        %get3A_644 = arith.index_cast %add3A_643 : i32 to index
        %get3A_645 = arith.constant 48 : index
        %get3A_646 = tpu.vector_load %arg10[%get3A_644, %get3A_645] {strides = array<i32>} : memref<200x128xf32, #tpu.memory_space<vmem>>, vector<1x16xf32>,
        %get3A_647 = vector.shape_cast %get3A_646 : vector<1x16xf32> to vector<16xf32>
        %mul3A_648 = arith.constant 11.3137083 : f32
        %mul3A_649 = vector.broadcast %mul3A_648 : f32 to vector<16xf32>
        %mul3A_650 = arith.mulf %get3A_647, %mul3A_649 : vector<16xf32>
        %add3A_651 = arith.addf %mul3A_650, %get3A_439 : vector<16xf32>
        %add3A_652 = arith.constant 50 : i32
        %add3A_653 = arith.addi %add3A_652, %scan3A_423 : i32
        %swap3A_654 = arith.index_cast %add3A_653 : i32 to index
        %swap3A_655 = arith.constant 48 : index
        %swap3A_656 = tpu.vector_load %arg10[%swap3A_654, %swap3A_655] {strides = array<i32>} : memref<200x128xf32, #tpu.memory_space<vmem>>, vector<1x16xf32>,
        %swap3A_657 = vector.shape_cast %swap3A_656 : vector<1x16xf32> to vector<16xf32>
        %swap3A_658 = vector.shape_cast %add3A_651 : vector<16xf32> to vector<1x16xf32>
        tpu.vector_store %arg10[%swap3A_654, %swap3A_655], %swap3A_658 {strides = array<i32>} : memref<200x128xf32, #tpu.memory_space<vmem>>, vector<1x16xf32>,
        %add3A_659 = arith.constant 50 : i32
        %add3A_660 = arith.addi %add3A_659, %scan3A_423 : i32
        %get3A_661 = arith.index_cast %add3A_660 : i32 to index
        %get3A_662 = arith.constant 64 : index
        %get3A_663 = tpu.vector_load %arg10[%get3A_661, %get3A_662] {strides = array<i32>} : memref<200x128xf32, #tpu.memory_space<vmem>>, vector<1x16xf32>,
        %get3A_664 = vector.shape_cast %get3A_663 : vector<1x16xf32> to vector<16xf32>
        %mul3A_665 = arith.constant 11.3137083 : f32
        %mul3A_666 = vector.broadcast %mul3A_665 : f32 to vector<16xf32>
        %mul3A_667 = arith.mulf %get3A_664, %mul3A_666 : vector<16xf32>
        %add3A_668 = arith.addf %mul3A_667, %get3A_443 : vector<16xf32>
        %add3A_669 = arith.constant 50 : i32
        %add3A_670 = arith.addi %add3A_669, %scan3A_423 : i32
        %swap3A_671 = arith.index_cast %add3A_670 : i32 to index
        %swap3A_672 = arith.constant 64 : index
        %swap3A_673 = tpu.vector_load %arg10[%swap3A_671, %swap3A_672] {strides = array<i32>} : memref<200x128xf32, #tpu.memory_space<vmem>>, vector<1x16xf32>,
        %swap3A_674 = vector.shape_cast %swap3A_673 : vector<1x16xf32> to vector<16xf32>
        %swap3A_675 = vector.shape_cast %add3A_668 : vector<16xf32> to vector<1x16xf32>
        tpu.vector_store %arg10[%swap3A_671, %swap3A_672], %swap3A_675 {strides = array<i32>} : memref<200x128xf32, #tpu.memory_space<vmem>>, vector<1x16xf32>,
        %add3A_676 = arith.constant 50 : i32
        %add3A_677 = arith.addi %add3A_676, %scan3A_423 : i32
        %get3A_678 = arith.index_cast %add3A_677 : i32 to index
        %get3A_679 = arith.constant 80 : index
        %get3A_680 = tpu.vector_load %arg10[%get3A_678, %get3A_679] {strides = array<i32>} : memref<200x128xf32, #tpu.memory_space<vmem>>, vector<1x16xf32>,
        %get3A_681 = vector.shape_cast %get3A_680 : vector<1x16xf32> to vector<16xf32>
        %mul3A_682 = arith.constant 11.3137083 : f32
        %mul3A_683 = vector.broadcast %mul3A_682 : f32 to vector<16xf32>
        %mul3A_684 = arith.mulf %get3A_681, %mul3A_683 : vector<16xf32>
        %add3A_685 = arith.addf %mul3A_684, %get3A_447 : vector<16xf32>
        %add3A_686 = arith.constant 50 : i32
        %add3A_687 = arith.addi %add3A_686, %scan3A_423 : i32
        %swap3A_688 = arith.index_cast %add3A_687 : i32 to index
        %swap3A_689 = arith.constant 80 : index
        %swap3A_690 = tpu.vector_load %arg10[%swap3A_688, %swap3A_689] {strides = array<i32>} : memref<200x128xf32, #tpu.memory_space<vmem>>, vector<1x16xf32>,
        %swap3A_691 = vector.shape_cast %swap3A_690 : vector<1x16xf32> to vector<16xf32>
        %swap3A_692 = vector.shape_cast %add3A_685 : vector<16xf32> to vector<1x16xf32>
        tpu.vector_store %arg10[%swap3A_688, %swap3A_689], %swap3A_692 {strides = array<i32>} : memref<200x128xf32, #tpu.memory_space<vmem>>, vector<1x16xf32>,
        %add3A_693 = arith.constant 50 : i32
        %add3A_694 = arith.addi %add3A_693, %scan3A_423 : i32
        %get3A_695 = arith.index_cast %add3A_694 : i32 to index
        %get3A_696 = arith.constant 96 : index
        %get3A_697 = tpu.vector_load %arg10[%get3A_695, %get3A_696] {strides = array<i32>} : memref<200x128xf32, #tpu.memory_space<vmem>>, vector<1x16xf32>,
        %get3A_698 = vector.shape_cast %get3A_697 : vector<1x16xf32> to vector<16xf32>
        %mul3A_699 = arith.constant 11.3137083 : f32
        %mul3A_700 = vector.broadcast %mul3A_699 : f32 to vector<16xf32>
        %mul3A_701 = arith.mulf %get3A_698, %mul3A_700 : vector<16xf32>
        %add3A_702 = arith.addf %mul3A_701, %get3A_451 : vector<16xf32>
        %add3A_703 = arith.constant 50 : i32
        %add3A_704 = arith.addi %add3A_703, %scan3A_423 : i32
        %swap3A_705 = arith.index_cast %add3A_704 : i32 to index
        %swap3A_706 = arith.constant 96 : index
        %swap3A_707 = tpu.vector_load %arg10[%swap3A_705, %swap3A_706] {strides = array<i32>} : memref<200x128xf32, #tpu.memory_space<vmem>>, vector<1x16xf32>,
        %swap3A_708 = vector.shape_cast %swap3A_707 : vector<1x16xf32> to vector<16xf32>
        %swap3A_709 = vector.shape_cast %add3A_702 : vector<16xf32> to vector<1x16xf32>
        tpu.vector_store %arg10[%swap3A_705, %swap3A_706], %swap3A_709 {strides = array<i32>} : memref<200x128xf32, #tpu.memory_space<vmem>>, vector<1x16xf32>,
        %add3A_710 = arith.constant 50 : i32
        %add3A_711 = arith.addi %add3A_710, %scan3A_423 : i32
        %get3A_712 = arith.index_cast %add3A_711 : i32 to index
        %get3A_713 = arith.constant 112 : index
        %get3A_714 = tpu.vector_load %arg10[%get3A_712, %get3A_713] {strides = array<i32>} : memref<200x128xf32, #tpu.memory_space<vmem>>, vector<1x16xf32>,
        %get3A_715 = vector.shape_cast %get3A_714 : vector<1x16xf32> to vector<16xf32>
        %mul3A_716 = arith.constant 11.3137083 : f32
        %mul3A_717 = vector.broadcast %mul3A_716 : f32 to vector<16xf32>
        %mul3A_718 = arith.mulf %get3A_715, %mul3A_717 : vector<16xf32>
        %add3A_719 = arith.addf %mul3A_718, %get3A_455 : vector<16xf32>
        %add3A_720 = arith.constant 50 : i32
        %add3A_721 = arith.addi %add3A_720, %scan3A_423 : i32
        %swap3A_722 = arith.index_cast %add3A_721 : i32 to index
        %swap3A_723 = arith.constant 112 : index
        %swap3A_724 = tpu.vector_load %arg10[%swap3A_722, %swap3A_723] {strides = array<i32>} : memref<200x128xf32, #tpu.memory_space<vmem>>, vector<1x16xf32>,
        %swap3A_725 = vector.shape_cast %swap3A_724 : vector<1x16xf32> to vector<16xf32>
        %swap3A_726 = vector.shape_cast %add3A_719 : vector<16xf32> to vector<1x16xf32>
        tpu.vector_store %arg10[%swap3A_722, %swap3A_723], %swap3A_726 {strides = array<i32>} : memref<200x128xf32, #tpu.memory_space<vmem>>, vector<1x16xf32>,
        %add3A_727 = arith.constant 100 : i32
        %add3A_728 = arith.addi %add3A_727, %scan3A_423 : i32
        %get3A_729 = arith.index_cast %add3A_728 : i32 to index
        %get3A_730 = arith.constant 0 : index
        %get3A_731 = tpu.vector_load %arg10[%get3A_729, %get3A_730] {strides = array<i32>} : memref<200x128xf32, #tpu.memory_space<vmem>>, vector<1x16xf32>,
        %get3A_732 = vector.shape_cast %get3A_731 : vector<1x16xf32> to vector<16xf32>
        %mul3A_733 = arith.constant 11.3137083 : f32
        %mul3A_734 = vector.broadcast %mul3A_733 : f32 to vector<16xf32>
        %mul3A_735 = arith.mulf %get3A_732, %mul3A_734 : vector<16xf32>
        %add3A_736 = arith.addf %mul3A_735, %get3A_427 : vector<16xf32>
        %add3A_737 = arith.constant 100 : i32
        %add3A_738 = arith.addi %add3A_737, %scan3A_423 : i32
        %swap3A_739 = arith.index_cast %add3A_738 : i32 to index
        %swap3A_740 = arith.constant 0 : index
        %swap3A_741 = tpu.vector_load %arg10[%swap3A_739, %swap3A_740] {strides = array<i32>} : memref<200x128xf32, #tpu.memory_space<vmem>>, vector<1x16xf32>,
        %swap3A_742 = vector.shape_cast %swap3A_741 : vector<1x16xf32> to vector<16xf32>
        %swap3A_743 = vector.shape_cast %add3A_736 : vector<16xf32> to vector<1x16xf32>
        tpu.vector_store %arg10[%swap3A_739, %swap3A_740], %swap3A_743 {strides = array<i32>} : memref<200x128xf32, #tpu.memory_space<vmem>>, vector<1x16xf32>,
        %add3A_744 = arith.constant 100 : i32
        %add3A_745 = arith.addi %add3A_744, %scan3A_423 : i32
        %get3A_746 = arith.index_cast %add3A_745 : i32 to index
        %get3A_747 = arith.constant 16 : index
        %get3A_748 = tpu.vector_load %arg10[%get3A_746, %get3A_747] {strides = array<i32>} : memref<200x128xf32, #tpu.memory_space<vmem>>, vector<1x16xf32>,
        %get3A_749 = vector.shape_cast %get3A_748 : vector<1x16xf32> to vector<16xf32>
        %mul3A_750 = arith.constant 11.3137083 : f32
        %mul3A_751 = vector.broadcast %mul3A_750 : f32 to vector<16xf32>
        %mul3A_752 = arith.mulf %get3A_749, %mul3A_751 : vector<16xf32>
        %add3A_753 = arith.addf %mul3A_752, %get3A_431 : vector<16xf32>
        %add3A_754 = arith.constant 100 : i32
        %add3A_755 = arith.addi %add3A_754, %scan3A_423 : i32
        %swap3A_756 = arith.index_cast %add3A_755 : i32 to index
        %swap3A_757 = arith.constant 16 : index
        %swap3A_758 = tpu.vector_load %arg10[%swap3A_756, %swap3A_757] {strides = array<i32>} : memref<200x128xf32, #tpu.memory_space<vmem>>, vector<1x16xf32>,
        %swap3A_759 = vector.shape_cast %swap3A_758 : vector<1x16xf32> to vector<16xf32>
        %swap3A_760 = vector.shape_cast %add3A_753 : vector<16xf32> to vector<1x16xf32>
        tpu.vector_store %arg10[%swap3A_756, %swap3A_757], %swap3A_760 {strides = array<i32>} : memref<200x128xf32, #tpu.memory_space<vmem>>, vector<1x16xf32>,
        %add3A_761 = arith.constant 100 : i32
        %add3A_762 = arith.addi %add3A_761, %scan3A_423 : i32
        %get3A_763 = arith.index_cast %add3A_762 : i32 to index
        %get3A_764 = arith.constant 32 : index
        %get3A_765 = tpu.vector_load %arg10[%get3A_763, %get3A_764] {strides = array<i32>} : memref<200x128xf32, #tpu.memory_space<vmem>>, vector<1x16xf32>,
        %get3A_766 = vector.shape_cast %get3A_765 : vector<1x16xf32> to vector<16xf32>
        %mul3A_767 = arith.constant 11.3137083 : f32
        %mul3A_768 = vector.broadcast %mul3A_767 : f32 to vector<16xf32>
        %mul3A_769 = arith.mulf %get3A_766, %mul3A_768 : vector<16xf32>
        %add3A_770 = arith.addf %mul3A_769, %get3A_435 : vector<16xf32>
        %add3A_771 = arith.constant 100 : i32
        %add3A_772 = arith.addi %add3A_771, %scan3A_423 : i32
        %swap3A_773 = arith.index_cast %add3A_772 : i32 to index
        %swap3A_774 = arith.constant 32 : index
        %swap3A_775 = tpu.vector_load %arg10[%swap3A_773, %swap3A_774] {strides = array<i32>} : memref<200x128xf32, #tpu.memory_space<vmem>>, vector<1x16xf32>,
        %swap3A_776 = vector.shape_cast %swap3A_775 : vector<1x16xf32> to vector<16xf32>
        %swap3A_777 = vector.shape_cast %add3A_770 : vector<16xf32> to vector<1x16xf32>
        tpu.vector_store %arg10[%swap3A_773, %swap3A_774], %swap3A_777 {strides = array<i32>} : memref<200x128xf32, #tpu.memory_space<vmem>>, vector<1x16xf32>,
        %add3A_778 = arith.constant 100 : i32
        %add3A_779 = arith.addi %add3A_778, %scan3A_423 : i32
        %get3A_780 = arith.index_cast %add3A_779 : i32 to index
        %get3A_781 = arith.constant 48 : index
        %get3A_782 = tpu.vector_load %arg10[%get3A_780, %get3A_781] {strides = array<i32>} : memref<200x128xf32, #tpu.memory_space<vmem>>, vector<1x16xf32>,
        %get3A_783 = vector.shape_cast %get3A_782 : vector<1x16xf32> to vector<16xf32>
        %mul3A_784 = arith.constant 11.3137083 : f32
        %mul3A_785 = vector.broadcast %mul3A_784 : f32 to vector<16xf32>
        %mul3A_786 = arith.mulf %get3A_783, %mul3A_785 : vector<16xf32>
        %add3A_787 = arith.addf %mul3A_786, %get3A_439 : vector<16xf32>
        %add3A_788 = arith.constant 100 : i32
        %add3A_789 = arith.addi %add3A_788, %scan3A_423 : i32
        %swap3A_790 = arith.index_cast %add3A_789 : i32 to index
        %swap3A_791 = arith.constant 48 : index
        %swap3A_792 = tpu.vector_load %arg10[%swap3A_790, %swap3A_791] {strides = array<i32>} : memref<200x128xf32, #tpu.memory_space<vmem>>, vector<1x16xf32>,
        %swap3A_793 = vector.shape_cast %swap3A_792 : vector<1x16xf32> to vector<16xf32>
        %swap3A_794 = vector.shape_cast %add3A_787 : vector<16xf32> to vector<1x16xf32>
        tpu.vector_store %arg10[%swap3A_790, %swap3A_791], %swap3A_794 {strides = array<i32>} : memref<200x128xf32, #tpu.memory_space<vmem>>, vector<1x16xf32>,
        %add3A_795 = arith.constant 100 : i32
        %add3A_796 = arith.addi %add3A_795, %scan3A_423 : i32
        %get3A_797 = arith.index_cast %add3A_796 : i32 to index
        %get3A_798 = arith.constant 64 : index
        %get3A_799 = tpu.vector_load %arg10[%get3A_797, %get3A_798] {strides = array<i32>} : memref<200x128xf32, #tpu.memory_space<vmem>>, vector<1x16xf32>,
        %get3A_800 = vector.shape_cast %get3A_799 : vector<1x16xf32> to vector<16xf32>
        %mul3A_801 = arith.constant 11.3137083 : f32
        %mul3A_802 = vector.broadcast %mul3A_801 : f32 to vector<16xf32>
        %mul3A_803 = arith.mulf %get3A_800, %mul3A_802 : vector<16xf32>
        %add3A_804 = arith.addf %mul3A_803, %get3A_443 : vector<16xf32>
        %add3A_805 = arith.constant 100 : i32
        %add3A_806 = arith.addi %add3A_805, %scan3A_423 : i32
        %swap3A_807 = arith.index_cast %add3A_806 : i32 to index
        %swap3A_808 = arith.constant 64 : index
        %swap3A_809 = tpu.vector_load %arg10[%swap3A_807, %swap3A_808] {strides = array<i32>} : memref<200x128xf32, #tpu.memory_space<vmem>>, vector<1x16xf32>,
        %swap3A_810 = vector.shape_cast %swap3A_809 : vector<1x16xf32> to vector<16xf32>
        %swap3A_811 = vector.shape_cast %add3A_804 : vector<16xf32> to vector<1x16xf32>
        tpu.vector_store %arg10[%swap3A_807, %swap3A_808], %swap3A_811 {strides = array<i32>} : memref<200x128xf32, #tpu.memory_space<vmem>>, vector<1x16xf32>,
        %add3A_812 = arith.constant 100 : i32
        %add3A_813 = arith.addi %add3A_812, %scan3A_423 : i32
        %get3A_814 = arith.index_cast %add3A_813 : i32 to index
        %get3A_815 = arith.constant 80 : index
        %get3A_816 = tpu.vector_load %arg10[%get3A_814, %get3A_815] {strides = array<i32>} : memref<200x128xf32, #tpu.memory_space<vmem>>, vector<1x16xf32>,
        %get3A_817 = vector.shape_cast %get3A_816 : vector<1x16xf32> to vector<16xf32>
        %mul3A_818 = arith.constant 11.3137083 : f32
        %mul3A_819 = vector.broadcast %mul3A_818 : f32 to vector<16xf32>
        %mul3A_820 = arith.mulf %get3A_817, %mul3A_819 : vector<16xf32>
        %add3A_821 = arith.addf %mul3A_820, %get3A_447 : vector<16xf32>
        %add3A_822 = arith.constant 100 : i32
        %add3A_823 = arith.addi %add3A_822, %scan3A_423 : i32
        %swap3A_824 = arith.index_cast %add3A_823 : i32 to index
        %swap3A_825 = arith.constant 80 : index
        %swap3A_826 = tpu.vector_load %arg10[%swap3A_824, %swap3A_825] {strides = array<i32>} : memref<200x128xf32, #tpu.memory_space<vmem>>, vector<1x16xf32>,
        %swap3A_827 = vector.shape_cast %swap3A_826 : vector<1x16xf32> to vector<16xf32>
        %swap3A_828 = vector.shape_cast %add3A_821 : vector<16xf32> to vector<1x16xf32>
        tpu.vector_store %arg10[%swap3A_824, %swap3A_825], %swap3A_828 {strides = array<i32>} : memref<200x128xf32, #tpu.memory_space<vmem>>, vector<1x16xf32>,
        %add3A_829 = arith.constant 100 : i32
        %add3A_830 = arith.addi %add3A_829, %scan3A_423 : i32
        %get3A_831 = arith.index_cast %add3A_830 : i32 to index
        %get3A_832 = arith.constant 96 : index
        %get3A_833 = tpu.vector_load %arg10[%get3A_831, %get3A_832] {strides = array<i32>} : memref<200x128xf32, #tpu.memory_space<vmem>>, vector<1x16xf32>,
        %get3A_834 = vector.shape_cast %get3A_833 : vector<1x16xf32> to vector<16xf32>
        %mul3A_835 = arith.constant 11.3137083 : f32
        %mul3A_836 = vector.broadcast %mul3A_835 : f32 to vector<16xf32>
        %mul3A_837 = arith.mulf %get3A_834, %mul3A_836 : vector<16xf32>
        %add3A_838 = arith.addf %mul3A_837, %get3A_451 : vector<16xf32>
        %add3A_839 = arith.constant 100 : i32
        %add3A_840 = arith.addi %add3A_839, %scan3A_423 : i32
        %swap3A_841 = arith.index_cast %add3A_840 : i32 to index
        %swap3A_842 = arith.constant 96 : index
        %swap3A_843 = tpu.vector_load %arg10[%swap3A_841, %swap3A_842] {strides = array<i32>} : memref<200x128xf32, #tpu.memory_space<vmem>>, vector<1x16xf32>,
        %swap3A_844 = vector.shape_cast %swap3A_843 : vector<1x16xf32> to vector<16xf32>
        %swap3A_845 = vector.shape_cast %add3A_838 : vector<16xf32> to vector<1x16xf32>
        tpu.vector_store %arg10[%swap3A_841, %swap3A_842], %swap3A_845 {strides = array<i32>} : memref<200x128xf32, #tpu.memory_space<vmem>>, vector<1x16xf32>,
        %add3A_846 = arith.constant 100 : i32
        %add3A_847 = arith.addi %add3A_846, %scan3A_423 : i32
        %get3A_848 = arith.index_cast %add3A_847 : i32 to index
        %get3A_849 = arith.constant 112 : index
        %get3A_850 = tpu.vector_load %arg10[%get3A_848, %get3A_849] {strides = array<i32>} : memref<200x128xf32, #tpu.memory_space<vmem>>, vector<1x16xf32>,
        %get3A_851 = vector.shape_cast %get3A_850 : vector<1x16xf32> to vector<16xf32>
        %mul3A_852 = arith.constant 11.3137083 : f32
        %mul3A_853 = vector.broadcast %mul3A_852 : f32 to vector<16xf32>
        %mul3A_854 = arith.mulf %get3A_851, %mul3A_853 : vector<16xf32>
        %add3A_855 = arith.addf %mul3A_854, %get3A_455 : vector<16xf32>
        %add3A_856 = arith.constant 100 : i32
        %add3A_857 = arith.addi %add3A_856, %scan3A_423 : i32
        %swap3A_858 = arith.index_cast %add3A_857 : i32 to index
        %swap3A_859 = arith.constant 112 : index
        %swap3A_860 = tpu.vector_load %arg10[%swap3A_858, %swap3A_859] {strides = array<i32>} : memref<200x128xf32, #tpu.memory_space<vmem>>, vector<1x16xf32>,
        %swap3A_861 = vector.shape_cast %swap3A_860 : vector<1x16xf32> to vector<16xf32>
        %swap3A_862 = vector.shape_cast %add3A_855 : vector<16xf32> to vector<1x16xf32>
        tpu.vector_store %arg10[%swap3A_858, %swap3A_859], %swap3A_862 {strides = array<i32>} : memref<200x128xf32, #tpu.memory_space<vmem>>, vector<1x16xf32>,
        %add3A_863 = arith.constant 150 : i32
        %add3A_864 = arith.addi %add3A_863, %scan3A_423 : i32
        %get3A_865 = arith.index_cast %add3A_864 : i32 to index
        %get3A_866 = arith.constant 0 : index
        %get3A_867 = tpu.vector_load %arg10[%get3A_865, %get3A_866] {strides = array<i32>} : memref<200x128xf32, #tpu.memory_space<vmem>>, vector<1x16xf32>,
        %get3A_868 = vector.shape_cast %get3A_867 : vector<1x16xf32> to vector<16xf32>
        %mul3A_869 = arith.constant 11.3137083 : f32
        %mul3A_870 = vector.broadcast %mul3A_869 : f32 to vector<16xf32>
        %mul3A_871 = arith.mulf %get3A_868, %mul3A_870 : vector<16xf32>
        %add3A_872 = arith.addf %mul3A_871, %get3A_427 : vector<16xf32>
        %add3A_873 = arith.constant 150 : i32
        %add3A_874 = arith.addi %add3A_873, %scan3A_423 : i32
        %swap3A_875 = arith.index_cast %add3A_874 : i32 to index
        %swap3A_876 = arith.constant 0 : index
        %swap3A_877 = tpu.vector_load %arg10[%swap3A_875, %swap3A_876] {strides = array<i32>} : memref<200x128xf32, #tpu.memory_space<vmem>>, vector<1x16xf32>,
        %swap3A_878 = vector.shape_cast %swap3A_877 : vector<1x16xf32> to vector<16xf32>
        %swap3A_879 = vector.shape_cast %add3A_872 : vector<16xf32> to vector<1x16xf32>
        tpu.vector_store %arg10[%swap3A_875, %swap3A_876], %swap3A_879 {strides = array<i32>} : memref<200x128xf32, #tpu.memory_space<vmem>>, vector<1x16xf32>,
        %add3A_880 = arith.constant 150 : i32
        %add3A_881 = arith.addi %add3A_880, %scan3A_423 : i32
        %get3A_882 = arith.index_cast %add3A_881 : i32 to index
        %get3A_883 = arith.constant 16 : index
        %get3A_884 = tpu.vector_load %arg10[%get3A_882, %get3A_883] {strides = array<i32>} : memref<200x128xf32, #tpu.memory_space<vmem>>, vector<1x16xf32>,
        %get3A_885 = vector.shape_cast %get3A_884 : vector<1x16xf32> to vector<16xf32>
        %mul3A_886 = arith.constant 11.3137083 : f32
        %mul3A_887 = vector.broadcast %mul3A_886 : f32 to vector<16xf32>
        %mul3A_888 = arith.mulf %get3A_885, %mul3A_887 : vector<16xf32>
        %add3A_889 = arith.addf %mul3A_888, %get3A_431 : vector<16xf32>
        %add3A_890 = arith.constant 150 : i32
        %add3A_891 = arith.addi %add3A_890, %scan3A_423 : i32
        %swap3A_892 = arith.index_cast %add3A_891 : i32 to index
        %swap3A_893 = arith.constant 16 : index
        %swap3A_894 = tpu.vector_load %arg10[%swap3A_892, %swap3A_893] {strides = array<i32>} : memref<200x128xf32, #tpu.memory_space<vmem>>, vector<1x16xf32>,
        %swap3A_895 = vector.shape_cast %swap3A_894 : vector<1x16xf32> to vector<16xf32>
        %swap3A_896 = vector.shape_cast %add3A_889 : vector<16xf32> to vector<1x16xf32>
        tpu.vector_store %arg10[%swap3A_892, %swap3A_893], %swap3A_896 {strides = array<i32>} : memref<200x128xf32, #tpu.memory_space<vmem>>, vector<1x16xf32>,
        %add3A_897 = arith.constant 150 : i32
        %add3A_898 = arith.addi %add3A_897, %scan3A_423 : i32
        %get3A_899 = arith.index_cast %add3A_898 : i32 to index
        %get3A_900 = arith.constant 32 : index
        %get3A_901 = tpu.vector_load %arg10[%get3A_899, %get3A_900] {strides = array<i32>} : memref<200x128xf32, #tpu.memory_space<vmem>>, vector<1x16xf32>,
        %get3A_902 = vector.shape_cast %get3A_901 : vector<1x16xf32> to vector<16xf32>
        %mul3A_903 = arith.constant 11.3137083 : f32
        %mul3A_904 = vector.broadcast %mul3A_903 : f32 to vector<16xf32>
        %mul3A_905 = arith.mulf %get3A_902, %mul3A_904 : vector<16xf32>
        %add3A_906 = arith.addf %mul3A_905, %get3A_435 : vector<16xf32>
        %add3A_907 = arith.constant 150 : i32
        %add3A_908 = arith.addi %add3A_907, %scan3A_423 : i32
        %swap3A_909 = arith.index_cast %add3A_908 : i32 to index
        %swap3A_910 = arith.constant 32 : index
        %swap3A_911 = tpu.vector_load %arg10[%swap3A_909, %swap3A_910] {strides = array<i32>} : memref<200x128xf32, #tpu.memory_space<vmem>>, vector<1x16xf32>,
        %swap3A_912 = vector.shape_cast %swap3A_911 : vector<1x16xf32> to vector<16xf32>
        %swap3A_913 = vector.shape_cast %add3A_906 : vector<16xf32> to vector<1x16xf32>
        tpu.vector_store %arg10[%swap3A_909, %swap3A_910], %swap3A_913 {strides = array<i32>} : memref<200x128xf32, #tpu.memory_space<vmem>>, vector<1x16xf32>,
        %add3A_914 = arith.constant 150 : i32
        %add3A_915 = arith.addi %add3A_914, %scan3A_423 : i32
        %get3A_916 = arith.index_cast %add3A_915 : i32 to index
        %get3A_917 = arith.constant 48 : index
        %get3A_918 = tpu.vector_load %arg10[%get3A_916, %get3A_917] {strides = array<i32>} : memref<200x128xf32, #tpu.memory_space<vmem>>, vector<1x16xf32>,
        %get3A_919 = vector.shape_cast %get3A_918 : vector<1x16xf32> to vector<16xf32>
        %mul3A_920 = arith.constant 11.3137083 : f32
        %mul3A_921 = vector.broadcast %mul3A_920 : f32 to vector<16xf32>
        %mul3A_922 = arith.mulf %get3A_919, %mul3A_921 : vector<16xf32>
        %add3A_923 = arith.addf %mul3A_922, %get3A_439 : vector<16xf32>
        %add3A_924 = arith.constant 150 : i32
        %add3A_925 = arith.addi %add3A_924, %scan3A_423 : i32
        %swap3A_926 = arith.index_cast %add3A_925 : i32 to index
        %swap3A_927 = arith.constant 48 : index
        %swap3A_928 = tpu.vector_load %arg10[%swap3A_926, %swap3A_927] {strides = array<i32>} : memref<200x128xf32, #tpu.memory_space<vmem>>, vector<1x16xf32>,
        %swap3A_929 = vector.shape_cast %swap3A_928 : vector<1x16xf32> to vector<16xf32>
        %swap3A_930 = vector.shape_cast %add3A_923 : vector<16xf32> to vector<1x16xf32>
        tpu.vector_store %arg10[%swap3A_926, %swap3A_927], %swap3A_930 {strides = array<i32>} : memref<200x128xf32, #tpu.memory_space<vmem>>, vector<1x16xf32>,
        %add3A_931 = arith.constant 150 : i32
        %add3A_932 = arith.addi %add3A_931, %scan3A_423 : i32
        %get3A_933 = arith.index_cast %add3A_932 : i32 to index
        %get3A_934 = arith.constant 64 : index
        %get3A_935 = tpu.vector_load %arg10[%get3A_933, %get3A_934] {strides = array<i32>} : memref<200x128xf32, #tpu.memory_space<vmem>>, vector<1x16xf32>,
        %get3A_936 = vector.shape_cast %get3A_935 : vector<1x16xf32> to vector<16xf32>
        %mul3A_937 = arith.constant 11.3137083 : f32
        %mul3A_938 = vector.broadcast %mul3A_937 : f32 to vector<16xf32>
        %mul3A_939 = arith.mulf %get3A_936, %mul3A_938 : vector<16xf32>
        %add3A_940 = arith.addf %mul3A_939, %get3A_443 : vector<16xf32>
        %add3A_941 = arith.constant 150 : i32
        %add3A_942 = arith.addi %add3A_941, %scan3A_423 : i32
        %swap3A_943 = arith.index_cast %add3A_942 : i32 to index
        %swap3A_944 = arith.constant 64 : index
        %swap3A_945 = tpu.vector_load %arg10[%swap3A_943, %swap3A_944] {strides = array<i32>} : memref<200x128xf32, #tpu.memory_space<vmem>>, vector<1x16xf32>,
        %swap3A_946 = vector.shape_cast %swap3A_945 : vector<1x16xf32> to vector<16xf32>
        %swap3A_947 = vector.shape_cast %add3A_940 : vector<16xf32> to vector<1x16xf32>
        tpu.vector_store %arg10[%swap3A_943, %swap3A_944], %swap3A_947 {strides = array<i32>} : memref<200x128xf32, #tpu.memory_space<vmem>>, vector<1x16xf32>,
        %add3A_948 = arith.constant 150 : i32
        %add3A_949 = arith.addi %add3A_948, %scan3A_423 : i32
        %get3A_950 = arith.index_cast %add3A_949 : i32 to index
        %get3A_951 = arith.constant 80 : index
        %get3A_952 = tpu.vector_load %arg10[%get3A_950, %get3A_951] {strides = array<i32>} : memref<200x128xf32, #tpu.memory_space<vmem>>, vector<1x16xf32>,
        %get3A_953 = vector.shape_cast %get3A_952 : vector<1x16xf32> to vector<16xf32>
        %mul3A_954 = arith.constant 11.3137083 : f32
        %mul3A_955 = vector.broadcast %mul3A_954 : f32 to vector<16xf32>
        %mul3A_956 = arith.mulf %get3A_953, %mul3A_955 : vector<16xf32>
        %add3A_957 = arith.addf %mul3A_956, %get3A_447 : vector<16xf32>
        %add3A_958 = arith.constant 150 : i32
        %add3A_959 = arith.addi %add3A_958, %scan3A_423 : i32
        %swap3A_960 = arith.index_cast %add3A_959 : i32 to index
        %swap3A_961 = arith.constant 80 : index
        %swap3A_962 = tpu.vector_load %arg10[%swap3A_960, %swap3A_961] {strides = array<i32>} : memref<200x128xf32, #tpu.memory_space<vmem>>, vector<1x16xf32>,
        %swap3A_963 = vector.shape_cast %swap3A_962 : vector<1x16xf32> to vector<16xf32>
        %swap3A_964 = vector.shape_cast %add3A_957 : vector<16xf32> to vector<1x16xf32>
        tpu.vector_store %arg10[%swap3A_960, %swap3A_961], %swap3A_964 {strides = array<i32>} : memref<200x128xf32, #tpu.memory_space<vmem>>, vector<1x16xf32>,
        %add3A_965 = arith.constant 150 : i32
        %add3A_966 = arith.addi %add3A_965, %scan3A_423 : i32
        %get3A_967 = arith.index_cast %add3A_966 : i32 to index
        %get3A_968 = arith.constant 96 : index
        %get3A_969 = tpu.vector_load %arg10[%get3A_967, %get3A_968] {strides = array<i32>} : memref<200x128xf32, #tpu.memory_space<vmem>>, vector<1x16xf32>,
        %get3A_970 = vector.shape_cast %get3A_969 : vector<1x16xf32> to vector<16xf32>
        %mul3A_971 = arith.constant 11.3137083 : f32
        %mul3A_972 = vector.broadcast %mul3A_971 : f32 to vector<16xf32>
        %mul3A_973 = arith.mulf %get3A_970, %mul3A_972 : vector<16xf32>
        %add3A_974 = arith.addf %mul3A_973, %get3A_451 : vector<16xf32>
        %add3A_975 = arith.constant 150 : i32
        %add3A_976 = arith.addi %add3A_975, %scan3A_423 : i32
        %swap3A_977 = arith.index_cast %add3A_976 : i32 to index
        %swap3A_978 = arith.constant 96 : index
        %swap3A_979 = tpu.vector_load %arg10[%swap3A_977, %swap3A_978] {strides = array<i32>} : memref<200x128xf32, #tpu.memory_space<vmem>>, vector<1x16xf32>,
        %swap3A_980 = vector.shape_cast %swap3A_979 : vector<1x16xf32> to vector<16xf32>
        %swap3A_981 = vector.shape_cast %add3A_974 : vector<16xf32> to vector<1x16xf32>
        tpu.vector_store %arg10[%swap3A_977, %swap3A_978], %swap3A_981 {strides = array<i32>} : memref<200x128xf32, #tpu.memory_space<vmem>>, vector<1x16xf32>,
        %add3A_982 = arith.constant 150 : i32
        %add3A_983 = arith.addi %add3A_982, %scan3A_423 : i32
        %get3A_984 = arith.index_cast %add3A_983 : i32 to index
        %get3A_985 = arith.constant 112 : index
        %get3A_986 = tpu.vector_load %arg10[%get3A_984, %get3A_985] {strides = array<i32>} : memref<200x128xf32, #tpu.memory_space<vmem>>, vector<1x16xf32>,
        %get3A_987 = vector.shape_cast %get3A_986 : vector<1x16xf32> to vector<16xf32>
        %mul3A_988 = arith.constant 11.3137083 : f32
        %mul3A_989 = vector.broadcast %mul3A_988 : f32 to vector<16xf32>
        %mul3A_990 = arith.mulf %get3A_987, %mul3A_989 : vector<16xf32>
        %add3A_991 = arith.addf %mul3A_990, %get3A_455 : vector<16xf32>
        %add3A_992 = arith.constant 150 : i32
        %add3A_993 = arith.addi %add3A_992, %scan3A_423 : i32
        %swap3A_994 = arith.index_cast %add3A_993 : i32 to index
        %swap3A_995 = arith.constant 112 : index
        %swap3A_996 = tpu.vector_load %arg10[%swap3A_994, %swap3A_995] {strides = array<i32>} : memref<200x128xf32, #tpu.memory_space<vmem>>, vector<1x16xf32>,
        %swap3A_997 = vector.shape_cast %swap3A_996 : vector<1x16xf32> to vector<16xf32>
        %swap3A_998 = vector.shape_cast %add3A_991 : vector<16xf32> to vector<1x16xf32>
        tpu.vector_store %arg10[%swap3A_994, %swap3A_995], %swap3A_998 {strides = array<i32>} : memref<200x128xf32, #tpu.memory_space<vmem>>, vector<1x16xf32>,
        %scan3A_999 = arith.constant 0 : i32
        scf.yield %scan3A_999 : i32
      }
      %scan3A_349 = arith.constant 50 : i32
      %mul3A_350 = arith.constant 200 : i32
      %mul3A_351 = arith.muli %add3A_295, %mul3A_350 : i32
      %add3A_352 = arith.addi %mul3A_2, %mul3A_351 : i32
      %dma_start3A_353 = arith.constant 0 : i32
      %dma_start3A_354 = tpu.memref_slice %arg5[%add3A_352, %dma_start3A_353] : memref<204800x128xf32, #tpu.memory_space<hbm>> -> memref<200x128xf32, #tpu.memory_space<hbm>>
      %dma_start3A_355 = arith.constant 0 : i32
      %dma_start3A_356 = tpu.memref_slice %arg5[%add3A_352, %dma_start3A_355] : memref<204800x128xf32, #tpu.memory_space<hbm>> -> memref<200x128xf32, #tpu.memory_space<hbm>>
      tpu.enqueue_dma source(%arg10 : memref<200x128xf32, #tpu.memory_space<vmem>>) target(%dma_start3A_356 : memref<200x128xf32, #tpu.memory_space<hbm>>) target_semaphore(%arg18 : memref<!tpu.dma_semaphore, #tpu.memory_space<semaphore_mem>>)
      %mul3A_357 = arith.constant 4 : i32
      %mul3A_358 = arith.muli %scan3A_163, %mul3A_357 : i32
      %add3A_359 = arith.constant 3 : i32
      %add3A_360 = arith.addi %mul3A_358, %add3A_359 : i32
      %dma_wait3A_361 = arith.constant 0 : i32
      %dma_wait3A_362 = arith.constant 0 : i32
      %dma_wait3A_363 = arith.constant 0 : i32
      %dma_wait3A_364 = tpu.memref_slice %arg11[%dma_wait3A_362, %dma_wait3A_363] : memref<200x128xf32, #tpu.memory_space<vmem>> -> memref<50x128xf32, #tpu.memory_space<vmem>>
      %dma_wait3A_365 = arith.constant 0 : i32
      %dma_wait3A_366 = tpu.memref_slice %arg6[%add3A_360, %dma_wait3A_361, %dma_wait3A_365] : memref<32x4x50xi32, #tpu.memory_space<vmem>> -> memref<1x1x50xi32, #tpu.memory_space<vmem>>
      %dma_wait3A_367 = tpu.memref_squeeze %dma_wait3A_366 : memref<1x1x50xi32, #tpu.memory_space<vmem>> -> memref<50xi32, #tpu.memory_space<vmem>>
      %dma_wait3A_368 = arith.constant 0 : i32
      %dma_wait3A_369 = arith.constant 0 : i32
      %dma_wait3A_370 = tpu.memref_slice %arg2[%dma_wait3A_368, %dma_wait3A_369] : memref<100000x128xf32, #tpu.memory_space<hbm>> -> memref<100000x128xf32, #tpu.memory_space<hbm>>
      tpu.wait_indirect_dma semaphore(%arg15 : memref<!tpu.dma_semaphore, #tpu.memory_space<semaphore_mem>>) src(%dma_wait3A_370 : memref<100000x128xf32, #tpu.memory_space<hbm>>) dst(%dma_wait3A_364 : memref<50x128xf32, #tpu.memory_space<vmem>>)
      %dma_wait3A_371 = arith.constant 1 : i32
      %dma_wait3A_372 = arith.constant 50 : i32
      %dma_wait3A_373 = arith.constant 0 : i32
      %dma_wait3A_374 = tpu.memref_slice %arg11[%dma_wait3A_372, %dma_wait3A_373] : memref<200x128xf32, #tpu.memory_space<vmem>> -> memref<50x128xf32, #tpu.memory_space<vmem>>
      %dma_wait3A_375 = arith.constant 0 : i32
      %dma_wait3A_376 = tpu.memref_slice %arg6[%add3A_360, %dma_wait3A_371, %dma_wait3A_375] : memref<32x4x50xi32, #tpu.memory_space<vmem>> -> memref<1x1x50xi32, #tpu.memory_space<vmem>>
      %dma_wait3A_377 = tpu.memref_squeeze %dma_wait3A_376 : memref<1x1x50xi32, #tpu.memory_space<vmem>> -> memref<50xi32, #tpu.memory_space<vmem>>
      %dma_wait3A_378 = arith.constant 0 : i32
      %dma_wait3A_379 = arith.constant 0 : i32
      %dma_wait3A_380 = tpu.memref_slice %arg2[%dma_wait3A_378, %dma_wait3A_379] : memref<100000x128xf32, #tpu.memory_space<hbm>> -> memref<100000x128xf32, #tpu.memory_space<hbm>>
      tpu.wait_indirect_dma semaphore(%arg15 : memref<!tpu.dma_semaphore, #tpu.memory_space<semaphore_mem>>) src(%dma_wait3A_380 : memref<100000x128xf32, #tpu.memory_space<hbm>>) dst(%dma_wait3A_374 : memref<50x128xf32, #tpu.memory_space<vmem>>)
      %dma_wait3A_381 = arith.constant 2 : i32
      %dma_wait3A_382 = arith.constant 100 : i32
      %dma_wait3A_383 = arith.constant 0 : i32
      %dma_wait3A_384 = tpu.memref_slice %arg11[%dma_wait3A_382, %dma_wait3A_383] : memref<200x128xf32, #tpu.memory_space<vmem>> -> memref<50x128xf32, #tpu.memory_space<vmem>>
      %dma_wait3A_385 = arith.constant 0 : i32
      %dma_wait3A_386 = tpu.memref_slice %arg6[%add3A_360, %dma_wait3A_381, %dma_wait3A_385] : memref<32x4x50xi32, #tpu.memory_space<vmem>> -> memref<1x1x50xi32, #tpu.memory_space<vmem>>
      %dma_wait3A_387 = tpu.memref_squeeze %dma_wait3A_386 : memref<1x1x50xi32, #tpu.memory_space<vmem>> -> memref<50xi32, #tpu.memory_space<vmem>>
      %dma_wait3A_388 = arith.constant 0 : i32
      %dma_wait3A_389 = arith.constant 0 : i32
      %dma_wait3A_390 = tpu.memref_slice %arg2[%dma_wait3A_388, %dma_wait3A_389] : memref<100000x128xf32, #tpu.memory_space<hbm>> -> memref<100000x128xf32, #tpu.memory_space<hbm>>
      tpu.wait_indirect_dma semaphore(%arg15 : memref<!tpu.dma_semaphore, #tpu.memory_space<semaphore_mem>>) src(%dma_wait3A_390 : memref<100000x128xf32, #tpu.memory_space<hbm>>) dst(%dma_wait3A_384 : memref<50x128xf32, #tpu.memory_space<vmem>>)
      %dma_wait3A_391 = arith.constant 3 : i32
      %dma_wait3A_392 = arith.constant 150 : i32
      %dma_wait3A_393 = arith.constant 0 : i32
      %dma_wait3A_394 = tpu.memref_slice %arg11[%dma_wait3A_392, %dma_wait3A_393] : memref<200x128xf32, #tpu.memory_space<vmem>> -> memref<50x128xf32, #tpu.memory_space<vmem>>
      %dma_wait3A_395 = arith.constant 0 : i32
      %dma_wait3A_396 = tpu.memref_slice %arg6[%add3A_360, %dma_wait3A_391, %dma_wait3A_395] : memref<32x4x50xi32, #tpu.memory_space<vmem>> -> memref<1x1x50xi32, #tpu.memory_space<vmem>>
      %dma_wait3A_397 = tpu.memref_squeeze %dma_wait3A_396 : memref<1x1x50xi32, #tpu.memory_space<vmem>> -> memref<50xi32, #tpu.memory_space<vmem>>
      %dma_wait3A_398 = arith.constant 0 : i32
      %dma_wait3A_399 = arith.constant 0 : i32
      %dma_wait3A_400 = tpu.memref_slice %arg2[%dma_wait3A_398, %dma_wait3A_399] : memref<100000x128xf32, #tpu.memory_space<hbm>> -> memref<100000x128xf32, #tpu.memory_space<hbm>>
      tpu.wait_indirect_dma semaphore(%arg15 : memref<!tpu.dma_semaphore, #tpu.memory_space<semaphore_mem>>) src(%dma_wait3A_400 : memref<100000x128xf32, #tpu.memory_space<hbm>>) dst(%dma_wait3A_394 : memref<50x128xf32, #tpu.memory_space<vmem>>)
      %add3A_401 = arith.constant 3 : i32
      %add3A_402 = arith.addi %add3A_360, %add3A_401 : i32
      %lt3A_403 = arith.constant 32 : i32
      %lt3A_404 = arith.cmpi slt, %add3A_402, %lt3A_403 : i32
      %convert_element_type3A_405 = arith.extui %lt3A_404 : i1 to i32
      %cond3A_406 = arith.constant 0 : i32
      %cond3A_407 = arith.cmpi ne, %convert_element_type3A_405, %cond3A_406 : i32
      scf.if %cond3A_407 {
        %ge3A = arith.constant 1 : i32
        %ge3A_423 = arith.cmpi sge, %add3A_360, %ge3A : i32
        %convert_element_type3A_424 = arith.extui %ge3A_423 : i1 to i32
        %cond3A_425 = arith.constant 0 : i32
        %cond3A_426 = arith.cmpi ne, %convert_element_type3A_424, %cond3A_425 : i32
        scf.if %cond3A_426 {
          %sub3A = arith.constant 1 : i32
          %sub3A_469 = arith.subi %add3A_360, %sub3A : i32
          %mul3A_470 = arith.constant 200 : i32
          %mul3A_471 = arith.muli %sub3A_469, %mul3A_470 : i32
          %add3A_472 = arith.addi %mul3A_2, %mul3A_471 : i32
          %dma_wait3A_473 = arith.constant 0 : i32
          %dma_wait3A_474 = tpu.memref_slice %arg5[%add3A_472, %dma_wait3A_473] : memref<204800x128xf32, #tpu.memory_space<hbm>> -> memref<200x128xf32, #tpu.memory_space<hbm>>
          %dma_wait3A_475 = arith.constant 0 : i32
          %dma_wait3A_476 = tpu.memref_slice %arg5[%add3A_472, %dma_wait3A_475] : memref<204800x128xf32, #tpu.memory_space<hbm>> -> memref<200x128xf32, #tpu.memory_space<hbm>>
          tpu.wait_dma2 semaphore(%arg18 : memref<!tpu.dma_semaphore, #tpu.memory_space<semaphore_mem>>) src(%arg10 : memref<200x128xf32, #tpu.memory_space<vmem>>) dst(%dma_wait3A_476 : memref<200x128xf32, #tpu.memory_space<hbm>>)
        } else {
        }
        %add3A_427 = arith.constant 3 : i32
        %add3A_428 = arith.addi %add3A_360, %add3A_427 : i32
        %dma_start3A_429 = arith.constant 0 : i32
        %dma_start3A_430 = arith.constant 0 : i32
        %dma_start3A_431 = arith.constant 0 : i32
        %dma_start3A_432 = tpu.memref_slice %arg10[%dma_start3A_430, %dma_start3A_431] : memref<200x128xf32, #tpu.memory_space<vmem>> -> memref<50x128xf32, #tpu.memory_space<vmem>>
        %dma_start3A_433 = arith.constant 0 : i32
        %dma_start3A_434 = tpu.memref_slice %arg6[%add3A_428, %dma_start3A_429, %dma_start3A_433] : memref<32x4x50xi32, #tpu.memory_space<vmem>> -> memref<1x1x50xi32, #tpu.memory_space<vmem>>
        %dma_start3A_435 = tpu.memref_squeeze %dma_start3A_434 : memref<1x1x50xi32, #tpu.memory_space<vmem>> -> memref<50xi32, #tpu.memory_space<vmem>>
        %dma_start3A_436 = arith.constant 0 : i32
        %dma_start3A_437 = arith.constant 0 : i32
        %dma_start3A_438 = tpu.memref_slice %arg2[%dma_start3A_436, %dma_start3A_437] : memref<100000x128xf32, #tpu.memory_space<hbm>> -> memref<100000x128xf32, #tpu.memory_space<hbm>>
        tpu.enqueue_indirect_dma source(%dma_start3A_438 : memref<100000x128xf32, #tpu.memory_space<hbm>>) target(%dma_start3A_432 : memref<50x128xf32, #tpu.memory_space<vmem>>) offsets(%dma_start3A_435 : memref<50xi32, #tpu.memory_space<vmem>>) semaphore(%arg14 : memref<!tpu.dma_semaphore, #tpu.memory_space<semaphore_mem>>)
        %dma_start3A_439 = arith.constant 1 : i32
        %dma_start3A_440 = arith.constant 50 : i32
        %dma_start3A_441 = arith.constant 0 : i32
        %dma_start3A_442 = tpu.memref_slice %arg10[%dma_start3A_440, %dma_start3A_441] : memref<200x128xf32, #tpu.memory_space<vmem>> -> memref<50x128xf32, #tpu.memory_space<vmem>>
        %dma_start3A_443 = arith.constant 0 : i32
        %dma_start3A_444 = tpu.memref_slice %arg6[%add3A_428, %dma_start3A_439, %dma_start3A_443] : memref<32x4x50xi32, #tpu.memory_space<vmem>> -> memref<1x1x50xi32, #tpu.memory_space<vmem>>
        %dma_start3A_445 = tpu.memref_squeeze %dma_start3A_444 : memref<1x1x50xi32, #tpu.memory_space<vmem>> -> memref<50xi32, #tpu.memory_space<vmem>>
        %dma_start3A_446 = arith.constant 0 : i32
        %dma_start3A_447 = arith.constant 0 : i32
        %dma_start3A_448 = tpu.memref_slice %arg2[%dma_start3A_446, %dma_start3A_447] : memref<100000x128xf32, #tpu.memory_space<hbm>> -> memref<100000x128xf32, #tpu.memory_space<hbm>>
        tpu.enqueue_indirect_dma source(%dma_start3A_448 : memref<100000x128xf32, #tpu.memory_space<hbm>>) target(%dma_start3A_442 : memref<50x128xf32, #tpu.memory_space<vmem>>) offsets(%dma_start3A_445 : memref<50xi32, #tpu.memory_space<vmem>>) semaphore(%arg14 : memref<!tpu.dma_semaphore, #tpu.memory_space<semaphore_mem>>)
        %dma_start3A_449 = arith.constant 2 : i32
        %dma_start3A_450 = arith.constant 100 : i32
        %dma_start3A_451 = arith.constant 0 : i32
        %dma_start3A_452 = tpu.memref_slice %arg10[%dma_start3A_450, %dma_start3A_451] : memref<200x128xf32, #tpu.memory_space<vmem>> -> memref<50x128xf32, #tpu.memory_space<vmem>>
        %dma_start3A_453 = arith.constant 0 : i32
        %dma_start3A_454 = tpu.memref_slice %arg6[%add3A_428, %dma_start3A_449, %dma_start3A_453] : memref<32x4x50xi32, #tpu.memory_space<vmem>> -> memref<1x1x50xi32, #tpu.memory_space<vmem>>
        %dma_start3A_455 = tpu.memref_squeeze %dma_start3A_454 : memref<1x1x50xi32, #tpu.memory_space<vmem>> -> memref<50xi32, #tpu.memory_space<vmem>>
        %dma_start3A_456 = arith.constant 0 : i32
        %dma_start3A_457 = arith.constant 0 : i32
        %dma_start3A_458 = tpu.memref_slice %arg2[%dma_start3A_456, %dma_start3A_457] : memref<100000x128xf32, #tpu.memory_space<hbm>> -> memref<100000x128xf32, #tpu.memory_space<hbm>>
        tpu.enqueue_indirect_dma source(%dma_start3A_458 : memref<100000x128xf32, #tpu.memory_space<hbm>>) target(%dma_start3A_452 : memref<50x128xf32, #tpu.memory_space<vmem>>) offsets(%dma_start3A_455 : memref<50xi32, #tpu.memory_space<vmem>>) semaphore(%arg14 : memref<!tpu.dma_semaphore, #tpu.memory_space<semaphore_mem>>)
        %dma_start3A_459 = arith.constant 3 : i32
        %dma_start3A_460 = arith.constant 150 : i32
        %dma_start3A_461 = arith.constant 0 : i32
        %dma_start3A_462 = tpu.memref_slice %arg10[%dma_start3A_460, %dma_start3A_461] : memref<200x128xf32, #tpu.memory_space<vmem>> -> memref<50x128xf32, #tpu.memory_space<vmem>>
        %dma_start3A_463 = arith.constant 0 : i32
        %dma_start3A_464 = tpu.memref_slice %arg6[%add3A_428, %dma_start3A_459, %dma_start3A_463] : memref<32x4x50xi32, #tpu.memory_space<vmem>> -> memref<1x1x50xi32, #tpu.memory_space<vmem>>
        %dma_start3A_465 = tpu.memref_squeeze %dma_start3A_464 : memref<1x1x50xi32, #tpu.memory_space<vmem>> -> memref<50xi32, #tpu.memory_space<vmem>>
        %dma_start3A_466 = arith.constant 0 : i32
        %dma_start3A_467 = arith.constant 0 : i32
        %dma_start3A_468 = tpu.memref_slice %arg2[%dma_start3A_466, %dma_start3A_467] : memref<100000x128xf32, #tpu.memory_space<hbm>> -> memref<100000x128xf32, #tpu.memory_space<hbm>>
        tpu.enqueue_indirect_dma source(%dma_start3A_468 : memref<100000x128xf32, #tpu.memory_space<hbm>>) target(%dma_start3A_462 : memref<50x128xf32, #tpu.memory_space<vmem>>) offsets(%dma_start3A_465 : memref<50xi32, #tpu.memory_space<vmem>>) semaphore(%arg14 : memref<!tpu.dma_semaphore, #tpu.memory_space<semaphore_mem>>)
      } else {
      }
      %scan3A_408 = arith.constant 0 : i32
      %scan3A_409 = arith.constant 0 : i32
      %scan3A_410 = arith.constant 50 : i32
      %scan3A_411 = arith.addi %scan3A_409, %scan3A_410 : i32
      %scan3A_412 = arith.constant 1 : i32
      %scan3A_413 = scf.for %scan3A_423 = %scan3A_409 to %scan3A_411 step %scan3A_412 iter_args(%scan3A_424 = %scan3A_408) -> (i32)  : i32 {
        %get3A = arith.index_cast %scan3A_423 : i32 to index
        %get3A_425 = arith.constant 0 : index
        %get3A_426 = tpu.vector_load %arg7[%get3A, %get3A_425] {strides = array<i32>} : memref<50x128xf32, #tpu.memory_space<vmem>>, vector<1x16xf32>,
        %get3A_427 = vector.shape_cast %get3A_426 : vector<1x16xf32> to vector<16xf32>
        %get3A_428 = arith.index_cast %scan3A_423 : i32 to index
        %get3A_429 = arith.constant 16 : index
        %get3A_430 = tpu.vector_load %arg7[%get3A_428, %get3A_429] {strides = array<i32>} : memref<50x128xf32, #tpu.memory_space<vmem>>, vector<1x16xf32>,
        %get3A_431 = vector.shape_cast %get3A_430 : vector<1x16xf32> to vector<16xf32>
        %get3A_432 = arith.index_cast %scan3A_423 : i32 to index
        %get3A_433 = arith.constant 32 : index
        %get3A_434 = tpu.vector_load %arg7[%get3A_432, %get3A_433] {strides = array<i32>} : memref<50x128xf32, #tpu.memory_space<vmem>>, vector<1x16xf32>,
        %get3A_435 = vector.shape_cast %get3A_434 : vector<1x16xf32> to vector<16xf32>
        %get3A_436 = arith.index_cast %scan3A_423 : i32 to index
        %get3A_437 = arith.constant 48 : index
        %get3A_438 = tpu.vector_load %arg7[%get3A_436, %get3A_437] {strides = array<i32>} : memref<50x128xf32, #tpu.memory_space<vmem>>, vector<1x16xf32>,
        %get3A_439 = vector.shape_cast %get3A_438 : vector<1x16xf32> to vector<16xf32>
        %get3A_440 = arith.index_cast %scan3A_423 : i32 to index
        %get3A_441 = arith.constant 64 : index
        %get3A_442 = tpu.vector_load %arg7[%get3A_440, %get3A_441] {strides = array<i32>} : memref<50x128xf32, #tpu.memory_space<vmem>>, vector<1x16xf32>,
        %get3A_443 = vector.shape_cast %get3A_442 : vector<1x16xf32> to vector<16xf32>
        %get3A_444 = arith.index_cast %scan3A_423 : i32 to index
        %get3A_445 = arith.constant 80 : index
        %get3A_446 = tpu.vector_load %arg7[%get3A_444, %get3A_445] {strides = array<i32>} : memref<50x128xf32, #tpu.memory_space<vmem>>, vector<1x16xf32>,
        %get3A_447 = vector.shape_cast %get3A_446 : vector<1x16xf32> to vector<16xf32>
        %get3A_448 = arith.index_cast %scan3A_423 : i32 to index
        %get3A_449 = arith.constant 96 : index
        %get3A_450 = tpu.vector_load %arg7[%get3A_448, %get3A_449] {strides = array<i32>} : memref<50x128xf32, #tpu.memory_space<vmem>>, vector<1x16xf32>,
        %get3A_451 = vector.shape_cast %get3A_450 : vector<1x16xf32> to vector<16xf32>
        %get3A_452 = arith.index_cast %scan3A_423 : i32 to index
        %get3A_453 = arith.constant 112 : index
        %get3A_454 = tpu.vector_load %arg7[%get3A_452, %get3A_453] {strides = array<i32>} : memref<50x128xf32, #tpu.memory_space<vmem>>, vector<1x16xf32>,
        %get3A_455 = vector.shape_cast %get3A_454 : vector<1x16xf32> to vector<16xf32>
        %add3A_456 = arith.constant 0 : i32
        %add3A_457 = arith.addi %add3A_456, %scan3A_423 : i32
        %get3A_458 = arith.index_cast %add3A_457 : i32 to index
        %get3A_459 = arith.constant 0 : index
        %get3A_460 = tpu.vector_load %arg11[%get3A_458, %get3A_459] {strides = array<i32>} : memref<200x128xf32, #tpu.memory_space<vmem>>, vector<1x16xf32>,
        %get3A_461 = vector.shape_cast %get3A_460 : vector<1x16xf32> to vector<16xf32>
        %mul3A_462 = arith.constant 11.3137083 : f32
        %mul3A_463 = vector.broadcast %mul3A_462 : f32 to vector<16xf32>
        %mul3A_464 = arith.mulf %get3A_461, %mul3A_463 : vector<16xf32>
        %add3A_465 = arith.addf %mul3A_464, %get3A_427 : vector<16xf32>
        %add3A_466 = arith.constant 0 : i32
        %add3A_467 = arith.addi %add3A_466, %scan3A_423 : i32
        %swap3A = arith.index_cast %add3A_467 : i32 to index
        %swap3A_468 = arith.constant 0 : index
        %swap3A_469 = tpu.vector_load %arg11[%swap3A, %swap3A_468] {strides = array<i32>} : memref<200x128xf32, #tpu.memory_space<vmem>>, vector<1x16xf32>,
        %swap3A_470 = vector.shape_cast %swap3A_469 : vector<1x16xf32> to vector<16xf32>
        %swap3A_471 = vector.shape_cast %add3A_465 : vector<16xf32> to vector<1x16xf32>
        tpu.vector_store %arg11[%swap3A, %swap3A_468], %swap3A_471 {strides = array<i32>} : memref<200x128xf32, #tpu.memory_space<vmem>>, vector<1x16xf32>,
        %add3A_472 = arith.constant 0 : i32
        %add3A_473 = arith.addi %add3A_472, %scan3A_423 : i32
        %get3A_474 = arith.index_cast %add3A_473 : i32 to index
        %get3A_475 = arith.constant 16 : index
        %get3A_476 = tpu.vector_load %arg11[%get3A_474, %get3A_475] {strides = array<i32>} : memref<200x128xf32, #tpu.memory_space<vmem>>, vector<1x16xf32>,
        %get3A_477 = vector.shape_cast %get3A_476 : vector<1x16xf32> to vector<16xf32>
        %mul3A_478 = arith.constant 11.3137083 : f32
        %mul3A_479 = vector.broadcast %mul3A_478 : f32 to vector<16xf32>
        %mul3A_480 = arith.mulf %get3A_477, %mul3A_479 : vector<16xf32>
        %add3A_481 = arith.addf %mul3A_480, %get3A_431 : vector<16xf32>
        %add3A_482 = arith.constant 0 : i32
        %add3A_483 = arith.addi %add3A_482, %scan3A_423 : i32
        %swap3A_484 = arith.index_cast %add3A_483 : i32 to index
        %swap3A_485 = arith.constant 16 : index
        %swap3A_486 = tpu.vector_load %arg11[%swap3A_484, %swap3A_485] {strides = array<i32>} : memref<200x128xf32, #tpu.memory_space<vmem>>, vector<1x16xf32>,
        %swap3A_487 = vector.shape_cast %swap3A_486 : vector<1x16xf32> to vector<16xf32>
        %swap3A_488 = vector.shape_cast %add3A_481 : vector<16xf32> to vector<1x16xf32>
        tpu.vector_store %arg11[%swap3A_484, %swap3A_485], %swap3A_488 {strides = array<i32>} : memref<200x128xf32, #tpu.memory_space<vmem>>, vector<1x16xf32>,
        %add3A_489 = arith.constant 0 : i32
        %add3A_490 = arith.addi %add3A_489, %scan3A_423 : i32
        %get3A_491 = arith.index_cast %add3A_490 : i32 to index
        %get3A_492 = arith.constant 32 : index
        %get3A_493 = tpu.vector_load %arg11[%get3A_491, %get3A_492] {strides = array<i32>} : memref<200x128xf32, #tpu.memory_space<vmem>>, vector<1x16xf32>,
        %get3A_494 = vector.shape_cast %get3A_493 : vector<1x16xf32> to vector<16xf32>
        %mul3A_495 = arith.constant 11.3137083 : f32
        %mul3A_496 = vector.broadcast %mul3A_495 : f32 to vector<16xf32>
        %mul3A_497 = arith.mulf %get3A_494, %mul3A_496 : vector<16xf32>
        %add3A_498 = arith.addf %mul3A_497, %get3A_435 : vector<16xf32>
        %add3A_499 = arith.constant 0 : i32
        %add3A_500 = arith.addi %add3A_499, %scan3A_423 : i32
        %swap3A_501 = arith.index_cast %add3A_500 : i32 to index
        %swap3A_502 = arith.constant 32 : index
        %swap3A_503 = tpu.vector_load %arg11[%swap3A_501, %swap3A_502] {strides = array<i32>} : memref<200x128xf32, #tpu.memory_space<vmem>>, vector<1x16xf32>,
        %swap3A_504 = vector.shape_cast %swap3A_503 : vector<1x16xf32> to vector<16xf32>
        %swap3A_505 = vector.shape_cast %add3A_498 : vector<16xf32> to vector<1x16xf32>
        tpu.vector_store %arg11[%swap3A_501, %swap3A_502], %swap3A_505 {strides = array<i32>} : memref<200x128xf32, #tpu.memory_space<vmem>>, vector<1x16xf32>,
        %add3A_506 = arith.constant 0 : i32
        %add3A_507 = arith.addi %add3A_506, %scan3A_423 : i32
        %get3A_508 = arith.index_cast %add3A_507 : i32 to index
        %get3A_509 = arith.constant 48 : index
        %get3A_510 = tpu.vector_load %arg11[%get3A_508, %get3A_509] {strides = array<i32>} : memref<200x128xf32, #tpu.memory_space<vmem>>, vector<1x16xf32>,
        %get3A_511 = vector.shape_cast %get3A_510 : vector<1x16xf32> to vector<16xf32>
        %mul3A_512 = arith.constant 11.3137083 : f32
        %mul3A_513 = vector.broadcast %mul3A_512 : f32 to vector<16xf32>
        %mul3A_514 = arith.mulf %get3A_511, %mul3A_513 : vector<16xf32>
        %add3A_515 = arith.addf %mul3A_514, %get3A_439 : vector<16xf32>
        %add3A_516 = arith.constant 0 : i32
        %add3A_517 = arith.addi %add3A_516, %scan3A_423 : i32
        %swap3A_518 = arith.index_cast %add3A_517 : i32 to index
        %swap3A_519 = arith.constant 48 : index
        %swap3A_520 = tpu.vector_load %arg11[%swap3A_518, %swap3A_519] {strides = array<i32>} : memref<200x128xf32, #tpu.memory_space<vmem>>, vector<1x16xf32>,
        %swap3A_521 = vector.shape_cast %swap3A_520 : vector<1x16xf32> to vector<16xf32>
        %swap3A_522 = vector.shape_cast %add3A_515 : vector<16xf32> to vector<1x16xf32>
        tpu.vector_store %arg11[%swap3A_518, %swap3A_519], %swap3A_522 {strides = array<i32>} : memref<200x128xf32, #tpu.memory_space<vmem>>, vector<1x16xf32>,
        %add3A_523 = arith.constant 0 : i32
        %add3A_524 = arith.addi %add3A_523, %scan3A_423 : i32
        %get3A_525 = arith.index_cast %add3A_524 : i32 to index
        %get3A_526 = arith.constant 64 : index
        %get3A_527 = tpu.vector_load %arg11[%get3A_525, %get3A_526] {strides = array<i32>} : memref<200x128xf32, #tpu.memory_space<vmem>>, vector<1x16xf32>,
        %get3A_528 = vector.shape_cast %get3A_527 : vector<1x16xf32> to vector<16xf32>
        %mul3A_529 = arith.constant 11.3137083 : f32
        %mul3A_530 = vector.broadcast %mul3A_529 : f32 to vector<16xf32>
        %mul3A_531 = arith.mulf %get3A_528, %mul3A_530 : vector<16xf32>
        %add3A_532 = arith.addf %mul3A_531, %get3A_443 : vector<16xf32>
        %add3A_533 = arith.constant 0 : i32
        %add3A_534 = arith.addi %add3A_533, %scan3A_423 : i32
        %swap3A_535 = arith.index_cast %add3A_534 : i32 to index
        %swap3A_536 = arith.constant 64 : index
        %swap3A_537 = tpu.vector_load %arg11[%swap3A_535, %swap3A_536] {strides = array<i32>} : memref<200x128xf32, #tpu.memory_space<vmem>>, vector<1x16xf32>,
        %swap3A_538 = vector.shape_cast %swap3A_537 : vector<1x16xf32> to vector<16xf32>
        %swap3A_539 = vector.shape_cast %add3A_532 : vector<16xf32> to vector<1x16xf32>
        tpu.vector_store %arg11[%swap3A_535, %swap3A_536], %swap3A_539 {strides = array<i32>} : memref<200x128xf32, #tpu.memory_space<vmem>>, vector<1x16xf32>,
        %add3A_540 = arith.constant 0 : i32
        %add3A_541 = arith.addi %add3A_540, %scan3A_423 : i32
        %get3A_542 = arith.index_cast %add3A_541 : i32 to index
        %get3A_543 = arith.constant 80 : index
        %get3A_544 = tpu.vector_load %arg11[%get3A_542, %get3A_543] {strides = array<i32>} : memref<200x128xf32, #tpu.memory_space<vmem>>, vector<1x16xf32>,
        %get3A_545 = vector.shape_cast %get3A_544 : vector<1x16xf32> to vector<16xf32>
        %mul3A_546 = arith.constant 11.3137083 : f32
        %mul3A_547 = vector.broadcast %mul3A_546 : f32 to vector<16xf32>
        %mul3A_548 = arith.mulf %get3A_545, %mul3A_547 : vector<16xf32>
        %add3A_549 = arith.addf %mul3A_548, %get3A_447 : vector<16xf32>
        %add3A_550 = arith.constant 0 : i32
        %add3A_551 = arith.addi %add3A_550, %scan3A_423 : i32
        %swap3A_552 = arith.index_cast %add3A_551 : i32 to index
        %swap3A_553 = arith.constant 80 : index
        %swap3A_554 = tpu.vector_load %arg11[%swap3A_552, %swap3A_553] {strides = array<i32>} : memref<200x128xf32, #tpu.memory_space<vmem>>, vector<1x16xf32>,
        %swap3A_555 = vector.shape_cast %swap3A_554 : vector<1x16xf32> to vector<16xf32>
        %swap3A_556 = vector.shape_cast %add3A_549 : vector<16xf32> to vector<1x16xf32>
        tpu.vector_store %arg11[%swap3A_552, %swap3A_553], %swap3A_556 {strides = array<i32>} : memref<200x128xf32, #tpu.memory_space<vmem>>, vector<1x16xf32>,
        %add3A_557 = arith.constant 0 : i32
        %add3A_558 = arith.addi %add3A_557, %scan3A_423 : i32
        %get3A_559 = arith.index_cast %add3A_558 : i32 to index
        %get3A_560 = arith.constant 96 : index
        %get3A_561 = tpu.vector_load %arg11[%get3A_559, %get3A_560] {strides = array<i32>} : memref<200x128xf32, #tpu.memory_space<vmem>>, vector<1x16xf32>,
        %get3A_562 = vector.shape_cast %get3A_561 : vector<1x16xf32> to vector<16xf32>
        %mul3A_563 = arith.constant 11.3137083 : f32
        %mul3A_564 = vector.broadcast %mul3A_563 : f32 to vector<16xf32>
        %mul3A_565 = arith.mulf %get3A_562, %mul3A_564 : vector<16xf32>
        %add3A_566 = arith.addf %mul3A_565, %get3A_451 : vector<16xf32>
        %add3A_567 = arith.constant 0 : i32
        %add3A_568 = arith.addi %add3A_567, %scan3A_423 : i32
        %swap3A_569 = arith.index_cast %add3A_568 : i32 to index
        %swap3A_570 = arith.constant 96 : index
        %swap3A_571 = tpu.vector_load %arg11[%swap3A_569, %swap3A_570] {strides = array<i32>} : memref<200x128xf32, #tpu.memory_space<vmem>>, vector<1x16xf32>,
        %swap3A_572 = vector.shape_cast %swap3A_571 : vector<1x16xf32> to vector<16xf32>
        %swap3A_573 = vector.shape_cast %add3A_566 : vector<16xf32> to vector<1x16xf32>
        tpu.vector_store %arg11[%swap3A_569, %swap3A_570], %swap3A_573 {strides = array<i32>} : memref<200x128xf32, #tpu.memory_space<vmem>>, vector<1x16xf32>,
        %add3A_574 = arith.constant 0 : i32
        %add3A_575 = arith.addi %add3A_574, %scan3A_423 : i32
        %get3A_576 = arith.index_cast %add3A_575 : i32 to index
        %get3A_577 = arith.constant 112 : index
        %get3A_578 = tpu.vector_load %arg11[%get3A_576, %get3A_577] {strides = array<i32>} : memref<200x128xf32, #tpu.memory_space<vmem>>, vector<1x16xf32>,
        %get3A_579 = vector.shape_cast %get3A_578 : vector<1x16xf32> to vector<16xf32>
        %mul3A_580 = arith.constant 11.3137083 : f32
        %mul3A_581 = vector.broadcast %mul3A_580 : f32 to vector<16xf32>
        %mul3A_582 = arith.mulf %get3A_579, %mul3A_581 : vector<16xf32>
        %add3A_583 = arith.addf %mul3A_582, %get3A_455 : vector<16xf32>
        %add3A_584 = arith.constant 0 : i32
        %add3A_585 = arith.addi %add3A_584, %scan3A_423 : i32
        %swap3A_586 = arith.index_cast %add3A_585 : i32 to index
        %swap3A_587 = arith.constant 112 : index
        %swap3A_588 = tpu.vector_load %arg11[%swap3A_586, %swap3A_587] {strides = array<i32>} : memref<200x128xf32, #tpu.memory_space<vmem>>, vector<1x16xf32>,
        %swap3A_589 = vector.shape_cast %swap3A_588 : vector<1x16xf32> to vector<16xf32>
        %swap3A_590 = vector.shape_cast %add3A_583 : vector<16xf32> to vector<1x16xf32>
        tpu.vector_store %arg11[%swap3A_586, %swap3A_587], %swap3A_590 {strides = array<i32>} : memref<200x128xf32, #tpu.memory_space<vmem>>, vector<1x16xf32>,
        %add3A_591 = arith.constant 50 : i32
        %add3A_592 = arith.addi %add3A_591, %scan3A_423 : i32
        %get3A_593 = arith.index_cast %add3A_592 : i32 to index
        %get3A_594 = arith.constant 0 : index
        %get3A_595 = tpu.vector_load %arg11[%get3A_593, %get3A_594] {strides = array<i32>} : memref<200x128xf32, #tpu.memory_space<vmem>>, vector<1x16xf32>,
        %get3A_596 = vector.shape_cast %get3A_595 : vector<1x16xf32> to vector<16xf32>
        %mul3A_597 = arith.constant 11.3137083 : f32
        %mul3A_598 = vector.broadcast %mul3A_597 : f32 to vector<16xf32>
        %mul3A_599 = arith.mulf %get3A_596, %mul3A_598 : vector<16xf32>
        %add3A_600 = arith.addf %mul3A_599, %get3A_427 : vector<16xf32>
        %add3A_601 = arith.constant 50 : i32
        %add3A_602 = arith.addi %add3A_601, %scan3A_423 : i32
        %swap3A_603 = arith.index_cast %add3A_602 : i32 to index
        %swap3A_604 = arith.constant 0 : index
        %swap3A_605 = tpu.vector_load %arg11[%swap3A_603, %swap3A_604] {strides = array<i32>} : memref<200x128xf32, #tpu.memory_space<vmem>>, vector<1x16xf32>,
        %swap3A_606 = vector.shape_cast %swap3A_605 : vector<1x16xf32> to vector<16xf32>
        %swap3A_607 = vector.shape_cast %add3A_600 : vector<16xf32> to vector<1x16xf32>
        tpu.vector_store %arg11[%swap3A_603, %swap3A_604], %swap3A_607 {strides = array<i32>} : memref<200x128xf32, #tpu.memory_space<vmem>>, vector<1x16xf32>,
        %add3A_608 = arith.constant 50 : i32
        %add3A_609 = arith.addi %add3A_608, %scan3A_423 : i32
        %get3A_610 = arith.index_cast %add3A_609 : i32 to index
        %get3A_611 = arith.constant 16 : index
        %get3A_612 = tpu.vector_load %arg11[%get3A_610, %get3A_611] {strides = array<i32>} : memref<200x128xf32, #tpu.memory_space<vmem>>, vector<1x16xf32>,
        %get3A_613 = vector.shape_cast %get3A_612 : vector<1x16xf32> to vector<16xf32>
        %mul3A_614 = arith.constant 11.3137083 : f32
        %mul3A_615 = vector.broadcast %mul3A_614 : f32 to vector<16xf32>
        %mul3A_616 = arith.mulf %get3A_613, %mul3A_615 : vector<16xf32>
        %add3A_617 = arith.addf %mul3A_616, %get3A_431 : vector<16xf32>
        %add3A_618 = arith.constant 50 : i32
        %add3A_619 = arith.addi %add3A_618, %scan3A_423 : i32
        %swap3A_620 = arith.index_cast %add3A_619 : i32 to index
        %swap3A_621 = arith.constant 16 : index
        %swap3A_622 = tpu.vector_load %arg11[%swap3A_620, %swap3A_621] {strides = array<i32>} : memref<200x128xf32, #tpu.memory_space<vmem>>, vector<1x16xf32>,
        %swap3A_623 = vector.shape_cast %swap3A_622 : vector<1x16xf32> to vector<16xf32>
        %swap3A_624 = vector.shape_cast %add3A_617 : vector<16xf32> to vector<1x16xf32>
        tpu.vector_store %arg11[%swap3A_620, %swap3A_621], %swap3A_624 {strides = array<i32>} : memref<200x128xf32, #tpu.memory_space<vmem>>, vector<1x16xf32>,
        %add3A_625 = arith.constant 50 : i32
        %add3A_626 = arith.addi %add3A_625, %scan3A_423 : i32
        %get3A_627 = arith.index_cast %add3A_626 : i32 to index
        %get3A_628 = arith.constant 32 : index
        %get3A_629 = tpu.vector_load %arg11[%get3A_627, %get3A_628] {strides = array<i32>} : memref<200x128xf32, #tpu.memory_space<vmem>>, vector<1x16xf32>,
        %get3A_630 = vector.shape_cast %get3A_629 : vector<1x16xf32> to vector<16xf32>
        %mul3A_631 = arith.constant 11.3137083 : f32
        %mul3A_632 = vector.broadcast %mul3A_631 : f32 to vector<16xf32>
        %mul3A_633 = arith.mulf %get3A_630, %mul3A_632 : vector<16xf32>
        %add3A_634 = arith.addf %mul3A_633, %get3A_435 : vector<16xf32>
        %add3A_635 = arith.constant 50 : i32
        %add3A_636 = arith.addi %add3A_635, %scan3A_423 : i32
        %swap3A_637 = arith.index_cast %add3A_636 : i32 to index
        %swap3A_638 = arith.constant 32 : index
        %swap3A_639 = tpu.vector_load %arg11[%swap3A_637, %swap3A_638] {strides = array<i32>} : memref<200x128xf32, #tpu.memory_space<vmem>>, vector<1x16xf32>,
        %swap3A_640 = vector.shape_cast %swap3A_639 : vector<1x16xf32> to vector<16xf32>
        %swap3A_641 = vector.shape_cast %add3A_634 : vector<16xf32> to vector<1x16xf32>
        tpu.vector_store %arg11[%swap3A_637, %swap3A_638], %swap3A_641 {strides = array<i32>} : memref<200x128xf32, #tpu.memory_space<vmem>>, vector<1x16xf32>,
        %add3A_642 = arith.constant 50 : i32
        %add3A_643 = arith.addi %add3A_642, %scan3A_423 : i32
        %get3A_644 = arith.index_cast %add3A_643 : i32 to index
        %get3A_645 = arith.constant 48 : index
        %get3A_646 = tpu.vector_load %arg11[%get3A_644, %get3A_645] {strides = array<i32>} : memref<200x128xf32, #tpu.memory_space<vmem>>, vector<1x16xf32>,
        %get3A_647 = vector.shape_cast %get3A_646 : vector<1x16xf32> to vector<16xf32>
        %mul3A_648 = arith.constant 11.3137083 : f32
        %mul3A_649 = vector.broadcast %mul3A_648 : f32 to vector<16xf32>
        %mul3A_650 = arith.mulf %get3A_647, %mul3A_649 : vector<16xf32>
        %add3A_651 = arith.addf %mul3A_650, %get3A_439 : vector<16xf32>
        %add3A_652 = arith.constant 50 : i32
        %add3A_653 = arith.addi %add3A_652, %scan3A_423 : i32
        %swap3A_654 = arith.index_cast %add3A_653 : i32 to index
        %swap3A_655 = arith.constant 48 : index
        %swap3A_656 = tpu.vector_load %arg11[%swap3A_654, %swap3A_655] {strides = array<i32>} : memref<200x128xf32, #tpu.memory_space<vmem>>, vector<1x16xf32>,
        %swap3A_657 = vector.shape_cast %swap3A_656 : vector<1x16xf32> to vector<16xf32>
        %swap3A_658 = vector.shape_cast %add3A_651 : vector<16xf32> to vector<1x16xf32>
        tpu.vector_store %arg11[%swap3A_654, %swap3A_655], %swap3A_658 {strides = array<i32>} : memref<200x128xf32, #tpu.memory_space<vmem>>, vector<1x16xf32>,
        %add3A_659 = arith.constant 50 : i32
        %add3A_660 = arith.addi %add3A_659, %scan3A_423 : i32
        %get3A_661 = arith.index_cast %add3A_660 : i32 to index
        %get3A_662 = arith.constant 64 : index
        %get3A_663 = tpu.vector_load %arg11[%get3A_661, %get3A_662] {strides = array<i32>} : memref<200x128xf32, #tpu.memory_space<vmem>>, vector<1x16xf32>,
        %get3A_664 = vector.shape_cast %get3A_663 : vector<1x16xf32> to vector<16xf32>
        %mul3A_665 = arith.constant 11.3137083 : f32
        %mul3A_666 = vector.broadcast %mul3A_665 : f32 to vector<16xf32>
        %mul3A_667 = arith.mulf %get3A_664, %mul3A_666 : vector<16xf32>
        %add3A_668 = arith.addf %mul3A_667, %get3A_443 : vector<16xf32>
        %add3A_669 = arith.constant 50 : i32
        %add3A_670 = arith.addi %add3A_669, %scan3A_423 : i32
        %swap3A_671 = arith.index_cast %add3A_670 : i32 to index
        %swap3A_672 = arith.constant 64 : index
        %swap3A_673 = tpu.vector_load %arg11[%swap3A_671, %swap3A_672] {strides = array<i32>} : memref<200x128xf32, #tpu.memory_space<vmem>>, vector<1x16xf32>,
        %swap3A_674 = vector.shape_cast %swap3A_673 : vector<1x16xf32> to vector<16xf32>
        %swap3A_675 = vector.shape_cast %add3A_668 : vector<16xf32> to vector<1x16xf32>
        tpu.vector_store %arg11[%swap3A_671, %swap3A_672], %swap3A_675 {strides = array<i32>} : memref<200x128xf32, #tpu.memory_space<vmem>>, vector<1x16xf32>,
        %add3A_676 = arith.constant 50 : i32
        %add3A_677 = arith.addi %add3A_676, %scan3A_423 : i32
        %get3A_678 = arith.index_cast %add3A_677 : i32 to index
        %get3A_679 = arith.constant 80 : index
        %get3A_680 = tpu.vector_load %arg11[%get3A_678, %get3A_679] {strides = array<i32>} : memref<200x128xf32, #tpu.memory_space<vmem>>, vector<1x16xf32>,
        %get3A_681 = vector.shape_cast %get3A_680 : vector<1x16xf32> to vector<16xf32>
        %mul3A_682 = arith.constant 11.3137083 : f32
        %mul3A_683 = vector.broadcast %mul3A_682 : f32 to vector<16xf32>
        %mul3A_684 = arith.mulf %get3A_681, %mul3A_683 : vector<16xf32>
        %add3A_685 = arith.addf %mul3A_684, %get3A_447 : vector<16xf32>
        %add3A_686 = arith.constant 50 : i32
        %add3A_687 = arith.addi %add3A_686, %scan3A_423 : i32
        %swap3A_688 = arith.index_cast %add3A_687 : i32 to index
        %swap3A_689 = arith.constant 80 : index
        %swap3A_690 = tpu.vector_load %arg11[%swap3A_688, %swap3A_689] {strides = array<i32>} : memref<200x128xf32, #tpu.memory_space<vmem>>, vector<1x16xf32>,
        %swap3A_691 = vector.shape_cast %swap3A_690 : vector<1x16xf32> to vector<16xf32>
        %swap3A_692 = vector.shape_cast %add3A_685 : vector<16xf32> to vector<1x16xf32>
        tpu.vector_store %arg11[%swap3A_688, %swap3A_689], %swap3A_692 {strides = array<i32>} : memref<200x128xf32, #tpu.memory_space<vmem>>, vector<1x16xf32>,
        %add3A_693 = arith.constant 50 : i32
        %add3A_694 = arith.addi %add3A_693, %scan3A_423 : i32
        %get3A_695 = arith.index_cast %add3A_694 : i32 to index
        %get3A_696 = arith.constant 96 : index
        %get3A_697 = tpu.vector_load %arg11[%get3A_695, %get3A_696] {strides = array<i32>} : memref<200x128xf32, #tpu.memory_space<vmem>>, vector<1x16xf32>,
        %get3A_698 = vector.shape_cast %get3A_697 : vector<1x16xf32> to vector<16xf32>
        %mul3A_699 = arith.constant 11.3137083 : f32
        %mul3A_700 = vector.broadcast %mul3A_699 : f32 to vector<16xf32>
        %mul3A_701 = arith.mulf %get3A_698, %mul3A_700 : vector<16xf32>
        %add3A_702 = arith.addf %mul3A_701, %get3A_451 : vector<16xf32>
        %add3A_703 = arith.constant 50 : i32
        %add3A_704 = arith.addi %add3A_703, %scan3A_423 : i32
        %swap3A_705 = arith.index_cast %add3A_704 : i32 to index
        %swap3A_706 = arith.constant 96 : index
        %swap3A_707 = tpu.vector_load %arg11[%swap3A_705, %swap3A_706] {strides = array<i32>} : memref<200x128xf32, #tpu.memory_space<vmem>>, vector<1x16xf32>,
        %swap3A_708 = vector.shape_cast %swap3A_707 : vector<1x16xf32> to vector<16xf32>
        %swap3A_709 = vector.shape_cast %add3A_702 : vector<16xf32> to vector<1x16xf32>
        tpu.vector_store %arg11[%swap3A_705, %swap3A_706], %swap3A_709 {strides = array<i32>} : memref<200x128xf32, #tpu.memory_space<vmem>>, vector<1x16xf32>,
        %add3A_710 = arith.constant 50 : i32
        %add3A_711 = arith.addi %add3A_710, %scan3A_423 : i32
        %get3A_712 = arith.index_cast %add3A_711 : i32 to index
        %get3A_713 = arith.constant 112 : index
        %get3A_714 = tpu.vector_load %arg11[%get3A_712, %get3A_713] {strides = array<i32>} : memref<200x128xf32, #tpu.memory_space<vmem>>, vector<1x16xf32>,
        %get3A_715 = vector.shape_cast %get3A_714 : vector<1x16xf32> to vector<16xf32>
        %mul3A_716 = arith.constant 11.3137083 : f32
        %mul3A_717 = vector.broadcast %mul3A_716 : f32 to vector<16xf32>
        %mul3A_718 = arith.mulf %get3A_715, %mul3A_717 : vector<16xf32>
        %add3A_719 = arith.addf %mul3A_718, %get3A_455 : vector<16xf32>
        %add3A_720 = arith.constant 50 : i32
        %add3A_721 = arith.addi %add3A_720, %scan3A_423 : i32
        %swap3A_722 = arith.index_cast %add3A_721 : i32 to index
        %swap3A_723 = arith.constant 112 : index
        %swap3A_724 = tpu.vector_load %arg11[%swap3A_722, %swap3A_723] {strides = array<i32>} : memref<200x128xf32, #tpu.memory_space<vmem>>, vector<1x16xf32>,
        %swap3A_725 = vector.shape_cast %swap3A_724 : vector<1x16xf32> to vector<16xf32>
        %swap3A_726 = vector.shape_cast %add3A_719 : vector<16xf32> to vector<1x16xf32>
        tpu.vector_store %arg11[%swap3A_722, %swap3A_723], %swap3A_726 {strides = array<i32>} : memref<200x128xf32, #tpu.memory_space<vmem>>, vector<1x16xf32>,
        %add3A_727 = arith.constant 100 : i32
        %add3A_728 = arith.addi %add3A_727, %scan3A_423 : i32
        %get3A_729 = arith.index_cast %add3A_728 : i32 to index
        %get3A_730 = arith.constant 0 : index
        %get3A_731 = tpu.vector_load %arg11[%get3A_729, %get3A_730] {strides = array<i32>} : memref<200x128xf32, #tpu.memory_space<vmem>>, vector<1x16xf32>,
        %get3A_732 = vector.shape_cast %get3A_731 : vector<1x16xf32> to vector<16xf32>
        %mul3A_733 = arith.constant 11.3137083 : f32
        %mul3A_734 = vector.broadcast %mul3A_733 : f32 to vector<16xf32>
        %mul3A_735 = arith.mulf %get3A_732, %mul3A_734 : vector<16xf32>
        %add3A_736 = arith.addf %mul3A_735, %get3A_427 : vector<16xf32>
        %add3A_737 = arith.constant 100 : i32
        %add3A_738 = arith.addi %add3A_737, %scan3A_423 : i32
        %swap3A_739 = arith.index_cast %add3A_738 : i32 to index
        %swap3A_740 = arith.constant 0 : index
        %swap3A_741 = tpu.vector_load %arg11[%swap3A_739, %swap3A_740] {strides = array<i32>} : memref<200x128xf32, #tpu.memory_space<vmem>>, vector<1x16xf32>,
        %swap3A_742 = vector.shape_cast %swap3A_741 : vector<1x16xf32> to vector<16xf32>
        %swap3A_743 = vector.shape_cast %add3A_736 : vector<16xf32> to vector<1x16xf32>
        tpu.vector_store %arg11[%swap3A_739, %swap3A_740], %swap3A_743 {strides = array<i32>} : memref<200x128xf32, #tpu.memory_space<vmem>>, vector<1x16xf32>,
        %add3A_744 = arith.constant 100 : i32
        %add3A_745 = arith.addi %add3A_744, %scan3A_423 : i32
        %get3A_746 = arith.index_cast %add3A_745 : i32 to index
        %get3A_747 = arith.constant 16 : index
        %get3A_748 = tpu.vector_load %arg11[%get3A_746, %get3A_747] {strides = array<i32>} : memref<200x128xf32, #tpu.memory_space<vmem>>, vector<1x16xf32>,
        %get3A_749 = vector.shape_cast %get3A_748 : vector<1x16xf32> to vector<16xf32>
        %mul3A_750 = arith.constant 11.3137083 : f32
        %mul3A_751 = vector.broadcast %mul3A_750 : f32 to vector<16xf32>
        %mul3A_752 = arith.mulf %get3A_749, %mul3A_751 : vector<16xf32>
        %add3A_753 = arith.addf %mul3A_752, %get3A_431 : vector<16xf32>
        %add3A_754 = arith.constant 100 : i32
        %add3A_755 = arith.addi %add3A_754, %scan3A_423 : i32
        %swap3A_756 = arith.index_cast %add3A_755 : i32 to index
        %swap3A_757 = arith.constant 16 : index
        %swap3A_758 = tpu.vector_load %arg11[%swap3A_756, %swap3A_757] {strides = array<i32>} : memref<200x128xf32, #tpu.memory_space<vmem>>, vector<1x16xf32>,
        %swap3A_759 = vector.shape_cast %swap3A_758 : vector<1x16xf32> to vector<16xf32>
        %swap3A_760 = vector.shape_cast %add3A_753 : vector<16xf32> to vector<1x16xf32>
        tpu.vector_store %arg11[%swap3A_756, %swap3A_757], %swap3A_760 {strides = array<i32>} : memref<200x128xf32, #tpu.memory_space<vmem>>, vector<1x16xf32>,
        %add3A_761 = arith.constant 100 : i32
        %add3A_762 = arith.addi %add3A_761, %scan3A_423 : i32
        %get3A_763 = arith.index_cast %add3A_762 : i32 to index
        %get3A_764 = arith.constant 32 : index
        %get3A_765 = tpu.vector_load %arg11[%get3A_763, %get3A_764] {strides = array<i32>} : memref<200x128xf32, #tpu.memory_space<vmem>>, vector<1x16xf32>,
        %get3A_766 = vector.shape_cast %get3A_765 : vector<1x16xf32> to vector<16xf32>
        %mul3A_767 = arith.constant 11.3137083 : f32
        %mul3A_768 = vector.broadcast %mul3A_767 : f32 to vector<16xf32>
        %mul3A_769 = arith.mulf %get3A_766, %mul3A_768 : vector<16xf32>
        %add3A_770 = arith.addf %mul3A_769, %get3A_435 : vector<16xf32>
        %add3A_771 = arith.constant 100 : i32
        %add3A_772 = arith.addi %add3A_771, %scan3A_423 : i32
        %swap3A_773 = arith.index_cast %add3A_772 : i32 to index
        %swap3A_774 = arith.constant 32 : index
        %swap3A_775 = tpu.vector_load %arg11[%swap3A_773, %swap3A_774] {strides = array<i32>} : memref<200x128xf32, #tpu.memory_space<vmem>>, vector<1x16xf32>,
        %swap3A_776 = vector.shape_cast %swap3A_775 : vector<1x16xf32> to vector<16xf32>
        %swap3A_777 = vector.shape_cast %add3A_770 : vector<16xf32> to vector<1x16xf32>
        tpu.vector_store %arg11[%swap3A_773, %swap3A_774], %swap3A_777 {strides = array<i32>} : memref<200x128xf32, #tpu.memory_space<vmem>>, vector<1x16xf32>,
        %add3A_778 = arith.constant 100 : i32
        %add3A_779 = arith.addi %add3A_778, %scan3A_423 : i32
        %get3A_780 = arith.index_cast %add3A_779 : i32 to index
        %get3A_781 = arith.constant 48 : index
        %get3A_782 = tpu.vector_load %arg11[%get3A_780, %get3A_781] {strides = array<i32>} : memref<200x128xf32, #tpu.memory_space<vmem>>, vector<1x16xf32>,
        %get3A_783 = vector.shape_cast %get3A_782 : vector<1x16xf32> to vector<16xf32>
        %mul3A_784 = arith.constant 11.3137083 : f32
        %mul3A_785 = vector.broadcast %mul3A_784 : f32 to vector<16xf32>
        %mul3A_786 = arith.mulf %get3A_783, %mul3A_785 : vector<16xf32>
        %add3A_787 = arith.addf %mul3A_786, %get3A_439 : vector<16xf32>
        %add3A_788 = arith.constant 100 : i32
        %add3A_789 = arith.addi %add3A_788, %scan3A_423 : i32
        %swap3A_790 = arith.index_cast %add3A_789 : i32 to index
        %swap3A_791 = arith.constant 48 : index
        %swap3A_792 = tpu.vector_load %arg11[%swap3A_790, %swap3A_791] {strides = array<i32>} : memref<200x128xf32, #tpu.memory_space<vmem>>, vector<1x16xf32>,
        %swap3A_793 = vector.shape_cast %swap3A_792 : vector<1x16xf32> to vector<16xf32>
        %swap3A_794 = vector.shape_cast %add3A_787 : vector<16xf32> to vector<1x16xf32>
        tpu.vector_store %arg11[%swap3A_790, %swap3A_791], %swap3A_794 {strides = array<i32>} : memref<200x128xf32, #tpu.memory_space<vmem>>, vector<1x16xf32>,
        %add3A_795 = arith.constant 100 : i32
        %add3A_796 = arith.addi %add3A_795, %scan3A_423 : i32
        %get3A_797 = arith.index_cast %add3A_796 : i32 to index
        %get3A_798 = arith.constant 64 : index
        %get3A_799 = tpu.vector_load %arg11[%get3A_797, %get3A_798] {strides = array<i32>} : memref<200x128xf32, #tpu.memory_space<vmem>>, vector<1x16xf32>,
        %get3A_800 = vector.shape_cast %get3A_799 : vector<1x16xf32> to vector<16xf32>
        %mul3A_801 = arith.constant 11.3137083 : f32
        %mul3A_802 = vector.broadcast %mul3A_801 : f32 to vector<16xf32>
        %mul3A_803 = arith.mulf %get3A_800, %mul3A_802 : vector<16xf32>
        %add3A_804 = arith.addf %mul3A_803, %get3A_443 : vector<16xf32>
        %add3A_805 = arith.constant 100 : i32
        %add3A_806 = arith.addi %add3A_805, %scan3A_423 : i32
        %swap3A_807 = arith.index_cast %add3A_806 : i32 to index
        %swap3A_808 = arith.constant 64 : index
        %swap3A_809 = tpu.vector_load %arg11[%swap3A_807, %swap3A_808] {strides = array<i32>} : memref<200x128xf32, #tpu.memory_space<vmem>>, vector<1x16xf32>,
        %swap3A_810 = vector.shape_cast %swap3A_809 : vector<1x16xf32> to vector<16xf32>
        %swap3A_811 = vector.shape_cast %add3A_804 : vector<16xf32> to vector<1x16xf32>
        tpu.vector_store %arg11[%swap3A_807, %swap3A_808], %swap3A_811 {strides = array<i32>} : memref<200x128xf32, #tpu.memory_space<vmem>>, vector<1x16xf32>,
        %add3A_812 = arith.constant 100 : i32
        %add3A_813 = arith.addi %add3A_812, %scan3A_423 : i32
        %get3A_814 = arith.index_cast %add3A_813 : i32 to index
        %get3A_815 = arith.constant 80 : index
        %get3A_816 = tpu.vector_load %arg11[%get3A_814, %get3A_815] {strides = array<i32>} : memref<200x128xf32, #tpu.memory_space<vmem>>, vector<1x16xf32>,
        %get3A_817 = vector.shape_cast %get3A_816 : vector<1x16xf32> to vector<16xf32>
        %mul3A_818 = arith.constant 11.3137083 : f32
        %mul3A_819 = vector.broadcast %mul3A_818 : f32 to vector<16xf32>
        %mul3A_820 = arith.mulf %get3A_817, %mul3A_819 : vector<16xf32>
        %add3A_821 = arith.addf %mul3A_820, %get3A_447 : vector<16xf32>
        %add3A_822 = arith.constant 100 : i32
        %add3A_823 = arith.addi %add3A_822, %scan3A_423 : i32
        %swap3A_824 = arith.index_cast %add3A_823 : i32 to index
        %swap3A_825 = arith.constant 80 : index
        %swap3A_826 = tpu.vector_load %arg11[%swap3A_824, %swap3A_825] {strides = array<i32>} : memref<200x128xf32, #tpu.memory_space<vmem>>, vector<1x16xf32>,
        %swap3A_827 = vector.shape_cast %swap3A_826 : vector<1x16xf32> to vector<16xf32>
        %swap3A_828 = vector.shape_cast %add3A_821 : vector<16xf32> to vector<1x16xf32>
        tpu.vector_store %arg11[%swap3A_824, %swap3A_825], %swap3A_828 {strides = array<i32>} : memref<200x128xf32, #tpu.memory_space<vmem>>, vector<1x16xf32>,
        %add3A_829 = arith.constant 100 : i32
        %add3A_830 = arith.addi %add3A_829, %scan3A_423 : i32
        %get3A_831 = arith.index_cast %add3A_830 : i32 to index
        %get3A_832 = arith.constant 96 : index
        %get3A_833 = tpu.vector_load %arg11[%get3A_831, %get3A_832] {strides = array<i32>} : memref<200x128xf32, #tpu.memory_space<vmem>>, vector<1x16xf32>,
        %get3A_834 = vector.shape_cast %get3A_833 : vector<1x16xf32> to vector<16xf32>
        %mul3A_835 = arith.constant 11.3137083 : f32
        %mul3A_836 = vector.broadcast %mul3A_835 : f32 to vector<16xf32>
        %mul3A_837 = arith.mulf %get3A_834, %mul3A_836 : vector<16xf32>
        %add3A_838 = arith.addf %mul3A_837, %get3A_451 : vector<16xf32>
        %add3A_839 = arith.constant 100 : i32
        %add3A_840 = arith.addi %add3A_839, %scan3A_423 : i32
        %swap3A_841 = arith.index_cast %add3A_840 : i32 to index
        %swap3A_842 = arith.constant 96 : index
        %swap3A_843 = tpu.vector_load %arg11[%swap3A_841, %swap3A_842] {strides = array<i32>} : memref<200x128xf32, #tpu.memory_space<vmem>>, vector<1x16xf32>,
        %swap3A_844 = vector.shape_cast %swap3A_843 : vector<1x16xf32> to vector<16xf32>
        %swap3A_845 = vector.shape_cast %add3A_838 : vector<16xf32> to vector<1x16xf32>
        tpu.vector_store %arg11[%swap3A_841, %swap3A_842], %swap3A_845 {strides = array<i32>} : memref<200x128xf32, #tpu.memory_space<vmem>>, vector<1x16xf32>,
        %add3A_846 = arith.constant 100 : i32
        %add3A_847 = arith.addi %add3A_846, %scan3A_423 : i32
        %get3A_848 = arith.index_cast %add3A_847 : i32 to index
        %get3A_849 = arith.constant 112 : index
        %get3A_850 = tpu.vector_load %arg11[%get3A_848, %get3A_849] {strides = array<i32>} : memref<200x128xf32, #tpu.memory_space<vmem>>, vector<1x16xf32>,
        %get3A_851 = vector.shape_cast %get3A_850 : vector<1x16xf32> to vector<16xf32>
        %mul3A_852 = arith.constant 11.3137083 : f32
        %mul3A_853 = vector.broadcast %mul3A_852 : f32 to vector<16xf32>
        %mul3A_854 = arith.mulf %get3A_851, %mul3A_853 : vector<16xf32>
        %add3A_855 = arith.addf %mul3A_854, %get3A_455 : vector<16xf32>
        %add3A_856 = arith.constant 100 : i32
        %add3A_857 = arith.addi %add3A_856, %scan3A_423 : i32
        %swap3A_858 = arith.index_cast %add3A_857 : i32 to index
        %swap3A_859 = arith.constant 112 : index
        %swap3A_860 = tpu.vector_load %arg11[%swap3A_858, %swap3A_859] {strides = array<i32>} : memref<200x128xf32, #tpu.memory_space<vmem>>, vector<1x16xf32>,
        %swap3A_861 = vector.shape_cast %swap3A_860 : vector<1x16xf32> to vector<16xf32>
        %swap3A_862 = vector.shape_cast %add3A_855 : vector<16xf32> to vector<1x16xf32>
        tpu.vector_store %arg11[%swap3A_858, %swap3A_859], %swap3A_862 {strides = array<i32>} : memref<200x128xf32, #tpu.memory_space<vmem>>, vector<1x16xf32>,
        %add3A_863 = arith.constant 150 : i32
        %add3A_864 = arith.addi %add3A_863, %scan3A_423 : i32
        %get3A_865 = arith.index_cast %add3A_864 : i32 to index
        %get3A_866 = arith.constant 0 : index
        %get3A_867 = tpu.vector_load %arg11[%get3A_865, %get3A_866] {strides = array<i32>} : memref<200x128xf32, #tpu.memory_space<vmem>>, vector<1x16xf32>,
        %get3A_868 = vector.shape_cast %get3A_867 : vector<1x16xf32> to vector<16xf32>
        %mul3A_869 = arith.constant 11.3137083 : f32
        %mul3A_870 = vector.broadcast %mul3A_869 : f32 to vector<16xf32>
        %mul3A_871 = arith.mulf %get3A_868, %mul3A_870 : vector<16xf32>
        %add3A_872 = arith.addf %mul3A_871, %get3A_427 : vector<16xf32>
        %add3A_873 = arith.constant 150 : i32
        %add3A_874 = arith.addi %add3A_873, %scan3A_423 : i32
        %swap3A_875 = arith.index_cast %add3A_874 : i32 to index
        %swap3A_876 = arith.constant 0 : index
        %swap3A_877 = tpu.vector_load %arg11[%swap3A_875, %swap3A_876] {strides = array<i32>} : memref<200x128xf32, #tpu.memory_space<vmem>>, vector<1x16xf32>,
        %swap3A_878 = vector.shape_cast %swap3A_877 : vector<1x16xf32> to vector<16xf32>
        %swap3A_879 = vector.shape_cast %add3A_872 : vector<16xf32> to vector<1x16xf32>
        tpu.vector_store %arg11[%swap3A_875, %swap3A_876], %swap3A_879 {strides = array<i32>} : memref<200x128xf32, #tpu.memory_space<vmem>>, vector<1x16xf32>,
        %add3A_880 = arith.constant 150 : i32
        %add3A_881 = arith.addi %add3A_880, %scan3A_423 : i32
        %get3A_882 = arith.index_cast %add3A_881 : i32 to index
        %get3A_883 = arith.constant 16 : index
        %get3A_884 = tpu.vector_load %arg11[%get3A_882, %get3A_883] {strides = array<i32>} : memref<200x128xf32, #tpu.memory_space<vmem>>, vector<1x16xf32>,
        %get3A_885 = vector.shape_cast %get3A_884 : vector<1x16xf32> to vector<16xf32>
        %mul3A_886 = arith.constant 11.3137083 : f32
        %mul3A_887 = vector.broadcast %mul3A_886 : f32 to vector<16xf32>
        %mul3A_888 = arith.mulf %get3A_885, %mul3A_887 : vector<16xf32>
        %add3A_889 = arith.addf %mul3A_888, %get3A_431 : vector<16xf32>
        %add3A_890 = arith.constant 150 : i32
        %add3A_891 = arith.addi %add3A_890, %scan3A_423 : i32
        %swap3A_892 = arith.index_cast %add3A_891 : i32 to index
        %swap3A_893 = arith.constant 16 : index
        %swap3A_894 = tpu.vector_load %arg11[%swap3A_892, %swap3A_893] {strides = array<i32>} : memref<200x128xf32, #tpu.memory_space<vmem>>, vector<1x16xf32>,
        %swap3A_895 = vector.shape_cast %swap3A_894 : vector<1x16xf32> to vector<16xf32>
        %swap3A_896 = vector.shape_cast %add3A_889 : vector<16xf32> to vector<1x16xf32>
        tpu.vector_store %arg11[%swap3A_892, %swap3A_893], %swap3A_896 {strides = array<i32>} : memref<200x128xf32, #tpu.memory_space<vmem>>, vector<1x16xf32>,
        %add3A_897 = arith.constant 150 : i32
        %add3A_898 = arith.addi %add3A_897, %scan3A_423 : i32
        %get3A_899 = arith.index_cast %add3A_898 : i32 to index
        %get3A_900 = arith.constant 32 : index
        %get3A_901 = tpu.vector_load %arg11[%get3A_899, %get3A_900] {strides = array<i32>} : memref<200x128xf32, #tpu.memory_space<vmem>>, vector<1x16xf32>,
        %get3A_902 = vector.shape_cast %get3A_901 : vector<1x16xf32> to vector<16xf32>
        %mul3A_903 = arith.constant 11.3137083 : f32
        %mul3A_904 = vector.broadcast %mul3A_903 : f32 to vector<16xf32>
        %mul3A_905 = arith.mulf %get3A_902, %mul3A_904 : vector<16xf32>
        %add3A_906 = arith.addf %mul3A_905, %get3A_435 : vector<16xf32>
        %add3A_907 = arith.constant 150 : i32
        %add3A_908 = arith.addi %add3A_907, %scan3A_423 : i32
        %swap3A_909 = arith.index_cast %add3A_908 : i32 to index
        %swap3A_910 = arith.constant 32 : index
        %swap3A_911 = tpu.vector_load %arg11[%swap3A_909, %swap3A_910] {strides = array<i32>} : memref<200x128xf32, #tpu.memory_space<vmem>>, vector<1x16xf32>,
        %swap3A_912 = vector.shape_cast %swap3A_911 : vector<1x16xf32> to vector<16xf32>
        %swap3A_913 = vector.shape_cast %add3A_906 : vector<16xf32> to vector<1x16xf32>
        tpu.vector_store %arg11[%swap3A_909, %swap3A_910], %swap3A_913 {strides = array<i32>} : memref<200x128xf32, #tpu.memory_space<vmem>>, vector<1x16xf32>,
        %add3A_914 = arith.constant 150 : i32
        %add3A_915 = arith.addi %add3A_914, %scan3A_423 : i32
        %get3A_916 = arith.index_cast %add3A_915 : i32 to index
        %get3A_917 = arith.constant 48 : index
        %get3A_918 = tpu.vector_load %arg11[%get3A_916, %get3A_917] {strides = array<i32>} : memref<200x128xf32, #tpu.memory_space<vmem>>, vector<1x16xf32>,
        %get3A_919 = vector.shape_cast %get3A_918 : vector<1x16xf32> to vector<16xf32>
        %mul3A_920 = arith.constant 11.3137083 : f32
        %mul3A_921 = vector.broadcast %mul3A_920 : f32 to vector<16xf32>
        %mul3A_922 = arith.mulf %get3A_919, %mul3A_921 : vector<16xf32>
        %add3A_923 = arith.addf %mul3A_922, %get3A_439 : vector<16xf32>
        %add3A_924 = arith.constant 150 : i32
        %add3A_925 = arith.addi %add3A_924, %scan3A_423 : i32
        %swap3A_926 = arith.index_cast %add3A_925 : i32 to index
        %swap3A_927 = arith.constant 48 : index
        %swap3A_928 = tpu.vector_load %arg11[%swap3A_926, %swap3A_927] {strides = array<i32>} : memref<200x128xf32, #tpu.memory_space<vmem>>, vector<1x16xf32>,
        %swap3A_929 = vector.shape_cast %swap3A_928 : vector<1x16xf32> to vector<16xf32>
        %swap3A_930 = vector.shape_cast %add3A_923 : vector<16xf32> to vector<1x16xf32>
        tpu.vector_store %arg11[%swap3A_926, %swap3A_927], %swap3A_930 {strides = array<i32>} : memref<200x128xf32, #tpu.memory_space<vmem>>, vector<1x16xf32>,
        %add3A_931 = arith.constant 150 : i32
        %add3A_932 = arith.addi %add3A_931, %scan3A_423 : i32
        %get3A_933 = arith.index_cast %add3A_932 : i32 to index
        %get3A_934 = arith.constant 64 : index
        %get3A_935 = tpu.vector_load %arg11[%get3A_933, %get3A_934] {strides = array<i32>} : memref<200x128xf32, #tpu.memory_space<vmem>>, vector<1x16xf32>,
        %get3A_936 = vector.shape_cast %get3A_935 : vector<1x16xf32> to vector<16xf32>
        %mul3A_937 = arith.constant 11.3137083 : f32
        %mul3A_938 = vector.broadcast %mul3A_937 : f32 to vector<16xf32>
        %mul3A_939 = arith.mulf %get3A_936, %mul3A_938 : vector<16xf32>
        %add3A_940 = arith.addf %mul3A_939, %get3A_443 : vector<16xf32>
        %add3A_941 = arith.constant 150 : i32
        %add3A_942 = arith.addi %add3A_941, %scan3A_423 : i32
        %swap3A_943 = arith.index_cast %add3A_942 : i32 to index
        %swap3A_944 = arith.constant 64 : index
        %swap3A_945 = tpu.vector_load %arg11[%swap3A_943, %swap3A_944] {strides = array<i32>} : memref<200x128xf32, #tpu.memory_space<vmem>>, vector<1x16xf32>,
        %swap3A_946 = vector.shape_cast %swap3A_945 : vector<1x16xf32> to vector<16xf32>
        %swap3A_947 = vector.shape_cast %add3A_940 : vector<16xf32> to vector<1x16xf32>
        tpu.vector_store %arg11[%swap3A_943, %swap3A_944], %swap3A_947 {strides = array<i32>} : memref<200x128xf32, #tpu.memory_space<vmem>>, vector<1x16xf32>,
        %add3A_948 = arith.constant 150 : i32
        %add3A_949 = arith.addi %add3A_948, %scan3A_423 : i32
        %get3A_950 = arith.index_cast %add3A_949 : i32 to index
        %get3A_951 = arith.constant 80 : index
        %get3A_952 = tpu.vector_load %arg11[%get3A_950, %get3A_951] {strides = array<i32>} : memref<200x128xf32, #tpu.memory_space<vmem>>, vector<1x16xf32>,
        %get3A_953 = vector.shape_cast %get3A_952 : vector<1x16xf32> to vector<16xf32>
        %mul3A_954 = arith.constant 11.3137083 : f32
        %mul3A_955 = vector.broadcast %mul3A_954 : f32 to vector<16xf32>
        %mul3A_956 = arith.mulf %get3A_953, %mul3A_955 : vector<16xf32>
        %add3A_957 = arith.addf %mul3A_956, %get3A_447 : vector<16xf32>
        %add3A_958 = arith.constant 150 : i32
        %add3A_959 = arith.addi %add3A_958, %scan3A_423 : i32
        %swap3A_960 = arith.index_cast %add3A_959 : i32 to index
        %swap3A_961 = arith.constant 80 : index
        %swap3A_962 = tpu.vector_load %arg11[%swap3A_960, %swap3A_961] {strides = array<i32>} : memref<200x128xf32, #tpu.memory_space<vmem>>, vector<1x16xf32>,
        %swap3A_963 = vector.shape_cast %swap3A_962 : vector<1x16xf32> to vector<16xf32>
        %swap3A_964 = vector.shape_cast %add3A_957 : vector<16xf32> to vector<1x16xf32>
        tpu.vector_store %arg11[%swap3A_960, %swap3A_961], %swap3A_964 {strides = array<i32>} : memref<200x128xf32, #tpu.memory_space<vmem>>, vector<1x16xf32>,
        %add3A_965 = arith.constant 150 : i32
        %add3A_966 = arith.addi %add3A_965, %scan3A_423 : i32
        %get3A_967 = arith.index_cast %add3A_966 : i32 to index
        %get3A_968 = arith.constant 96 : index
        %get3A_969 = tpu.vector_load %arg11[%get3A_967, %get3A_968] {strides = array<i32>} : memref<200x128xf32, #tpu.memory_space<vmem>>, vector<1x16xf32>,
        %get3A_970 = vector.shape_cast %get3A_969 : vector<1x16xf32> to vector<16xf32>
        %mul3A_971 = arith.constant 11.3137083 : f32
        %mul3A_972 = vector.broadcast %mul3A_971 : f32 to vector<16xf32>
        %mul3A_973 = arith.mulf %get3A_970, %mul3A_972 : vector<16xf32>
        %add3A_974 = arith.addf %mul3A_973, %get3A_451 : vector<16xf32>
        %add3A_975 = arith.constant 150 : i32
        %add3A_976 = arith.addi %add3A_975, %scan3A_423 : i32
        %swap3A_977 = arith.index_cast %add3A_976 : i32 to index
        %swap3A_978 = arith.constant 96 : index
        %swap3A_979 = tpu.vector_load %arg11[%swap3A_977, %swap3A_978] {strides = array<i32>} : memref<200x128xf32, #tpu.memory_space<vmem>>, vector<1x16xf32>,
        %swap3A_980 = vector.shape_cast %swap3A_979 : vector<1x16xf32> to vector<16xf32>
        %swap3A_981 = vector.shape_cast %add3A_974 : vector<16xf32> to vector<1x16xf32>
        tpu.vector_store %arg11[%swap3A_977, %swap3A_978], %swap3A_981 {strides = array<i32>} : memref<200x128xf32, #tpu.memory_space<vmem>>, vector<1x16xf32>,
        %add3A_982 = arith.constant 150 : i32
        %add3A_983 = arith.addi %add3A_982, %scan3A_423 : i32
        %get3A_984 = arith.index_cast %add3A_983 : i32 to index
        %get3A_985 = arith.constant 112 : index
        %get3A_986 = tpu.vector_load %arg11[%get3A_984, %get3A_985] {strides = array<i32>} : memref<200x128xf32, #tpu.memory_space<vmem>>, vector<1x16xf32>,
        %get3A_987 = vector.shape_cast %get3A_986 : vector<1x16xf32> to vector<16xf32>
        %mul3A_988 = arith.constant 11.3137083 : f32
        %mul3A_989 = vector.broadcast %mul3A_988 : f32 to vector<16xf32>
        %mul3A_990 = arith.mulf %get3A_987, %mul3A_989 : vector<16xf32>
        %add3A_991 = arith.addf %mul3A_990, %get3A_455 : vector<16xf32>
        %add3A_992 = arith.constant 150 : i32
        %add3A_993 = arith.addi %add3A_992, %scan3A_423 : i32
        %swap3A_994 = arith.index_cast %add3A_993 : i32 to index
        %swap3A_995 = arith.constant 112 : index
        %swap3A_996 = tpu.vector_load %arg11[%swap3A_994, %swap3A_995] {strides = array<i32>} : memref<200x128xf32, #tpu.memory_space<vmem>>, vector<1x16xf32>,
        %swap3A_997 = vector.shape_cast %swap3A_996 : vector<1x16xf32> to vector<16xf32>
        %swap3A_998 = vector.shape_cast %add3A_991 : vector<16xf32> to vector<1x16xf32>
        tpu.vector_store %arg11[%swap3A_994, %swap3A_995], %swap3A_998 {strides = array<i32>} : memref<200x128xf32, #tpu.memory_space<vmem>>, vector<1x16xf32>,
        %scan3A_999 = arith.constant 0 : i32
        scf.yield %scan3A_999 : i32
      }
      %scan3A_414 = arith.constant 50 : i32
      %mul3A_415 = arith.constant 200 : i32
      %mul3A_416 = arith.muli %add3A_360, %mul3A_415 : i32
      %add3A_417 = arith.addi %mul3A_2, %mul3A_416 : i32
      %dma_start3A_418 = arith.constant 0 : i32
      %dma_start3A_419 = tpu.memref_slice %arg5[%add3A_417, %dma_start3A_418] : memref<204800x128xf32, #tpu.memory_space<hbm>> -> memref<200x128xf32, #tpu.memory_space<hbm>>
      %dma_start3A_420 = arith.constant 0 : i32
      %dma_start3A_421 = tpu.memref_slice %arg5[%add3A_417, %dma_start3A_420] : memref<204800x128xf32, #tpu.memory_space<hbm>> -> memref<200x128xf32, #tpu.memory_space<hbm>>
      tpu.enqueue_dma source(%arg11 : memref<200x128xf32, #tpu.memory_space<vmem>>) target(%dma_start3A_421 : memref<200x128xf32, #tpu.memory_space<hbm>>) target_semaphore(%arg19 : memref<!tpu.dma_semaphore, #tpu.memory_space<semaphore_mem>>)
      %scan3A_422 = arith.constant 0 : i32
      scf.yield %scan3A_422 : i32
    }
    %scan3A_139 = arith.constant 8 : i32
    %add3A_140 = arith.constant 5600 : i32
    %add3A_141 = arith.addi %mul3A_2, %add3A_140 : i32
    %dma_wait3A = arith.constant 0 : i32
    %dma_wait3A_142 = tpu.memref_slice %arg5[%add3A_141, %dma_wait3A] : memref<204800x128xf32, #tpu.memory_space<hbm>> -> memref<200x128xf32, #tpu.memory_space<hbm>>
    %dma_wait3A_143 = arith.constant 0 : i32
    %dma_wait3A_144 = tpu.memref_slice %arg5[%add3A_141, %dma_wait3A_143] : memref<204800x128xf32, #tpu.memory_space<hbm>> -> memref<200x128xf32, #tpu.memory_space<hbm>>
    tpu.wait_dma2 semaphore(%arg16 : memref<!tpu.dma_semaphore, #tpu.memory_space<semaphore_mem>>) src(%arg8 : memref<200x128xf32, #tpu.memory_space<vmem>>) dst(%dma_wait3A_144 : memref<200x128xf32, #tpu.memory_space<hbm>>)
    %add3A_145 = arith.constant 5800 : i32
    %add3A_146 = arith.addi %mul3A_2, %add3A_145 : i32
    %dma_wait3A_147 = arith.constant 0 : i32
    %dma_wait3A_148 = tpu.memref_slice %arg5[%add3A_146, %dma_wait3A_147] : memref<204800x128xf32, #tpu.memory_space<hbm>> -> memref<200x128xf32, #tpu.memory_space<hbm>>
    %dma_wait3A_149 = arith.constant 0 : i32
    %dma_wait3A_150 = tpu.memref_slice %arg5[%add3A_146, %dma_wait3A_149] : memref<204800x128xf32, #tpu.memory_space<hbm>> -> memref<200x128xf32, #tpu.memory_space<hbm>>
    tpu.wait_dma2 semaphore(%arg17 : memref<!tpu.dma_semaphore, #tpu.memory_space<semaphore_mem>>) src(%arg9 : memref<200x128xf32, #tpu.memory_space<vmem>>) dst(%dma_wait3A_150 : memref<200x128xf32, #tpu.memory_space<hbm>>)
    %add3A_151 = arith.constant 6000 : i32
    %add3A_152 = arith.addi %mul3A_2, %add3A_151 : i32
    %dma_wait3A_153 = arith.constant 0 : i32
    %dma_wait3A_154 = tpu.memref_slice %arg5[%add3A_152, %dma_wait3A_153] : memref<204800x128xf32, #tpu.memory_space<hbm>> -> memref<200x128xf32, #tpu.memory_space<hbm>>
    %dma_wait3A_155 = arith.constant 0 : i32
    %dma_wait3A_156 = tpu.memref_slice %arg5[%add3A_152, %dma_wait3A_155] : memref<204800x128xf32, #tpu.memory_space<hbm>> -> memref<200x128xf32, #tpu.memory_space<hbm>>
    tpu.wait_dma2 semaphore(%arg18 : memref<!tpu.dma_semaphore, #tpu.memory_space<semaphore_mem>>) src(%arg10 : memref<200x128xf32, #tpu.memory_space<vmem>>) dst(%dma_wait3A_156 : memref<200x128xf32, #tpu.memory_space<hbm>>)
    %add3A_157 = arith.constant 6200 : i32
    %add3A_158 = arith.addi %mul3A_2, %add3A_157 : i32
    %dma_wait3A_159 = arith.constant 0 : i32
    %dma_wait3A_160 = tpu.memref_slice %arg5[%add3A_158, %dma_wait3A_159] : memref<204800x128xf32, #tpu.memory_space<hbm>> -> memref<200x128xf32, #tpu.memory_space<hbm>>
    %dma_wait3A_161 = arith.constant 0 : i32
    %dma_wait3A_162 = tpu.memref_slice %arg5[%add3A_158, %dma_wait3A_161] : memref<204800x128xf32, #tpu.memory_space<hbm>> -> memref<200x128xf32, #tpu.memory_space<hbm>>
    tpu.wait_dma2 semaphore(%arg19 : memref<!tpu.dma_semaphore, #tpu.memory_space<semaphore_mem>>) src(%arg11 : memref<200x128xf32, #tpu.memory_space<vmem>>) dst(%dma_wait3A_162 : memref<200x128xf32, #tpu.memory_space<hbm>>)
    return
  }
}

</mosaic_0001>

<sc_bundles>
// kernel: kernel.3.cloned.1.call-start
scs
__scs_entry_jumppad:
0x0: {  	(pc) =	sbr.rel $0x88, $3  }
0x1: {  	(tag) =	ssettag $0x0;
	lr =	simm.s32 $0x1  }
0x2: {  	[smem:$0x3F9F] =	sst lr;
	_ =	strace $0xD0000000  }
0x3: {  	_ = 	snop  }
0x4: {  	_ = 	snop  }
0x5: {  	_ = 	snop  }
0x6: {  	_ = 	snop  }
0x7: {  	_ = 	snop  }
__scs_overlays_trampoline_lowered:
0x8: {  	[smem:$0x3FAE] =	sst s0  }
0x9: {  	[smem:$0x3FAF] =	sst s1  }
0xa: {  	[smem:$0x3FB0] =	sst s2  }
0xb: {  	[smem:$0x3FB1] =	sst s3  }
0xc: {  	[smem:$0x3FB2] =	sst s4  }
0xd: {  	[smem:$0x3FB3] =	sst s5  }
0xe: {  	[smem:$0x3FB4] =	sst s6  }
0xf: {  	[smem:$0x3FB5] =	sst s7  }
0x10: {  	[smem:$0x3FB6] =	sst s8  }
0x11: {  	[smem:$0x3FB7] =	sst s9;
	s0 =	simm.s32 @!p0 $0x0  }
0x12: {  	s1 =	sld [smem:$0x3F9D];
	s0 =	simm.s32 @p0 $0x1  }
0x13: {  	[smem:$0x3FB8] =	sst s0;
	s0 =	simm.s32 @!p1 $0x0  }
0x14: {  	s2 =	sld [smem:$0x3F9C];
	s0 =	simm.s32 @p1 $0x1  }
0x15: {  	[smem:$0x3FB9] =	sst s0;
	s0 =	simm.s32 @!p2 $0x0  }
0x16: {  	s3 =	sld [smem:$0x3FDB];
	s0 =	simm.s32 @p2 $0x1  }
0x17: {  	s4 =	simm.s32 $0x1BF5;
	[smem:$0x3FBB] =	sst s0  }
0x18: {  	s0 =	sld [smem:$0x3F9E];
	_ =	swait.ge [sflag:s4], $0x0  }
0x19: {  	s7 =	sld [smem:$0x3F9F]  }
0x1a: {  	s8 =	sadd.s32 $0xFFFFE003, lr  }
0x1b: {  	s9 =	sadd.s32 $0xFFFFFEF7, lr;
	s5 =	simm.s32 $0xFFFFFFFF;
	p2 =	slt.u32 s8, $0xFFFFF086  }
0x1c: {  	p1 =	slt.u32 s9, $0xF7A;
	s5 =	simm.s32 @!p2 $0x0  }
0x1d: {  	s5 =	simm.s32 @p1 $0x1;
	p0 =	seq.s32 s7, s2  }
0x1e: {  	s7 =	smul.u32 @!p0 $0xF7A, s2;
	p2 =	seq.s32 @!p0 s5, $0x0  }
0x1f: {  	s9 =	smul.u32 $0xF7A, s1;
	s8 =	simm.s32 @!p0 $0x1BF5;
	p2 =	por !p2, p0  }
0x20: {  	[sflag:s8] =	ssyncset.s32 @!p0 $0xFFFFF086;
	s6 =	sadd.s32 @!p0 s3, s7;
	s7 =	simm.s32 @!p0 $0x108  }
0x21: {  	s3 =	sadd.s32 s3, s9;
	s6 =	sadd.s32 @!p0 $0x88, s6;
	s7 =	simm.s32 @p2 $0x1082  }
0x22: {  	[simem:s7], [sflag:s8] =	dma.local @!p0 [hbm:s6], $0xF7A  }
0x23: {  	s9 =	sor.u32 $0xD0000000, s2;
	s6 =	simm.s32 $0x108;
	_ =	swait.ge @!p0 [sflag:s8], $0x0  }
0x24: {  	s3 =	sadd.s32 $0x88, s3;
	s6 =	simm.s32 @!p1 $0x1082;
	[sflag:s4] =	ssyncset.s32 $0xFFFFF086  }
0x25: {  	[simem:s6], [sflag:s4] =	dma.local [hbm:s3], $0xF7A  }
0x26: {  	[smem:$0x3F9F] =	sst s1;
	(tag) =	ssettag s2;
	_ =	strace s9  }
0x27: {  	s1 =	sld [smem:$0x3FAF]  }
0x28: {  	s2 =	sld [smem:$0x3FB0]  }
0x29: {  	s4 =	sld [smem:$0x3FB2]  }
0x2a: {  	p0 =	seq.s32 s5, $0x0;
	s5 =	sld [smem:$0x3FB3]  }
0x2b: {  	s6 =	sld [smem:$0x3FB4]  }
0x2c: {  	s7 =	sld [smem:$0x3FB5]  }
0x2d: {  	s3 =	simm.s32 $0x108;
	s8 =	sld [smem:$0x3FB6]  }
0x2e: {  	s3 =	simm.s32 @!p0 $0x1082;
	s9 =	sld [smem:$0x3FB7]  }
0x2f: {  	lr =	sadd.s32 s0, s3;
	s0 =	sld [smem:$0x3FAE]  }
0x30: {  	s3 =	sld [smem:$0x3FB1]  }
0x31: {  	[smem:$0x3FBA] =	sst s10  }
0x32: {  	s10 =	sld [smem:$0x3FB8];
	_ =	sdelay $0x3  }
0x33: {  	p0 =	seq.s32 s10, $0x1;
	s10 =	sld [smem:$0x3FBA];
	_ =	sdelay $0x3  }
0x34: {  	[smem:$0x3FBA] =	sst s10  }
0x35: {  	s10 =	sld [smem:$0x3FB9];
	_ =	sdelay $0x3  }
0x36: {  	p1 =	seq.s32 s10, $0x1;
	s10 =	sld [smem:$0x3FBA];
	_ =	sdelay $0x3  }
0x37: {  	[smem:$0x3FBA] =	sst s10  }
0x38: {  	s10 =	sld [smem:$0x3FBB]  }
0x39: {  	_ = 	snop;
	(pc) =	sbr.ind lr, $3  }
0x3a: {  	_ = 	snop  }
0x3b: {  	_ = 	snop  }
0x3c: {  	p2 =	seq.s32 s10, $0x1;
	s10 =	sld [smem:$0x3FBA]  }
0x3d: {  	_ =	shalt  }
0x3e: {  	_ =	shalt  }
0x3f: {  	_ =	shalt  }
0x40: {  	_ =	shalt  }
0x41: {  	_ =	shalt  }
0x42: {  	_ =	shalt  }
0x43: {  	_ =	shalt  }
0x44: {  	_ =	shalt  }
0x45: {  	_ =	shalt  }
0x46: {  	_ =	shalt  }
0x47: {  	_ =	shalt  }
0x48: {  	_ =	shalt  }
0x49: {  	_ =	shalt  }
0x4a: {  	_ =	shalt  }
0x4b: {  	_ =	shalt  }
0x4c: {  	_ =	shalt  }
0x4d: {  	_ =	shalt  }
0x4e: {  	_ =	shalt  }
0x4f: {  	_ =	shalt  }
0x50: {  	_ =	shalt  }
0x51: {  	_ =	shalt  }
0x52: {  	_ =	shalt  }
0x53: {  	_ =	shalt  }
0x54: {  	_ =	shalt  }
0x55: {  	_ =	shalt  }
0x56: {  	_ =	shalt  }
0x57: {  	_ =	shalt  }
0x58: {  	_ =	shalt  }
0x59: {  	_ =	shalt  }
0x5a: {  	_ =	shalt  }
0x5b: {  	_ =	shalt  }
0x5c: {  	_ =	shalt  }
0x5d: {  	_ =	shalt  }
0x5e: {  	_ =	shalt  }
0x5f: {  	_ =	shalt  }
0x60: {  	_ =	shalt  }
0x61: {  	_ =	shalt  }
0x62: {  	_ =	shalt  }
0x63: {  	_ =	shalt  }
0x64: {  	_ =	shalt  }
0x65: {  	_ =	shalt  }
0x66: {  	_ =	shalt  }
0x67: {  	_ =	shalt  }
0x68: {  	_ =	shalt  }
0x69: {  	_ =	shalt  }
0x6a: {  	_ =	shalt  }
0x6b: {  	_ =	shalt  }
0x6c: {  	_ =	shalt  }
0x6d: {  	_ =	shalt  }
0x6e: {  	_ =	shalt  }
0x6f: {  	_ =	shalt  }
0x70: {  	_ =	shalt  }
0x71: {  	_ =	shalt  }
0x72: {  	_ =	shalt  }
0x73: {  	_ =	shalt  }
0x74: {  	_ =	shalt  }
0x75: {  	_ =	shalt  }
0x76: {  	_ =	shalt  }
0x77: {  	_ =	shalt  }
0x78: {  	_ =	shalt  }
0x79: {  	_ =	shalt  }
0x7a: {  	_ =	shalt  }
0x7b: {  	_ =	shalt  }
0x7c: {  	_ =	shalt  }
0x7d: {  	_ =	shalt  }
0x7e: {  	_ =	shalt  }
0x7f: {  	_ =	shalt  }
0x80: {  	_ =	shalt  }
0x81: {  	_ =	shalt  }
0x82: {  	_ =	shalt  }
0x83: {  	_ =	shalt  }
0x84: {  	_ =	shalt  }
0x85: {  	_ =	shalt  }
0x86: {  	_ =	shalt  }
0x87: {  	_ =	shalt  }
.Lfunc_end0:
.L_simem_size_0:
called_computation.1_lowered:
.L_overlay_start_0:
0x88: {  	s2 =	sld [smem:$0x3FD9]  }
0x89: {  	s3 =	sld [smem:$0x3FFE];
	_ =	sdelay $0x1  }
0x8a: {  	s1 =	srdreg.scid  }
0x8b: {  	s0 =	sand.u32 $0x1, s1  }
0x8c: {  	s17 =	sshll.u32 s0, $0xA;
	s2 =	sadd.s32 s3, s2  }
0x8d: {  	s2 =	sadd.s32 s2, s17  }
0x8e: {  	[smem:$0x3FC6] =	sst s2  }
0x8f: {  	_ = 	snop  }
0x90: {  	s2 =	sld [smem:$0x3FC8]  }
0x91: {  	s18 =	sld [smem:$0x3FD0];
	(tm) =	ssettm $0x1  }
0x92: {  	s4 =	sld [smem:$0x3FFB];
	_ =	sdelay $0x3  }
0x93: {  	_ =	strace s4  }
0x94: {  	s4 =	sld [smem:$0x3FFC];
	_ =	sdelay $0x3  }
0x95: {  	_ =	strace s4  }
0x96: {  	s4 =	sld [smem:$0x3FFD];
	_ =	sdelay $0x3  }
0x97: {  	_ =	strace s4  }
0x98: {  	_ =	strace $0x8FFFFFFF  }
0x99: {  	s19 =	sld [smem:$0x3FDB];
	_ =	sdelay $0x1  }
0x9a: {  	s5 =	simm.s32 $_scs_section_size  }
0x9b: {  	s6 =	simm.s32 $_size__tile_overlayer_lowered;
	s7 =	simm.s32 $_tile_overlayer_lowered  }
0x9c: {  	s22 =	simm.s32 $0x1BFF;
	s21 =	sshll.u32 s7, $0x1;
	s4 =	sadd.s32 s5, s19  }
0x9d: {  	s8 =	simm.s32 $0x0;
	s20 =	sshll.u32 s6, $0x1;
	s6 =	sadd.s32 s21, s4  }
0x9e: {  	[timem:s8], [sflag:s22] =	dma.local [hbm:s6], s20  }
0x9f: {  	_ =	swait.ge [sflag:s22], s20  }
0xa0: {  	s5 =	ssub.s32 $0x0, s20;
	[sflag:s22] =	ssyncset.done $0x0  }
0xa1: {  	[sflag:s22] =	ssyncadd.s32 s5;
	_ =	sdelay $0x1  }
0xa2: {  	s23 =	simm.s32 $0x1B8B  }
0xa3: {  	_ =	swait.ge [sflag:s23], $0x1  }
0xa4: {  	[sflag:s23] =	ssyncset.done $0x0  }
0xa5: {  	s25 =	simm.s32 $0x1B8E;
	s24 =	sld [smem:$0x3FFE];
	[sflag:s23] =	ssyncadd.s32 $0xFFFFFFFF  }
0xa6: {  	s26 =	simm.s32 $execute0_lowered;
	[smem:$0x3FD2] =	sst s25  }
0xa7: {  	s6 =	sshll.u32 s26, $0x1;
	_ =	strace $0x80000046;
	[dreg:$0x1] =	wrdreg $0xFFFFFFFF  }
0xa8: {  	s28 =	simm.s32 $_size_execute0_lowered;
	s4 =	sadd.s32 s4, s6;
	[dreg:$0x0] =	wrdreg $0x0  }
0xa9: {  	s6 =	sshll.u32 s28, $0x1;
	[dreg:$0x2] =	wrdreg s4  }
0xaa: {  	[dreg:$0x3] =	wrdreg s6  }
0xab: {  	[dreg:$0x4] =	wrdreg $0xC0  }
0xac: {  	_ =	task [dreg:s8], $0x5FFFF  }
0xad: {  	[dreg:$0x1] =	wrdreg $0xFFFFFFFF  }
0xae: {  	[dreg:$0x0] =	wrdreg $0x60  }
0xaf: {  	[dreg:$0x2] =	wrdreg s2  }
0xb0: {  	[dreg:$0x3] =	wrdreg s24  }
0xb1: {  	[dreg:$0x4] =	wrdreg s18  }
0xb2: {  	[dreg:$0x5] =	wrdreg $0x9  }
0xb3: {  	_ =	task.clear_ibuf [dreg:s8], $0x6FFFF;
	_ =	strace $0x90000046  }
0xb4: {  	s29 =	simm.s32 $0x9;
	_ =	strace $0x80000048  }
0xb5: {  	_ =	swait.ge [sflag:s29], $0x1  }
0xb6: {  	[sflag:s29] =	ssyncadd.s32 $0xFFFFFFFF  }
0xb7: {  	_ =	strace $0x90000048  }
0xb8: {  	_ =	sfence  }
0xb9: {  	s30 =	sld [smem:$0x0];
	_ =	sdelay $0x2  }
0xba: {  	s31 =	sshll.u32 s1, $0xD;
	s1 =	sshrl.u32 s1, $0x2  }
0xbb: {  	s3 =	sand.u32 $0x4000, s31;
	s1 =	sadd.s32 s1, s30  }
0xbc: {  	s0 =	sor.u32 s3, s0;
	s1 =	sshll.u32 s1, $0x11  }
0xbd: {  	s0 =	sor.u32 s1, s0  }
0xbe: {  	s0 =	sadd.s32 $0x8F2B, s0  }
0xbf: {  	[sflag:s0] =	ssyncadd.remote.s32 $0x1  }
0xc0: {  	_ =	sfence.sel $0xFFFF  }
0xc1: {  	[dreg:$0x0] =	wrdreg $0xFFFFFFFF;
	(pc) =	sbr.abs _section_cstart, $3  }
0xc2: {  	[dreg:$0x1] =	wrdreg $0xFFFFFFFF  }
0xc3: {  	_ =	task.clear_ibuf [dreg:s8], $0x2FFFF;
	_ =	strace $0x9FFFFFFF  }
0xc4: {  	(tm) =	ssettm $0x7FFFFFFF  }
0xc5: {  	_ =	shalt  }
tec
execute0_lowered:
.L_overlay_start_1:
0x0: {  	(tag) =	ssettag $0x1  }
0x1: {  	s1 =	rddreg [dreg:$0x0]  }
0x2: {  	s0 =	rddreg [dreg:$0x1];
	s2 =	srdreg.scid  }
0x3: {  	s4 =	stileid.u32;
	s3 =	rddreg [dreg:$0x2];
	s12 =	simm.s32 $0x9  }
0x4: {  	s13 =	simm.s32 $0x32;
	s14 =	simm.s32 $0x5C00;
	s22 =	simm.s32 $0xC000  }
0x5: {  	s31 =	simm.s32 $0x12400;
	s20 =	simm.s32 $0x1;
	s21 =	simm.s32 $0x18800  }
0x6: {  	s23 =	simm.s32 $0x1A100;
	s24 =	simm.s32 $0x1BA00;
	s28 =	simm.s32 $0x3  }
0x7: {  	s29 =	simm.s32 $0x4;
	s15 =	simm.s32 $0x7;
	s16 =	simm.s32 $0x8  }
0x8: {  	s2 =	sand.u32 $0x1, s2;
	s5 =	sshll.u32 s4, $0x1;
	s4 =	simm.s32 $0x0  }
0x9: {  	s17 =	simm.s32 $0x0;
	s5 =	sor.u32 s2, s5;
	[smem:$0x7FF] =	sst s4  }
0xa: {  	s2 =	ssub.s32 $0x2, s2;
	s6 =	sshll.u32 s5, $0xB;
	_ =	strace $0x80000047  }
0xb: {  	s25 =	sshrl.u32 s2, $0x1;
	s7 =	sadd.s32 s6, s0;
	s0 =	sadd.s32 $0x10800, s0  }
0xc: {  	s6 =	smul.u32 $0x1900, s5;
	[dreg:$0x4] =	wrdreg s0;
	s26 =	sadd.s32 $0x800, s7  }
0xd: {  	s0 =	ssub.s32 s2, s25;
	s30 =	sadd.s32 $0x880, s7;
	[dreg:$0x5] =	wrdreg s26  }
0xe: {  	s25 =	simm.s32 $0x1D300;
	s2 =	simm.s32 $0x5;
	[dreg:$0x6] =	wrdreg s30  }
0xf: {  	s9 =	sor.u32 $0xC8, s6;
	s10 =	sadd.s32 $0x190, s6;
	s0 =	smax.u32 s0, $0x1  }
0x10: {  	s26 =	simm.s32 $0x2;
	[dreg:$0x7] =	wrdreg s0;
	s0 =	simm.s32 $0x6  }
.LBB2_1:
0x11: {  	s5 =	rddreg [dreg:$0x5]  }
0x12: {  	[tilespmem:s4], [sflag:$0x9] =	stream.linear.gather [hbm4b:s5+s4], $0x400, $0x38;
	[tilespmem:$0x1EC00] =	vst v63  }
0x13: {  	_ =	swait.ge [sflag:s12], $0x400  }
0x14: {  	[sflag:s12] =	ssyncset.done $0x0  }
0x15: {  	[sflag:s12] =	ssyncadd.s32 $0xFFFFFC00  }
0x16: {  	[tilespmem:s14], [sflag:$0x1] =	stream.indirect.gather [hbm4b:s1+s13], $0x80, s4, s13, $0xb8;
	[tilespmem:$0x1EC00] =	vst v63  }
0x17: {  	s8 =	simm.s32 $0x80;
	s7 =	simm.s32 $0x7500  }
0x18: {  	[tilespmem:s7], [sflag:$0x1] =	stream.indirect.gather [hbm4b:s1+s13], $0x80, s8, s13, $0xb8;
	[tilespmem:$0x1EC00] =	vst v63  }
0x19: {  	s11 =	simm.s32 $0x100;
	s18 =	simm.s32 $0x8E00  }
0x1a: {  	[tilespmem:s18], [sflag:$0x1] =	stream.indirect.gather [hbm4b:s1+s13], $0x80, s11, s13, $0xb8;
	[tilespmem:$0x1EC00] =	vst v63  }
0x1b: {  	s19 =	simm.s32 $0x180;
	s30 =	simm.s32 $0xA700  }
0x1c: {  	[tilespmem:s30], [sflag:$0x1] =	stream.indirect.gather [hbm4b:s1+s13], $0x80, s19, s13, $0xb8;
	[tilespmem:$0x1EC00] =	vst v63  }
0x1d: {  	s8 =	simm.s32 $0x200  }
0x1e: {  	[tilespmem:s22], [sflag:$0x2] =	stream.indirect.gather [hbm4b:s1+s13], $0x80, s8, s13, $0xb8;
	[tilespmem:$0x1EC00] =	vst v63  }
0x1f: {  	s11 =	simm.s32 $0x280;
	s18 =	simm.s32 $0xD900  }
0x20: {  	[tilespmem:s18], [sflag:$0x2] =	stream.indirect.gather [hbm4b:s1+s13], $0x80, s11, s13, $0xb8;
	[tilespmem:$0x1EC00] =	vst v63  }
0x21: {  	s19 =	simm.s32 $0x300;
	s30 =	simm.s32 $0xF200  }
0x22: {  	[tilespmem:s30], [sflag:$0x2] =	stream.indirect.gather [hbm4b:s1+s13], $0x80, s19, s13, $0xb8;
	[tilespmem:$0x1EC00] =	vst v63  }
0x23: {  	s7 =	simm.s32 $0x380;
	s8 =	simm.s32 $0x10B00  }
0x24: {  	[tilespmem:s8], [sflag:$0x2] =	stream.indirect.gather [hbm4b:s1+s13], $0x80, s7, s13, $0xb8;
	[tilespmem:$0x1EC00] =	vst v63  }
0x25: {  	s11 =	rddreg [dreg:$0x6];
	s18 =	simm.s32 $0x400  }
0x26: {  	[tilespmem:s18], [sflag:$0x9] =	stream.linear.gather [hbm4b:s11+s4], $0x3C00, $0x38;
	[tilespmem:$0x1EC00] =	vst v63  }
0x27: {  	_ =	swait.ge [sflag:s12], $0x3C00  }
0x28: {  	[sflag:s12] =	ssyncset.done $0x0  }
0x29: {  	[sflag:s12] =	ssyncadd.s32 $0xFFFFC400  }
0x2a: {  	[tilespmem:s31], [sflag:$0x3] =	stream.indirect.gather [hbm4b:s1+s13], $0x80, s18, s13, $0xb8;
	[tilespmem:$0x1EC00] =	vst v63  }
0x2b: {  	s19 =	simm.s32 $0x480;
	s30 =	simm.s32 $0x13D00  }
0x2c: {  	[tilespmem:s30], [sflag:$0x3] =	stream.indirect.gather [hbm4b:s1+s13], $0x80, s19, s13, $0xb8;
	[tilespmem:$0x1EC00] =	vst v63  }
0x2d: {  	s7 =	simm.s32 $0x500;
	s8 =	simm.s32 $0x15600  }
0x2e: {  	[tilespmem:s8], [sflag:$0x3] =	stream.indirect.gather [hbm4b:s1+s13], $0x80, s7, s13, $0xb8;
	[tilespmem:$0x1EC00] =	vst v63  }
0x2f: {  	s11 =	simm.s32 $0x580;
	s18 =	simm.s32 $0x16F00  }
0x30: {  	[tilespmem:s18], [sflag:$0x3] =	stream.indirect.gather [hbm4b:s1+s13], $0x80, s11, s13, $0xb8;
	[tilespmem:$0x1EC00] =	vst v63  }
0x31: {  	s19 =	rddreg [dreg:$0x4];
	s30 =	simm.s32 $0x4000  }
0x32: {  	[tilespmem:s30], [sflag:$0x9] =	stream.linear.gather [hbm4b:s19+s4], $0x1900, $0x38;
	[tilespmem:$0x1EC00] =	vst v63  }
0x33: {  	_ =	swait.ge [sflag:s12], $0x1900  }
0x34: {  	[sflag:s12] =	ssyncset.done $0x0  }
0x35: {  	s18 =	simm.s32 $0x0;
	[sflag:s12] =	ssyncadd.s32 $0xFFFFE700  }
.LBB2_2:
0x36: {  	_ =	swait.ge [sflag:s20], $0x1900  }
0x37: {  	[sflag:s20] =	ssyncset.done $0x0  }
0x38: {  	[sflag:s20] =	ssyncadd.s32 $0xFFFFE700  }
0x39: {  	_ =	swait.ge [sflag:s20], $0x1900  }
0x3a: {  	[sflag:s20] =	ssyncset.done $0x0  }
0x3b: {  	[sflag:s20] =	ssyncadd.s32 $0xFFFFE700  }
0x3c: {  	_ =	swait.ge [sflag:s20], $0x1900  }
0x3d: {  	[sflag:s20] =	ssyncset.done $0x0  }
0x3e: {  	[sflag:s20] =	ssyncadd.s32 $0xFFFFE700  }
0x3f: {  	_ =	swait.ge [sflag:s20], $0x1900  }
0x40: {  	p0 =	seq.s32 s18, $0x0;
	[sflag:s20] =	ssyncset.done $0x0  }
0x41: {  	s5 =	simm.s32 @!p0 $0x8;
	[sflag:s20] =	ssyncadd.s32 $0xFFFFE700  }
0x42: {  	s19 =	sshllo.u32 s18, $0x2;
	_ =	swait.ge @!p0 [sflag:s5], $0x6400  }
0x43: {  	s7 =	sshll.u32 s19, $0x9;
	[sflag:s5] =	ssyncset.done @!p0 $0x0  }
0x44: {  	s11 =	sand.u32 $0x3FFFFE00, s7;
	[sflag:s5] =	ssyncadd.s32 @!p0 $0xFFFF9C00  }
0x45: {  	[tilespmem:s21], [sflag:$0x4] =	stream.indirect.gather [hbm4b:s1+s13], $0x80, s11, s13, $0xb8;
	[tilespmem:$0x1EC00] =	vst v63  }
0x46: {  	s7 =	sor.u32 $0x80, s11  }
0x47: {  	[tilespmem:s23], [sflag:$0x4] =	stream.indirect.gather [hbm4b:s1+s13], $0x80, s7, s13, $0xb8;
	[tilespmem:$0x1EC00] =	vst v63  }
0x48: {  	s30 =	sor.u32 $0x100, s11  }
0x49: {  	[tilespmem:s24], [sflag:$0x4] =	stream.indirect.gather [hbm4b:s1+s13], $0x80, s30, s13, $0xb8;
	[tilespmem:$0x1EC00] =	vst v63  }
0x4a: {  	s5 =	sor.u32 $0x180, s11  }
0x4b: {  	[tilespmem:s25], [sflag:$0x4] =	stream.indirect.gather [hbm4b:s1+s13], $0x80, s5, s13, $0xb8;
	[tilespmem:$0x1EC00] =	vst v63  }
0x4c: {  	s5 =	simm.s32 $0x0  }
0x4d: {  	v7 =	vld [tilespmem:s5+$0x4000]  }
0x4e: {  	v6 =	vld [tilespmem:s5+$0x4010]  }
0x4f: {  	v5 =	vld [tilespmem:s5+$0x4020]  }
0x50: {  	v4 =	vld [tilespmem:s5+$0x4030]  }
0x51: {  	v3 =	vld [tilespmem:s5+$0x4040]  }
0x52: {  	v2 =	vld [tilespmem:s5+$0x4050]  }
0x53: {  	v1 =	vld [tilespmem:s5+$0x4060]  }
0x54: {  	v0 =	vld [tilespmem:s5+$0x4070]  }
0x55: {  	v8 =	vld [tilespmem:s5+$0x5C00]  }
0x56: {  	v9 =	vld [tilespmem:s5+$0x5C10]  }
0x57: {  	v10 =	vld [tilespmem:s5+$0x5C20]  }
0x58: {  	v11 =	vld [tilespmem:s5+$0x5C30]  }
0x59: {  	v12 =	vld [tilespmem:s5+$0x5C40]  }
0x5a: {  	v13 =	vld [tilespmem:s5+$0x5C50];
	v8 =	vmul.f32 $1.131370830e+01, v8  }
0x5b: {  	v14 =	vld [tilespmem:s5+$0x5C60];
	v9 =	vmul.f32 $1.131370830e+01, v9  }
0x5c: {  	v15 =	vld [tilespmem:s5+$0x5C70];
	v10 =	vmul.f32 $1.131370830e+01, v10;
	v8 =	vadd.f32 v8, v7  }
0x5d: {  	v16 =	vld [tilespmem:s5+$0x7500];
	v11 =	vmul.f32 $1.131370830e+01, v11;
	v9 =	vadd.f32 v9, v6  }
0x5e: {  	v12 =	vmul.f32 $1.131370830e+01, v12;
	v10 =	vadd.f32 v10, v5;
	[tilespmem:s5+$0x5C00] =	vst v8;
	v8 =	vld [tilespmem:s5+$0x7510]  }
0x5f: {  	v13 =	vmul.f32 $1.131370830e+01, v13;
	v11 =	vadd.f32 v11, v4;
	[tilespmem:s5+$0x5C10] =	vst v9;
	v9 =	vld [tilespmem:s5+$0x7520]  }
0x60: {  	v14 =	vmul.f32 $1.131370830e+01, v14;
	v12 =	vadd.f32 v12, v3;
	[tilespmem:s5+$0x5C20] =	vst v10;
	v10 =	vld [tilespmem:s5+$0x7530]  }
0x61: {  	v15 =	vmul.f32 $1.131370830e+01, v15;
	v13 =	vadd.f32 v13, v2;
	[tilespmem:s5+$0x5C30] =	vst v11;
	v11 =	vld [tilespmem:s5+$0x7540]  }
0x62: {  	v16 =	vmul.f32 $1.131370830e+01, v16;
	v14 =	vadd.f32 v14, v1;
	[tilespmem:s5+$0x5C40] =	vst v12;
	v12 =	vld [tilespmem:s5+$0x7550]  }
0x63: {  	v15 =	vadd.f32 v15, v0;
	[tilespmem:s5+$0x5C50] =	vst v13;
	v13 =	vld [tilespmem:s5+$0x7560];
	v8 =	vmul.f32 $1.131370830e+01, v8  }
0x64: {  	v16 =	vadd.f32 v16, v7;
	[tilespmem:s5+$0x5C60] =	vst v14;
	v14 =	vld [tilespmem:s5+$0x7570];
	v9 =	vmul.f32 $1.131370830e+01, v9  }
0x65: {  	[tilespmem:s5+$0x5C70] =	vst v15;
	v15 =	vld [tilespmem:s5+$0x8E00];
	v10 =	vmul.f32 $1.131370830e+01, v10;
	v8 =	vadd.f32 v8, v6  }
0x66: {  	[tilespmem:s5+$0x7500] =	vst v16;
	v11 =	vmul.f32 $1.131370830e+01, v11;
	v9 =	vadd.f32 v9, v5  }
0x67: {  	v16 =	vld [tilespmem:s5+$0x8E10];
	v12 =	vmul.f32 $1.131370830e+01, v12;
	v10 =	vadd.f32 v10, v4;
	[tilespmem:s5+$0x7510] =	vst v8  }
0x68: {  	v13 =	vmul.f32 $1.131370830e+01, v13;
	v11 =	vadd.f32 v11, v3;
	v8 =	vld [tilespmem:s5+$0x8E20];
	[tilespmem:s5+$0x7520] =	vst v9  }
0x69: {  	v14 =	vmul.f32 $1.131370830e+01, v14;
	v12 =	vadd.f32 v12, v2;
	v9 =	vld [tilespmem:s5+$0x8E30];
	[tilespmem:s5+$0x7530] =	vst v10  }
0x6a: {  	v15 =	vmul.f32 $1.131370830e+01, v15;
	v13 =	vadd.f32 v13, v1;
	v10 =	vld [tilespmem:s5+$0x8E40];
	[tilespmem:s5+$0x7540] =	vst v11  }
0x6b: {  	v14 =	vadd.f32 v14, v0;
	v11 =	vld [tilespmem:s5+$0x8E50];
	[tilespmem:s5+$0x7550] =	vst v12  }
0x6c: {  	v16 =	vmul.f32 $1.131370830e+01, v16;
	v15 =	vadd.f32 v15, v7;
	v12 =	vld [tilespmem:s5+$0x8E60];
	[tilespmem:s5+$0x7560] =	vst v13  }
0x6d: {  	v13 =	vld [tilespmem:s5+$0x8E70];
	[tilespmem:s5+$0x7570] =	vst v14;
	v8 =	vmul.f32 $1.131370830e+01, v8  }
0x6e: {  	v16 =	vadd.f32 v16, v6;
	v14 =	vld [tilespmem:s5+$0xA700];
	[tilespmem:s5+$0x8E00] =	vst v15;
	v15 =	vmul.f32 $1.131370830e+01, v9  }
0x6f: {  	v17 =	vld [tilespmem:s5+$0xA710];
	v10 =	vmul.f32 $1.131370830e+01, v10;
	v8 =	vadd.f32 v8, v5  }
0x70: {  	[tilespmem:s5+$0x8E10] =	vst v16;
	v9 =	vld [tilespmem:s5+$0xA720];
	v11 =	vmul.f32 $1.131370830e+01, v11;
	v15 =	vadd.f32 v15, v4  }
0x71: {  	v12 =	vmul.f32 $1.131370830e+01, v12;
	v16 =	vadd.f32 v10, v3;
	[tilespmem:s5+$0x8E20] =	vst v8;
	v8 =	vld [tilespmem:s5+$0xA730]  }
0x72: {  	v13 =	vmul.f32 $1.131370830e+01, v13;
	v10 =	vld [tilespmem:s5+$0xA740];
	v18 =	vadd.f32 v11, v2;
	[tilespmem:s5+$0x8E30] =	vst v15  }
0x73: {  	v11 =	vld [tilespmem:s5+$0xA750];
	[tilespmem:s5+$0x8E40] =	vst v16;
	v15 =	vadd.f32 v12, v1;
	v16 =	vmul.f32 $1.131370830e+01, v14  }
0x74: {  	s7 =	simm.s32 $0x200;
	v13 =	vadd.f32 v13, v0;
	[tilespmem:s5+$0x8E50] =	vst v18;
	v14 =	vmul.f32 $1.131370830e+01, v17;
	v12 =	vld [tilespmem:s5+$0xA760]  }
.LBB2_3:
0x75: {  	s8 =	sshra.s32 s7, $0x2;
	p0 =	sne.s32 s7, $0x6200;
	[tilespmem:s5+$0x8E60] =	vst v15;
	v15 =	vadd.f32 v16, v7;
	v9 =	vmul.f32 $1.131370830e+01, v9;
	v16 =	vld [tilespmem:s5+$0xA770]  }
0x76: {  	v7 =	vld [tilespmem:s8+$0x4000];
	[tilespmem:s5+$0x8E70] =	vst v13;
	v13 =	vadd.f32 v14, v6;
	v8 =	vmul.f32 $1.131370830e+01, v8  }
0x77: {  	v6 =	vld [tilespmem:s8+$0x4010];
	[tilespmem:s5+$0xA700] =	vst v15;
	v9 =	vadd.f32 v9, v5;
	v10 =	vmul.f32 $1.131370830e+01, v10  }
0x78: {  	v5 =	vld [tilespmem:s8+$0x4020];
	[tilespmem:s5+$0xA710] =	vst v13;
	v8 =	vadd.f32 v8, v4;
	v11 =	vmul.f32 $1.131370830e+01, v11  }
0x79: {  	v4 =	vld [tilespmem:s8+$0x4030];
	[tilespmem:s5+$0xA720] =	vst v9;
	v9 =	vadd.f32 v10, v3;
	v10 =	vmul.f32 $1.131370830e+01, v12  }
0x7a: {  	v3 =	vld [tilespmem:s8+$0x4040];
	[tilespmem:s5+$0xA730] =	vst v8;
	v8 =	vadd.f32 v11, v2;
	v11 =	vmul.f32 $1.131370830e+01, v16  }
0x7b: {  	v2 =	vld [tilespmem:s8+$0x4050];
	[tilespmem:s5+$0xA740] =	vst v9;
	v9 =	vadd.f32 v10, v1  }
0x7c: {  	v1 =	vld [tilespmem:s8+$0x4060];
	[tilespmem:s5+$0xA750] =	vst v8;
	v8 =	vadd.f32 v11, v0  }
0x7d: {  	v0 =	vld [tilespmem:s8+$0x4070];
	[tilespmem:s5+$0xA760] =	vst v9  }
0x7e: {  	v9 =	vld [tilespmem:s8+$0x5C00];
	[tilespmem:s5+$0xA770] =	vst v8;
	s5 =	smov.u32 s8  }
0x7f: {  	v8 =	vld [tilespmem:s5+$0x5C10]  }
0x80: {  	v10 =	vld [tilespmem:s5+$0x5C20]  }
0x81: {  	v11 =	vld [tilespmem:s5+$0x5C30]  }
0x82: {  	v12 =	vld [tilespmem:s5+$0x5C40]  }
0x83: {  	v9 =	vmul.f32 $1.131370830e+01, v9;
	v13 =	vld [tilespmem:s5+$0x5C50]  }
0x84: {  	v8 =	vmul.f32 $1.131370830e+01, v8;
	v14 =	vld [tilespmem:s5+$0x5C60]  }
0x85: {  	v9 =	vadd.f32 v9, v7;
	v10 =	vmul.f32 $1.131370830e+01, v10;
	v15 =	vld [tilespmem:s5+$0x5C70]  }
0x86: {  	v8 =	vadd.f32 v8, v6;
	v11 =	vmul.f32 $1.131370830e+01, v11;
	v16 =	vld [tilespmem:s5+$0x7500]  }
0x87: {  	[tilespmem:s5+$0x5C00] =	vst v9;
	v9 =	vadd.f32 v10, v5;
	v10 =	vmul.f32 $1.131370830e+01, v12;
	v12 =	vld [tilespmem:s5+$0x7510]  }
0x88: {  	[tilespmem:s5+$0x5C10] =	vst v8;
	v8 =	vadd.f32 v11, v4;
	v11 =	vmul.f32 $1.131370830e+01, v13;
	v13 =	vld [tilespmem:s5+$0x7520]  }
0x89: {  	[tilespmem:s5+$0x5C20] =	vst v9;
	v9 =	vadd.f32 v10, v3;
	v10 =	vmul.f32 $1.131370830e+01, v14;
	v14 =	vld [tilespmem:s5+$0x7530]  }
0x8a: {  	[tilespmem:s5+$0x5C30] =	vst v8;
	v8 =	vadd.f32 v11, v2;
	v11 =	vmul.f32 $1.131370830e+01, v15;
	v15 =	vld [tilespmem:s5+$0x7540]  }
0x8b: {  	[tilespmem:s5+$0x5C40] =	vst v9;
	v9 =	vadd.f32 v10, v1;
	v10 =	vmul.f32 $1.131370830e+01, v16;
	v16 =	vld [tilespmem:s5+$0x7550]  }
0x8c: {  	[tilespmem:s5+$0x5C50] =	vst v8;
	v8 =	vadd.f32 v11, v0;
	v11 =	vmul.f32 $1.131370830e+01, v12;
	v12 =	vld [tilespmem:s5+$0x7560]  }
0x8d: {  	[tilespmem:s5+$0x5C60] =	vst v9;
	v9 =	vadd.f32 v10, v7;
	v10 =	vmul.f32 $1.131370830e+01, v13;
	v13 =	vld [tilespmem:s5+$0x7570]  }
0x8e: {  	[tilespmem:s5+$0x5C70] =	vst v8;
	v8 =	vadd.f32 v11, v6;
	v11 =	vmul.f32 $1.131370830e+01, v14;
	v14 =	vld [tilespmem:s5+$0x8E00]  }
0x8f: {  	[tilespmem:s5+$0x7500] =	vst v9;
	v9 =	vadd.f32 v10, v5;
	v10 =	vmul.f32 $1.131370830e+01, v15;
	v15 =	vld [tilespmem:s5+$0x8E10]  }
0x90: {  	[tilespmem:s5+$0x7510] =	vst v8;
	v8 =	vadd.f32 v11, v4;
	v11 =	vmul.f32 $1.131370830e+01, v16;
	v16 =	vld [tilespmem:s5+$0x8E20]  }
0x91: {  	[tilespmem:s5+$0x7520] =	vst v9;
	v9 =	vadd.f32 v10, v3;
	v10 =	vmul.f32 $1.131370830e+01, v12;
	v12 =	vld [tilespmem:s5+$0x8E30]  }
0x92: {  	[tilespmem:s5+$0x7530] =	vst v8;
	v8 =	vadd.f32 v11, v2;
	v11 =	vmul.f32 $1.131370830e+01, v13;
	v13 =	vld [tilespmem:s5+$0x8E40]  }
0x93: {  	[tilespmem:s5+$0x7540] =	vst v9;
	v9 =	vadd.f32 v10, v1;
	v10 =	vmul.f32 $1.131370830e+01, v14;
	v14 =	vld [tilespmem:s5+$0x8E50]  }
0x94: {  	[tilespmem:s5+$0x7550] =	vst v8;
	v8 =	vadd.f32 v11, v0;
	v11 =	vmul.f32 $1.131370830e+01, v15;
	v15 =	vld [tilespmem:s5+$0x8E60]  }
0x95: {  	[tilespmem:s5+$0x7560] =	vst v9;
	v9 =	vadd.f32 v10, v7;
	v10 =	vmul.f32 $1.131370830e+01, v16;
	v16 =	vld [tilespmem:s5+$0x8E70]  }
0x96: {  	[tilespmem:s5+$0x7570] =	vst v8;
	v8 =	vadd.f32 v11, v6;
	v11 =	vmul.f32 $1.131370830e+01, v12;
	v12 =	vld [tilespmem:s5+$0xA700]  }
0x97: {  	[tilespmem:s5+$0x8E00] =	vst v9;
	v10 =	vadd.f32 v10, v5;
	v13 =	vmul.f32 $1.131370830e+01, v13;
	v17 =	vld [tilespmem:s5+$0xA710]  }
.Ltmp0:
0x98: {  	[tilespmem:s5+$0x8E10] =	vst v8;
	v11 =	vadd.f32 v11, v4;
	v14 =	vmul.f32 $1.131370830e+01, v14;
	v9 =	vld [tilespmem:s5+$0xA720];
	(pc) =	sbr.rel @p0 .LBB2_3-.Ltmp0, $4  }
0x99: {  	[tilespmem:s5+$0x8E20] =	vst v10;
	v13 =	vadd.f32 v13, v3;
	v15 =	vmul.f32 $1.131370830e+01, v15;
	v8 =	vld [tilespmem:s5+$0xA730]  }
0x9a: {  	[tilespmem:s5+$0x8E30] =	vst v11;
	v14 =	vadd.f32 v14, v2;
	v18 =	vmul.f32 $1.131370830e+01, v16;
	v10 =	vld [tilespmem:s5+$0xA740]  }
0x9b: {  	[tilespmem:s5+$0x8E40] =	vst v13;
	v15 =	vadd.f32 v15, v1;
	v16 =	vmul.f32 $1.131370830e+01, v12;
	v11 =	vld [tilespmem:s5+$0xA750]  }
0x9c: {  	s7 =	sadd.s32 $0x200, s7;
	[tilespmem:s5+$0x8E50] =	vst v14;
	v13 =	vadd.f32 v18, v0;
	v14 =	vmul.f32 $1.131370830e+01, v17;
	v12 =	vld [tilespmem:s5+$0xA760]  }
0x9d: {  	[tilespmem:s5+$0x8E60] =	vst v15;
	v7 =	vadd.f32 v16, v7;
	v9 =	vmul.f32 $1.131370830e+01, v9;
	v15 =	vld [tilespmem:s5+$0xA770]  }
0x9e: {  	[tilespmem:s5+$0x8E70] =	vst v13;
	v6 =	vadd.f32 v14, v6;
	v8 =	vmul.f32 $1.131370830e+01, v8  }
0x9f: {  	[tilespmem:s5+$0xA700] =	vst v7;
	v5 =	vadd.f32 v9, v5;
	v7 =	vmul.f32 $1.131370830e+01, v10  }
0xa0: {  	[tilespmem:s5+$0xA710] =	vst v6;
	v4 =	vadd.f32 v8, v4;
	v6 =	vmul.f32 $1.131370830e+01, v11  }
0xa1: {  	[tilespmem:s5+$0xA720] =	vst v5;
	v3 =	vadd.f32 v7, v3;
	v5 =	vmul.f32 $1.131370830e+01, v12  }
0xa2: {  	s30 =	smul.u32 $0x320, s18;
	[tilespmem:s5+$0xA730] =	vst v4;
	v2 =	vadd.f32 v6, v2;
	v4 =	vmul.f32 $1.131370830e+01, v15  }
0xa3: {  	[tilespmem:s5+$0xA740] =	vst v3;
	v1 =	vadd.f32 v5, v1  }
0xa4: {  	s7 =	sadd.s32 s6, s30;
	[tilespmem:s5+$0xA750] =	vst v2;
	v0 =	vadd.f32 v4, v0  }
0xa5: {  	s7 =	sshll.u32 s7, $0x4;
	[tilespmem:s5+$0xA760] =	vst v1  }
0xa6: {  	s11 =	sadd.s32 s3, s7;
	[tilespmem:s5+$0xA770] =	vst v0  }
0xa7: {  	[hbm4b:s11+s4] =	stream.linear.scatter [tilespmem:s14], [sflag:$0x5], $0x6400, $0x38;
	[tilespmem:$0x1EC00] =	vst v63  }
0xa8: {  	_ =	swait.ge [sflag:s26], $0x1900  }
0xa9: {  	[sflag:s26] =	ssyncset.done $0x0  }
0xaa: {  	[sflag:s26] =	ssyncadd.s32 $0xFFFFE700  }
0xab: {  	_ =	swait.ge [sflag:s26], $0x1900  }
0xac: {  	[sflag:s26] =	ssyncset.done $0x0  }
0xad: {  	[sflag:s26] =	ssyncadd.s32 $0xFFFFE700  }
0xae: {  	_ =	swait.ge [sflag:s26], $0x1900  }
0xaf: {  	[sflag:s26] =	ssyncset.done $0x0  }
0xb0: {  	[sflag:s26] =	ssyncadd.s32 $0xFFFFE700  }
0xb1: {  	_ =	swait.ge [sflag:s26], $0x1900  }
0xb2: {  	p0 =	seq.s32 s18, $0x7;
	[sflag:s26] =	ssyncset.done $0x0  }
0xb3: {  	s5 =	simm.s32 @!p0 $0x5;
	[sflag:s26] =	ssyncadd.s32 $0xFFFFE700  }
0xb4: {  	_ =	swait.ge @!p0 [sflag:s5], $0x6400  }
0xb5: {  	s7 =	sshll.u32 @!p0 s18, $0xB;
	[sflag:s5] =	ssyncset.done @!p0 $0x0  }
0xb6: {  	[sflag:s5] =	ssyncadd.s32 @!p0 $0xFFFF9C00;
	s5 =	sand.u32 @!p0 $0x3FFFF800, s7  }
0xb7: {  	s8 =	simm.s32 @!p0 $0x32;
	s11 =	simm.s32 @!p0 $0x5C00;
	s7 =	sadd.s32 @!p0 $0x800, s5  }
0xb8: {  	[tilespmem:s11], [sflag:$0x1] =	stream.indirect.gather @!p0 [hbm4b:s1+s8], $0x80, s7, s8, $0xb8;
	[tilespmem:$0x1EC00] =	vst v63  }
0xb9: {  	s7 =	sadd.s32 @!p0 $0x880, s5;
	s11 =	simm.s32 @!p0 $0x7500  }
0xba: {  	[tilespmem:s11], [sflag:$0x1] =	stream.indirect.gather @!p0 [hbm4b:s1+s8], $0x80, s7, s8, $0xb8;
	[tilespmem:$0x1EC00] =	vst v63  }
0xbb: {  	s7 =	sadd.s32 @!p0 $0x900, s5;
	s11 =	simm.s32 @!p0 $0x8E00  }
0xbc: {  	[tilespmem:s11], [sflag:$0x1] =	stream.indirect.gather @!p0 [hbm4b:s1+s8], $0x80, s7, s8, $0xb8;
	[tilespmem:$0x1EC00] =	vst v63  }
0xbd: {  	s7 =	sadd.s32 @!p0 $0x980, s5;
	s11 =	simm.s32 @!p0 $0xA700  }
0xbe: {  	[tilespmem:s11], [sflag:$0x1] =	stream.indirect.gather @!p0 [hbm4b:s1+s8], $0x80, s7, s8, $0xb8;
	[tilespmem:$0x1EC00] =	vst v63  }
0xbf: {  	s7 =	simm.s32 $0x0  }
0xc0: {  	v7 =	vld [tilespmem:s7+$0x4000]  }
0xc1: {  	v6 =	vld [tilespmem:s7+$0x4010]  }
0xc2: {  	v5 =	vld [tilespmem:s7+$0x4020]  }
0xc3: {  	v4 =	vld [tilespmem:s7+$0x4030]  }
0xc4: {  	v3 =	vld [tilespmem:s7+$0x4040]  }
0xc5: {  	v2 =	vld [tilespmem:s7+$0x4050]  }
0xc6: {  	v1 =	vld [tilespmem:s7+$0x4060]  }
0xc7: {  	v0 =	vld [tilespmem:s7+$0x4070]  }
0xc8: {  	v8 =	vld [tilespmem:s7+$0xC000]  }
0xc9: {  	v9 =	vld [tilespmem:s7+$0xC010]  }
0xca: {  	v10 =	vld [tilespmem:s7+$0xC020]  }
0xcb: {  	v11 =	vld [tilespmem:s7+$0xC030]  }
0xcc: {  	v12 =	vld [tilespmem:s7+$0xC040]  }
0xcd: {  	v13 =	vld [tilespmem:s7+$0xC050];
	v8 =	vmul.f32 $1.131370830e+01, v8  }
0xce: {  	v14 =	vld [tilespmem:s7+$0xC060];
	v9 =	vmul.f32 $1.131370830e+01, v9  }
0xcf: {  	v15 =	vld [tilespmem:s7+$0xC070];
	v10 =	vmul.f32 $1.131370830e+01, v10;
	v8 =	vadd.f32 v8, v7  }
0xd0: {  	v16 =	vld [tilespmem:s7+$0xD900];
	v11 =	vmul.f32 $1.131370830e+01, v11;
	v9 =	vadd.f32 v9, v6  }
0xd1: {  	v12 =	vmul.f32 $1.131370830e+01, v12;
	v10 =	vadd.f32 v10, v5;
	[tilespmem:s7+$0xC000] =	vst v8;
	v8 =	vld [tilespmem:s7+$0xD910]  }
0xd2: {  	v13 =	vmul.f32 $1.131370830e+01, v13;
	v11 =	vadd.f32 v11, v4;
	[tilespmem:s7+$0xC010] =	vst v9;
	v9 =	vld [tilespmem:s7+$0xD920]  }
0xd3: {  	v14 =	vmul.f32 $1.131370830e+01, v14;
	v12 =	vadd.f32 v12, v3;
	[tilespmem:s7+$0xC020] =	vst v10;
	v10 =	vld [tilespmem:s7+$0xD930]  }
0xd4: {  	v15 =	vmul.f32 $1.131370830e+01, v15;
	v13 =	vadd.f32 v13, v2;
	[tilespmem:s7+$0xC030] =	vst v11;
	v11 =	vld [tilespmem:s7+$0xD940]  }
0xd5: {  	v16 =	vmul.f32 $1.131370830e+01, v16;
	v14 =	vadd.f32 v14, v1;
	[tilespmem:s7+$0xC040] =	vst v12;
	v12 =	vld [tilespmem:s7+$0xD950]  }
0xd6: {  	v15 =	vadd.f32 v15, v0;
	[tilespmem:s7+$0xC050] =	vst v13;
	v13 =	vld [tilespmem:s7+$0xD960];
	v8 =	vmul.f32 $1.131370830e+01, v8  }
0xd7: {  	v16 =	vadd.f32 v16, v7;
	[tilespmem:s7+$0xC060] =	vst v14;
	v14 =	vld [tilespmem:s7+$0xD970];
	v9 =	vmul.f32 $1.131370830e+01, v9  }
0xd8: {  	[tilespmem:s7+$0xC070] =	vst v15;
	v15 =	vld [tilespmem:s7+$0xF200];
	v10 =	vmul.f32 $1.131370830e+01, v10;
	v8 =	vadd.f32 v8, v6  }
0xd9: {  	[tilespmem:s7+$0xD900] =	vst v16;
	v11 =	vmul.f32 $1.131370830e+01, v11;
	v9 =	vadd.f32 v9, v5  }
0xda: {  	v16 =	vld [tilespmem:s7+$0xF210];
	v12 =	vmul.f32 $1.131370830e+01, v12;
	v10 =	vadd.f32 v10, v4;
	[tilespmem:s7+$0xD910] =	vst v8  }
0xdb: {  	v13 =	vmul.f32 $1.131370830e+01, v13;
	v11 =	vadd.f32 v11, v3;
	v8 =	vld [tilespmem:s7+$0xF220];
	[tilespmem:s7+$0xD920] =	vst v9  }
0xdc: {  	v14 =	vmul.f32 $1.131370830e+01, v14;
	v12 =	vadd.f32 v12, v2;
	v9 =	vld [tilespmem:s7+$0xF230];
	[tilespmem:s7+$0xD930] =	vst v10  }
0xdd: {  	v15 =	vmul.f32 $1.131370830e+01, v15;
	v13 =	vadd.f32 v13, v1;
	v10 =	vld [tilespmem:s7+$0xF240];
	[tilespmem:s7+$0xD940] =	vst v11  }
0xde: {  	v14 =	vadd.f32 v14, v0;
	v11 =	vld [tilespmem:s7+$0xF250];
	[tilespmem:s7+$0xD950] =	vst v12  }
0xdf: {  	v16 =	vmul.f32 $1.131370830e+01, v16;
	v15 =	vadd.f32 v15, v7;
	v12 =	vld [tilespmem:s7+$0xF260];
	[tilespmem:s7+$0xD960] =	vst v13  }
0xe0: {  	v13 =	vld [tilespmem:s7+$0xF270];
	[tilespmem:s7+$0xD970] =	vst v14;
	v8 =	vmul.f32 $1.131370830e+01, v8  }
0xe1: {  	v16 =	vadd.f32 v16, v6;
	v14 =	vld [tilespmem:s7+$0x10B00];
	[tilespmem:s7+$0xF200] =	vst v15;
	v15 =	vmul.f32 $1.131370830e+01, v9  }
0xe2: {  	v17 =	vld [tilespmem:s7+$0x10B10];
	v10 =	vmul.f32 $1.131370830e+01, v10;
	v8 =	vadd.f32 v8, v5  }
0xe3: {  	[tilespmem:s7+$0xF210] =	vst v16;
	v9 =	vld [tilespmem:s7+$0x10B20];
	v11 =	vmul.f32 $1.131370830e+01, v11;
	v15 =	vadd.f32 v15, v4  }
0xe4: {  	v12 =	vmul.f32 $1.131370830e+01, v12;
	v16 =	vadd.f32 v10, v3;
	[tilespmem:s7+$0xF220] =	vst v8;
	v8 =	vld [tilespmem:s7+$0x10B30]  }
0xe5: {  	v13 =	vmul.f32 $1.131370830e+01, v13;
	v10 =	vld [tilespmem:s7+$0x10B40];
	v18 =	vadd.f32 v11, v2;
	[tilespmem:s7+$0xF230] =	vst v15  }
0xe6: {  	v11 =	vld [tilespmem:s7+$0x10B50];
	[tilespmem:s7+$0xF240] =	vst v16;
	v15 =	vadd.f32 v12, v1;
	v16 =	vmul.f32 $1.131370830e+01, v14  }
0xe7: {  	s8 =	simm.s32 $0x200;
	v13 =	vadd.f32 v13, v0;
	[tilespmem:s7+$0xF250] =	vst v18;
	v14 =	vmul.f32 $1.131370830e+01, v17;
	v12 =	vld [tilespmem:s7+$0x10B60]  }
.LBB2_5:
0xe8: {  	s11 =	sshra.s32 s8, $0x2;
	p1 =	sne.s32 s8, $0x6200;
	[tilespmem:s7+$0xF260] =	vst v15;
	v15 =	vadd.f32 v16, v7;
	v9 =	vmul.f32 $1.131370830e+01, v9;
	v16 =	vld [tilespmem:s7+$0x10B70]  }
0xe9: {  	v7 =	vld [tilespmem:s11+$0x4000];
	[tilespmem:s7+$0xF270] =	vst v13;
	v13 =	vadd.f32 v14, v6;
	v8 =	vmul.f32 $1.131370830e+01, v8  }
0xea: {  	v6 =	vld [tilespmem:s11+$0x4010];
	[tilespmem:s7+$0x10B00] =	vst v15;
	v9 =	vadd.f32 v9, v5;
	v10 =	vmul.f32 $1.131370830e+01, v10  }
0xeb: {  	v5 =	vld [tilespmem:s11+$0x4020];
	[tilespmem:s7+$0x10B10] =	vst v13;
	v8 =	vadd.f32 v8, v4;
	v11 =	vmul.f32 $1.131370830e+01, v11  }
0xec: {  	v4 =	vld [tilespmem:s11+$0x4030];
	[tilespmem:s7+$0x10B20] =	vst v9;
	v9 =	vadd.f32 v10, v3;
	v10 =	vmul.f32 $1.131370830e+01, v12  }
0xed: {  	v3 =	vld [tilespmem:s11+$0x4040];
	[tilespmem:s7+$0x10B30] =	vst v8;
	v8 =	vadd.f32 v11, v2;
	v11 =	vmul.f32 $1.131370830e+01, v16  }
0xee: {  	v2 =	vld [tilespmem:s11+$0x4050];
	[tilespmem:s7+$0x10B40] =	vst v9;
	v9 =	vadd.f32 v10, v1  }
0xef: {  	v1 =	vld [tilespmem:s11+$0x4060];
	[tilespmem:s7+$0x10B50] =	vst v8;
	v8 =	vadd.f32 v11, v0  }
0xf0: {  	v0 =	vld [tilespmem:s11+$0x4070];
	[tilespmem:s7+$0x10B60] =	vst v9  }
0xf1: {  	v9 =	vld [tilespmem:s11+$0xC000];
	[tilespmem:s7+$0x10B70] =	vst v8;
	s7 =	smov.u32 s11  }
0xf2: {  	v8 =	vld [tilespmem:s7+$0xC010]  }
0xf3: {  	v10 =	vld [tilespmem:s7+$0xC020]  }
0xf4: {  	v11 =	vld [tilespmem:s7+$0xC030]  }
0xf5: {  	v12 =	vld [tilespmem:s7+$0xC040]  }
0xf6: {  	v9 =	vmul.f32 $1.131370830e+01, v9;
	v13 =	vld [tilespmem:s7+$0xC050]  }
0xf7: {  	v8 =	vmul.f32 $1.131370830e+01, v8;
	v14 =	vld [tilespmem:s7+$0xC060]  }
0xf8: {  	v9 =	vadd.f32 v9, v7;
	v10 =	vmul.f32 $1.131370830e+01, v10;
	v15 =	vld [tilespmem:s7+$0xC070]  }
0xf9: {  	v8 =	vadd.f32 v8, v6;
	v11 =	vmul.f32 $1.131370830e+01, v11;
	v16 =	vld [tilespmem:s7+$0xD900]  }
0xfa: {  	[tilespmem:s7+$0xC000] =	vst v9;
	v9 =	vadd.f32 v10, v5;
	v10 =	vmul.f32 $1.131370830e+01, v12;
	v12 =	vld [tilespmem:s7+$0xD910]  }
0xfb: {  	[tilespmem:s7+$0xC010] =	vst v8;
	v8 =	vadd.f32 v11, v4;
	v11 =	vmul.f32 $1.131370830e+01, v13;
	v13 =	vld [tilespmem:s7+$0xD920]  }
0xfc: {  	[tilespmem:s7+$0xC020] =	vst v9;
	v9 =	vadd.f32 v10, v3;
	v10 =	vmul.f32 $1.131370830e+01, v14;
	v14 =	vld [tilespmem:s7+$0xD930]  }
0xfd: {  	[tilespmem:s7+$0xC030] =	vst v8;
	v8 =	vadd.f32 v11, v2;
	v11 =	vmul.f32 $1.131370830e+01, v15;
	v15 =	vld [tilespmem:s7+$0xD940]  }
0xfe: {  	[tilespmem:s7+$0xC040] =	vst v9;
	v9 =	vadd.f32 v10, v1;
	v10 =	vmul.f32 $1.131370830e+01, v16;
	v16 =	vld [tilespmem:s7+$0xD950]  }
0xff: {  	[tilespmem:s7+$0xC050] =	vst v8;
	v8 =	vadd.f32 v11, v0;
	v11 =	vmul.f32 $1.131370830e+01, v12;
	v12 =	vld [tilespmem:s7+$0xD960]  }
0x100: {  	[tilespmem:s7+$0xC060] =	vst v9;
	v9 =	vadd.f32 v10, v7;
	v10 =	vmul.f32 $1.131370830e+01, v13;
	v13 =	vld [tilespmem:s7+$0xD970]  }
0x101: {  	[tilespmem:s7+$0xC070] =	vst v8;
	v8 =	vadd.f32 v11, v6;
	v11 =	vmul.f32 $1.131370830e+01, v14;
	v14 =	vld [tilespmem:s7+$0xF200]  }
0x102: {  	[tilespmem:s7+$0xD900] =	vst v9;
	v9 =	vadd.f32 v10, v5;
	v10 =	vmul.f32 $1.131370830e+01, v15;
	v15 =	vld [tilespmem:s7+$0xF210]  }
0x103: {  	[tilespmem:s7+$0xD910] =	vst v8;
	v8 =	vadd.f32 v11, v4;
	v11 =	vmul.f32 $1.131370830e+01, v16;
	v16 =	vld [tilespmem:s7+$0xF220]  }
0x104: {  	[tilespmem:s7+$0xD920] =	vst v9;
	v9 =	vadd.f32 v10, v3;
	v10 =	vmul.f32 $1.131370830e+01, v12;
	v12 =	vld [tilespmem:s7+$0xF230]  }
0x105: {  	[tilespmem:s7+$0xD930] =	vst v8;
	v8 =	vadd.f32 v11, v2;
	v11 =	vmul.f32 $1.131370830e+01, v13;
	v13 =	vld [tilespmem:s7+$0xF240]  }
0x106: {  	[tilespmem:s7+$0xD940] =	vst v9;
	v9 =	vadd.f32 v10, v1;
	v10 =	vmul.f32 $1.131370830e+01, v14;
	v14 =	vld [tilespmem:s7+$0xF250]  }
0x107: {  	[tilespmem:s7+$0xD950] =	vst v8;
	v8 =	vadd.f32 v11, v0;
	v11 =	vmul.f32 $1.131370830e+01, v15;
	v15 =	vld [tilespmem:s7+$0xF260]  }
0x108: {  	[tilespmem:s7+$0xD960] =	vst v9;
	v9 =	vadd.f32 v10, v7;
	v10 =	vmul.f32 $1.131370830e+01, v16;
	v16 =	vld [tilespmem:s7+$0xF270]  }
0x109: {  	[tilespmem:s7+$0xD970] =	vst v8;
	v8 =	vadd.f32 v11, v6;
	v11 =	vmul.f32 $1.131370830e+01, v12;
	v12 =	vld [tilespmem:s7+$0x10B00]  }
0x10a: {  	[tilespmem:s7+$0xF200] =	vst v9;
	v10 =	vadd.f32 v10, v5;
	v13 =	vmul.f32 $1.131370830e+01, v13;
	v17 =	vld [tilespmem:s7+$0x10B10]  }
.Ltmp1:
0x10b: {  	[tilespmem:s7+$0xF210] =	vst v8;
	v11 =	vadd.f32 v11, v4;
	v14 =	vmul.f32 $1.131370830e+01, v14;
	v9 =	vld [tilespmem:s7+$0x10B20];
	(pc) =	sbr.rel @p1 .LBB2_5-.Ltmp1, $4  }
0x10c: {  	[tilespmem:s7+$0xF220] =	vst v10;
	v13 =	vadd.f32 v13, v3;
	v15 =	vmul.f32 $1.131370830e+01, v15;
	v8 =	vld [tilespmem:s7+$0x10B30]  }
0x10d: {  	[tilespmem:s7+$0xF230] =	vst v11;
	v14 =	vadd.f32 v14, v2;
	v18 =	vmul.f32 $1.131370830e+01, v16;
	v10 =	vld [tilespmem:s7+$0x10B40]  }
0x10e: {  	[tilespmem:s7+$0xF240] =	vst v13;
	v15 =	vadd.f32 v15, v1;
	v16 =	vmul.f32 $1.131370830e+01, v12;
	v11 =	vld [tilespmem:s7+$0x10B50]  }
0x10f: {  	s8 =	sadd.s32 $0x200, s8;
	[tilespmem:s7+$0xF250] =	vst v14;
	v13 =	vadd.f32 v18, v0;
	v14 =	vmul.f32 $1.131370830e+01, v17;
	v12 =	vld [tilespmem:s7+$0x10B60]  }
0x110: {  	[tilespmem:s7+$0xF260] =	vst v15;
	v7 =	vadd.f32 v16, v7;
	v9 =	vmul.f32 $1.131370830e+01, v9;
	v15 =	vld [tilespmem:s7+$0x10B70]  }
0x111: {  	[tilespmem:s7+$0xF270] =	vst v13;
	v6 =	vadd.f32 v14, v6;
	v8 =	vmul.f32 $1.131370830e+01, v8  }
0x112: {  	[tilespmem:s7+$0x10B00] =	vst v7;
	v5 =	vadd.f32 v9, v5;
	v7 =	vmul.f32 $1.131370830e+01, v10  }
0x113: {  	[tilespmem:s7+$0x10B10] =	vst v6;
	v4 =	vadd.f32 v8, v4;
	v6 =	vmul.f32 $1.131370830e+01, v11  }
0x114: {  	[tilespmem:s7+$0x10B20] =	vst v5;
	v3 =	vadd.f32 v7, v3;
	v5 =	vmul.f32 $1.131370830e+01, v12  }
0x115: {  	[tilespmem:s7+$0x10B30] =	vst v4;
	v2 =	vadd.f32 v6, v2;
	v4 =	vmul.f32 $1.131370830e+01, v15  }
0x116: {  	[tilespmem:s7+$0x10B40] =	vst v3;
	v1 =	vadd.f32 v5, v1  }
0x117: {  	s8 =	sadd.s32 s30, s9;
	[tilespmem:s7+$0x10B50] =	vst v2;
	v0 =	vadd.f32 v4, v0  }
0x118: {  	s8 =	sshll.u32 s8, $0x4;
	[tilespmem:s7+$0x10B60] =	vst v1  }
0x119: {  	s11 =	sadd.s32 s3, s8;
	[tilespmem:s7+$0x10B70] =	vst v0  }
0x11a: {  	[hbm4b:s11+s4] =	stream.linear.scatter [tilespmem:s22], [sflag:$0x6], $0x6400, $0x38;
	[tilespmem:$0x1EC00] =	vst v63  }
0x11b: {  	_ =	swait.ge [sflag:s28], $0x1900  }
0x11c: {  	[sflag:s28] =	ssyncset.done $0x0  }
0x11d: {  	[sflag:s28] =	ssyncadd.s32 $0xFFFFE700  }
0x11e: {  	_ =	swait.ge [sflag:s28], $0x1900  }
0x11f: {  	[sflag:s28] =	ssyncset.done $0x0  }
0x120: {  	[sflag:s28] =	ssyncadd.s32 $0xFFFFE700  }
0x121: {  	_ =	swait.ge [sflag:s28], $0x1900  }
0x122: {  	[sflag:s28] =	ssyncset.done $0x0  }
0x123: {  	[sflag:s28] =	ssyncadd.s32 $0xFFFFE700  }
0x124: {  	_ =	swait.ge [sflag:s28], $0x1900  }
0x125: {  	[sflag:s28] =	ssyncset.done $0x0  }
0x126: {  	s7 =	simm.s32 @!p0 $0x6;
	[sflag:s28] =	ssyncadd.s32 $0xFFFFE700  }
0x127: {  	_ =	swait.ge @!p0 [sflag:s7], $0x6400  }
0x128: {  	s8 =	simm.s32 @!p0 $0x32;
	[sflag:s7] =	ssyncset.done @!p0 $0x0  }
0x129: {  	s11 =	simm.s32 @!p0 $0xC000;
	[sflag:s7] =	ssyncadd.s32 @!p0 $0xFFFF9C00;
	s7 =	sadd.s32 @!p0 $0xA00, s5  }
0x12a: {  	[tilespmem:s11], [sflag:$0x2] =	stream.indirect.gather @!p0 [hbm4b:s1+s8], $0x80, s7, s8, $0xb8;
	[tilespmem:$0x1EC00] =	vst v63  }
0x12b: {  	s7 =	sadd.s32 @!p0 $0xA80, s5;
	s11 =	simm.s32 @!p0 $0xD900  }
0x12c: {  	[tilespmem:s11], [sflag:$0x2] =	stream.indirect.gather @!p0 [hbm4b:s1+s8], $0x80, s7, s8, $0xb8;
	[tilespmem:$0x1EC00] =	vst v63  }
0x12d: {  	s7 =	sadd.s32 @!p0 $0xB00, s5;
	s11 =	simm.s32 @!p0 $0xF200  }
0x12e: {  	[tilespmem:s11], [sflag:$0x2] =	stream.indirect.gather @!p0 [hbm4b:s1+s8], $0x80, s7, s8, $0xb8;
	[tilespmem:$0x1EC00] =	vst v63  }
0x12f: {  	s7 =	sadd.s32 @!p0 $0xB80, s5;
	s11 =	simm.s32 @!p0 $0x10B00  }
0x130: {  	[tilespmem:s11], [sflag:$0x2] =	stream.indirect.gather @!p0 [hbm4b:s1+s8], $0x80, s7, s8, $0xb8;
	[tilespmem:$0x1EC00] =	vst v63  }
0x131: {  	s7 =	simm.s32 $0x0  }
0x132: {  	v7 =	vld [tilespmem:s7+$0x4000]  }
0x133: {  	v6 =	vld [tilespmem:s7+$0x4010]  }
0x134: {  	v5 =	vld [tilespmem:s7+$0x4020]  }
0x135: {  	v4 =	vld [tilespmem:s7+$0x4030]  }
0x136: {  	v3 =	vld [tilespmem:s7+$0x4040]  }
0x137: {  	v2 =	vld [tilespmem:s7+$0x4050]  }
0x138: {  	v1 =	vld [tilespmem:s7+$0x4060]  }
0x139: {  	v0 =	vld [tilespmem:s7+$0x4070]  }
0x13a: {  	v8 =	vld [tilespmem:s7+$0x12400]  }
0x13b: {  	v9 =	vld [tilespmem:s7+$0x12410]  }
0x13c: {  	v10 =	vld [tilespmem:s7+$0x12420]  }
0x13d: {  	v11 =	vld [tilespmem:s7+$0x12430]  }
0x13e: {  	v12 =	vld [tilespmem:s7+$0x12440]  }
0x13f: {  	v13 =	vld [tilespmem:s7+$0x12450];
	v8 =	vmul.f32 $1.131370830e+01, v8  }
0x140: {  	v14 =	vld [tilespmem:s7+$0x12460];
	v9 =	vmul.f32 $1.131370830e+01, v9  }
0x141: {  	v15 =	vld [tilespmem:s7+$0x12470];
	v10 =	vmul.f32 $1.131370830e+01, v10;
	v8 =	vadd.f32 v8, v7  }
0x142: {  	v16 =	vld [tilespmem:s7+$0x13D00];
	v11 =	vmul.f32 $1.131370830e+01, v11;
	v9 =	vadd.f32 v9, v6  }
0x143: {  	v12 =	vmul.f32 $1.131370830e+01, v12;
	v10 =	vadd.f32 v10, v5;
	[tilespmem:s7+$0x12400] =	vst v8;
	v8 =	vld [tilespmem:s7+$0x13D10]  }
0x144: {  	v13 =	vmul.f32 $1.131370830e+01, v13;
	v11 =	vadd.f32 v11, v4;
	[tilespmem:s7+$0x12410] =	vst v9;
	v9 =	vld [tilespmem:s7+$0x13D20]  }
0x145: {  	v14 =	vmul.f32 $1.131370830e+01, v14;
	v12 =	vadd.f32 v12, v3;
	[tilespmem:s7+$0x12420] =	vst v10;
	v10 =	vld [tilespmem:s7+$0x13D30]  }
0x146: {  	v15 =	vmul.f32 $1.131370830e+01, v15;
	v13 =	vadd.f32 v13, v2;
	[tilespmem:s7+$0x12430] =	vst v11;
	v11 =	vld [tilespmem:s7+$0x13D40]  }
0x147: {  	v16 =	vmul.f32 $1.131370830e+01, v16;
	v14 =	vadd.f32 v14, v1;
	[tilespmem:s7+$0x12440] =	vst v12;
	v12 =	vld [tilespmem:s7+$0x13D50]  }
0x148: {  	v15 =	vadd.f32 v15, v0;
	[tilespmem:s7+$0x12450] =	vst v13;
	v13 =	vld [tilespmem:s7+$0x13D60];
	v8 =	vmul.f32 $1.131370830e+01, v8  }
0x149: {  	v16 =	vadd.f32 v16, v7;
	[tilespmem:s7+$0x12460] =	vst v14;
	v14 =	vld [tilespmem:s7+$0x13D70];
	v9 =	vmul.f32 $1.131370830e+01, v9  }
0x14a: {  	[tilespmem:s7+$0x12470] =	vst v15;
	v15 =	vld [tilespmem:s7+$0x15600];
	v10 =	vmul.f32 $1.131370830e+01, v10;
	v8 =	vadd.f32 v8, v6  }
0x14b: {  	[tilespmem:s7+$0x13D00] =	vst v16;
	v11 =	vmul.f32 $1.131370830e+01, v11;
	v9 =	vadd.f32 v9, v5  }
0x14c: {  	v16 =	vld [tilespmem:s7+$0x15610];
	v12 =	vmul.f32 $1.131370830e+01, v12;
	v10 =	vadd.f32 v10, v4;
	[tilespmem:s7+$0x13D10] =	vst v8  }
0x14d: {  	v13 =	vmul.f32 $1.131370830e+01, v13;
	v11 =	vadd.f32 v11, v3;
	v8 =	vld [tilespmem:s7+$0x15620];
	[tilespmem:s7+$0x13D20] =	vst v9  }
0x14e: {  	v14 =	vmul.f32 $1.131370830e+01, v14;
	v12 =	vadd.f32 v12, v2;
	v9 =	vld [tilespmem:s7+$0x15630];
	[tilespmem:s7+$0x13D30] =	vst v10  }
0x14f: {  	v15 =	vmul.f32 $1.131370830e+01, v15;
	v13 =	vadd.f32 v13, v1;
	v10 =	vld [tilespmem:s7+$0x15640];
	[tilespmem:s7+$0x13D40] =	vst v11  }
0x150: {  	v14 =	vadd.f32 v14, v0;
	v11 =	vld [tilespmem:s7+$0x15650];
	[tilespmem:s7+$0x13D50] =	vst v12  }
0x151: {  	v16 =	vmul.f32 $1.131370830e+01, v16;
	v15 =	vadd.f32 v15, v7;
	v12 =	vld [tilespmem:s7+$0x15660];
	[tilespmem:s7+$0x13D60] =	vst v13  }
0x152: {  	v13 =	vld [tilespmem:s7+$0x15670];
	[tilespmem:s7+$0x13D70] =	vst v14;
	v8 =	vmul.f32 $1.131370830e+01, v8  }
0x153: {  	v16 =	vadd.f32 v16, v6;
	v14 =	vld [tilespmem:s7+$0x16F00];
	[tilespmem:s7+$0x15600] =	vst v15;
	v15 =	vmul.f32 $1.131370830e+01, v9  }
0x154: {  	v17 =	vld [tilespmem:s7+$0x16F10];
	v10 =	vmul.f32 $1.131370830e+01, v10;
	v8 =	vadd.f32 v8, v5  }
0x155: {  	[tilespmem:s7+$0x15610] =	vst v16;
	v9 =	vld [tilespmem:s7+$0x16F20];
	v11 =	vmul.f32 $1.131370830e+01, v11;
	v15 =	vadd.f32 v15, v4  }
0x156: {  	v12 =	vmul.f32 $1.131370830e+01, v12;
	v16 =	vadd.f32 v10, v3;
	[tilespmem:s7+$0x15620] =	vst v8;
	v8 =	vld [tilespmem:s7+$0x16F30]  }
0x157: {  	v13 =	vmul.f32 $1.131370830e+01, v13;
	v10 =	vld [tilespmem:s7+$0x16F40];
	v18 =	vadd.f32 v11, v2;
	[tilespmem:s7+$0x15630] =	vst v15  }
0x158: {  	v11 =	vld [tilespmem:s7+$0x16F50];
	[tilespmem:s7+$0x15640] =	vst v16;
	v15 =	vadd.f32 v12, v1;
	v16 =	vmul.f32 $1.131370830e+01, v14  }
0x159: {  	s8 =	simm.s32 $0x200;
	v13 =	vadd.f32 v13, v0;
	[tilespmem:s7+$0x15650] =	vst v18;
	v14 =	vmul.f32 $1.131370830e+01, v17;
	v12 =	vld [tilespmem:s7+$0x16F60]  }
.LBB2_7:
0x15a: {  	s11 =	sshra.s32 s8, $0x2;
	p1 =	sne.s32 s8, $0x6200;
	[tilespmem:s7+$0x15660] =	vst v15;
	v15 =	vadd.f32 v16, v7;
	v9 =	vmul.f32 $1.131370830e+01, v9;
	v16 =	vld [tilespmem:s7+$0x16F70]  }
0x15b: {  	v7 =	vld [tilespmem:s11+$0x4000];
	[tilespmem:s7+$0x15670] =	vst v13;
	v13 =	vadd.f32 v14, v6;
	v8 =	vmul.f32 $1.131370830e+01, v8  }
0x15c: {  	v6 =	vld [tilespmem:s11+$0x4010];
	[tilespmem:s7+$0x16F00] =	vst v15;
	v9 =	vadd.f32 v9, v5;
	v10 =	vmul.f32 $1.131370830e+01, v10  }
0x15d: {  	v5 =	vld [tilespmem:s11+$0x4020];
	[tilespmem:s7+$0x16F10] =	vst v13;
	v8 =	vadd.f32 v8, v4;
	v11 =	vmul.f32 $1.131370830e+01, v11  }
0x15e: {  	v4 =	vld [tilespmem:s11+$0x4030];
	[tilespmem:s7+$0x16F20] =	vst v9;
	v9 =	vadd.f32 v10, v3;
	v10 =	vmul.f32 $1.131370830e+01, v12  }
0x15f: {  	v3 =	vld [tilespmem:s11+$0x4040];
	[tilespmem:s7+$0x16F30] =	vst v8;
	v8 =	vadd.f32 v11, v2;
	v11 =	vmul.f32 $1.131370830e+01, v16  }
0x160: {  	v2 =	vld [tilespmem:s11+$0x4050];
	[tilespmem:s7+$0x16F40] =	vst v9;
	v9 =	vadd.f32 v10, v1  }
0x161: {  	v1 =	vld [tilespmem:s11+$0x4060];
	[tilespmem:s7+$0x16F50] =	vst v8;
	v8 =	vadd.f32 v11, v0  }
0x162: {  	v0 =	vld [tilespmem:s11+$0x4070];
	[tilespmem:s7+$0x16F60] =	vst v9  }
0x163: {  	v9 =	vld [tilespmem:s11+$0x12400];
	[tilespmem:s7+$0x16F70] =	vst v8;
	s7 =	smov.u32 s11  }
0x164: {  	v8 =	vld [tilespmem:s7+$0x12410]  }
0x165: {  	v10 =	vld [tilespmem:s7+$0x12420]  }
0x166: {  	v11 =	vld [tilespmem:s7+$0x12430]  }
0x167: {  	v12 =	vld [tilespmem:s7+$0x12440]  }
0x168: {  	v9 =	vmul.f32 $1.131370830e+01, v9;
	v13 =	vld [tilespmem:s7+$0x12450]  }
0x169: {  	v8 =	vmul.f32 $1.131370830e+01, v8;
	v14 =	vld [tilespmem:s7+$0x12460]  }
0x16a: {  	v9 =	vadd.f32 v9, v7;
	v10 =	vmul.f32 $1.131370830e+01, v10;
	v15 =	vld [tilespmem:s7+$0x12470]  }
0x16b: {  	v8 =	vadd.f32 v8, v6;
	v11 =	vmul.f32 $1.131370830e+01, v11;
	v16 =	vld [tilespmem:s7+$0x13D00]  }
0x16c: {  	[tilespmem:s7+$0x12400] =	vst v9;
	v9 =	vadd.f32 v10, v5;
	v10 =	vmul.f32 $1.131370830e+01, v12;
	v12 =	vld [tilespmem:s7+$0x13D10]  }
0x16d: {  	[tilespmem:s7+$0x12410] =	vst v8;
	v8 =	vadd.f32 v11, v4;
	v11 =	vmul.f32 $1.131370830e+01, v13;
	v13 =	vld [tilespmem:s7+$0x13D20]  }
0x16e: {  	[tilespmem:s7+$0x12420] =	vst v9;
	v9 =	vadd.f32 v10, v3;
	v10 =	vmul.f32 $1.131370830e+01, v14;
	v14 =	vld [tilespmem:s7+$0x13D30]  }
0x16f: {  	[tilespmem:s7+$0x12430] =	vst v8;
	v8 =	vadd.f32 v11, v2;
	v11 =	vmul.f32 $1.131370830e+01, v15;
	v15 =	vld [tilespmem:s7+$0x13D40]  }
0x170: {  	[tilespmem:s7+$0x12440] =	vst v9;
	v9 =	vadd.f32 v10, v1;
	v10 =	vmul.f32 $1.131370830e+01, v16;
	v16 =	vld [tilespmem:s7+$0x13D50]  }
0x171: {  	[tilespmem:s7+$0x12450] =	vst v8;
	v8 =	vadd.f32 v11, v0;
	v11 =	vmul.f32 $1.131370830e+01, v12;
	v12 =	vld [tilespmem:s7+$0x13D60]  }
0x172: {  	[tilespmem:s7+$0x12460] =	vst v9;
	v9 =	vadd.f32 v10, v7;
	v10 =	vmul.f32 $1.131370830e+01, v13;
	v13 =	vld [tilespmem:s7+$0x13D70]  }
0x173: {  	[tilespmem:s7+$0x12470] =	vst v8;
	v8 =	vadd.f32 v11, v6;
	v11 =	vmul.f32 $1.131370830e+01, v14;
	v14 =	vld [tilespmem:s7+$0x15600]  }
0x174: {  	[tilespmem:s7+$0x13D00] =	vst v9;
	v9 =	vadd.f32 v10, v5;
	v10 =	vmul.f32 $1.131370830e+01, v15;
	v15 =	vld [tilespmem:s7+$0x15610]  }
0x175: {  	[tilespmem:s7+$0x13D10] =	vst v8;
	v8 =	vadd.f32 v11, v4;
	v11 =	vmul.f32 $1.131370830e+01, v16;
	v16 =	vld [tilespmem:s7+$0x15620]  }
0x176: {  	[tilespmem:s7+$0x13D20] =	vst v9;
	v9 =	vadd.f32 v10, v3;
	v10 =	vmul.f32 $1.131370830e+01, v12;
	v12 =	vld [tilespmem:s7+$0x15630]  }
0x177: {  	[tilespmem:s7+$0x13D30] =	vst v8;
	v8 =	vadd.f32 v11, v2;
	v11 =	vmul.f32 $1.131370830e+01, v13;
	v13 =	vld [tilespmem:s7+$0x15640]  }
0x178: {  	[tilespmem:s7+$0x13D40] =	vst v9;
	v9 =	vadd.f32 v10, v1;
	v10 =	vmul.f32 $1.131370830e+01, v14;
	v14 =	vld [tilespmem:s7+$0x15650]  }
0x179: {  	[tilespmem:s7+$0x13D50] =	vst v8;
	v8 =	vadd.f32 v11, v0;
	v11 =	vmul.f32 $1.131370830e+01, v15;
	v15 =	vld [tilespmem:s7+$0x15660]  }
0x17a: {  	[tilespmem:s7+$0x13D60] =	vst v9;
	v9 =	vadd.f32 v10, v7;
	v10 =	vmul.f32 $1.131370830e+01, v16;
	v16 =	vld [tilespmem:s7+$0x15670]  }
0x17b: {  	[tilespmem:s7+$0x13D70] =	vst v8;
	v8 =	vadd.f32 v11, v6;
	v11 =	vmul.f32 $1.131370830e+01, v12;
	v12 =	vld [tilespmem:s7+$0x16F00]  }
0x17c: {  	[tilespmem:s7+$0x15600] =	vst v9;
	v10 =	vadd.f32 v10, v5;
	v13 =	vmul.f32 $1.131370830e+01, v13;
	v17 =	vld [tilespmem:s7+$0x16F10]  }
.Ltmp2:
0x17d: {  	[tilespmem:s7+$0x15610] =	vst v8;
	v11 =	vadd.f32 v11, v4;
	v14 =	vmul.f32 $1.131370830e+01, v14;
	v9 =	vld [tilespmem:s7+$0x16F20];
	(pc) =	sbr.rel @p1 .LBB2_7-.Ltmp2, $4  }
0x17e: {  	[tilespmem:s7+$0x15620] =	vst v10;
	v13 =	vadd.f32 v13, v3;
	v15 =	vmul.f32 $1.131370830e+01, v15;
	v8 =	vld [tilespmem:s7+$0x16F30]  }
0x17f: {  	[tilespmem:s7+$0x15630] =	vst v11;
	v14 =	vadd.f32 v14, v2;
	v18 =	vmul.f32 $1.131370830e+01, v16;
	v10 =	vld [tilespmem:s7+$0x16F40]  }
0x180: {  	[tilespmem:s7+$0x15640] =	vst v13;
	v15 =	vadd.f32 v15, v1;
	v16 =	vmul.f32 $1.131370830e+01, v12;
	v11 =	vld [tilespmem:s7+$0x16F50]  }
0x181: {  	s8 =	sadd.s32 $0x200, s8;
	[tilespmem:s7+$0x15650] =	vst v14;
	v13 =	vadd.f32 v18, v0;
	v14 =	vmul.f32 $1.131370830e+01, v17;
	v12 =	vld [tilespmem:s7+$0x16F60]  }
0x182: {  	[tilespmem:s7+$0x15660] =	vst v15;
	v7 =	vadd.f32 v16, v7;
	v9 =	vmul.f32 $1.131370830e+01, v9;
	v15 =	vld [tilespmem:s7+$0x16F70]  }
0x183: {  	[tilespmem:s7+$0x15670] =	vst v13;
	v6 =	vadd.f32 v14, v6;
	v8 =	vmul.f32 $1.131370830e+01, v8  }
0x184: {  	[tilespmem:s7+$0x16F00] =	vst v7;
	v5 =	vadd.f32 v9, v5;
	v7 =	vmul.f32 $1.131370830e+01, v10  }
0x185: {  	[tilespmem:s7+$0x16F10] =	vst v6;
	v4 =	vadd.f32 v8, v4;
	v6 =	vmul.f32 $1.131370830e+01, v11  }
0x186: {  	[tilespmem:s7+$0x16F20] =	vst v5;
	v3 =	vadd.f32 v7, v3;
	v5 =	vmul.f32 $1.131370830e+01, v12  }
0x187: {  	[tilespmem:s7+$0x16F30] =	vst v4;
	v2 =	vadd.f32 v6, v2;
	v4 =	vmul.f32 $1.131370830e+01, v15  }
0x188: {  	[tilespmem:s7+$0x16F40] =	vst v3;
	v1 =	vadd.f32 v5, v1  }
0x189: {  	s8 =	sadd.s32 s30, s10;
	[tilespmem:s7+$0x16F50] =	vst v2;
	v0 =	vadd.f32 v4, v0  }
0x18a: {  	s8 =	sshll.u32 s8, $0x4;
	[tilespmem:s7+$0x16F60] =	vst v1  }
0x18b: {  	s30 =	sadd.s32 s3, s8;
	[tilespmem:s7+$0x16F70] =	vst v0  }
0x18c: {  	[hbm4b:s30+s4] =	stream.linear.scatter [tilespmem:s31], [sflag:$0x7], $0x6400, $0x38;
	[tilespmem:$0x1EC00] =	vst v63  }
0x18d: {  	_ =	swait.ge [sflag:s29], $0x1900  }
0x18e: {  	[sflag:s29] =	ssyncset.done $0x0  }
0x18f: {  	[sflag:s29] =	ssyncadd.s32 $0xFFFFE700  }
0x190: {  	_ =	swait.ge [sflag:s29], $0x1900  }
0x191: {  	[sflag:s29] =	ssyncset.done $0x0  }
0x192: {  	[sflag:s29] =	ssyncadd.s32 $0xFFFFE700  }
0x193: {  	_ =	swait.ge [sflag:s29], $0x1900  }
0x194: {  	[sflag:s29] =	ssyncset.done $0x0  }
0x195: {  	[sflag:s29] =	ssyncadd.s32 $0xFFFFE700  }
0x196: {  	_ =	swait.ge [sflag:s29], $0x1900  }
0x197: {  	[sflag:s29] =	ssyncset.done $0x0  }
0x198: {  	s7 =	simm.s32 @!p0 $0x7;
	[sflag:s29] =	ssyncadd.s32 $0xFFFFE700  }
0x199: {  	_ =	swait.ge @!p0 [sflag:s7], $0x6400  }
0x19a: {  	s11 =	simm.s32 @!p0 $0x12400;
	[sflag:s7] =	ssyncset.done @!p0 $0x0  }
0x19b: {  	s8 =	simm.s32 @!p0 $0x32;
	[sflag:s7] =	ssyncadd.s32 @!p0 $0xFFFF9C00;
	s7 =	sadd.s32 @!p0 $0xC00, s5  }
0x19c: {  	[tilespmem:s11], [sflag:$0x3] =	stream.indirect.gather @!p0 [hbm4b:s1+s8], $0x80, s7, s8, $0xb8;
	[tilespmem:$0x1EC00] =	vst v63  }
0x19d: {  	s7 =	sadd.s32 @!p0 $0xC80, s5;
	s11 =	simm.s32 @!p0 $0x13D00  }
0x19e: {  	[tilespmem:s11], [sflag:$0x3] =	stream.indirect.gather @!p0 [hbm4b:s1+s8], $0x80, s7, s8, $0xb8;
	[tilespmem:$0x1EC00] =	vst v63  }
0x19f: {  	s7 =	sadd.s32 @!p0 $0xD00, s5;
	s11 =	simm.s32 @!p0 $0x15600  }
0x1a0: {  	[tilespmem:s11], [sflag:$0x3] =	stream.indirect.gather @!p0 [hbm4b:s1+s8], $0x80, s7, s8, $0xb8;
	[tilespmem:$0x1EC00] =	vst v63  }
0x1a1: {  	s5 =	sadd.s32 @!p0 $0xD80, s5;
	s7 =	simm.s32 @!p0 $0x16F00  }
0x1a2: {  	[tilespmem:s7], [sflag:$0x3] =	stream.indirect.gather @!p0 [hbm4b:s1+s8], $0x80, s5, s8, $0xb8;
	[tilespmem:$0x1EC00] =	vst v63  }
0x1a3: {  	s5 =	simm.s32 $0x0  }
0x1a4: {  	v7 =	vld [tilespmem:s5+$0x4000]  }
0x1a5: {  	v6 =	vld [tilespmem:s5+$0x4010]  }
0x1a6: {  	v5 =	vld [tilespmem:s5+$0x4020]  }
0x1a7: {  	v4 =	vld [tilespmem:s5+$0x4030]  }
0x1a8: {  	v3 =	vld [tilespmem:s5+$0x4040]  }
0x1a9: {  	v2 =	vld [tilespmem:s5+$0x4050]  }
0x1aa: {  	v1 =	vld [tilespmem:s5+$0x4060]  }
0x1ab: {  	v0 =	vld [tilespmem:s5+$0x4070]  }
0x1ac: {  	v8 =	vld [tilespmem:s5+$0x18800]  }
0x1ad: {  	v9 =	vld [tilespmem:s5+$0x18810]  }
0x1ae: {  	v10 =	vld [tilespmem:s5+$0x18820]  }
0x1af: {  	v11 =	vld [tilespmem:s5+$0x18830]  }
0x1b0: {  	v12 =	vld [tilespmem:s5+$0x18840]  }
0x1b1: {  	v13 =	vld [tilespmem:s5+$0x18850];
	v8 =	vmul.f32 $1.131370830e+01, v8  }
0x1b2: {  	v14 =	vld [tilespmem:s5+$0x18860];
	v9 =	vmul.f32 $1.131370830e+01, v9  }
0x1b3: {  	v15 =	vld [tilespmem:s5+$0x18870];
	v10 =	vmul.f32 $1.131370830e+01, v10;
	v8 =	vadd.f32 v8, v7  }
0x1b4: {  	v16 =	vld [tilespmem:s5+$0x1A100];
	v11 =	vmul.f32 $1.131370830e+01, v11;
	v9 =	vadd.f32 v9, v6  }
0x1b5: {  	v12 =	vmul.f32 $1.131370830e+01, v12;
	v10 =	vadd.f32 v10, v5;
	[tilespmem:s5+$0x18800] =	vst v8;
	v8 =	vld [tilespmem:s5+$0x1A110]  }
0x1b6: {  	v13 =	vmul.f32 $1.131370830e+01, v13;
	v11 =	vadd.f32 v11, v4;
	[tilespmem:s5+$0x18810] =	vst v9;
	v9 =	vld [tilespmem:s5+$0x1A120]  }
0x1b7: {  	v14 =	vmul.f32 $1.131370830e+01, v14;
	v12 =	vadd.f32 v12, v3;
	[tilespmem:s5+$0x18820] =	vst v10;
	v10 =	vld [tilespmem:s5+$0x1A130]  }
0x1b8: {  	v15 =	vmul.f32 $1.131370830e+01, v15;
	v13 =	vadd.f32 v13, v2;
	[tilespmem:s5+$0x18830] =	vst v11;
	v11 =	vld [tilespmem:s5+$0x1A140]  }
0x1b9: {  	v16 =	vmul.f32 $1.131370830e+01, v16;
	v14 =	vadd.f32 v14, v1;
	[tilespmem:s5+$0x18840] =	vst v12;
	v12 =	vld [tilespmem:s5+$0x1A150]  }
0x1ba: {  	v15 =	vadd.f32 v15, v0;
	[tilespmem:s5+$0x18850] =	vst v13;
	v13 =	vld [tilespmem:s5+$0x1A160];
	v8 =	vmul.f32 $1.131370830e+01, v8  }
0x1bb: {  	v16 =	vadd.f32 v16, v7;
	[tilespmem:s5+$0x18860] =	vst v14;
	v14 =	vld [tilespmem:s5+$0x1A170];
	v9 =	vmul.f32 $1.131370830e+01, v9  }
0x1bc: {  	[tilespmem:s5+$0x18870] =	vst v15;
	v15 =	vld [tilespmem:s5+$0x1BA00];
	v10 =	vmul.f32 $1.131370830e+01, v10;
	v8 =	vadd.f32 v8, v6  }
0x1bd: {  	[tilespmem:s5+$0x1A100] =	vst v16;
	v11 =	vmul.f32 $1.131370830e+01, v11;
	v9 =	vadd.f32 v9, v5  }
0x1be: {  	v16 =	vld [tilespmem:s5+$0x1BA10];
	v12 =	vmul.f32 $1.131370830e+01, v12;
	v10 =	vadd.f32 v10, v4;
	[tilespmem:s5+$0x1A110] =	vst v8  }
0x1bf: {  	v13 =	vmul.f32 $1.131370830e+01, v13;
	v11 =	vadd.f32 v11, v3;
	v8 =	vld [tilespmem:s5+$0x1BA20];
	[tilespmem:s5+$0x1A120] =	vst v9  }
0x1c0: {  	v14 =	vmul.f32 $1.131370830e+01, v14;
	v12 =	vadd.f32 v12, v2;
	v9 =	vld [tilespmem:s5+$0x1BA30];
	[tilespmem:s5+$0x1A130] =	vst v10  }
0x1c1: {  	v15 =	vmul.f32 $1.131370830e+01, v15;
	v13 =	vadd.f32 v13, v1;
	v10 =	vld [tilespmem:s5+$0x1BA40];
	[tilespmem:s5+$0x1A140] =	vst v11  }
0x1c2: {  	v14 =	vadd.f32 v14, v0;
	v11 =	vld [tilespmem:s5+$0x1BA50];
	[tilespmem:s5+$0x1A150] =	vst v12  }
0x1c3: {  	v16 =	vmul.f32 $1.131370830e+01, v16;
	v15 =	vadd.f32 v15, v7;
	v12 =	vld [tilespmem:s5+$0x1BA60];
	[tilespmem:s5+$0x1A160] =	vst v13  }
0x1c4: {  	v13 =	vld [tilespmem:s5+$0x1BA70];
	[tilespmem:s5+$0x1A170] =	vst v14;
	v8 =	vmul.f32 $1.131370830e+01, v8  }
0x1c5: {  	v16 =	vadd.f32 v16, v6;
	v14 =	vld [tilespmem:s5+$0x1D300];
	[tilespmem:s5+$0x1BA00] =	vst v15;
	v15 =	vmul.f32 $1.131370830e+01, v9  }
0x1c6: {  	v17 =	vld [tilespmem:s5+$0x1D310];
	v10 =	vmul.f32 $1.131370830e+01, v10;
	v8 =	vadd.f32 v8, v5  }
0x1c7: {  	[tilespmem:s5+$0x1BA10] =	vst v16;
	v9 =	vld [tilespmem:s5+$0x1D320];
	v11 =	vmul.f32 $1.131370830e+01, v11;
	v15 =	vadd.f32 v15, v4  }
0x1c8: {  	v12 =	vmul.f32 $1.131370830e+01, v12;
	v16 =	vadd.f32 v10, v3;
	[tilespmem:s5+$0x1BA20] =	vst v8;
	v8 =	vld [tilespmem:s5+$0x1D330]  }
0x1c9: {  	v13 =	vmul.f32 $1.131370830e+01, v13;
	v10 =	vld [tilespmem:s5+$0x1D340];
	v18 =	vadd.f32 v11, v2;
	[tilespmem:s5+$0x1BA30] =	vst v15  }
0x1ca: {  	v11 =	vld [tilespmem:s5+$0x1D350];
	[tilespmem:s5+$0x1BA40] =	vst v16;
	v15 =	vadd.f32 v12, v1;
	v16 =	vmul.f32 $1.131370830e+01, v14  }
0x1cb: {  	s7 =	simm.s32 $0x200;
	v13 =	vadd.f32 v13, v0;
	[tilespmem:s5+$0x1BA50] =	vst v18;
	v14 =	vmul.f32 $1.131370830e+01, v17;
	v12 =	vld [tilespmem:s5+$0x1D360]  }
.LBB2_9:
0x1cc: {  	s8 =	sshra.s32 s7, $0x2;
	p0 =	sne.s32 s7, $0x6200;
	[tilespmem:s5+$0x1BA60] =	vst v15;
	v15 =	vadd.f32 v16, v7;
	v9 =	vmul.f32 $1.131370830e+01, v9;
	v16 =	vld [tilespmem:s5+$0x1D370]  }
0x1cd: {  	v7 =	vld [tilespmem:s8+$0x4000];
	[tilespmem:s5+$0x1BA70] =	vst v13;
	v13 =	vadd.f32 v14, v6;
	v8 =	vmul.f32 $1.131370830e+01, v8  }
0x1ce: {  	v6 =	vld [tilespmem:s8+$0x4010];
	[tilespmem:s5+$0x1D300] =	vst v15;
	v9 =	vadd.f32 v9, v5;
	v10 =	vmul.f32 $1.131370830e+01, v10  }
0x1cf: {  	v5 =	vld [tilespmem:s8+$0x4020];
	[tilespmem:s5+$0x1D310] =	vst v13;
	v8 =	vadd.f32 v8, v4;
	v11 =	vmul.f32 $1.131370830e+01, v11  }
0x1d0: {  	v4 =	vld [tilespmem:s8+$0x4030];
	[tilespmem:s5+$0x1D320] =	vst v9;
	v9 =	vadd.f32 v10, v3;
	v10 =	vmul.f32 $1.131370830e+01, v12  }
0x1d1: {  	v3 =	vld [tilespmem:s8+$0x4040];
	[tilespmem:s5+$0x1D330] =	vst v8;
	v8 =	vadd.f32 v11, v2;
	v11 =	vmul.f32 $1.131370830e+01, v16  }
0x1d2: {  	v2 =	vld [tilespmem:s8+$0x4050];
	[tilespmem:s5+$0x1D340] =	vst v9;
	v9 =	vadd.f32 v10, v1  }
0x1d3: {  	v1 =	vld [tilespmem:s8+$0x4060];
	[tilespmem:s5+$0x1D350] =	vst v8;
	v8 =	vadd.f32 v11, v0  }
0x1d4: {  	v0 =	vld [tilespmem:s8+$0x4070];
	[tilespmem:s5+$0x1D360] =	vst v9  }
0x1d5: {  	v9 =	vld [tilespmem:s8+$0x18800];
	[tilespmem:s5+$0x1D370] =	vst v8;
	s5 =	smov.u32 s8  }
0x1d6: {  	v8 =	vld [tilespmem:s5+$0x18810]  }
0x1d7: {  	v10 =	vld [tilespmem:s5+$0x18820]  }
0x1d8: {  	v11 =	vld [tilespmem:s5+$0x18830]  }
0x1d9: {  	v12 =	vld [tilespmem:s5+$0x18840]  }
0x1da: {  	v9 =	vmul.f32 $1.131370830e+01, v9;
	v13 =	vld [tilespmem:s5+$0x18850]  }
0x1db: {  	v8 =	vmul.f32 $1.131370830e+01, v8;
	v14 =	vld [tilespmem:s5+$0x18860]  }
0x1dc: {  	v9 =	vadd.f32 v9, v7;
	v10 =	vmul.f32 $1.131370830e+01, v10;
	v15 =	vld [tilespmem:s5+$0x18870]  }
0x1dd: {  	v8 =	vadd.f32 v8, v6;
	v11 =	vmul.f32 $1.131370830e+01, v11;
	v16 =	vld [tilespmem:s5+$0x1A100]  }
0x1de: {  	[tilespmem:s5+$0x18800] =	vst v9;
	v9 =	vadd.f32 v10, v5;
	v10 =	vmul.f32 $1.131370830e+01, v12;
	v12 =	vld [tilespmem:s5+$0x1A110]  }
0x1df: {  	[tilespmem:s5+$0x18810] =	vst v8;
	v8 =	vadd.f32 v11, v4;
	v11 =	vmul.f32 $1.131370830e+01, v13;
	v13 =	vld [tilespmem:s5+$0x1A120]  }
0x1e0: {  	[tilespmem:s5+$0x18820] =	vst v9;
	v9 =	vadd.f32 v10, v3;
	v10 =	vmul.f32 $1.131370830e+01, v14;
	v14 =	vld [tilespmem:s5+$0x1A130]  }
0x1e1: {  	[tilespmem:s5+$0x18830] =	vst v8;
	v8 =	vadd.f32 v11, v2;
	v11 =	vmul.f32 $1.131370830e+01, v15;
	v15 =	vld [tilespmem:s5+$0x1A140]  }
0x1e2: {  	[tilespmem:s5+$0x18840] =	vst v9;
	v9 =	vadd.f32 v10, v1;
	v10 =	vmul.f32 $1.131370830e+01, v16;
	v16 =	vld [tilespmem:s5+$0x1A150]  }
0x1e3: {  	[tilespmem:s5+$0x18850] =	vst v8;
	v8 =	vadd.f32 v11, v0;
	v11 =	vmul.f32 $1.131370830e+01, v12;
	v12 =	vld [tilespmem:s5+$0x1A160]  }
0x1e4: {  	[tilespmem:s5+$0x18860] =	vst v9;
	v9 =	vadd.f32 v10, v7;
	v10 =	vmul.f32 $1.131370830e+01, v13;
	v13 =	vld [tilespmem:s5+$0x1A170]  }
0x1e5: {  	[tilespmem:s5+$0x18870] =	vst v8;
	v8 =	vadd.f32 v11, v6;
	v11 =	vmul.f32 $1.131370830e+01, v14;
	v14 =	vld [tilespmem:s5+$0x1BA00]  }
0x1e6: {  	[tilespmem:s5+$0x1A100] =	vst v9;
	v9 =	vadd.f32 v10, v5;
	v10 =	vmul.f32 $1.131370830e+01, v15;
	v15 =	vld [tilespmem:s5+$0x1BA10]  }
0x1e7: {  	[tilespmem:s5+$0x1A110] =	vst v8;
	v8 =	vadd.f32 v11, v4;
	v11 =	vmul.f32 $1.131370830e+01, v16;
	v16 =	vld [tilespmem:s5+$0x1BA20]  }
0x1e8: {  	[tilespmem:s5+$0x1A120] =	vst v9;
	v9 =	vadd.f32 v10, v3;
	v10 =	vmul.f32 $1.131370830e+01, v12;
	v12 =	vld [tilespmem:s5+$0x1BA30]  }
0x1e9: {  	[tilespmem:s5+$0x1A130] =	vst v8;
	v8 =	vadd.f32 v11, v2;
	v11 =	vmul.f32 $1.131370830e+01, v13;
	v13 =	vld [tilespmem:s5+$0x1BA40]  }
0x1ea: {  	[tilespmem:s5+$0x1A140] =	vst v9;
	v9 =	vadd.f32 v10, v1;
	v10 =	vmul.f32 $1.131370830e+01, v14;
	v14 =	vld [tilespmem:s5+$0x1BA50]  }
0x1eb: {  	[tilespmem:s5+$0x1A150] =	vst v8;
	v8 =	vadd.f32 v11, v0;
	v11 =	vmul.f32 $1.131370830e+01, v15;
	v15 =	vld [tilespmem:s5+$0x1BA60]  }
0x1ec: {  	[tilespmem:s5+$0x1A160] =	vst v9;
	v9 =	vadd.f32 v10, v7;
	v10 =	vmul.f32 $1.131370830e+01, v16;
	v16 =	vld [tilespmem:s5+$0x1BA70]  }
0x1ed: {  	[tilespmem:s5+$0x1A170] =	vst v8;
	v8 =	vadd.f32 v11, v6;
	v11 =	vmul.f32 $1.131370830e+01, v12;
	v12 =	vld [tilespmem:s5+$0x1D300]  }
0x1ee: {  	[tilespmem:s5+$0x1BA00] =	vst v9;
	v10 =	vadd.f32 v10, v5;
	v13 =	vmul.f32 $1.131370830e+01, v13;
	v17 =	vld [tilespmem:s5+$0x1D310]  }
.Ltmp3:
0x1ef: {  	[tilespmem:s5+$0x1BA10] =	vst v8;
	v11 =	vadd.f32 v11, v4;
	v14 =	vmul.f32 $1.131370830e+01, v14;
	v9 =	vld [tilespmem:s5+$0x1D320];
	(pc) =	sbr.rel @p0 .LBB2_9-.Ltmp3, $4  }
0x1f0: {  	[tilespmem:s5+$0x1BA20] =	vst v10;
	v13 =	vadd.f32 v13, v3;
	v15 =	vmul.f32 $1.131370830e+01, v15;
	v8 =	vld [tilespmem:s5+$0x1D330]  }
0x1f1: {  	[tilespmem:s5+$0x1BA30] =	vst v11;
	v14 =	vadd.f32 v14, v2;
	v18 =	vmul.f32 $1.131370830e+01, v16;
	v10 =	vld [tilespmem:s5+$0x1D340]  }
0x1f2: {  	[tilespmem:s5+$0x1BA40] =	vst v13;
	v15 =	vadd.f32 v15, v1;
	v16 =	vmul.f32 $1.131370830e+01, v12;
	v11 =	vld [tilespmem:s5+$0x1D350]  }
0x1f3: {  	s7 =	sadd.s32 $0x200, s7;
	[tilespmem:s5+$0x1BA50] =	vst v14;
	v13 =	vadd.f32 v18, v0;
	v14 =	vmul.f32 $1.131370830e+01, v17;
	v12 =	vld [tilespmem:s5+$0x1D360]  }
0x1f4: {  	[tilespmem:s5+$0x1BA60] =	vst v15;
	v7 =	vadd.f32 v16, v7;
	v9 =	vmul.f32 $1.131370830e+01, v9;
	v59 =	vld [tilespmem:s5+$0x1D370]  }
0x1f5: {  	[tilespmem:s5+$0x1BA70] =	vst v13;
	v6 =	vadd.f32 v14, v6;
	v8 =	vmul.f32 $1.131370830e+01, v8  }
0x1f6: {  	[tilespmem:s5+$0x1D300] =	vst v7;
	v5 =	vadd.f32 v9, v5;
	v60 =	vmul.f32 $1.131370830e+01, v10  }
0x1f7: {  	[tilespmem:s5+$0x1D310] =	vst v6;
	v4 =	vadd.f32 v8, v4;
	v61 =	vmul.f32 $1.131370830e+01, v11  }
0x1f8: {  	s18 =	sadd.s32 $0x1, s18;
	[tilespmem:s5+$0x1D320] =	vst v5;
	v3 =	vadd.f32 v60, v3;
	v62 =	vmul.f32 $1.131370830e+01, v12  }
0x1f9: {  	s7 =	smul.u32 $0xC8, s19;
	p0 =	sne.s32 s18, $0x8;
	[tilespmem:s5+$0x1D330] =	vst v4;
	v2 =	vadd.f32 v61, v2;
	v63 =	vmul.f32 $1.131370830e+01, v59  }
.Ltmp4:
0x1fa: {  	[tilespmem:s5+$0x1D340] =	vst v3;
	v1 =	vadd.f32 v62, v1;
	(pc) =	sbr.rel @p0 .LBB2_2-.Ltmp4, $4  }
0x1fb: {  	s7 =	sadd.s32 s6, s7;
	[tilespmem:s5+$0x1D350] =	vst v2;
	v0 =	vadd.f32 v63, v0  }
0x1fc: {  	s7 =	sshll.u32 s7, $0x4;
	[tilespmem:s5+$0x1D360] =	vst v1  }
0x1fd: {  	s30 =	sadd.s32 s3, s7;
	[tilespmem:s5+$0x1D370] =	vst v0  }
0x1fe: {  	[hbm4b:s30+s4] =	stream.linear.scatter [tilespmem:s21], [sflag:$0x8], $0x6400, $0x38;
	[tilespmem:$0x1EC00] =	vst v63  }
0x1ff: {  	_ =	swait.ge [sflag:s2], $0x6400  }
0x200: {  	[sflag:s2] =	ssyncset.done $0x0  }
0x201: {  	[sflag:s2] =	ssyncadd.s32 $0xFFFF9C00  }
0x202: {  	_ =	swait.ge [sflag:s0], $0x6400  }
0x203: {  	[sflag:s0] =	ssyncset.done $0x0  }
0x204: {  	[sflag:s0] =	ssyncadd.s32 $0xFFFF9C00  }
0x205: {  	_ =	swait.ge [sflag:s15], $0x6400  }
0x206: {  	[sflag:s15] =	ssyncset.done $0x0  }
0x207: {  	[sflag:s15] =	ssyncadd.s32 $0xFFFF9C00  }
0x208: {  	_ =	swait.ge [sflag:s16], $0x6400  }
0x209: {  	s17 =	sadd.s32 $0x1, s17;
	s5 =	rddreg [dreg:$0x7]  }
0x20a: {  	p0 =	sne.s32 s17, s5  }
.Ltmp5:
0x20b: {  	_ = 	snop;
	(pc) =	sbr.rel @p0 .LBB2_1-.Ltmp5, $3  }
0x20c: {  	_ =	sdelay $0x1  }
0x20d: {  	[sflag:s16] =	ssyncset.done $0x0  }
0x20e: {  	[sflag:s16] =	ssyncadd.s32 $0xFFFF9C00  }
0x20f: {  	_ =	sfence.sel $0x180000  }
0x210: {  	[bflag:$0x0] =	sbarrier.arrive $0xFFFF  }
0x211: {  	_ =	strace $0x90000047  }
0x212: {  	s0 =	stileid.u32;
	[bflag:$0x2] =	sbarrier.arrive $0xFFFF  }
0x213: {  	p0 =	sne.s32 s0, $0x0;
	s0 =	rddreg [dreg:$0x3]  }
0x214: {  	s0 =	sadd.s32 @!p0 $0x100000, s0  }
0x215: {  	[sflag:s0] =	ssyncadd.tile.s32 @!p0 $0x1;
	_ =	shalt  }
.Lfunc_end2:
_tile_overlayer_lowered:
.L_overlay_start_2:
0x216: {  	(tag) =	ssettag $0x2  }
0x217: {  	s0 =	rddreg [dreg:$0x0];
	s2 =	stileid.u32  }
0x218: {  	s1 =	rddreg [dreg:$0x1];
	p0 =	sne.s32 s2, $0x0  }
0x219: {  	s3 =	rddreg [dreg:$0x2];
	[bflag:$0x3] =	sbarrier.arrive $0xFFFF;
	s2 =	simm.s32 @!p0 $0x1C09  }
0x21a: {  	[timem:s3], [sflag:s2] =	dma.local @!p0 [hbm:s0], s1  }
0x21b: {  	s0 =	simm.s32 @!p0 $0x9  }
0x21c: {  	_ =	swait.ge @!p0 [sflag:s0], s1  }
0x21d: {  	s1 =	ssub.s32 @!p0 $0x0, s1;
	[sflag:s0] =	ssyncset.done @!p0 $0x0  }
0x21e: {  	[sflag:s0] =	ssyncadd.s32 @!p0 s1  }
0x21f: {  	[bflag:$0x3] =	sbarrier.arrive $0xFFFF  }
0x220: {  	_ =	shalt  }

// kernel: sparse-core-data-format-call.cloned.1.call-start
scs
called_computation_lowered:
.L_overlay_start_0:
0x0: {  	s2 =	sld [smem:$0x3FD9]  }
0x1: {  	s3 =	sld [smem:$0x3FFE];
	_ =	sdelay $0x1  }
0x2: {  	s1 =	srdreg.scid  }
0x3: {  	s0 =	sand.u32 $0x1, s1  }
0x4: {  	s18 =	sshll.u32 s0, $0xA;
	s2 =	sadd.s32 s3, s2  }
0x5: {  	s2 =	sadd.s32 s2, s18  }
0x6: {  	[smem:$0x3FC6] =	sst s2  }
0x7: {  	_ = 	snop  }
0x8: {  	s2 =	sld [smem:$0x3FD0];
	(tm) =	ssettm $0x1  }
0x9: {  	s19 =	sld [smem:$0x3FFB];
	_ =	sdelay $0x3  }
0xa: {  	_ =	strace s19  }
0xb: {  	s3 =	sld [smem:$0x3FFC];
	_ =	sdelay $0x3  }
0xc: {  	_ =	strace s3  }
0xd: {  	s3 =	sld [smem:$0x3FFD];
	_ =	sdelay $0x3  }
0xe: {  	_ =	strace s3  }
0xf: {  	_ =	strace $0x8FFFFFFF  }
0x10: {  	s20 =	sld [smem:$0x3FDB];
	_ =	sdelay $0x1  }
0x11: {  	s4 =	simm.s32 $_scs_section_size  }
0x12: {  	s5 =	simm.s32 $_size__tile_overlayer_lowered;
	s6 =	simm.s32 $_tile_overlayer_lowered  }
0x13: {  	s23 =	simm.s32 $0x1BFF;
	s22 =	sshll.u32 s6, $0x1;
	s3 =	sadd.s32 s4, s20  }
0x14: {  	s7 =	simm.s32 $0x0;
	s21 =	sshll.u32 s5, $0x1;
	s5 =	sadd.s32 s22, s3  }
0x15: {  	[timem:s7], [sflag:s23] =	dma.local [hbm:s5], s21  }
0x16: {  	_ =	swait.ge [sflag:s23], s21  }
0x17: {  	s4 =	ssub.s32 $0x0, s21;
	[sflag:s23] =	ssyncset.done $0x0  }
0x18: {  	[sflag:s23] =	ssyncadd.s32 s4;
	_ =	sdelay $0x1  }
0x19: {  	s24 =	simm.s32 $0x1B8B  }
0x1a: {  	_ =	swait.ge [sflag:s24], $0x1  }
0x1b: {  	[sflag:s24] =	ssyncset.done $0x0  }
0x1c: {  	s26 =	simm.s32 $0x1B8E;
	s25 =	sld [smem:$0x3FFE];
	[sflag:s24] =	ssyncadd.s32 $0xFFFFFFFF  }
0x1d: {  	s27 =	simm.s32 $execute0_lowered;
	[smem:$0x3FD2] =	sst s26  }
0x1e: {  	s5 =	sshll.u32 s27, $0x1;
	_ =	strace $0x80000049;
	[dreg:$0x1] =	wrdreg $0xFFFFFFFF  }
0x1f: {  	s28 =	simm.s32 $_size_execute0_lowered;
	s3 =	sadd.s32 s3, s5;
	[dreg:$0x0] =	wrdreg $0x0  }
0x20: {  	s5 =	sshll.u32 s28, $0x1;
	[dreg:$0x2] =	wrdreg s3  }
0x21: {  	[dreg:$0x3] =	wrdreg s5  }
0x22: {  	[dreg:$0x4] =	wrdreg $0xC0  }
0x23: {  	_ =	task [dreg:s7], $0x5FFFF  }
0x24: {  	[dreg:$0x1] =	wrdreg $0xFFFFFFFF  }
0x25: {  	[dreg:$0x0] =	wrdreg $0x60  }
0x26: {  	[dreg:$0x2] =	wrdreg s25  }
0x27: {  	[dreg:$0x3] =	wrdreg s2  }
0x28: {  	[dreg:$0x4] =	wrdreg $0x9  }
0x29: {  	_ =	task.clear_ibuf [dreg:s7], $0x5FFFF;
	_ =	strace $0x90000049  }
0x2a: {  	s29 =	simm.s32 $0x9;
	_ =	strace $0x8000004B  }
0x2b: {  	_ =	swait.ge [sflag:s29], $0x1  }
0x2c: {  	[sflag:s29] =	ssyncadd.s32 $0xFFFFFFFF  }
0x2d: {  	_ =	strace $0x9000004B  }
0x2e: {  	_ =	sfence  }
0x2f: {  	s30 =	sld [smem:$0x0];
	_ =	sdelay $0x2  }
0x30: {  	s31 =	sshll.u32 s1, $0xD;
	s1 =	sshrl.u32 s1, $0x2  }
0x31: {  	s3 =	sand.u32 $0x4000, s31;
	s1 =	sadd.s32 s1, s30  }
0x32: {  	s0 =	sor.u32 s3, s0;
	s1 =	sshll.u32 s1, $0x11  }
0x33: {  	s0 =	sor.u32 s1, s0  }
0x34: {  	s0 =	sadd.s32 $0x8F2B, s0  }
0x35: {  	[sflag:s0] =	ssyncadd.remote.s32 $0x1  }
0x36: {  	_ =	sfence.sel $0xFFFF  }
0x37: {  	[dreg:$0x0] =	wrdreg $0xFFFFFFFF;
	(pc) =	sbr.abs _section_cstart, $3  }
0x38: {  	[dreg:$0x1] =	wrdreg $0xFFFFFFFF  }
0x39: {  	_ =	task.clear_ibuf [dreg:s7], $0x2FFFF;
	_ =	strace $0x9FFFFFFF  }
0x3a: {  	(tm) =	ssettm $0x7FFFFFFF  }
0x3b: {  	_ =	shalt  }
tec
execute0_lowered:
.L_overlay_start_1:
0x0: {  	(tag) =	ssettag $0x1  }
0x1: {  	s0 =	srdreg.scid  }
0x2: {  	s1 =	sshll.u32 s0, $0x4  }
0x3: {  	s0 =	stileid.u32;
	s1 =	sand.u32 $0x10, s1  }
0x4: {  	s1 =	sor.u32 s0, s1  }
0x5: {  	s6 =	rddreg [dreg:$0x0];
	s4 =	simm.s32 $0x1;
	s2 =	sshll.u32 s1, $0x6  }
0x6: {  	s7 =	simm.s32 $0x2;
	s13 =	simm.s32 $0x0;
	s1 =	ssub.s32 $0x1000, s2  }
0x7: {  	s8 =	simm.s32 $0x2000;
	s9 =	simm.s32 $0x80000;
	s3 =	sand.u32 $0x7C0, s1  }
0x8: {  	s14 =	simm.s32 $0x0;
	s5 =	sshrl.u32 s1, $0xB;
	p0 =	sne.s32 s3, $0x0  }
.Ltmp0:
0x9: {  	s1 =	rddreg [dreg:$0x2];
	s4 =	simm.s32 @!p0 $0x0;
	(pc) =	sbr.rel .LBB1_1-.Ltmp0, $4  }
0xa: {  	s10 =	simm.s32 $0x0;
	s3 =	rddreg [dreg:$0x1];
	s5 =	sadd.s32 s4, s5  }
0xb: {  	_ =	strace $0x8000004A;
	s4 =	simm.s32 $0x1;
	s5 =	smul.u32 $0x19, s5  }
0xc: {  	s12 =	simm.s32 $0x0;
	s6 =	sadd.s32 $0x800, s6;
	[sflag:s4] =	ssyncpa.u1 $0x0  }
0xd: {  	s11 =	smov.u32 s2;
	[sflag:s7] =	ssyncpa.u1 $0x0;
	s7 =	sadd.s32 $0x1, s5  }
.LBB1_7:
0xe: {  	s15 =	sadd.s32 $0x2, s10  }
0xf: {  	s13 =	sadd.s32 $0x800, s11;
	s17 =	smov.u32 s11;
	p1 =	sgt.s32 s15, $0x31  }
0x10: {  	s17 =	smov.u32 @p1 s13  }
0x11: {  	s15 =	simm.s32 @p1 $0x0;
	p1 =	sgt.s32 s17, $0xFFF  }
0x12: {  	s17 =	smov.u32 @p1 s2;
	p1 =	sne.s32 s12, s7  }
.Ltmp1:
0x13: {  	p0 =	slt.u32 s12, $0x2;
	(pc) =	sbr.rel @!p1 .LBB1_8-.Ltmp1, $4  }
0x14: {  	s16 =	simm.s32 @!p0 $0x2  }
0x15: {  	s14 =	smov.u32 s11;
	_ =	swait.ge @!p0 [sflag:s16], $0x4000  }
0x16: {  	s13 =	smov.u32 s10;
	[sflag:s16] =	ssyncset.done @!p0 $0x0;
	s10 =	smov.u32 s15  }
0x17: {  	s12 =	sadd.s32 $0x1, s12;
	[sflag:s16] =	ssyncadd.s32 @!p0 $0xFFFFC000;
	s11 =	smov.u32 s17  }
.LBB1_1:
0x18: {  	p0 =	sge.u32 s12, s5  }
0x19: {  	s15 =	sand.u32 @!p0 $0x1FFFFFF, s10  }
0x1a: {  	s16 =	smulhi.u32 @!p0 $0x4924925, s15;
	_ =	sdelay $0x1  }
0x1b: {  	s16 =	smul.u32 @!p0 $0x38, s16  }
0x1c: {  	s17 =	sxor.u32 @!p0 $0xFFFFFFFF, s12;
	s18 =	smul.u32 @!p0 $0x380, s11  }
0x1d: {  	s31 =	sadd.s32 $0xFFFFFFFF, s12;
	s17 =	sshll.u32 @!p0 s17, $0xE;
	s15 =	ssub.s32 @!p0 s15, s16  }
0x1e: {  	s16 =	sand.u32 @!p0 $0x4000, s17;
	s17 =	sadd.s32 @!p0 s6, s18;
	s15 =	sshll.u32 @!p0 s15, $0x4  }
0x1f: {  	s18 =	simm.s32 @!p0 $0x1C00;
	s15 =	sadd.s32 @!p0 s15, s17;
	s17 =	simm.s32 @!p0 $0x100  }
0x20: {  	[tilespmem:s16], [sflag:$0x1] =	stream.strided.gather @!p0 [hbm4b:s15+s17], $0x4000, s18, s17, $0x38;
	[tilespmem:$0x10000] =	vst v63  }
0x21: {  	p0 =	sge.u32 s31, s5  }
.Ltmp2:
0x22: {  	_ = 	snop;
	(pc) =	sbr.rel @p0 .LBB1_7-.Ltmp2, $1  }
0x23: {  	_ =	sdelay $0x3  }
0x24: {  	_ =	swait.ge [sflag:s4], $0x4000;
	s15 =	sshll.u32 s12, $0xE  }
0x25: {  	[sflag:s4] =	ssyncset.done $0x0;
	s16 =	sand.u32 $0x4000, s15  }
0x26: {  	s17 =	simm.s32 $0x0;
	[sflag:s4] =	ssyncadd.s32 $0xFFFFC000;
	s15 =	sor.u32 $0x8000, s16  }
.LBB1_3:
0x27: {  	s18 =	sshll.u32 s17, $0x8  }
0x28: {  	s18 =	sand.u32 $0x3FFFFF00, s18  }
0x29: {  	s19 =	sshll.u32 s17, $0x7;
	s18 =	sadd.s32 s18, s16  }
0x2a: {  	s19 =	sand.u32 $0x3FFFFF80, s19;
	v0 =	vmov s18  }
0x2b: {  	s19 =	sadd.s32 s19, s15  }
0x2c: {  	p0 =	por $0x1, $0x1;
	v1 =	vmov s19;
	s18 =	simm.s32 $0x0  }
.LBB1_4:
0x2d: {  	s19 =	sshll.u32 s18, $0x7  }
0x2e: {  	s19 =	sand.u32 $0x3FFFFF80, s19  }
0x2f: {  	v2 =	vld.idx.msk [tilespmem:v0+s19+$0x0 ss:$0x1], $0xffff  }
0x30: {  	v3 =	vld.idx.msk [tilespmem:v0+s19+$0x10 ss:$0x1], $0xffff  }
0x31: {  	v4 =	vld.idx.msk [tilespmem:v0+s19+$0x20 ss:$0x1], $0xffff  }
0x32: {  	s31 =	sshll.u32 s18, $0xD;
	v5 =	vld.idx.msk [tilespmem:v0+s19+$0x30 ss:$0x1], $0xffff  }
0x33: {  	s18 =	sand.u32 $0x3FFFE000, s31;
	v6 =	vld.idx.msk [tilespmem:v0+s19+$0x40 ss:$0x1], $0xffff  }
0x34: {  	v63 =	vld.idx.msk [tilespmem:v0+s19+$0x70 ss:$0x1], $0xffff;
	[tilespmem:v1+s18+$0x0 ss:$0x1] =	vst.idx.msk $0xffff, v2  }
0x35: {  	v2 =	vld.idx.msk [tilespmem:v0+s19+$0x50 ss:$0x1], $0xffff;
	[tilespmem:v1+s18+$0x10 ss:$0x1] =	vst.idx.msk $0xffff, v3  }
0x36: {  	p1 =	por p0, p0;
	v3 =	vld.idx.msk [tilespmem:v0+s19+$0x60 ss:$0x1], $0xffff;
	[tilespmem:v1+s18+$0x20 ss:$0x1] =	vst.idx.msk $0xffff, v4  }
.Ltmp3:
0x37: {  	[tilespmem:v1+s18+$0x30 ss:$0x1] =	vst.idx.msk $0xffff, v5;
	(pc) =	sbr.rel @p1 .LBB1_4-.Ltmp3, $4  }
0x38: {  	[tilespmem:v1+s18+$0x40 ss:$0x1] =	vst.idx.msk $0xffff, v6  }
0x39: {  	[tilespmem:v1+s18+$0x70 ss:$0x1] =	vst.idx.msk $0xffff, v63  }
0x3a: {  	[tilespmem:v1+s18+$0x50 ss:$0x1] =	vst.idx.msk $0xffff, v2  }
0x3b: {  	p0 =	por $0x0, $0x0;
	[tilespmem:v1+s18+$0x60 ss:$0x1] =	vst.idx.msk $0xffff, v3;
	s18 =	simm.s32 $0x1  }
0x3c: {  	s17 =	sadd.s32 $0x1, s17  }
0x3d: {  	p0 =	sne.s32 s17, $0x40  }
.Ltmp4:
0x3e: {  	_ = 	snop;
	(pc) =	sbr.rel @p0 .LBB1_3-.Ltmp4, $1  }
0x3f: {  	_ =	sdelay $0x3  }
.Ltmp5:
0x40: {  	s14 =	sshll.u32 s14, $0x4;
	(pc) =	sbr.rel .LBB1_7-.Ltmp5, $4  }
0x41: {  	s14 =	sand.u32 $0xFFF0, s14  }
0x42: {  	s13 =	sshll.u32 s13, $0x10;
	s14 =	sadd.s32 s3, s14  }
0x43: {  	s13 =	sadd.s32 s13, s14  }
0x44: {  	[hbm4b:s13+s8] =	stream.strided.scatter [tilespmem:s15], [sflag:$0x2], $0x4000, s9, s8, $0x38;
	[tilespmem:$0x10000] =	vst v63  }
.LBB1_8:
0x45: {  	_ =	sfence.sel $0x180000  }
0x46: {  	s2 =	simm.s32 $0x1;
	[bflag:$0x0] =	sbarrier.arrive $0xFFFF  }
0x47: {  	s31 =	simm.s32 $0x2;
	[sflag:s2] =	ssyncpa.u1 $0x1  }
0x48: {  	[sflag:s31] =	ssyncpa.u1 $0x1  }
0x49: {  	p0 =	sne.s32 s0, $0x0;
	_ =	strace $0x9000004A  }
0x4a: {  	s0 =	sadd.s32 @!p0 $0x100000, s1;
	[bflag:$0x2] =	sbarrier.arrive $0xFFFF  }
0x4b: {  	[sflag:s0] =	ssyncadd.tile.s32 @!p0 $0x1;
	_ =	shalt  }
.Lfunc_end1:
_tile_overlayer_lowered:
.L_overlay_start_2:
0x4c: {  	(tag) =	ssettag $0x2  }
0x4d: {  	s0 =	rddreg [dreg:$0x0];
	s2 =	stileid.u32  }
0x4e: {  	s1 =	rddreg [dreg:$0x1];
	p0 =	sne.s32 s2, $0x0  }
0x4f: {  	s3 =	rddreg [dreg:$0x2];
	[bflag:$0x3] =	sbarrier.arrive $0xFFFF;
	s2 =	simm.s32 @!p0 $0x1C01  }
0x50: {  	[timem:s3], [sflag:s2] =	dma.local @!p0 [hbm:s0], s1  }
0x51: {  	s0 =	simm.s32 @!p0 $0x1  }
0x52: {  	_ =	swait.ge @!p0 [sflag:s0], s1  }
0x53: {  	s1 =	ssub.s32 @!p0 $0x0, s1;
	[sflag:s0] =	ssyncset.done @!p0 $0x0  }
0x54: {  	[sflag:s0] =	ssyncadd.s32 @!p0 s1  }
0x55: {  	[bflag:$0x3] =	sbarrier.arrive $0xFFFF  }
0x56: {  	_ =	shalt  }

</sc_bundles>
